<compile_context>
chip_gen: v7x
topology: tpu7x:2x2x1
jax: 0.10.2.dev20260603
libtpu: 0.0.44.dev20260713+nightly
codegen_flags: <defaults>
</compile_context>

<pallas_src>
import functools

import jax
import jax.numpy as jnp
from jax import lax
from jax.experimental import pallas as pl
from jax.experimental.pallas import tpu as pltpu
from jax.experimental.pallas import tpu_sc as plsc

F32 = jnp.float32
N = 10000
NPAD = 10240
E = 160000
D = 512
NC, NS, L = 2, 16, 16
RB = 1280
NBLK = NPAD // RB

_SC_MESH = plsc.VectorSubcoreMesh(
    core_axis_name="c", subcore_axis_name="s", num_cores=NC, num_subcores=NS)


def _mlp_body(x_ref, w1_ref, b1_ref, w2_ref, b2_ref, wg_ref, bg_ref, out_ref):
    h = jnp.maximum(
        jnp.dot(x_ref[...], w1_ref[...], preferred_element_type=F32)
        + b1_ref[...], 0.0)
    na = jnp.dot(h, w2_ref[...], preferred_element_type=F32) + b2_ref[...]
    xw = jnp.dot(na, wg_ref[...], preferred_element_type=F32) + bg_ref[...]
    for c in range(4):
        out_ref[c] = xw[:, c * 128:(c + 1) * 128]


def _mlp_call(x, w1, b1, w2, b2, wg, bg):
    wspec = pl.BlockSpec((D, D), lambda i: (0, 0))
    bspec = pl.BlockSpec((1, D), lambda i: (0, 0))
    return pl.pallas_call(
        _mlp_body,
        grid=(25,),
        in_specs=[pl.BlockSpec((400, D), lambda i: (i, 0)),
                  wspec, bspec, wspec, bspec, wspec, bspec],
        out_specs=pl.BlockSpec((4, 400, 128), lambda i: (0, i, 0)),
        out_shape=jax.ShapeDtypeStruct((4, NPAD, 128), F32),
    )(x, w1, b1, w2, b2, wg, bg)


_DEG_CB = 1600


@functools.partial(
    pl.kernel,
    out_type=jax.ShapeDtypeStruct((2 * NPAD,), F32),
    mesh=_SC_MESH,
    scratch_types=[
        pltpu.VMEM_SHARED((NPAD,), F32),
        pltpu.VMEM((_DEG_CB,), jnp.int32),
        pltpu.VMEM((_DEG_CB,), F32),
        pltpu.VMEM((320,), F32),
    ],
)
def _deg_kernel(dst_hbm, deg_hbm, hist_sh, didx_v, ones_v, slice_v):
    cid = lax.axis_index("c")
    sid = lax.axis_index("s")
    r0 = sid * 320
    for i in range(20):
        slice_v[pl.ds(i * 16, 16)] = jnp.zeros((16,), F32)
    pltpu.sync_copy(slice_v, hist_sh.at[pl.ds(r0, 320)])
    for i in range(_DEG_CB // 16):
        ones_v[pl.ds(i * 16, 16)] = jnp.full((16,), 1.0, F32)
    plsc.subcore_barrier()

    w = cid * NS + sid
    nb = jnp.where(w < 4, 4, 3)
    ebase = _DEG_CB * jnp.where(w < 4, w * 4, 16 + (w - 4) * 3)

    def chunk_body(k, _):
        pltpu.sync_copy(dst_hbm.at[pl.ds(ebase + k * _DEG_CB, _DEG_CB)],
                        didx_v)
        pltpu.sync_copy(ones_v, hist_sh.at[didx_v], add=True)
        return 0

    lax.fori_loop(0, nb, chunk_body, 0)
    plsc.subcore_barrier()
    pltpu.sync_copy(hist_sh.at[pl.ds(r0, 320)], slice_v)
    pltpu.sync_copy(slice_v, deg_hbm.at[pl.ds(cid * NPAD + r0, 320)])


def _scale_body(xw_ref, deg_ref, xwn_ref, rinv_ref):
    r = lax.rsqrt(deg_ref[:, 0:1] + deg_ref[:, 1:2] + 1.0)
    xwn_ref[0] = xw_ref[0] * r
    rinv_ref[...] = r


def _scale_call(xw4, deg2):
    return pl.pallas_call(
        _scale_body,
        grid=(4, NBLK),
        in_specs=[pl.BlockSpec((1, RB, 128), lambda c, i: (c, i, 0)),
                  pl.BlockSpec((RB, 2), lambda c, i: (i, 0))],
        out_specs=[pl.BlockSpec((1, RB, 128), lambda c, i: (c, i, 0)),
                   pl.BlockSpec((RB, 1), lambda c, i: (i, 0))],
        out_shape=[jax.ShapeDtypeStruct((4, NPAD, 128), F32),
                   jax.ShapeDtypeStruct((NPAD, 1), F32)],
    )(xw4, deg2)


_MP_B = 256


@functools.partial(
    pl.kernel,
    out_type=jax.ShapeDtypeStruct((4 * NPAD, 128), F32),
    mesh=_SC_MESH,
    scratch_types=[
        pltpu.VMEM_SHARED((NPAD, 128), F32),
        pltpu.VMEM((_MP_B, 128), F32),
        pltpu.VMEM((64, 128), F32),
        pltpu.VMEM((_MP_B,), jnp.int32),
        pltpu.VMEM((_MP_B,), jnp.int32),
        pltpu.SemaphoreType.DMA,
    ],
)
def _msgpass_kernel(xwn_hbm, src_hbm, dst_hbm, emb_hbm,
                    s_sh, buf_v, fin_v, sidx_v, didx_v, sem):
    cid = lax.axis_index("c")
    sid = lax.axis_index("s")
    nb = jnp.where(sid < 1, 40, 39)
    ebase = _MP_B * jnp.where(sid < 1, 0, 40 + (sid - 1) * 39)
    r0 = sid * 640
    for p in range(2):
        row_off = (cid * 2 + p) * NPAD
        for k in range(10):
            rr = r0 + k * 64
            pltpu.sync_copy(xwn_hbm.at[pl.ds(row_off + rr, 64)], fin_v)
            pltpu.sync_copy(fin_v, s_sh.at[pl.ds(rr, 64)])
        plsc.subcore_barrier()

        def batch_body(b, _):
            e0 = ebase + b * _MP_B
            pltpu.sync_copy(src_hbm.at[pl.ds(e0, _MP_B)], sidx_v)
            pltpu.sync_copy(dst_hbm.at[pl.ds(e0, _MP_B)], didx_v)
            for i in range(_MP_B // 16):
                sidx_v[pl.ds(i * 16, 16)] = sidx_v[pl.ds(i * 16, 16)] + row_off
            pltpu.async_copy(xwn_hbm.at[sidx_v], buf_v, sem).wait()
            pltpu.sync_copy(buf_v, s_sh.at[didx_v], add=True)
            return 0

        lax.fori_loop(0, nb, batch_body, 0)
        plsc.subcore_barrier()
        for k in range(10):
            rr = r0 + k * 64
            pltpu.sync_copy(s_sh.at[pl.ds(rr, 64)], fin_v)
            pltpu.sync_copy(fin_v, emb_hbm.at[pl.ds(row_off + rr, 64)])
        plsc.subcore_barrier()


def _heads_body(emb_ref, rinv_ref, wn_ref, bn_ref, wsd_ref, bsd_ref,
                natt_ref, nia_ref, pn_ref, pc_ref, loss_ref):
    i = pl.program_id(0)
    c = pl.program_id(1)

    @pl.when(c == 0)
    def _():
        pn_ref[...] = jnp.broadcast_to(bn_ref[...], (RB, 128))
        pc_ref[...] = jnp.broadcast_to(bsd_ref[...], (RB, 128))

    @pl.when((i == 0) & (c == 0))
    def _():
        loss_ref[...] = jnp.zeros((1, 1), F32)

    e = jnp.maximum(emb_ref[0] * rinv_ref[...], 0.0)
    pn_ref[...] += jnp.dot(e, wn_ref[...], preferred_element_type=F32)
    pc_ref[...] += jnp.dot(e, wsd_ref[...], preferred_element_type=F32)

    @pl.when(c == 3)
    def _():
        rows = i * RB + lax.broadcasted_iota(jnp.int32, (RB, 1), 0)
        valid = rows < N

        def bce_sum(z, t):
            v = (jnp.maximum(z, 0.0) - z * t
                 + jnp.log1p(jnp.exp(-jnp.abs(z))))
            return jnp.sum(jnp.where(valid, v, 0.0))

        s_att = bce_sum(pn_ref[:, 0:4], natt_ref[...])
        s_ia = bce_sum(pn_ref[:, 4:13], nia_ref[...])
        loss_ref[...] += s_att / (N * 4) + s_ia / (N * 9)


def _heads_call(emb4, rinv2, wn, bn, wsd, bsd, natt_pad, nia_pad):
    return pl.pallas_call(
        _heads_body,
        grid=(NBLK, 4),
        in_specs=[pl.BlockSpec((1, RB, 128), lambda i, c: (c, i, 0)),
                  pl.BlockSpec((RB, 1), lambda i, c: (i, 0)),
                  pl.BlockSpec((128, 128), lambda i, c: (c, 0)),
                  pl.BlockSpec((1, 128), lambda i, c: (0, 0)),
                  pl.BlockSpec((128, 128), lambda i, c: (c, 0)),
                  pl.BlockSpec((1, 128), lambda i, c: (0, 0)),
                  pl.BlockSpec((RB, 4), lambda i, c: (i, 0)),
                  pl.BlockSpec((RB, 9), lambda i, c: (i, 0))],
        out_specs=[pl.BlockSpec((RB, 128), lambda i, c: (i, 0)),
                   pl.BlockSpec((RB, 128), lambda i, c: (i, 0)),
                   pl.BlockSpec((1, 1), lambda i, c: (0, 0))],
        out_shape=[jax.ShapeDtypeStruct((NPAD, 128), F32),
                   jax.ShapeDtypeStruct((NPAD, 128), F32),
                   jax.ShapeDtypeStruct((1, 1), F32)],
    )(emb4, rinv2, wn, bn, wsd, bsd, natt_pad, nia_pad)


_EH_B = 256


@functools.partial(
    pl.kernel,
    out_type=jax.ShapeDtypeStruct((E, 64), F32),
    mesh=_SC_MESH,
    scratch_types=[
        pltpu.VMEM((_EH_B,), jnp.int32), pltpu.VMEM((_EH_B,), jnp.int32),
        pltpu.VMEM((_EH_B, 128), F32), pltpu.VMEM((_EH_B, 128), F32),
        pltpu.VMEM((_EH_B, 64), F32),
        pltpu.SemaphoreType.DMA, pltpu.SemaphoreType.DMA,
    ],
)
def _edgehead_kernel(pc_hbm, src_hbm, dst_hbm, out_hbm,
                     sidx_v, didx_v, g1_v, g2_v, ob_v, sem1, sem2):
    cid = lax.axis_index("c")
    sid = lax.axis_index("s")
    w = cid * NS + sid
    nb = jnp.where(w < 17, 20, 19)
    ebase = _EH_B * jnp.where(w < 17, w * 20, 340 + (w - 17) * 19)

    def batch_body(b, _):
        e0 = ebase + b * _EH_B
        pltpu.sync_copy(src_hbm.at[pl.ds(e0, _EH_B)], sidx_v)
        pltpu.sync_copy(dst_hbm.at[pl.ds(e0, _EH_B)], didx_v)
        cp1 = pltpu.async_copy(pc_hbm.at[sidx_v], g1_v, sem1)
        cp2 = pltpu.async_copy(pc_hbm.at[didx_v], g2_v, sem2)
        cp1.wait()
        cp2.wait()

        def row_body(r, __):
            for j in range(4):
                ob_v[r, pl.ds(j * 16, 16)] = (
                    g1_v[r, pl.ds(j * 16, 16)]
                    + g2_v[r, pl.ds(64 + j * 16, 16)])
            return 0

        lax.fori_loop(0, _EH_B, row_body, 0)
        pltpu.sync_copy(ob_v, out_hbm.at[pl.ds(e0, _EH_B)])
        return 0

    lax.fori_loop(0, nb, batch_body, 0)


_EL_RB = 2000


def _edgeloss_body(oe_ref, rel_ref, ta_ref, relp_ref, tap_ref, loss_ref):
    @pl.when(pl.program_id(0) == 0)
    def _():
        loss_ref[...] = jnp.zeros((1, 1), F32)

    def bce_sum(z, t):
        return jnp.sum(jnp.maximum(z, 0.0) - z * t
                       + jnp.log1p(jnp.exp(-jnp.abs(z))))

    zr = oe_ref[:, 0:19]
    zt = oe_ref[:, 19:52]
    relp_ref[...] = zr
    tap_ref[...] = zt
    loss_ref[...] += (bce_sum(zr, rel_ref[...]) / (E * 19)
                      + bce_sum(zt, ta_ref[...]) / (E * 33))


def _edgeloss_call(oe, erel, eta):
    return pl.pallas_call(
        _edgeloss_body,
        grid=(E // _EL_RB,),
        in_specs=[pl.BlockSpec((_EL_RB, 64), lambda i: (i, 0)),
                  pl.BlockSpec((_EL_RB, 19), lambda i: (i, 0)),
                  pl.BlockSpec((_EL_RB, 33), lambda i: (i, 0))],
        out_specs=[pl.BlockSpec((_EL_RB, 19), lambda i: (i, 0)),
                   pl.BlockSpec((_EL_RB, 33), lambda i: (i, 0)),
                   pl.BlockSpec((1, 1), lambda i: (0, 0))],
        out_shape=[jax.ShapeDtypeStruct((E, 19), F32),
                   jax.ShapeDtypeStruct((E, 33), F32),
                   jax.ShapeDtypeStruct((1, 1), F32)],
    )(oe, erel, eta)


def kernel(x, edge_index, node_att, node_ia, edge_rel, edge_ta,
           W_node1, b_node1, W_node2, b_node2, Wg, bg,
           W_att, b_att, W_ia, b_ia, W_rel, b_rel, W_ta, b_ta):
    src = edge_index[0]
    dst = edge_index[1]

    xw4 = _mlp_call(x, W_node1, b_node1.reshape(1, D), W_node2,
                    b_node2.reshape(1, D), Wg, bg.reshape(1, D))
    deg = _deg_kernel(dst)
    xwn4, rinv2 = _scale_call(xw4, deg.reshape(2, NPAD).T)
    emb2 = _msgpass_kernel(xwn4.reshape(4 * NPAD, 128), src, dst)

    wn = jnp.concatenate([W_att, W_ia, jnp.zeros((D, 115), F32)], axis=1)
    bn = jnp.concatenate([b_att, b_ia, jnp.zeros((115,), F32)]).reshape(1, 128)
    z12 = jnp.zeros((D, 12), F32)
    wsd = jnp.concatenate([W_rel[:D], W_ta[:D], z12,
                           W_rel[D:], W_ta[D:], z12], axis=1)
    bsd = jnp.concatenate([b_rel, b_ta,
                           jnp.zeros((76,), F32)]).reshape(1, 128)
    natt_pad = jnp.concatenate([node_att, jnp.zeros((NPAD - N, 4), F32)],
                               axis=0)
    nia_pad = jnp.concatenate([node_ia, jnp.zeros((NPAD - N, 9), F32)],
                              axis=0)
    pn, pc, loss_n = _heads_call(emb2.reshape(4, NPAD, 128), rinv2,
                                 wn, bn, wsd, bsd, natt_pad, nia_pad)
    oe = _edgehead_kernel(pc, src, dst)
    rel_pred, ta_pred, loss_e = _edgeloss_call(oe, edge_rel, edge_ta)

    loss = loss_n[0, 0] + loss_e[0, 0]
    return (loss, pn[:N, 0:4], pn[:N, 4:13], rel_pred, ta_pred)

# --- scband reference (transcript-rebuilt; emitter-appended) ---
"""Pipeline reference for scband-predicate-clsmodel-88210038325680 (READ-ONLY COPY).

The authoritative reference and input builder live on the scoring server;
editing this copy changes nothing except your own understanding.
"""

import jax, jax.numpy as jnp
import numpy as np

N_NODES = 10000
N_EDGES = 160000
DIM_NODE_ATTR = 512
DIM = 512
NUM_ATT_CLASSES = 4
NUM_IA_CLASSES = 9
NUM_REL_CLASSES = 19
NUM_TA_CLASSES = 33


def setup_inputs(seed: int = 0) -> dict:
    key = jax.random.key(seed)
    ks = jax.random.split(key, 24)
    inp = {}
    inp['x'] = jax.random.normal(ks[0], (N_NODES, DIM_NODE_ATTR), dtype=jnp.float32)
    inp['edge_index'] = jax.random.randint(ks[1], (2, N_EDGES), 0, N_NODES).astype(jnp.int32)
    inp['node_att'] = jax.random.uniform(ks[2], (N_NODES, NUM_ATT_CLASSES), dtype=jnp.float32)
    inp['node_ia'] = jax.random.uniform(ks[3], (N_NODES, NUM_IA_CLASSES), dtype=jnp.float32)
    inp['edge_rel'] = jax.random.uniform(ks[4], (N_EDGES, NUM_REL_CLASSES), dtype=jnp.float32)
    inp['edge_ta'] = jax.random.uniform(ks[5], (N_EDGES, NUM_TA_CLASSES), dtype=jnp.float32)
    s = 0.02
    # mlp_node: two-layer MLP DIM_NODE_ATTR -> DIM -> DIM
    inp['W_node1'] = jax.random.normal(ks[6], (DIM_NODE_ATTR, DIM), dtype=jnp.float32) * s
    inp['b_node1'] = jnp.zeros((DIM,), jnp.float32)
    inp['W_node2'] = jax.random.normal(ks[7], (DIM, DIM), dtype=jnp.float32) * s
    inp['b_node2'] = jnp.zeros((DIM,), jnp.float32)
    # GCN encoder layer weight (dim_hidden = DIM since oracle=False)
    inp['Wg'] = jax.random.normal(ks[8], (DIM, DIM), dtype=jnp.float32) * s
    inp['bg'] = jnp.zeros((DIM,), jnp.float32)
    # prediction heads (dropout is identity in eval)
    inp['W_att'] = jax.random.normal(ks[9], (DIM, NUM_ATT_CLASSES), dtype=jnp.float32) * s
    inp['b_att'] = jnp.zeros((NUM_ATT_CLASSES,), jnp.float32)
    inp['W_ia'] = jax.random.normal(ks[10], (DIM, NUM_IA_CLASSES), dtype=jnp.float32) * s
    inp['b_ia'] = jnp.zeros((NUM_IA_CLASSES,), jnp.float32)
    inp['W_rel'] = jax.random.normal(ks[11], (2 * DIM, NUM_REL_CLASSES), dtype=jnp.float32) * s
    inp['b_rel'] = jnp.zeros((NUM_REL_CLASSES,), jnp.float32)
    inp['W_ta'] = jax.random.normal(ks[12], (2 * DIM, NUM_TA_CLASSES), dtype=jnp.float32) * s
    inp['b_ta'] = jnp.zeros((NUM_TA_CLASSES,), jnp.float32)
    return inp


def _bce_with_logits(logits, targets):
    # mean-reduced binary_cross_entropy_with_logits (numerically stable)
    return jnp.mean(jnp.maximum(logits, 0.0) - logits * targets + jnp.log1p(jnp.exp(-jnp.abs(logits))))


def reference(x, edge_index, node_att, node_ia, edge_rel, edge_ta,
              W_node1, b_node1, W_node2, b_node2, Wg, bg,
              W_att, b_att, W_ia, b_ia, W_rel, b_rel, W_ta, b_ta):
    N = x.shape[0]
    # mlp_node
    node_attr = jax.nn.relu(x @ W_node1 + b_node1) @ W_node2 + b_node2
    # GCNEncoder: symmetric-normalized GCN layer with self-loops
    src = edge_index[0]
    dst = edge_index[1]
    deg = jnp.zeros((N,), jnp.float32).at[dst].add(1.0) + 1.0  # +1 self-loop
    xw = node_attr @ Wg + bg
    norm = jax.lax.rsqrt(deg[src]) * jax.lax.rsqrt(deg[dst])
    agg = jnp.zeros_like(xw).at[dst].add(xw[src] * norm[:, None]) + xw / deg[:, None]
    embed = jax.nn.relu(agg)
    # node-level heads (dropout identity in eval)
    att_pred = embed @ W_att + b_att
    ia_pred = embed @ W_ia + b_ia
    loss = _bce_with_logits(att_pred, node_att) + _bce_with_logits(ia_pred, node_ia)
    # edge-level heads: gather endpoint embeddings (vectorized form of the per-edge loop)
    nodes = jnp.concatenate([embed[src], embed[dst]], axis=-1)
    rel_preds = nodes @ W_rel + b_rel
    ta_preds = nodes @ W_ta + b_ta
    loss = loss + _bce_with_logits(rel_preds, edge_rel) + _bce_with_logits(ta_preds, edge_ta)
    return (loss, att_pred, ia_pred, rel_preds, ta_preds)

if __name__ == "__main__":
    import jax
    _d = setup_inputs()
    print(jax.jit(kernel)(*tuple(_d.values())))

</pallas_src>

<mosaic_0001>
#map = affine_map<(d0, d1) -> (0, 0)>
#map1 = affine_map<(d0, d1) -> (0)>
module attributes {stable_mosaic.version = 14 : i64} {
  func.func @_edgehead_kernel(%arg0: i32, %arg1: i32, %arg2: memref<10240x128xf32, #tpu.memory_space<hbm>>, %arg3: memref<160000xi32, #tpu.memory_space<hbm>>, %arg4: memref<160000xi32, #tpu.memory_space<hbm>>, %arg5: memref<160000x64xf32, #tpu.memory_space<hbm>>, %arg6: memref<256xi32, #tpu.memory_space<vmem>>, %arg7: memref<256xi32, #tpu.memory_space<vmem>>, %arg8: memref<256x128xf32, #tpu.memory_space<vmem>>, %arg9: memref<256x128xf32, #tpu.memory_space<vmem>>, %arg10: memref<256x64xf32, #tpu.memory_space<vmem>>, %arg11: memref<!tpu.dma_semaphore, #tpu.memory_space<semaphore_mem>>, %arg12: memref<!tpu.dma_semaphore, #tpu.memory_space<semaphore_mem>>) attributes {dimension_semantics = [#tpu.dimension_semantics<core_parallel>, #tpu.dimension_semantics<subcore_parallel>], iteration_bounds = array<i64: 2, 16>, scalar_prefetch = 0 : i64, scratch_operands = 7 : i64, tpu.core_type = #tpu.core_type<sc_vector_subcore>, window_params = [{transform_indices = #map}, {transform_indices = #map1}, {transform_indices = #map1}, {transform_indices = #map}]} {
    %mul3A = arith.constant 16 : i32
    %mul3A_0 = arith.muli %arg0, %mul3A : i32
    %add3A = arith.addi %mul3A_0, %arg1 : i32
    %lt3A = arith.constant 17 : i32
    %lt3A_1 = arith.cmpi slt, %add3A, %lt3A : i32
    %jit3A = arith.constant 20 : i32
    %jit3A_2 = arith.constant 19 : i32
    %select_n3A = arith.select %lt3A_1, %jit3A, %jit3A_2 : i32
    %lt3A_3 = arith.constant 17 : i32
    %lt3A_4 = arith.cmpi slt, %add3A, %lt3A_3 : i32
    %mul3A_5 = arith.constant 20 : i32
    %mul3A_6 = arith.muli %add3A, %mul3A_5 : i32
    %sub3A = arith.constant 17 : i32
    %sub3A_7 = arith.subi %add3A, %sub3A : i32
    %mul3A_8 = arith.constant 19 : i32
    %mul3A_9 = arith.muli %sub3A_7, %mul3A_8 : i32
    %add3A_10 = arith.constant 340 : i32
    %add3A_11 = arith.addi %add3A_10, %mul3A_9 : i32
    %select_n3A_12 = arith.select %lt3A_4, %mul3A_6, %add3A_11 : i32
    %mul3A_13 = arith.constant 256 : i32
    %mul3A_14 = arith.muli %mul3A_13, %select_n3A_12 : i32
    %while3A = arith.constant 0 : i32
    %while3A_15 = arith.constant 0 : i32
    %while3A_16 = arith.subi %select_n3A, %while3A : i32
    %while3A_17 = arith.addi %while3A, %while3A_16 : i32
    %while3A_18 = arith.constant 1 : i32
    %while3A_19 = arith.divsi %while3A_16, %while3A_18 : i32
    %while3A_20 = arith.muli %while3A_19, %while3A_18 : i32
    %while3A_21 = arith.addi %while3A, %while3A_20 : i32
    %while3A_22 = arith.constant 1 : i32
    %while3A_23 = scf.for %while3A_26 = %while3A to %while3A_21 step %while3A_22 iter_args(%while3A_27 = %while3A_15) -> (i32)  : i32 {
      %mul3A_28 = arith.constant 256 : i32
      %mul3A_29 = arith.muli %while3A_26, %mul3A_28 : i32
      %add3A_30 = arith.addi %mul3A_14, %mul3A_29 : i32
      "tpu.region"() ({
        %run_scoped3A = tpu.sem_alloc : memref<!tpu.dma_semaphore, #tpu.memory_space<semaphore_mem>>
        %dma_start3A_48 = tpu.memref_slice %arg3[%add3A_30] : memref<160000xi32, #tpu.memory_space<hbm>> -> memref<256xi32, #tpu.memory_space<hbm>>
        %dma_start3A_49 = tpu.memref_slice %arg3[%add3A_30] : memref<160000xi32, #tpu.memory_space<hbm>> -> memref<256xi32, #tpu.memory_space<hbm>>
        tpu.enqueue_dma source(%dma_start3A_49 : memref<256xi32, #tpu.memory_space<hbm>>) target(%arg6 : memref<256xi32, #tpu.memory_space<vmem>>) target_semaphore(%run_scoped3A : memref<!tpu.dma_semaphore, #tpu.memory_space<semaphore_mem>>)
        %dma_wait3A_50 = tpu.memref_slice %arg3[%add3A_30] : memref<160000xi32, #tpu.memory_space<hbm>> -> memref<256xi32, #tpu.memory_space<hbm>>
        %dma_wait3A_51 = tpu.memref_slice %arg3[%add3A_30] : memref<160000xi32, #tpu.memory_space<hbm>> -> memref<256xi32, #tpu.memory_space<hbm>>
        tpu.wait_dma2 semaphore(%run_scoped3A : memref<!tpu.dma_semaphore, #tpu.memory_space<semaphore_mem>>) src(%dma_wait3A_51 : memref<256xi32, #tpu.memory_space<hbm>>) dst(%arg6 : memref<256xi32, #tpu.memory_space<vmem>>)
        tpu.yield
      }) : () -> ()
      "tpu.region"() ({
        %run_scoped3A = tpu.sem_alloc : memref<!tpu.dma_semaphore, #tpu.memory_space<semaphore_mem>>
        %dma_start3A_48 = tpu.memref_slice %arg4[%add3A_30] : memref<160000xi32, #tpu.memory_space<hbm>> -> memref<256xi32, #tpu.memory_space<hbm>>
        %dma_start3A_49 = tpu.memref_slice %arg4[%add3A_30] : memref<160000xi32, #tpu.memory_space<hbm>> -> memref<256xi32, #tpu.memory_space<hbm>>
        tpu.enqueue_dma source(%dma_start3A_49 : memref<256xi32, #tpu.memory_space<hbm>>) target(%arg7 : memref<256xi32, #tpu.memory_space<vmem>>) target_semaphore(%run_scoped3A : memref<!tpu.dma_semaphore, #tpu.memory_space<semaphore_mem>>)
        %dma_wait3A_50 = tpu.memref_slice %arg4[%add3A_30] : memref<160000xi32, #tpu.memory_space<hbm>> -> memref<256xi32, #tpu.memory_space<hbm>>
        %dma_wait3A_51 = tpu.memref_slice %arg4[%add3A_30] : memref<160000xi32, #tpu.memory_space<hbm>> -> memref<256xi32, #tpu.memory_space<hbm>>
        tpu.wait_dma2 semaphore(%run_scoped3A : memref<!tpu.dma_semaphore, #tpu.memory_space<semaphore_mem>>) src(%dma_wait3A_51 : memref<256xi32, #tpu.memory_space<hbm>>) dst(%arg7 : memref<256xi32, #tpu.memory_space<vmem>>)
        tpu.yield
      }) : () -> ()
      %dma_start3A = arith.constant 0 : i32
      %dma_start3A_31 = arith.constant 0 : i32
      %dma_start3A_32 = tpu.memref_slice %arg2[%dma_start3A, %dma_start3A_31] : memref<10240x128xf32, #tpu.memory_space<hbm>> -> memref<10240x128xf32, #tpu.memory_space<hbm>>
      tpu.enqueue_indirect_dma source(%dma_start3A_32 : memref<10240x128xf32, #tpu.memory_space<hbm>>) target(%arg8 : memref<256x128xf32, #tpu.memory_space<vmem>>) offsets(%arg6 : memref<256xi32, #tpu.memory_space<vmem>>) semaphore(%arg11 : memref<!tpu.dma_semaphore, #tpu.memory_space<semaphore_mem>>)
      %dma_start3A_33 = arith.constant 0 : i32
      %dma_start3A_34 = arith.constant 0 : i32
      %dma_start3A_35 = tpu.memref_slice %arg2[%dma_start3A_33, %dma_start3A_34] : memref<10240x128xf32, #tpu.memory_space<hbm>> -> memref<10240x128xf32, #tpu.memory_space<hbm>>
      tpu.enqueue_indirect_dma source(%dma_start3A_35 : memref<10240x128xf32, #tpu.memory_space<hbm>>) target(%arg9 : memref<256x128xf32, #tpu.memory_space<vmem>>) offsets(%arg7 : memref<256xi32, #tpu.memory_space<vmem>>) semaphore(%arg12 : memref<!tpu.dma_semaphore, #tpu.memory_space<semaphore_mem>>)
      %dma_wait3A = arith.constant 0 : i32
      %dma_wait3A_36 = arith.constant 0 : i32
      %dma_wait3A_37 = tpu.memref_slice %arg2[%dma_wait3A, %dma_wait3A_36] : memref<10240x128xf32, #tpu.memory_space<hbm>> -> memref<10240x128xf32, #tpu.memory_space<hbm>>
      tpu.wait_indirect_dma semaphore(%arg11 : memref<!tpu.dma_semaphore, #tpu.memory_space<semaphore_mem>>) src(%dma_wait3A_37 : memref<10240x128xf32, #tpu.memory_space<hbm>>) dst(%arg8 : memref<256x128xf32, #tpu.memory_space<vmem>>)
      %dma_wait3A_38 = arith.constant 0 : i32
      %dma_wait3A_39 = arith.constant 0 : i32
      %dma_wait3A_40 = tpu.memref_slice %arg2[%dma_wait3A_38, %dma_wait3A_39] : memref<10240x128xf32, #tpu.memory_space<hbm>> -> memref<10240x128xf32, #tpu.memory_space<hbm>>
      tpu.wait_indirect_dma semaphore(%arg12 : memref<!tpu.dma_semaphore, #tpu.memory_space<semaphore_mem>>) src(%dma_wait3A_40 : memref<10240x128xf32, #tpu.memory_space<hbm>>) dst(%arg9 : memref<256x128xf32, #tpu.memory_space<vmem>>)
      %scan3A = arith.constant 0 : i32
      %scan3A_41 = arith.constant 0 : i32
      %scan3A_42 = arith.constant 256 : i32
      %scan3A_43 = arith.addi %scan3A_41, %scan3A_42 : i32
      %scan3A_44 = arith.constant 1 : i32
      %scan3A_45 = scf.for %scan3A_48 = %scan3A_41 to %scan3A_43 step %scan3A_44 iter_args(%scan3A_49 = %scan3A) -> (i32)  : i32 {
        %get3A = arith.index_cast %scan3A_48 : i32 to index
        %get3A_50 = arith.constant 0 : index
        %get3A_51 = tpu.vector_load %arg8[%get3A, %get3A_50] {strides = array<i32>} : memref<256x128xf32, #tpu.memory_space<vmem>>, vector<1x16xf32>,
        %get3A_52 = vector.shape_cast %get3A_51 : vector<1x16xf32> to vector<16xf32>
        %get3A_53 = arith.index_cast %scan3A_48 : i32 to index
        %get3A_54 = arith.constant 64 : index
        %get3A_55 = tpu.vector_load %arg9[%get3A_53, %get3A_54] {strides = array<i32>} : memref<256x128xf32, #tpu.memory_space<vmem>>, vector<1x16xf32>,
        %get3A_56 = vector.shape_cast %get3A_55 : vector<1x16xf32> to vector<16xf32>
        %add3A_57 = arith.addf %get3A_52, %get3A_56 : vector<16xf32>
        %swap3A = arith.index_cast %scan3A_48 : i32 to index
        %swap3A_58 = arith.constant 0 : index
        %swap3A_59 = tpu.vector_load %arg10[%swap3A, %swap3A_58] {strides = array<i32>} : memref<256x64xf32, #tpu.memory_space<vmem>>, vector<1x16xf32>,
        %swap3A_60 = vector.shape_cast %swap3A_59 : vector<1x16xf32> to vector<16xf32>
        %swap3A_61 = vector.shape_cast %add3A_57 : vector<16xf32> to vector<1x16xf32>
        tpu.vector_store %arg10[%swap3A, %swap3A_58], %swap3A_61 {strides = array<i32>} : memref<256x64xf32, #tpu.memory_space<vmem>>, vector<1x16xf32>,
        %get3A_62 = arith.index_cast %scan3A_48 : i32 to index
        %get3A_63 = arith.constant 16 : index
        %get3A_64 = tpu.vector_load %arg8[%get3A_62, %get3A_63] {strides = array<i32>} : memref<256x128xf32, #tpu.memory_space<vmem>>, vector<1x16xf32>,
        %get3A_65 = vector.shape_cast %get3A_64 : vector<1x16xf32> to vector<16xf32>
        %get3A_66 = arith.index_cast %scan3A_48 : i32 to index
        %get3A_67 = arith.constant 80 : index
        %get3A_68 = tpu.vector_load %arg9[%get3A_66, %get3A_67] {strides = array<i32>} : memref<256x128xf32, #tpu.memory_space<vmem>>, vector<1x16xf32>,
        %get3A_69 = vector.shape_cast %get3A_68 : vector<1x16xf32> to vector<16xf32>
        %add3A_70 = arith.addf %get3A_65, %get3A_69 : vector<16xf32>
        %swap3A_71 = arith.index_cast %scan3A_48 : i32 to index
        %swap3A_72 = arith.constant 16 : index
        %swap3A_73 = tpu.vector_load %arg10[%swap3A_71, %swap3A_72] {strides = array<i32>} : memref<256x64xf32, #tpu.memory_space<vmem>>, vector<1x16xf32>,
        %swap3A_74 = vector.shape_cast %swap3A_73 : vector<1x16xf32> to vector<16xf32>
        %swap3A_75 = vector.shape_cast %add3A_70 : vector<16xf32> to vector<1x16xf32>
        tpu.vector_store %arg10[%swap3A_71, %swap3A_72], %swap3A_75 {strides = array<i32>} : memref<256x64xf32, #tpu.memory_space<vmem>>, vector<1x16xf32>,
        %get3A_76 = arith.index_cast %scan3A_48 : i32 to index
        %get3A_77 = arith.constant 32 : index
        %get3A_78 = tpu.vector_load %arg8[%get3A_76, %get3A_77] {strides = array<i32>} : memref<256x128xf32, #tpu.memory_space<vmem>>, vector<1x16xf32>,
        %get3A_79 = vector.shape_cast %get3A_78 : vector<1x16xf32> to vector<16xf32>
        %get3A_80 = arith.index_cast %scan3A_48 : i32 to index
        %get3A_81 = arith.constant 96 : index
        %get3A_82 = tpu.vector_load %arg9[%get3A_80, %get3A_81] {strides = array<i32>} : memref<256x128xf32, #tpu.memory_space<vmem>>, vector<1x16xf32>,
        %get3A_83 = vector.shape_cast %get3A_82 : vector<1x16xf32> to vector<16xf32>
        %add3A_84 = arith.addf %get3A_79, %get3A_83 : vector<16xf32>
        %swap3A_85 = arith.index_cast %scan3A_48 : i32 to index
        %swap3A_86 = arith.constant 32 : index
        %swap3A_87 = tpu.vector_load %arg10[%swap3A_85, %swap3A_86] {strides = array<i32>} : memref<256x64xf32, #tpu.memory_space<vmem>>, vector<1x16xf32>,
        %swap3A_88 = vector.shape_cast %swap3A_87 : vector<1x16xf32> to vector<16xf32>
        %swap3A_89 = vector.shape_cast %add3A_84 : vector<16xf32> to vector<1x16xf32>
        tpu.vector_store %arg10[%swap3A_85, %swap3A_86], %swap3A_89 {strides = array<i32>} : memref<256x64xf32, #tpu.memory_space<vmem>>, vector<1x16xf32>,
        %get3A_90 = arith.index_cast %scan3A_48 : i32 to index
        %get3A_91 = arith.constant 48 : index
        %get3A_92 = tpu.vector_load %arg8[%get3A_90, %get3A_91] {strides = array<i32>} : memref<256x128xf32, #tpu.memory_space<vmem>>, vector<1x16xf32>,
        %get3A_93 = vector.shape_cast %get3A_92 : vector<1x16xf32> to vector<16xf32>
        %get3A_94 = arith.index_cast %scan3A_48 : i32 to index
        %get3A_95 = arith.constant 112 : index
        %get3A_96 = tpu.vector_load %arg9[%get3A_94, %get3A_95] {strides = array<i32>} : memref<256x128xf32, #tpu.memory_space<vmem>>, vector<1x16xf32>,
        %get3A_97 = vector.shape_cast %get3A_96 : vector<1x16xf32> to vector<16xf32>
        %add3A_98 = arith.addf %get3A_93, %get3A_97 : vector<16xf32>
        %swap3A_99 = arith.index_cast %scan3A_48 : i32 to index
        %swap3A_100 = arith.constant 48 : index
        %swap3A_101 = tpu.vector_load %arg10[%swap3A_99, %swap3A_100] {strides = array<i32>} : memref<256x64xf32, #tpu.memory_space<vmem>>, vector<1x16xf32>,
        %swap3A_102 = vector.shape_cast %swap3A_101 : vector<1x16xf32> to vector<16xf32>
        %swap3A_103 = vector.shape_cast %add3A_98 : vector<16xf32> to vector<1x16xf32>
        tpu.vector_store %arg10[%swap3A_99, %swap3A_100], %swap3A_103 {strides = array<i32>} : memref<256x64xf32, #tpu.memory_space<vmem>>, vector<1x16xf32>,
        %scan3A_104 = arith.constant 0 : i32
        scf.yield %scan3A_104 : i32
      }
      %scan3A_46 = arith.constant 256 : i32
      "tpu.region"() ({
        %run_scoped3A = tpu.sem_alloc : memref<!tpu.dma_semaphore, #tpu.memory_space<semaphore_mem>>
        %dma_start3A_48 = arith.constant 0 : i32
        %dma_start3A_49 = tpu.memref_slice %arg5[%add3A_30, %dma_start3A_48] : memref<160000x64xf32, #tpu.memory_space<hbm>> -> memref<256x64xf32, #tpu.memory_space<hbm>>
        %dma_start3A_50 = arith.constant 0 : i32
        %dma_start3A_51 = tpu.memref_slice %arg5[%add3A_30, %dma_start3A_50] : memref<160000x64xf32, #tpu.memory_space<hbm>> -> memref<256x64xf32, #tpu.memory_space<hbm>>
        tpu.enqueue_dma source(%arg10 : memref<256x64xf32, #tpu.memory_space<vmem>>) target(%dma_start3A_51 : memref<256x64xf32, #tpu.memory_space<hbm>>) target_semaphore(%run_scoped3A : memref<!tpu.dma_semaphore, #tpu.memory_space<semaphore_mem>>)
        %dma_wait3A_52 = arith.constant 0 : i32
        %dma_wait3A_53 = tpu.memref_slice %arg5[%add3A_30, %dma_wait3A_52] : memref<160000x64xf32, #tpu.memory_space<hbm>> -> memref<256x64xf32, #tpu.memory_space<hbm>>
        %dma_wait3A_54 = arith.constant 0 : i32
        %dma_wait3A_55 = tpu.memref_slice %arg5[%add3A_30, %dma_wait3A_54] : memref<160000x64xf32, #tpu.memory_space<hbm>> -> memref<256x64xf32, #tpu.memory_space<hbm>>
        tpu.wait_dma2 semaphore(%run_scoped3A : memref<!tpu.dma_semaphore, #tpu.memory_space<semaphore_mem>>) src(%arg10 : memref<256x64xf32, #tpu.memory_space<vmem>>) dst(%dma_wait3A_55 : memref<256x64xf32, #tpu.memory_space<hbm>>)
        tpu.yield
      }) : () -> ()
      %while3A_47 = arith.constant 0 : i32
      scf.yield %while3A_47 : i32
    }
    %while3A_24 = arith.constant 1 : i32
    %while3A_25 = scf.for %while3A_26 = %while3A_21 to %while3A_17 step %while3A_24 iter_args(%while3A_27 = %while3A_23) -> (i32)  : i32 {
      %mul3A_28 = arith.constant 256 : i32
      %mul3A_29 = arith.muli %while3A_26, %mul3A_28 : i32
      %add3A_30 = arith.addi %mul3A_14, %mul3A_29 : i32
      "tpu.region"() ({
        %run_scoped3A = tpu.sem_alloc : memref<!tpu.dma_semaphore, #tpu.memory_space<semaphore_mem>>
        %dma_start3A_48 = tpu.memref_slice %arg3[%add3A_30] : memref<160000xi32, #tpu.memory_space<hbm>> -> memref<256xi32, #tpu.memory_space<hbm>>
        %dma_start3A_49 = tpu.memref_slice %arg3[%add3A_30] : memref<160000xi32, #tpu.memory_space<hbm>> -> memref<256xi32, #tpu.memory_space<hbm>>
        tpu.enqueue_dma source(%dma_start3A_49 : memref<256xi32, #tpu.memory_space<hbm>>) target(%arg6 : memref<256xi32, #tpu.memory_space<vmem>>) target_semaphore(%run_scoped3A : memref<!tpu.dma_semaphore, #tpu.memory_space<semaphore_mem>>)
        %dma_wait3A_50 = tpu.memref_slice %arg3[%add3A_30] : memref<160000xi32, #tpu.memory_space<hbm>> -> memref<256xi32, #tpu.memory_space<hbm>>
        %dma_wait3A_51 = tpu.memref_slice %arg3[%add3A_30] : memref<160000xi32, #tpu.memory_space<hbm>> -> memref<256xi32, #tpu.memory_space<hbm>>
        tpu.wait_dma2 semaphore(%run_scoped3A : memref<!tpu.dma_semaphore, #tpu.memory_space<semaphore_mem>>) src(%dma_wait3A_51 : memref<256xi32, #tpu.memory_space<hbm>>) dst(%arg6 : memref<256xi32, #tpu.memory_space<vmem>>)
        tpu.yield
      }) : () -> ()
      "tpu.region"() ({
        %run_scoped3A = tpu.sem_alloc : memref<!tpu.dma_semaphore, #tpu.memory_space<semaphore_mem>>
        %dma_start3A_48 = tpu.memref_slice %arg4[%add3A_30] : memref<160000xi32, #tpu.memory_space<hbm>> -> memref<256xi32, #tpu.memory_space<hbm>>
        %dma_start3A_49 = tpu.memref_slice %arg4[%add3A_30] : memref<160000xi32, #tpu.memory_space<hbm>> -> memref<256xi32, #tpu.memory_space<hbm>>
        tpu.enqueue_dma source(%dma_start3A_49 : memref<256xi32, #tpu.memory_space<hbm>>) target(%arg7 : memref<256xi32, #tpu.memory_space<vmem>>) target_semaphore(%run_scoped3A : memref<!tpu.dma_semaphore, #tpu.memory_space<semaphore_mem>>)
        %dma_wait3A_50 = tpu.memref_slice %arg4[%add3A_30] : memref<160000xi32, #tpu.memory_space<hbm>> -> memref<256xi32, #tpu.memory_space<hbm>>
        %dma_wait3A_51 = tpu.memref_slice %arg4[%add3A_30] : memref<160000xi32, #tpu.memory_space<hbm>> -> memref<256xi32, #tpu.memory_space<hbm>>
        tpu.wait_dma2 semaphore(%run_scoped3A : memref<!tpu.dma_semaphore, #tpu.memory_space<semaphore_mem>>) src(%dma_wait3A_51 : memref<256xi32, #tpu.memory_space<hbm>>) dst(%arg7 : memref<256xi32, #tpu.memory_space<vmem>>)
        tpu.yield
      }) : () -> ()
      %dma_start3A = arith.constant 0 : i32
      %dma_start3A_31 = arith.constant 0 : i32
      %dma_start3A_32 = tpu.memref_slice %arg2[%dma_start3A, %dma_start3A_31] : memref<10240x128xf32, #tpu.memory_space<hbm>> -> memref<10240x128xf32, #tpu.memory_space<hbm>>
      tpu.enqueue_indirect_dma source(%dma_start3A_32 : memref<10240x128xf32, #tpu.memory_space<hbm>>) target(%arg8 : memref<256x128xf32, #tpu.memory_space<vmem>>) offsets(%arg6 : memref<256xi32, #tpu.memory_space<vmem>>) semaphore(%arg11 : memref<!tpu.dma_semaphore, #tpu.memory_space<semaphore_mem>>)
      %dma_start3A_33 = arith.constant 0 : i32
      %dma_start3A_34 = arith.constant 0 : i32
      %dma_start3A_35 = tpu.memref_slice %arg2[%dma_start3A_33, %dma_start3A_34] : memref<10240x128xf32, #tpu.memory_space<hbm>> -> memref<10240x128xf32, #tpu.memory_space<hbm>>
      tpu.enqueue_indirect_dma source(%dma_start3A_35 : memref<10240x128xf32, #tpu.memory_space<hbm>>) target(%arg9 : memref<256x128xf32, #tpu.memory_space<vmem>>) offsets(%arg7 : memref<256xi32, #tpu.memory_space<vmem>>) semaphore(%arg12 : memref<!tpu.dma_semaphore, #tpu.memory_space<semaphore_mem>>)
      %dma_wait3A = arith.constant 0 : i32
      %dma_wait3A_36 = arith.constant 0 : i32
      %dma_wait3A_37 = tpu.memref_slice %arg2[%dma_wait3A, %dma_wait3A_36] : memref<10240x128xf32, #tpu.memory_space<hbm>> -> memref<10240x128xf32, #tpu.memory_space<hbm>>
      tpu.wait_indirect_dma semaphore(%arg11 : memref<!tpu.dma_semaphore, #tpu.memory_space<semaphore_mem>>) src(%dma_wait3A_37 : memref<10240x128xf32, #tpu.memory_space<hbm>>) dst(%arg8 : memref<256x128xf32, #tpu.memory_space<vmem>>)
      %dma_wait3A_38 = arith.constant 0 : i32
      %dma_wait3A_39 = arith.constant 0 : i32
      %dma_wait3A_40 = tpu.memref_slice %arg2[%dma_wait3A_38, %dma_wait3A_39] : memref<10240x128xf32, #tpu.memory_space<hbm>> -> memref<10240x128xf32, #tpu.memory_space<hbm>>
      tpu.wait_indirect_dma semaphore(%arg12 : memref<!tpu.dma_semaphore, #tpu.memory_space<semaphore_mem>>) src(%dma_wait3A_40 : memref<10240x128xf32, #tpu.memory_space<hbm>>) dst(%arg9 : memref<256x128xf32, #tpu.memory_space<vmem>>)
      %scan3A = arith.constant 0 : i32
      %scan3A_41 = arith.constant 0 : i32
      %scan3A_42 = arith.constant 256 : i32
      %scan3A_43 = arith.addi %scan3A_41, %scan3A_42 : i32
      %scan3A_44 = arith.constant 1 : i32
      %scan3A_45 = scf.for %scan3A_48 = %scan3A_41 to %scan3A_43 step %scan3A_44 iter_args(%scan3A_49 = %scan3A) -> (i32)  : i32 {
        %get3A = arith.index_cast %scan3A_48 : i32 to index
        %get3A_50 = arith.constant 0 : index
        %get3A_51 = tpu.vector_load %arg8[%get3A, %get3A_50] {strides = array<i32>} : memref<256x128xf32, #tpu.memory_space<vmem>>, vector<1x16xf32>,
        %get3A_52 = vector.shape_cast %get3A_51 : vector<1x16xf32> to vector<16xf32>
        %get3A_53 = arith.index_cast %scan3A_48 : i32 to index
        %get3A_54 = arith.constant 64 : index
        %get3A_55 = tpu.vector_load %arg9[%get3A_53, %get3A_54] {strides = array<i32>} : memref<256x128xf32, #tpu.memory_space<vmem>>, vector<1x16xf32>,
        %get3A_56 = vector.shape_cast %get3A_55 : vector<1x16xf32> to vector<16xf32>
        %add3A_57 = arith.addf %get3A_52, %get3A_56 : vector<16xf32>
        %swap3A = arith.index_cast %scan3A_48 : i32 to index
        %swap3A_58 = arith.constant 0 : index
        %swap3A_59 = tpu.vector_load %arg10[%swap3A, %swap3A_58] {strides = array<i32>} : memref<256x64xf32, #tpu.memory_space<vmem>>, vector<1x16xf32>,
        %swap3A_60 = vector.shape_cast %swap3A_59 : vector<1x16xf32> to vector<16xf32>
        %swap3A_61 = vector.shape_cast %add3A_57 : vector<16xf32> to vector<1x16xf32>
        tpu.vector_store %arg10[%swap3A, %swap3A_58], %swap3A_61 {strides = array<i32>} : memref<256x64xf32, #tpu.memory_space<vmem>>, vector<1x16xf32>,
        %get3A_62 = arith.index_cast %scan3A_48 : i32 to index
        %get3A_63 = arith.constant 16 : index
        %get3A_64 = tpu.vector_load %arg8[%get3A_62, %get3A_63] {strides = array<i32>} : memref<256x128xf32, #tpu.memory_space<vmem>>, vector<1x16xf32>,
        %get3A_65 = vector.shape_cast %get3A_64 : vector<1x16xf32> to vector<16xf32>
        %get3A_66 = arith.index_cast %scan3A_48 : i32 to index
        %get3A_67 = arith.constant 80 : index
        %get3A_68 = tpu.vector_load %arg9[%get3A_66, %get3A_67] {strides = array<i32>} : memref<256x128xf32, #tpu.memory_space<vmem>>, vector<1x16xf32>,
        %get3A_69 = vector.shape_cast %get3A_68 : vector<1x16xf32> to vector<16xf32>
        %add3A_70 = arith.addf %get3A_65, %get3A_69 : vector<16xf32>
        %swap3A_71 = arith.index_cast %scan3A_48 : i32 to index
        %swap3A_72 = arith.constant 16 : index
        %swap3A_73 = tpu.vector_load %arg10[%swap3A_71, %swap3A_72] {strides = array<i32>} : memref<256x64xf32, #tpu.memory_space<vmem>>, vector<1x16xf32>,
        %swap3A_74 = vector.shape_cast %swap3A_73 : vector<1x16xf32> to vector<16xf32>
        %swap3A_75 = vector.shape_cast %add3A_70 : vector<16xf32> to vector<1x16xf32>
        tpu.vector_store %arg10[%swap3A_71, %swap3A_72], %swap3A_75 {strides = array<i32>} : memref<256x64xf32, #tpu.memory_space<vmem>>, vector<1x16xf32>,
        %get3A_76 = arith.index_cast %scan3A_48 : i32 to index
        %get3A_77 = arith.constant 32 : index
        %get3A_78 = tpu.vector_load %arg8[%get3A_76, %get3A_77] {strides = array<i32>} : memref<256x128xf32, #tpu.memory_space<vmem>>, vector<1x16xf32>,
        %get3A_79 = vector.shape_cast %get3A_78 : vector<1x16xf32> to vector<16xf32>
        %get3A_80 = arith.index_cast %scan3A_48 : i32 to index
        %get3A_81 = arith.constant 96 : index
        %get3A_82 = tpu.vector_load %arg9[%get3A_80, %get3A_81] {strides = array<i32>} : memref<256x128xf32, #tpu.memory_space<vmem>>, vector<1x16xf32>,
        %get3A_83 = vector.shape_cast %get3A_82 : vector<1x16xf32> to vector<16xf32>
        %add3A_84 = arith.addf %get3A_79, %get3A_83 : vector<16xf32>
        %swap3A_85 = arith.index_cast %scan3A_48 : i32 to index
        %swap3A_86 = arith.constant 32 : index
        %swap3A_87 = tpu.vector_load %arg10[%swap3A_85, %swap3A_86] {strides = array<i32>} : memref<256x64xf32, #tpu.memory_space<vmem>>, vector<1x16xf32>,
        %swap3A_88 = vector.shape_cast %swap3A_87 : vector<1x16xf32> to vector<16xf32>
        %swap3A_89 = vector.shape_cast %add3A_84 : vector<16xf32> to vector<1x16xf32>
        tpu.vector_store %arg10[%swap3A_85, %swap3A_86], %swap3A_89 {strides = array<i32>} : memref<256x64xf32, #tpu.memory_space<vmem>>, vector<1x16xf32>,
        %get3A_90 = arith.index_cast %scan3A_48 : i32 to index
        %get3A_91 = arith.constant 48 : index
        %get3A_92 = tpu.vector_load %arg8[%get3A_90, %get3A_91] {strides = array<i32>} : memref<256x128xf32, #tpu.memory_space<vmem>>, vector<1x16xf32>,
        %get3A_93 = vector.shape_cast %get3A_92 : vector<1x16xf32> to vector<16xf32>
        %get3A_94 = arith.index_cast %scan3A_48 : i32 to index
        %get3A_95 = arith.constant 112 : index
        %get3A_96 = tpu.vector_load %arg9[%get3A_94, %get3A_95] {strides = array<i32>} : memref<256x128xf32, #tpu.memory_space<vmem>>, vector<1x16xf32>,
        %get3A_97 = vector.shape_cast %get3A_96 : vector<1x16xf32> to vector<16xf32>
        %add3A_98 = arith.addf %get3A_93, %get3A_97 : vector<16xf32>
        %swap3A_99 = arith.index_cast %scan3A_48 : i32 to index
        %swap3A_100 = arith.constant 48 : index
        %swap3A_101 = tpu.vector_load %arg10[%swap3A_99, %swap3A_100] {strides = array<i32>} : memref<256x64xf32, #tpu.memory_space<vmem>>, vector<1x16xf32>,
        %swap3A_102 = vector.shape_cast %swap3A_101 : vector<1x16xf32> to vector<16xf32>
        %swap3A_103 = vector.shape_cast %add3A_98 : vector<16xf32> to vector<1x16xf32>
        tpu.vector_store %arg10[%swap3A_99, %swap3A_100], %swap3A_103 {strides = array<i32>} : memref<256x64xf32, #tpu.memory_space<vmem>>, vector<1x16xf32>,
        %scan3A_104 = arith.constant 0 : i32
        scf.yield %scan3A_104 : i32
      }
      %scan3A_46 = arith.constant 256 : i32
      "tpu.region"() ({
        %run_scoped3A = tpu.sem_alloc : memref<!tpu.dma_semaphore, #tpu.memory_space<semaphore_mem>>
        %dma_start3A_48 = arith.constant 0 : i32
        %dma_start3A_49 = tpu.memref_slice %arg5[%add3A_30, %dma_start3A_48] : memref<160000x64xf32, #tpu.memory_space<hbm>> -> memref<256x64xf32, #tpu.memory_space<hbm>>
        %dma_start3A_50 = arith.constant 0 : i32
        %dma_start3A_51 = tpu.memref_slice %arg5[%add3A_30, %dma_start3A_50] : memref<160000x64xf32, #tpu.memory_space<hbm>> -> memref<256x64xf32, #tpu.memory_space<hbm>>
        tpu.enqueue_dma source(%arg10 : memref<256x64xf32, #tpu.memory_space<vmem>>) target(%dma_start3A_51 : memref<256x64xf32, #tpu.memory_space<hbm>>) target_semaphore(%run_scoped3A : memref<!tpu.dma_semaphore, #tpu.memory_space<semaphore_mem>>)
        %dma_wait3A_52 = arith.constant 0 : i32
        %dma_wait3A_53 = tpu.memref_slice %arg5[%add3A_30, %dma_wait3A_52] : memref<160000x64xf32, #tpu.memory_space<hbm>> -> memref<256x64xf32, #tpu.memory_space<hbm>>
        %dma_wait3A_54 = arith.constant 0 : i32
        %dma_wait3A_55 = tpu.memref_slice %arg5[%add3A_30, %dma_wait3A_54] : memref<160000x64xf32, #tpu.memory_space<hbm>> -> memref<256x64xf32, #tpu.memory_space<hbm>>
        tpu.wait_dma2 semaphore(%run_scoped3A : memref<!tpu.dma_semaphore, #tpu.memory_space<semaphore_mem>>) src(%arg10 : memref<256x64xf32, #tpu.memory_space<vmem>>) dst(%dma_wait3A_55 : memref<256x64xf32, #tpu.memory_space<hbm>>)
        tpu.yield
      }) : () -> ()
      %while3A_47 = arith.constant 0 : i32
      scf.yield %while3A_47 : i32
    }
    return
  }
}

#map = affine_map<(d0, d1) -> (0, 0)>
#map1 = affine_map<(d0, d1) -> (0)>
module attributes {stable_mosaic.version = 14 : i64} {
  func.func @_msgpass_kernel(%arg0: i32, %arg1: i32, %arg2: memref<40960x128xf32, #tpu.memory_space<hbm>>, %arg3: memref<160000xi32, #tpu.memory_space<hbm>>, %arg4: memref<160000xi32, #tpu.memory_space<hbm>>, %arg5: memref<40960x128xf32, #tpu.memory_space<hbm>>, %arg6: memref<10240x128xf32, #tpu.memory_space<vmem_shared>>, %arg7: memref<256x128xf32, #tpu.memory_space<vmem>>, %arg8: memref<64x128xf32, #tpu.memory_space<vmem>>, %arg9: memref<256xi32, #tpu.memory_space<vmem>>, %arg10: memref<256xi32, #tpu.memory_space<vmem>>, %arg11: memref<!tpu.dma_semaphore, #tpu.memory_space<semaphore_mem>>) attributes {dimension_semantics = [#tpu.dimension_semantics<core_parallel>, #tpu.dimension_semantics<subcore_parallel>], iteration_bounds = array<i64: 2, 16>, scalar_prefetch = 0 : i64, scratch_operands = 6 : i64, tpu.core_type = #tpu.core_type<sc_vector_subcore>, window_params = [{transform_indices = #map}, {transform_indices = #map1}, {transform_indices = #map1}, {transform_indices = #map}]} {
    %lt3A = arith.constant 1 : i32
    %lt3A_0 = arith.cmpi slt, %arg1, %lt3A : i32
    %jit3A = arith.constant 40 : i32
    %jit3A_1 = arith.constant 39 : i32
    %select_n3A = arith.select %lt3A_0, %jit3A, %jit3A_1 : i32
    %lt3A_2 = arith.constant 1 : i32
    %lt3A_3 = arith.cmpi slt, %arg1, %lt3A_2 : i32
    %sub3A = arith.constant 1 : i32
    %sub3A_4 = arith.subi %arg1, %sub3A : i32
    %mul3A = arith.constant 39 : i32
    %mul3A_5 = arith.muli %sub3A_4, %mul3A : i32
    %add3A = arith.constant 40 : i32
    %add3A_6 = arith.addi %add3A, %mul3A_5 : i32
    %jit3A_7 = arith.constant 0 : i32
    %select_n3A_8 = arith.select %lt3A_3, %jit3A_7, %add3A_6 : i32
    %mul3A_9 = arith.constant 256 : i32
    %mul3A_10 = arith.muli %mul3A_9, %select_n3A_8 : i32
    %mul3A_11 = arith.constant 640 : i32
    %mul3A_12 = arith.muli %arg1, %mul3A_11 : i32
    %mul3A_13 = arith.constant 2 : i32
    %mul3A_14 = arith.muli %arg0, %mul3A_13 : i32
    %add3A_15 = arith.constant 0 : i32
    %add3A_16 = arith.addi %mul3A_14, %add3A_15 : i32
    %mul3A_17 = arith.constant 10240 : i32
    %mul3A_18 = arith.muli %add3A_16, %mul3A_17 : i32
    %add3A_19 = arith.constant 0 : i32
    %add3A_20 = arith.addi %mul3A_12, %add3A_19 : i32
    %add3A_21 = arith.addi %mul3A_18, %add3A_20 : i32
    "tpu.region"() ({
      %run_scoped3A = tpu.sem_alloc : memref<!tpu.dma_semaphore, #tpu.memory_space<semaphore_mem>>
      %dma_start3A = arith.constant 0 : i32
      %dma_start3A_173 = tpu.memref_slice %arg2[%add3A_21, %dma_start3A] : memref<40960x128xf32, #tpu.memory_space<hbm>> -> memref<64x128xf32, #tpu.memory_space<hbm>>
      %dma_start3A_174 = arith.constant 0 : i32
      %dma_start3A_175 = tpu.memref_slice %arg2[%add3A_21, %dma_start3A_174] : memref<40960x128xf32, #tpu.memory_space<hbm>> -> memref<64x128xf32, #tpu.memory_space<hbm>>
      tpu.enqueue_dma source(%dma_start3A_175 : memref<64x128xf32, #tpu.memory_space<hbm>>) target(%arg8 : memref<64x128xf32, #tpu.memory_space<vmem>>) target_semaphore(%run_scoped3A : memref<!tpu.dma_semaphore, #tpu.memory_space<semaphore_mem>>)
      %dma_wait3A = arith.constant 0 : i32
      %dma_wait3A_176 = tpu.memref_slice %arg2[%add3A_21, %dma_wait3A] : memref<40960x128xf32, #tpu.memory_space<hbm>> -> memref<64x128xf32, #tpu.memory_space<hbm>>
      %dma_wait3A_177 = arith.constant 0 : i32
      %dma_wait3A_178 = tpu.memref_slice %arg2[%add3A_21, %dma_wait3A_177] : memref<40960x128xf32, #tpu.memory_space<hbm>> -> memref<64x128xf32, #tpu.memory_space<hbm>>
      tpu.wait_dma2 semaphore(%run_scoped3A : memref<!tpu.dma_semaphore, #tpu.memory_space<semaphore_mem>>) src(%dma_wait3A_178 : memref<64x128xf32, #tpu.memory_space<hbm>>) dst(%arg8 : memref<64x128xf32, #tpu.memory_space<vmem>>)
      tpu.yield
    }) : () -> ()
    "tpu.region"() ({
      %run_scoped3A = tpu.sem_alloc : memref<!tpu.dma_semaphore, #tpu.memory_space<semaphore_mem>>
      %dma_start3A = arith.constant 0 : i32
      %dma_start3A_173 = tpu.memref_slice %arg6[%add3A_20, %dma_start3A] : memref<10240x128xf32, #tpu.memory_space<vmem_shared>> -> memref<64x128xf32, #tpu.memory_space<vmem_shared>>
      %dma_start3A_174 = arith.constant 0 : i32
      %dma_start3A_175 = tpu.memref_slice %arg6[%add3A_20, %dma_start3A_174] : memref<10240x128xf32, #tpu.memory_space<vmem_shared>> -> memref<64x128xf32, #tpu.memory_space<vmem_shared>>
      tpu.enqueue_dma source(%arg8 : memref<64x128xf32, #tpu.memory_space<vmem>>) target(%dma_start3A_175 : memref<64x128xf32, #tpu.memory_space<vmem_shared>>) target_semaphore(%run_scoped3A : memref<!tpu.dma_semaphore, #tpu.memory_space<semaphore_mem>>)
      %dma_wait3A = arith.constant 0 : i32
      %dma_wait3A_176 = tpu.memref_slice %arg6[%add3A_20, %dma_wait3A] : memref<10240x128xf32, #tpu.memory_space<vmem_shared>> -> memref<64x128xf32, #tpu.memory_space<vmem_shared>>
      %dma_wait3A_177 = arith.constant 0 : i32
      %dma_wait3A_178 = tpu.memref_slice %arg6[%add3A_20, %dma_wait3A_177] : memref<10240x128xf32, #tpu.memory_space<vmem_shared>> -> memref<64x128xf32, #tpu.memory_space<vmem_shared>>
      tpu.wait_dma2 semaphore(%run_scoped3A : memref<!tpu.dma_semaphore, #tpu.memory_space<semaphore_mem>>) src(%arg8 : memref<64x128xf32, #tpu.memory_space<vmem>>) dst(%dma_wait3A_178 : memref<64x128xf32, #tpu.memory_space<vmem_shared>>)
      tpu.yield
    }) : () -> ()
    %add3A_22 = arith.constant 64 : i32
    %add3A_23 = arith.addi %mul3A_12, %add3A_22 : i32
    %add3A_24 = arith.addi %mul3A_18, %add3A_23 : i32
    "tpu.region"() ({
      %run_scoped3A = tpu.sem_alloc : memref<!tpu.dma_semaphore, #tpu.memory_space<semaphore_mem>>
      %dma_start3A = arith.constant 0 : i32
      %dma_start3A_173 = tpu.memref_slice %arg2[%add3A_24, %dma_start3A] : memref<40960x128xf32, #tpu.memory_space<hbm>> -> memref<64x128xf32, #tpu.memory_space<hbm>>
      %dma_start3A_174 = arith.constant 0 : i32
      %dma_start3A_175 = tpu.memref_slice %arg2[%add3A_24, %dma_start3A_174] : memref<40960x128xf32, #tpu.memory_space<hbm>> -> memref<64x128xf32, #tpu.memory_space<hbm>>
      tpu.enqueue_dma source(%dma_start3A_175 : memref<64x128xf32, #tpu.memory_space<hbm>>) target(%arg8 : memref<64x128xf32, #tpu.memory_space<vmem>>) target_semaphore(%run_scoped3A : memref<!tpu.dma_semaphore, #tpu.memory_space<semaphore_mem>>)
      %dma_wait3A = arith.constant 0 : i32
      %dma_wait3A_176 = tpu.memref_slice %arg2[%add3A_24, %dma_wait3A] : memref<40960x128xf32, #tpu.memory_space<hbm>> -> memref<64x128xf32, #tpu.memory_space<hbm>>
      %dma_wait3A_177 = arith.constant 0 : i32
      %dma_wait3A_178 = tpu.memref_slice %arg2[%add3A_24, %dma_wait3A_177] : memref<40960x128xf32, #tpu.memory_space<hbm>> -> memref<64x128xf32, #tpu.memory_space<hbm>>
      tpu.wait_dma2 semaphore(%run_scoped3A : memref<!tpu.dma_semaphore, #tpu.memory_space<semaphore_mem>>) src(%dma_wait3A_178 : memref<64x128xf32, #tpu.memory_space<hbm>>) dst(%arg8 : memref<64x128xf32, #tpu.memory_space<vmem>>)
      tpu.yield
    }) : () -> ()
    "tpu.region"() ({
      %run_scoped3A = tpu.sem_alloc : memref<!tpu.dma_semaphore, #tpu.memory_space<semaphore_mem>>
      %dma_start3A = arith.constant 0 : i32
      %dma_start3A_173 = tpu.memref_slice %arg6[%add3A_23, %dma_start3A] : memref<10240x128xf32, #tpu.memory_space<vmem_shared>> -> memref<64x128xf32, #tpu.memory_space<vmem_shared>>
      %dma_start3A_174 = arith.constant 0 : i32
      %dma_start3A_175 = tpu.memref_slice %arg6[%add3A_23, %dma_start3A_174] : memref<10240x128xf32, #tpu.memory_space<vmem_shared>> -> memref<64x128xf32, #tpu.memory_space<vmem_shared>>
      tpu.enqueue_dma source(%arg8 : memref<64x128xf32, #tpu.memory_space<vmem>>) target(%dma_start3A_175 : memref<64x128xf32, #tpu.memory_space<vmem_shared>>) target_semaphore(%run_scoped3A : memref<!tpu.dma_semaphore, #tpu.memory_space<semaphore_mem>>)
      %dma_wait3A = arith.constant 0 : i32
      %dma_wait3A_176 = tpu.memref_slice %arg6[%add3A_23, %dma_wait3A] : memref<10240x128xf32, #tpu.memory_space<vmem_shared>> -> memref<64x128xf32, #tpu.memory_space<vmem_shared>>
      %dma_wait3A_177 = arith.constant 0 : i32
      %dma_wait3A_178 = tpu.memref_slice %arg6[%add3A_23, %dma_wait3A_177] : memref<10240x128xf32, #tpu.memory_space<vmem_shared>> -> memref<64x128xf32, #tpu.memory_space<vmem_shared>>
      tpu.wait_dma2 semaphore(%run_scoped3A : memref<!tpu.dma_semaphore, #tpu.memory_space<semaphore_mem>>) src(%arg8 : memref<64x128xf32, #tpu.memory_space<vmem>>) dst(%dma_wait3A_178 : memref<64x128xf32, #tpu.memory_space<vmem_shared>>)
      tpu.yield
    }) : () -> ()
    %add3A_25 = arith.constant 128 : i32
    %add3A_26 = arith.addi %mul3A_12, %add3A_25 : i32
    %add3A_27 = arith.addi %mul3A_18, %add3A_26 : i32
    "tpu.region"() ({
      %run_scoped3A = tpu.sem_alloc : memref<!tpu.dma_semaphore, #tpu.memory_space<semaphore_mem>>
      %dma_start3A = arith.constant 0 : i32
      %dma_start3A_173 = tpu.memref_slice %arg2[%add3A_27, %dma_start3A] : memref<40960x128xf32, #tpu.memory_space<hbm>> -> memref<64x128xf32, #tpu.memory_space<hbm>>
      %dma_start3A_174 = arith.constant 0 : i32
      %dma_start3A_175 = tpu.memref_slice %arg2[%add3A_27, %dma_start3A_174] : memref<40960x128xf32, #tpu.memory_space<hbm>> -> memref<64x128xf32, #tpu.memory_space<hbm>>
      tpu.enqueue_dma source(%dma_start3A_175 : memref<64x128xf32, #tpu.memory_space<hbm>>) target(%arg8 : memref<64x128xf32, #tpu.memory_space<vmem>>) target_semaphore(%run_scoped3A : memref<!tpu.dma_semaphore, #tpu.memory_space<semaphore_mem>>)
      %dma_wait3A = arith.constant 0 : i32
      %dma_wait3A_176 = tpu.memref_slice %arg2[%add3A_27, %dma_wait3A] : memref<40960x128xf32, #tpu.memory_space<hbm>> -> memref<64x128xf32, #tpu.memory_space<hbm>>
      %dma_wait3A_177 = arith.constant 0 : i32
      %dma_wait3A_178 = tpu.memref_slice %arg2[%add3A_27, %dma_wait3A_177] : memref<40960x128xf32, #tpu.memory_space<hbm>> -> memref<64x128xf32, #tpu.memory_space<hbm>>
      tpu.wait_dma2 semaphore(%run_scoped3A : memref<!tpu.dma_semaphore, #tpu.memory_space<semaphore_mem>>) src(%dma_wait3A_178 : memref<64x128xf32, #tpu.memory_space<hbm>>) dst(%arg8 : memref<64x128xf32, #tpu.memory_space<vmem>>)
      tpu.yield
    }) : () -> ()
    "tpu.region"() ({
      %run_scoped3A = tpu.sem_alloc : memref<!tpu.dma_semaphore, #tpu.memory_space<semaphore_mem>>
      %dma_start3A = arith.constant 0 : i32
      %dma_start3A_173 = tpu.memref_slice %arg6[%add3A_26, %dma_start3A] : memref<10240x128xf32, #tpu.memory_space<vmem_shared>> -> memref<64x128xf32, #tpu.memory_space<vmem_shared>>
      %dma_start3A_174 = arith.constant 0 : i32
      %dma_start3A_175 = tpu.memref_slice %arg6[%add3A_26, %dma_start3A_174] : memref<10240x128xf32, #tpu.memory_space<vmem_shared>> -> memref<64x128xf32, #tpu.memory_space<vmem_shared>>
      tpu.enqueue_dma source(%arg8 : memref<64x128xf32, #tpu.memory_space<vmem>>) target(%dma_start3A_175 : memref<64x128xf32, #tpu.memory_space<vmem_shared>>) target_semaphore(%run_scoped3A : memref<!tpu.dma_semaphore, #tpu.memory_space<semaphore_mem>>)
      %dma_wait3A = arith.constant 0 : i32
      %dma_wait3A_176 = tpu.memref_slice %arg6[%add3A_26, %dma_wait3A] : memref<10240x128xf32, #tpu.memory_space<vmem_shared>> -> memref<64x128xf32, #tpu.memory_space<vmem_shared>>
      %dma_wait3A_177 = arith.constant 0 : i32
      %dma_wait3A_178 = tpu.memref_slice %arg6[%add3A_26, %dma_wait3A_177] : memref<10240x128xf32, #tpu.memory_space<vmem_shared>> -> memref<64x128xf32, #tpu.memory_space<vmem_shared>>
      tpu.wait_dma2 semaphore(%run_scoped3A : memref<!tpu.dma_semaphore, #tpu.memory_space<semaphore_mem>>) src(%arg8 : memref<64x128xf32, #tpu.memory_space<vmem>>) dst(%dma_wait3A_178 : memref<64x128xf32, #tpu.memory_space<vmem_shared>>)
      tpu.yield
    }) : () -> ()
    %add3A_28 = arith.constant 192 : i32
    %add3A_29 = arith.addi %mul3A_12, %add3A_28 : i32
    %add3A_30 = arith.addi %mul3A_18, %add3A_29 : i32
    "tpu.region"() ({
      %run_scoped3A = tpu.sem_alloc : memref<!tpu.dma_semaphore, #tpu.memory_space<semaphore_mem>>
      %dma_start3A = arith.constant 0 : i32
      %dma_start3A_173 = tpu.memref_slice %arg2[%add3A_30, %dma_start3A] : memref<40960x128xf32, #tpu.memory_space<hbm>> -> memref<64x128xf32, #tpu.memory_space<hbm>>
      %dma_start3A_174 = arith.constant 0 : i32
      %dma_start3A_175 = tpu.memref_slice %arg2[%add3A_30, %dma_start3A_174] : memref<40960x128xf32, #tpu.memory_space<hbm>> -> memref<64x128xf32, #tpu.memory_space<hbm>>
      tpu.enqueue_dma source(%dma_start3A_175 : memref<64x128xf32, #tpu.memory_space<hbm>>) target(%arg8 : memref<64x128xf32, #tpu.memory_space<vmem>>) target_semaphore(%run_scoped3A : memref<!tpu.dma_semaphore, #tpu.memory_space<semaphore_mem>>)
      %dma_wait3A = arith.constant 0 : i32
      %dma_wait3A_176 = tpu.memref_slice %arg2[%add3A_30, %dma_wait3A] : memref<40960x128xf32, #tpu.memory_space<hbm>> -> memref<64x128xf32, #tpu.memory_space<hbm>>
      %dma_wait3A_177 = arith.constant 0 : i32
      %dma_wait3A_178 = tpu.memref_slice %arg2[%add3A_30, %dma_wait3A_177] : memref<40960x128xf32, #tpu.memory_space<hbm>> -> memref<64x128xf32, #tpu.memory_space<hbm>>
      tpu.wait_dma2 semaphore(%run_scoped3A : memref<!tpu.dma_semaphore, #tpu.memory_space<semaphore_mem>>) src(%dma_wait3A_178 : memref<64x128xf32, #tpu.memory_space<hbm>>) dst(%arg8 : memref<64x128xf32, #tpu.memory_space<vmem>>)
      tpu.yield
    }) : () -> ()
    "tpu.region"() ({
      %run_scoped3A = tpu.sem_alloc : memref<!tpu.dma_semaphore, #tpu.memory_space<semaphore_mem>>
      %dma_start3A = arith.constant 0 : i32
      %dma_start3A_173 = tpu.memref_slice %arg6[%add3A_29, %dma_start3A] : memref<10240x128xf32, #tpu.memory_space<vmem_shared>> -> memref<64x128xf32, #tpu.memory_space<vmem_shared>>
      %dma_start3A_174 = arith.constant 0 : i32
      %dma_start3A_175 = tpu.memref_slice %arg6[%add3A_29, %dma_start3A_174] : memref<10240x128xf32, #tpu.memory_space<vmem_shared>> -> memref<64x128xf32, #tpu.memory_space<vmem_shared>>
      tpu.enqueue_dma source(%arg8 : memref<64x128xf32, #tpu.memory_space<vmem>>) target(%dma_start3A_175 : memref<64x128xf32, #tpu.memory_space<vmem_shared>>) target_semaphore(%run_scoped3A : memref<!tpu.dma_semaphore, #tpu.memory_space<semaphore_mem>>)
      %dma_wait3A = arith.constant 0 : i32
      %dma_wait3A_176 = tpu.memref_slice %arg6[%add3A_29, %dma_wait3A] : memref<10240x128xf32, #tpu.memory_space<vmem_shared>> -> memref<64x128xf32, #tpu.memory_space<vmem_shared>>
      %dma_wait3A_177 = arith.constant 0 : i32
      %dma_wait3A_178 = tpu.memref_slice %arg6[%add3A_29, %dma_wait3A_177] : memref<10240x128xf32, #tpu.memory_space<vmem_shared>> -> memref<64x128xf32, #tpu.memory_space<vmem_shared>>
      tpu.wait_dma2 semaphore(%run_scoped3A : memref<!tpu.dma_semaphore, #tpu.memory_space<semaphore_mem>>) src(%arg8 : memref<64x128xf32, #tpu.memory_space<vmem>>) dst(%dma_wait3A_178 : memref<64x128xf32, #tpu.memory_space<vmem_shared>>)
      tpu.yield
    }) : () -> ()
    %add3A_31 = arith.constant 256 : i32
    %add3A_32 = arith.addi %mul3A_12, %add3A_31 : i32
    %add3A_33 = arith.addi %mul3A_18, %add3A_32 : i32
    "tpu.region"() ({
      %run_scoped3A = tpu.sem_alloc : memref<!tpu.dma_semaphore, #tpu.memory_space<semaphore_mem>>
      %dma_start3A = arith.constant 0 : i32
      %dma_start3A_173 = tpu.memref_slice %arg2[%add3A_33, %dma_start3A] : memref<40960x128xf32, #tpu.memory_space<hbm>> -> memref<64x128xf32, #tpu.memory_space<hbm>>
      %dma_start3A_174 = arith.constant 0 : i32
      %dma_start3A_175 = tpu.memref_slice %arg2[%add3A_33, %dma_start3A_174] : memref<40960x128xf32, #tpu.memory_space<hbm>> -> memref<64x128xf32, #tpu.memory_space<hbm>>
      tpu.enqueue_dma source(%dma_start3A_175 : memref<64x128xf32, #tpu.memory_space<hbm>>) target(%arg8 : memref<64x128xf32, #tpu.memory_space<vmem>>) target_semaphore(%run_scoped3A : memref<!tpu.dma_semaphore, #tpu.memory_space<semaphore_mem>>)
      %dma_wait3A = arith.constant 0 : i32
      %dma_wait3A_176 = tpu.memref_slice %arg2[%add3A_33, %dma_wait3A] : memref<40960x128xf32, #tpu.memory_space<hbm>> -> memref<64x128xf32, #tpu.memory_space<hbm>>
      %dma_wait3A_177 = arith.constant 0 : i32
      %dma_wait3A_178 = tpu.memref_slice %arg2[%add3A_33, %dma_wait3A_177] : memref<40960x128xf32, #tpu.memory_space<hbm>> -> memref<64x128xf32, #tpu.memory_space<hbm>>
      tpu.wait_dma2 semaphore(%run_scoped3A : memref<!tpu.dma_semaphore, #tpu.memory_space<semaphore_mem>>) src(%dma_wait3A_178 : memref<64x128xf32, #tpu.memory_space<hbm>>) dst(%arg8 : memref<64x128xf32, #tpu.memory_space<vmem>>)
      tpu.yield
    }) : () -> ()
    "tpu.region"() ({
      %run_scoped3A = tpu.sem_alloc : memref<!tpu.dma_semaphore, #tpu.memory_space<semaphore_mem>>
      %dma_start3A = arith.constant 0 : i32
      %dma_start3A_173 = tpu.memref_slice %arg6[%add3A_32, %dma_start3A] : memref<10240x128xf32, #tpu.memory_space<vmem_shared>> -> memref<64x128xf32, #tpu.memory_space<vmem_shared>>
      %dma_start3A_174 = arith.constant 0 : i32
      %dma_start3A_175 = tpu.memref_slice %arg6[%add3A_32, %dma_start3A_174] : memref<10240x128xf32, #tpu.memory_space<vmem_shared>> -> memref<64x128xf32, #tpu.memory_space<vmem_shared>>
      tpu.enqueue_dma source(%arg8 : memref<64x128xf32, #tpu.memory_space<vmem>>) target(%dma_start3A_175 : memref<64x128xf32, #tpu.memory_space<vmem_shared>>) target_semaphore(%run_scoped3A : memref<!tpu.dma_semaphore, #tpu.memory_space<semaphore_mem>>)
      %dma_wait3A = arith.constant 0 : i32
      %dma_wait3A_176 = tpu.memref_slice %arg6[%add3A_32, %dma_wait3A] : memref<10240x128xf32, #tpu.memory_space<vmem_shared>> -> memref<64x128xf32, #tpu.memory_space<vmem_shared>>
      %dma_wait3A_177 = arith.constant 0 : i32
      %dma_wait3A_178 = tpu.memref_slice %arg6[%add3A_32, %dma_wait3A_177] : memref<10240x128xf32, #tpu.memory_space<vmem_shared>> -> memref<64x128xf32, #tpu.memory_space<vmem_shared>>
      tpu.wait_dma2 semaphore(%run_scoped3A : memref<!tpu.dma_semaphore, #tpu.memory_space<semaphore_mem>>) src(%arg8 : memref<64x128xf32, #tpu.memory_space<vmem>>) dst(%dma_wait3A_178 : memref<64x128xf32, #tpu.memory_space<vmem_shared>>)
      tpu.yield
    }) : () -> ()
    %add3A_34 = arith.constant 320 : i32
    %add3A_35 = arith.addi %mul3A_12, %add3A_34 : i32
    %add3A_36 = arith.addi %mul3A_18, %add3A_35 : i32
    "tpu.region"() ({
      %run_scoped3A = tpu.sem_alloc : memref<!tpu.dma_semaphore, #tpu.memory_space<semaphore_mem>>
      %dma_start3A = arith.constant 0 : i32
      %dma_start3A_173 = tpu.memref_slice %arg2[%add3A_36, %dma_start3A] : memref<40960x128xf32, #tpu.memory_space<hbm>> -> memref<64x128xf32, #tpu.memory_space<hbm>>
      %dma_start3A_174 = arith.constant 0 : i32
      %dma_start3A_175 = tpu.memref_slice %arg2[%add3A_36, %dma_start3A_174] : memref<40960x128xf32, #tpu.memory_space<hbm>> -> memref<64x128xf32, #tpu.memory_space<hbm>>
      tpu.enqueue_dma source(%dma_start3A_175 : memref<64x128xf32, #tpu.memory_space<hbm>>) target(%arg8 : memref<64x128xf32, #tpu.memory_space<vmem>>) target_semaphore(%run_scoped3A : memref<!tpu.dma_semaphore, #tpu.memory_space<semaphore_mem>>)
      %dma_wait3A = arith.constant 0 : i32
      %dma_wait3A_176 = tpu.memref_slice %arg2[%add3A_36, %dma_wait3A] : memref<40960x128xf32, #tpu.memory_space<hbm>> -> memref<64x128xf32, #tpu.memory_space<hbm>>
      %dma_wait3A_177 = arith.constant 0 : i32
      %dma_wait3A_178 = tpu.memref_slice %arg2[%add3A_36, %dma_wait3A_177] : memref<40960x128xf32, #tpu.memory_space<hbm>> -> memref<64x128xf32, #tpu.memory_space<hbm>>
      tpu.wait_dma2 semaphore(%run_scoped3A : memref<!tpu.dma_semaphore, #tpu.memory_space<semaphore_mem>>) src(%dma_wait3A_178 : memref<64x128xf32, #tpu.memory_space<hbm>>) dst(%arg8 : memref<64x128xf32, #tpu.memory_space<vmem>>)
      tpu.yield
    }) : () -> ()
    "tpu.region"() ({
      %run_scoped3A = tpu.sem_alloc : memref<!tpu.dma_semaphore, #tpu.memory_space<semaphore_mem>>
      %dma_start3A = arith.constant 0 : i32
      %dma_start3A_173 = tpu.memref_slice %arg6[%add3A_35, %dma_start3A] : memref<10240x128xf32, #tpu.memory_space<vmem_shared>> -> memref<64x128xf32, #tpu.memory_space<vmem_shared>>
      %dma_start3A_174 = arith.constant 0 : i32
      %dma_start3A_175 = tpu.memref_slice %arg6[%add3A_35, %dma_start3A_174] : memref<10240x128xf32, #tpu.memory_space<vmem_shared>> -> memref<64x128xf32, #tpu.memory_space<vmem_shared>>
      tpu.enqueue_dma source(%arg8 : memref<64x128xf32, #tpu.memory_space<vmem>>) target(%dma_start3A_175 : memref<64x128xf32, #tpu.memory_space<vmem_shared>>) target_semaphore(%run_scoped3A : memref<!tpu.dma_semaphore, #tpu.memory_space<semaphore_mem>>)
      %dma_wait3A = arith.constant 0 : i32
      %dma_wait3A_176 = tpu.memref_slice %arg6[%add3A_35, %dma_wait3A] : memref<10240x128xf32, #tpu.memory_space<vmem_shared>> -> memref<64x128xf32, #tpu.memory_space<vmem_shared>>
      %dma_wait3A_177 = arith.constant 0 : i32
      %dma_wait3A_178 = tpu.memref_slice %arg6[%add3A_35, %dma_wait3A_177] : memref<10240x128xf32, #tpu.memory_space<vmem_shared>> -> memref<64x128xf32, #tpu.memory_space<vmem_shared>>
      tpu.wait_dma2 semaphore(%run_scoped3A : memref<!tpu.dma_semaphore, #tpu.memory_space<semaphore_mem>>) src(%arg8 : memref<64x128xf32, #tpu.memory_space<vmem>>) dst(%dma_wait3A_178 : memref<64x128xf32, #tpu.memory_space<vmem_shared>>)
      tpu.yield
    }) : () -> ()
    %add3A_37 = arith.constant 384 : i32
    %add3A_38 = arith.addi %mul3A_12, %add3A_37 : i32
    %add3A_39 = arith.addi %mul3A_18, %add3A_38 : i32
    "tpu.region"() ({
      %run_scoped3A = tpu.sem_alloc : memref<!tpu.dma_semaphore, #tpu.memory_space<semaphore_mem>>
      %dma_start3A = arith.constant 0 : i32
      %dma_start3A_173 = tpu.memref_slice %arg2[%add3A_39, %dma_start3A] : memref<40960x128xf32, #tpu.memory_space<hbm>> -> memref<64x128xf32, #tpu.memory_space<hbm>>
      %dma_start3A_174 = arith.constant 0 : i32
      %dma_start3A_175 = tpu.memref_slice %arg2[%add3A_39, %dma_start3A_174] : memref<40960x128xf32, #tpu.memory_space<hbm>> -> memref<64x128xf32, #tpu.memory_space<hbm>>
      tpu.enqueue_dma source(%dma_start3A_175 : memref<64x128xf32, #tpu.memory_space<hbm>>) target(%arg8 : memref<64x128xf32, #tpu.memory_space<vmem>>) target_semaphore(%run_scoped3A : memref<!tpu.dma_semaphore, #tpu.memory_space<semaphore_mem>>)
      %dma_wait3A = arith.constant 0 : i32
      %dma_wait3A_176 = tpu.memref_slice %arg2[%add3A_39, %dma_wait3A] : memref<40960x128xf32, #tpu.memory_space<hbm>> -> memref<64x128xf32, #tpu.memory_space<hbm>>
      %dma_wait3A_177 = arith.constant 0 : i32
      %dma_wait3A_178 = tpu.memref_slice %arg2[%add3A_39, %dma_wait3A_177] : memref<40960x128xf32, #tpu.memory_space<hbm>> -> memref<64x128xf32, #tpu.memory_space<hbm>>
      tpu.wait_dma2 semaphore(%run_scoped3A : memref<!tpu.dma_semaphore, #tpu.memory_space<semaphore_mem>>) src(%dma_wait3A_178 : memref<64x128xf32, #tpu.memory_space<hbm>>) dst(%arg8 : memref<64x128xf32, #tpu.memory_space<vmem>>)
      tpu.yield
    }) : () -> ()
    "tpu.region"() ({
      %run_scoped3A = tpu.sem_alloc : memref<!tpu.dma_semaphore, #tpu.memory_space<semaphore_mem>>
      %dma_start3A = arith.constant 0 : i32
      %dma_start3A_173 = tpu.memref_slice %arg6[%add3A_38, %dma_start3A] : memref<10240x128xf32, #tpu.memory_space<vmem_shared>> -> memref<64x128xf32, #tpu.memory_space<vmem_shared>>
      %dma_start3A_174 = arith.constant 0 : i32
      %dma_start3A_175 = tpu.memref_slice %arg6[%add3A_38, %dma_start3A_174] : memref<10240x128xf32, #tpu.memory_space<vmem_shared>> -> memref<64x128xf32, #tpu.memory_space<vmem_shared>>
      tpu.enqueue_dma source(%arg8 : memref<64x128xf32, #tpu.memory_space<vmem>>) target(%dma_start3A_175 : memref<64x128xf32, #tpu.memory_space<vmem_shared>>) target_semaphore(%run_scoped3A : memref<!tpu.dma_semaphore, #tpu.memory_space<semaphore_mem>>)
      %dma_wait3A = arith.constant 0 : i32
      %dma_wait3A_176 = tpu.memref_slice %arg6[%add3A_38, %dma_wait3A] : memref<10240x128xf32, #tpu.memory_space<vmem_shared>> -> memref<64x128xf32, #tpu.memory_space<vmem_shared>>
      %dma_wait3A_177 = arith.constant 0 : i32
      %dma_wait3A_178 = tpu.memref_slice %arg6[%add3A_38, %dma_wait3A_177] : memref<10240x128xf32, #tpu.memory_space<vmem_shared>> -> memref<64x128xf32, #tpu.memory_space<vmem_shared>>
      tpu.wait_dma2 semaphore(%run_scoped3A : memref<!tpu.dma_semaphore, #tpu.memory_space<semaphore_mem>>) src(%arg8 : memref<64x128xf32, #tpu.memory_space<vmem>>) dst(%dma_wait3A_178 : memref<64x128xf32, #tpu.memory_space<vmem_shared>>)
      tpu.yield
    }) : () -> ()
    %add3A_40 = arith.constant 448 : i32
    %add3A_41 = arith.addi %mul3A_12, %add3A_40 : i32
    %add3A_42 = arith.addi %mul3A_18, %add3A_41 : i32
    "tpu.region"() ({
      %run_scoped3A = tpu.sem_alloc : memref<!tpu.dma_semaphore, #tpu.memory_space<semaphore_mem>>
      %dma_start3A = arith.constant 0 : i32
      %dma_start3A_173 = tpu.memref_slice %arg2[%add3A_42, %dma_start3A] : memref<40960x128xf32, #tpu.memory_space<hbm>> -> memref<64x128xf32, #tpu.memory_space<hbm>>
      %dma_start3A_174 = arith.constant 0 : i32
      %dma_start3A_175 = tpu.memref_slice %arg2[%add3A_42, %dma_start3A_174] : memref<40960x128xf32, #tpu.memory_space<hbm>> -> memref<64x128xf32, #tpu.memory_space<hbm>>
      tpu.enqueue_dma source(%dma_start3A_175 : memref<64x128xf32, #tpu.memory_space<hbm>>) target(%arg8 : memref<64x128xf32, #tpu.memory_space<vmem>>) target_semaphore(%run_scoped3A : memref<!tpu.dma_semaphore, #tpu.memory_space<semaphore_mem>>)
      %dma_wait3A = arith.constant 0 : i32
      %dma_wait3A_176 = tpu.memref_slice %arg2[%add3A_42, %dma_wait3A] : memref<40960x128xf32, #tpu.memory_space<hbm>> -> memref<64x128xf32, #tpu.memory_space<hbm>>
      %dma_wait3A_177 = arith.constant 0 : i32
      %dma_wait3A_178 = tpu.memref_slice %arg2[%add3A_42, %dma_wait3A_177] : memref<40960x128xf32, #tpu.memory_space<hbm>> -> memref<64x128xf32, #tpu.memory_space<hbm>>
      tpu.wait_dma2 semaphore(%run_scoped3A : memref<!tpu.dma_semaphore, #tpu.memory_space<semaphore_mem>>) src(%dma_wait3A_178 : memref<64x128xf32, #tpu.memory_space<hbm>>) dst(%arg8 : memref<64x128xf32, #tpu.memory_space<vmem>>)
      tpu.yield
    }) : () -> ()
    "tpu.region"() ({
      %run_scoped3A = tpu.sem_alloc : memref<!tpu.dma_semaphore, #tpu.memory_space<semaphore_mem>>
      %dma_start3A = arith.constant 0 : i32
      %dma_start3A_173 = tpu.memref_slice %arg6[%add3A_41, %dma_start3A] : memref<10240x128xf32, #tpu.memory_space<vmem_shared>> -> memref<64x128xf32, #tpu.memory_space<vmem_shared>>
      %dma_start3A_174 = arith.constant 0 : i32
      %dma_start3A_175 = tpu.memref_slice %arg6[%add3A_41, %dma_start3A_174] : memref<10240x128xf32, #tpu.memory_space<vmem_shared>> -> memref<64x128xf32, #tpu.memory_space<vmem_shared>>
      tpu.enqueue_dma source(%arg8 : memref<64x128xf32, #tpu.memory_space<vmem>>) target(%dma_start3A_175 : memref<64x128xf32, #tpu.memory_space<vmem_shared>>) target_semaphore(%run_scoped3A : memref<!tpu.dma_semaphore, #tpu.memory_space<semaphore_mem>>)
      %dma_wait3A = arith.constant 0 : i32
      %dma_wait3A_176 = tpu.memref_slice %arg6[%add3A_41, %dma_wait3A] : memref<10240x128xf32, #tpu.memory_space<vmem_shared>> -> memref<64x128xf32, #tpu.memory_space<vmem_shared>>
      %dma_wait3A_177 = arith.constant 0 : i32
      %dma_wait3A_178 = tpu.memref_slice %arg6[%add3A_41, %dma_wait3A_177] : memref<10240x128xf32, #tpu.memory_space<vmem_shared>> -> memref<64x128xf32, #tpu.memory_space<vmem_shared>>
      tpu.wait_dma2 semaphore(%run_scoped3A : memref<!tpu.dma_semaphore, #tpu.memory_space<semaphore_mem>>) src(%arg8 : memref<64x128xf32, #tpu.memory_space<vmem>>) dst(%dma_wait3A_178 : memref<64x128xf32, #tpu.memory_space<vmem_shared>>)
      tpu.yield
    }) : () -> ()
    %add3A_43 = arith.constant 512 : i32
    %add3A_44 = arith.addi %mul3A_12, %add3A_43 : i32
    %add3A_45 = arith.addi %mul3A_18, %add3A_44 : i32
    "tpu.region"() ({
      %run_scoped3A = tpu.sem_alloc : memref<!tpu.dma_semaphore, #tpu.memory_space<semaphore_mem>>
      %dma_start3A = arith.constant 0 : i32
      %dma_start3A_173 = tpu.memref_slice %arg2[%add3A_45, %dma_start3A] : memref<40960x128xf32, #tpu.memory_space<hbm>> -> memref<64x128xf32, #tpu.memory_space<hbm>>
      %dma_start3A_174 = arith.constant 0 : i32
      %dma_start3A_175 = tpu.memref_slice %arg2[%add3A_45, %dma_start3A_174] : memref<40960x128xf32, #tpu.memory_space<hbm>> -> memref<64x128xf32, #tpu.memory_space<hbm>>
      tpu.enqueue_dma source(%dma_start3A_175 : memref<64x128xf32, #tpu.memory_space<hbm>>) target(%arg8 : memref<64x128xf32, #tpu.memory_space<vmem>>) target_semaphore(%run_scoped3A : memref<!tpu.dma_semaphore, #tpu.memory_space<semaphore_mem>>)
      %dma_wait3A = arith.constant 0 : i32
      %dma_wait3A_176 = tpu.memref_slice %arg2[%add3A_45, %dma_wait3A] : memref<40960x128xf32, #tpu.memory_space<hbm>> -> memref<64x128xf32, #tpu.memory_space<hbm>>
      %dma_wait3A_177 = arith.constant 0 : i32
      %dma_wait3A_178 = tpu.memref_slice %arg2[%add3A_45, %dma_wait3A_177] : memref<40960x128xf32, #tpu.memory_space<hbm>> -> memref<64x128xf32, #tpu.memory_space<hbm>>
      tpu.wait_dma2 semaphore(%run_scoped3A : memref<!tpu.dma_semaphore, #tpu.memory_space<semaphore_mem>>) src(%dma_wait3A_178 : memref<64x128xf32, #tpu.memory_space<hbm>>) dst(%arg8 : memref<64x128xf32, #tpu.memory_space<vmem>>)
      tpu.yield
    }) : () -> ()
    "tpu.region"() ({
      %run_scoped3A = tpu.sem_alloc : memref<!tpu.dma_semaphore, #tpu.memory_space<semaphore_mem>>
      %dma_start3A = arith.constant 0 : i32
      %dma_start3A_173 = tpu.memref_slice %arg6[%add3A_44, %dma_start3A] : memref<10240x128xf32, #tpu.memory_space<vmem_shared>> -> memref<64x128xf32, #tpu.memory_space<vmem_shared>>
      %dma_start3A_174 = arith.constant 0 : i32
      %dma_start3A_175 = tpu.memref_slice %arg6[%add3A_44, %dma_start3A_174] : memref<10240x128xf32, #tpu.memory_space<vmem_shared>> -> memref<64x128xf32, #tpu.memory_space<vmem_shared>>
      tpu.enqueue_dma source(%arg8 : memref<64x128xf32, #tpu.memory_space<vmem>>) target(%dma_start3A_175 : memref<64x128xf32, #tpu.memory_space<vmem_shared>>) target_semaphore(%run_scoped3A : memref<!tpu.dma_semaphore, #tpu.memory_space<semaphore_mem>>)
      %dma_wait3A = arith.constant 0 : i32
      %dma_wait3A_176 = tpu.memref_slice %arg6[%add3A_44, %dma_wait3A] : memref<10240x128xf32, #tpu.memory_space<vmem_shared>> -> memref<64x128xf32, #tpu.memory_space<vmem_shared>>
      %dma_wait3A_177 = arith.constant 0 : i32
      %dma_wait3A_178 = tpu.memref_slice %arg6[%add3A_44, %dma_wait3A_177] : memref<10240x128xf32, #tpu.memory_space<vmem_shared>> -> memref<64x128xf32, #tpu.memory_space<vmem_shared>>
      tpu.wait_dma2 semaphore(%run_scoped3A : memref<!tpu.dma_semaphore, #tpu.memory_space<semaphore_mem>>) src(%arg8 : memref<64x128xf32, #tpu.memory_space<vmem>>) dst(%dma_wait3A_178 : memref<64x128xf32, #tpu.memory_space<vmem_shared>>)
      tpu.yield
    }) : () -> ()
    %add3A_46 = arith.constant 576 : i32
    %add3A_47 = arith.addi %mul3A_12, %add3A_46 : i32
    %add3A_48 = arith.addi %mul3A_18, %add3A_47 : i32
    "tpu.region"() ({
      %run_scoped3A = tpu.sem_alloc : memref<!tpu.dma_semaphore, #tpu.memory_space<semaphore_mem>>
      %dma_start3A = arith.constant 0 : i32
      %dma_start3A_173 = tpu.memref_slice %arg2[%add3A_48, %dma_start3A] : memref<40960x128xf32, #tpu.memory_space<hbm>> -> memref<64x128xf32, #tpu.memory_space<hbm>>
      %dma_start3A_174 = arith.constant 0 : i32
      %dma_start3A_175 = tpu.memref_slice %arg2[%add3A_48, %dma_start3A_174] : memref<40960x128xf32, #tpu.memory_space<hbm>> -> memref<64x128xf32, #tpu.memory_space<hbm>>
      tpu.enqueue_dma source(%dma_start3A_175 : memref<64x128xf32, #tpu.memory_space<hbm>>) target(%arg8 : memref<64x128xf32, #tpu.memory_space<vmem>>) target_semaphore(%run_scoped3A : memref<!tpu.dma_semaphore, #tpu.memory_space<semaphore_mem>>)
      %dma_wait3A = arith.constant 0 : i32
      %dma_wait3A_176 = tpu.memref_slice %arg2[%add3A_48, %dma_wait3A] : memref<40960x128xf32, #tpu.memory_space<hbm>> -> memref<64x128xf32, #tpu.memory_space<hbm>>
      %dma_wait3A_177 = arith.constant 0 : i32
      %dma_wait3A_178 = tpu.memref_slice %arg2[%add3A_48, %dma_wait3A_177] : memref<40960x128xf32, #tpu.memory_space<hbm>> -> memref<64x128xf32, #tpu.memory_space<hbm>>
      tpu.wait_dma2 semaphore(%run_scoped3A : memref<!tpu.dma_semaphore, #tpu.memory_space<semaphore_mem>>) src(%dma_wait3A_178 : memref<64x128xf32, #tpu.memory_space<hbm>>) dst(%arg8 : memref<64x128xf32, #tpu.memory_space<vmem>>)
      tpu.yield
    }) : () -> ()
    "tpu.region"() ({
      %run_scoped3A = tpu.sem_alloc : memref<!tpu.dma_semaphore, #tpu.memory_space<semaphore_mem>>
      %dma_start3A = arith.constant 0 : i32
      %dma_start3A_173 = tpu.memref_slice %arg6[%add3A_47, %dma_start3A] : memref<10240x128xf32, #tpu.memory_space<vmem_shared>> -> memref<64x128xf32, #tpu.memory_space<vmem_shared>>
      %dma_start3A_174 = arith.constant 0 : i32
      %dma_start3A_175 = tpu.memref_slice %arg6[%add3A_47, %dma_start3A_174] : memref<10240x128xf32, #tpu.memory_space<vmem_shared>> -> memref<64x128xf32, #tpu.memory_space<vmem_shared>>
      tpu.enqueue_dma source(%arg8 : memref<64x128xf32, #tpu.memory_space<vmem>>) target(%dma_start3A_175 : memref<64x128xf32, #tpu.memory_space<vmem_shared>>) target_semaphore(%run_scoped3A : memref<!tpu.dma_semaphore, #tpu.memory_space<semaphore_mem>>)
      %dma_wait3A = arith.constant 0 : i32
      %dma_wait3A_176 = tpu.memref_slice %arg6[%add3A_47, %dma_wait3A] : memref<10240x128xf32, #tpu.memory_space<vmem_shared>> -> memref<64x128xf32, #tpu.memory_space<vmem_shared>>
      %dma_wait3A_177 = arith.constant 0 : i32
      %dma_wait3A_178 = tpu.memref_slice %arg6[%add3A_47, %dma_wait3A_177] : memref<10240x128xf32, #tpu.memory_space<vmem_shared>> -> memref<64x128xf32, #tpu.memory_space<vmem_shared>>
      tpu.wait_dma2 semaphore(%run_scoped3A : memref<!tpu.dma_semaphore, #tpu.memory_space<semaphore_mem>>) src(%arg8 : memref<64x128xf32, #tpu.memory_space<vmem>>) dst(%dma_wait3A_178 : memref<64x128xf32, #tpu.memory_space<vmem_shared>>)
      tpu.yield
    }) : () -> ()
    %barrier3A = arith.constant 0 : index
    tpu.barrier barrier_id(%barrier3A)
    %while3A = arith.constant 0 : i32
    %while3A_49 = arith.constant 0 : i32
    %while3A_50 = arith.subi %select_n3A, %while3A : i32
    %while3A_51 = arith.addi %while3A, %while3A_50 : i32
    %while3A_52 = arith.constant 1 : i32
    %while3A_53 = arith.divsi %while3A_50, %while3A_52 : i32
    %while3A_54 = arith.muli %while3A_53, %while3A_52 : i32
    %while3A_55 = arith.addi %while3A, %while3A_54 : i32
    %while3A_56 = arith.constant 1 : i32
    %while3A_57 = scf.for %while3A_173 = %while3A to %while3A_55 step %while3A_56 iter_args(%while3A_174 = %while3A_49) -> (i32)  : i32 {
      %mul3A_175 = arith.constant 256 : i32
      %mul3A_176 = arith.muli %while3A_173, %mul3A_175 : i32
      %add3A_177 = arith.addi %mul3A_10, %mul3A_176 : i32
      "tpu.region"() ({
        %run_scoped3A = tpu.sem_alloc : memref<!tpu.dma_semaphore, #tpu.memory_space<semaphore_mem>>
        %dma_start3A_325 = tpu.memref_slice %arg3[%add3A_177] : memref<160000xi32, #tpu.memory_space<hbm>> -> memref<256xi32, #tpu.memory_space<hbm>>
        %dma_start3A_326 = tpu.memref_slice %arg3[%add3A_177] : memref<160000xi32, #tpu.memory_space<hbm>> -> memref<256xi32, #tpu.memory_space<hbm>>
        tpu.enqueue_dma source(%dma_start3A_326 : memref<256xi32, #tpu.memory_space<hbm>>) target(%arg9 : memref<256xi32, #tpu.memory_space<vmem>>) target_semaphore(%run_scoped3A : memref<!tpu.dma_semaphore, #tpu.memory_space<semaphore_mem>>)
        %dma_wait3A_327 = tpu.memref_slice %arg3[%add3A_177] : memref<160000xi32, #tpu.memory_space<hbm>> -> memref<256xi32, #tpu.memory_space<hbm>>
        %dma_wait3A_328 = tpu.memref_slice %arg3[%add3A_177] : memref<160000xi32, #tpu.memory_space<hbm>> -> memref<256xi32, #tpu.memory_space<hbm>>
        tpu.wait_dma2 semaphore(%run_scoped3A : memref<!tpu.dma_semaphore, #tpu.memory_space<semaphore_mem>>) src(%dma_wait3A_328 : memref<256xi32, #tpu.memory_space<hbm>>) dst(%arg9 : memref<256xi32, #tpu.memory_space<vmem>>)
        tpu.yield
      }) : () -> ()
      "tpu.region"() ({
        %run_scoped3A = tpu.sem_alloc : memref<!tpu.dma_semaphore, #tpu.memory_space<semaphore_mem>>
        %dma_start3A_325 = tpu.memref_slice %arg4[%add3A_177] : memref<160000xi32, #tpu.memory_space<hbm>> -> memref<256xi32, #tpu.memory_space<hbm>>
        %dma_start3A_326 = tpu.memref_slice %arg4[%add3A_177] : memref<160000xi32, #tpu.memory_space<hbm>> -> memref<256xi32, #tpu.memory_space<hbm>>
        tpu.enqueue_dma source(%dma_start3A_326 : memref<256xi32, #tpu.memory_space<hbm>>) target(%arg10 : memref<256xi32, #tpu.memory_space<vmem>>) target_semaphore(%run_scoped3A : memref<!tpu.dma_semaphore, #tpu.memory_space<semaphore_mem>>)
        %dma_wait3A_327 = tpu.memref_slice %arg4[%add3A_177] : memref<160000xi32, #tpu.memory_space<hbm>> -> memref<256xi32, #tpu.memory_space<hbm>>
        %dma_wait3A_328 = tpu.memref_slice %arg4[%add3A_177] : memref<160000xi32, #tpu.memory_space<hbm>> -> memref<256xi32, #tpu.memory_space<hbm>>
        tpu.wait_dma2 semaphore(%run_scoped3A : memref<!tpu.dma_semaphore, #tpu.memory_space<semaphore_mem>>) src(%dma_wait3A_328 : memref<256xi32, #tpu.memory_space<hbm>>) dst(%arg10 : memref<256xi32, #tpu.memory_space<vmem>>)
        tpu.yield
      }) : () -> ()
      %get3A = arith.constant 0 : index
      %get3A_178 = tpu.vector_load %arg9[%get3A] {strides = array<i32>} : memref<256xi32, #tpu.memory_space<vmem>>, vector<16xi32>,
      %get3A_179 = vector.shape_cast %get3A_178 : vector<16xi32> to vector<16xi32>
      %add3A_180 = vector.broadcast %mul3A_18 : i32 to vector<16xi32>
      %add3A_181 = arith.addi %get3A_179, %add3A_180 : vector<16xi32>
      %swap3A = arith.constant 0 : index
      %swap3A_182 = tpu.vector_load %arg9[%swap3A] {strides = array<i32>} : memref<256xi32, #tpu.memory_space<vmem>>, vector<16xi32>,
      %swap3A_183 = vector.shape_cast %swap3A_182 : vector<16xi32> to vector<16xi32>
      %swap3A_184 = vector.shape_cast %add3A_181 : vector<16xi32> to vector<16xi32>
      tpu.vector_store %arg9[%swap3A], %swap3A_184 {strides = array<i32>} : memref<256xi32, #tpu.memory_space<vmem>>, vector<16xi32>,
      %get3A_185 = arith.constant 16 : index
      %get3A_186 = tpu.vector_load %arg9[%get3A_185] {strides = array<i32>} : memref<256xi32, #tpu.memory_space<vmem>>, vector<16xi32>,
      %get3A_187 = vector.shape_cast %get3A_186 : vector<16xi32> to vector<16xi32>
      %add3A_188 = vector.broadcast %mul3A_18 : i32 to vector<16xi32>
      %add3A_189 = arith.addi %get3A_187, %add3A_188 : vector<16xi32>
      %swap3A_190 = arith.constant 16 : index
      %swap3A_191 = tpu.vector_load %arg9[%swap3A_190] {strides = array<i32>} : memref<256xi32, #tpu.memory_space<vmem>>, vector<16xi32>,
      %swap3A_192 = vector.shape_cast %swap3A_191 : vector<16xi32> to vector<16xi32>
      %swap3A_193 = vector.shape_cast %add3A_189 : vector<16xi32> to vector<16xi32>
      tpu.vector_store %arg9[%swap3A_190], %swap3A_193 {strides = array<i32>} : memref<256xi32, #tpu.memory_space<vmem>>, vector<16xi32>,
      %get3A_194 = arith.constant 32 : index
      %get3A_195 = tpu.vector_load %arg9[%get3A_194] {strides = array<i32>} : memref<256xi32, #tpu.memory_space<vmem>>, vector<16xi32>,
      %get3A_196 = vector.shape_cast %get3A_195 : vector<16xi32> to vector<16xi32>
      %add3A_197 = vector.broadcast %mul3A_18 : i32 to vector<16xi32>
      %add3A_198 = arith.addi %get3A_196, %add3A_197 : vector<16xi32>
      %swap3A_199 = arith.constant 32 : index
      %swap3A_200 = tpu.vector_load %arg9[%swap3A_199] {strides = array<i32>} : memref<256xi32, #tpu.memory_space<vmem>>, vector<16xi32>,
      %swap3A_201 = vector.shape_cast %swap3A_200 : vector<16xi32> to vector<16xi32>
      %swap3A_202 = vector.shape_cast %add3A_198 : vector<16xi32> to vector<16xi32>
      tpu.vector_store %arg9[%swap3A_199], %swap3A_202 {strides = array<i32>} : memref<256xi32, #tpu.memory_space<vmem>>, vector<16xi32>,
      %get3A_203 = arith.constant 48 : index
      %get3A_204 = tpu.vector_load %arg9[%get3A_203] {strides = array<i32>} : memref<256xi32, #tpu.memory_space<vmem>>, vector<16xi32>,
      %get3A_205 = vector.shape_cast %get3A_204 : vector<16xi32> to vector<16xi32>
      %add3A_206 = vector.broadcast %mul3A_18 : i32 to vector<16xi32>
      %add3A_207 = arith.addi %get3A_205, %add3A_206 : vector<16xi32>
      %swap3A_208 = arith.constant 48 : index
      %swap3A_209 = tpu.vector_load %arg9[%swap3A_208] {strides = array<i32>} : memref<256xi32, #tpu.memory_space<vmem>>, vector<16xi32>,
      %swap3A_210 = vector.shape_cast %swap3A_209 : vector<16xi32> to vector<16xi32>
      %swap3A_211 = vector.shape_cast %add3A_207 : vector<16xi32> to vector<16xi32>
      tpu.vector_store %arg9[%swap3A_208], %swap3A_211 {strides = array<i32>} : memref<256xi32, #tpu.memory_space<vmem>>, vector<16xi32>,
      %get3A_212 = arith.constant 64 : index
      %get3A_213 = tpu.vector_load %arg9[%get3A_212] {strides = array<i32>} : memref<256xi32, #tpu.memory_space<vmem>>, vector<16xi32>,
      %get3A_214 = vector.shape_cast %get3A_213 : vector<16xi32> to vector<16xi32>
      %add3A_215 = vector.broadcast %mul3A_18 : i32 to vector<16xi32>
      %add3A_216 = arith.addi %get3A_214, %add3A_215 : vector<16xi32>
      %swap3A_217 = arith.constant 64 : index
      %swap3A_218 = tpu.vector_load %arg9[%swap3A_217] {strides = array<i32>} : memref<256xi32, #tpu.memory_space<vmem>>, vector<16xi32>,
      %swap3A_219 = vector.shape_cast %swap3A_218 : vector<16xi32> to vector<16xi32>
      %swap3A_220 = vector.shape_cast %add3A_216 : vector<16xi32> to vector<16xi32>
      tpu.vector_store %arg9[%swap3A_217], %swap3A_220 {strides = array<i32>} : memref<256xi32, #tpu.memory_space<vmem>>, vector<16xi32>,
      %get3A_221 = arith.constant 80 : index
      %get3A_222 = tpu.vector_load %arg9[%get3A_221] {strides = array<i32>} : memref<256xi32, #tpu.memory_space<vmem>>, vector<16xi32>,
      %get3A_223 = vector.shape_cast %get3A_222 : vector<16xi32> to vector<16xi32>
      %add3A_224 = vector.broadcast %mul3A_18 : i32 to vector<16xi32>
      %add3A_225 = arith.addi %get3A_223, %add3A_224 : vector<16xi32>
      %swap3A_226 = arith.constant 80 : index
      %swap3A_227 = tpu.vector_load %arg9[%swap3A_226] {strides = array<i32>} : memref<256xi32, #tpu.memory_space<vmem>>, vector<16xi32>,
      %swap3A_228 = vector.shape_cast %swap3A_227 : vector<16xi32> to vector<16xi32>
      %swap3A_229 = vector.shape_cast %add3A_225 : vector<16xi32> to vector<16xi32>
      tpu.vector_store %arg9[%swap3A_226], %swap3A_229 {strides = array<i32>} : memref<256xi32, #tpu.memory_space<vmem>>, vector<16xi32>,
      %get3A_230 = arith.constant 96 : index
      %get3A_231 = tpu.vector_load %arg9[%get3A_230] {strides = array<i32>} : memref<256xi32, #tpu.memory_space<vmem>>, vector<16xi32>,
      %get3A_232 = vector.shape_cast %get3A_231 : vector<16xi32> to vector<16xi32>
      %add3A_233 = vector.broadcast %mul3A_18 : i32 to vector<16xi32>
      %add3A_234 = arith.addi %get3A_232, %add3A_233 : vector<16xi32>
      %swap3A_235 = arith.constant 96 : index
      %swap3A_236 = tpu.vector_load %arg9[%swap3A_235] {strides = array<i32>} : memref<256xi32, #tpu.memory_space<vmem>>, vector<16xi32>,
      %swap3A_237 = vector.shape_cast %swap3A_236 : vector<16xi32> to vector<16xi32>
      %swap3A_238 = vector.shape_cast %add3A_234 : vector<16xi32> to vector<16xi32>
      tpu.vector_store %arg9[%swap3A_235], %swap3A_238 {strides = array<i32>} : memref<256xi32, #tpu.memory_space<vmem>>, vector<16xi32>,
      %get3A_239 = arith.constant 112 : index
      %get3A_240 = tpu.vector_load %arg9[%get3A_239] {strides = array<i32>} : memref<256xi32, #tpu.memory_space<vmem>>, vector<16xi32>,
      %get3A_241 = vector.shape_cast %get3A_240 : vector<16xi32> to vector<16xi32>
      %add3A_242 = vector.broadcast %mul3A_18 : i32 to vector<16xi32>
      %add3A_243 = arith.addi %get3A_241, %add3A_242 : vector<16xi32>
      %swap3A_244 = arith.constant 112 : index
      %swap3A_245 = tpu.vector_load %arg9[%swap3A_244] {strides = array<i32>} : memref<256xi32, #tpu.memory_space<vmem>>, vector<16xi32>,
      %swap3A_246 = vector.shape_cast %swap3A_245 : vector<16xi32> to vector<16xi32>
      %swap3A_247 = vector.shape_cast %add3A_243 : vector<16xi32> to vector<16xi32>
      tpu.vector_store %arg9[%swap3A_244], %swap3A_247 {strides = array<i32>} : memref<256xi32, #tpu.memory_space<vmem>>, vector<16xi32>,
      %get3A_248 = arith.constant 128 : index
      %get3A_249 = tpu.vector_load %arg9[%get3A_248] {strides = array<i32>} : memref<256xi32, #tpu.memory_space<vmem>>, vector<16xi32>,
      %get3A_250 = vector.shape_cast %get3A_249 : vector<16xi32> to vector<16xi32>
      %add3A_251 = vector.broadcast %mul3A_18 : i32 to vector<16xi32>
      %add3A_252 = arith.addi %get3A_250, %add3A_251 : vector<16xi32>
      %swap3A_253 = arith.constant 128 : index
      %swap3A_254 = tpu.vector_load %arg9[%swap3A_253] {strides = array<i32>} : memref<256xi32, #tpu.memory_space<vmem>>, vector<16xi32>,
      %swap3A_255 = vector.shape_cast %swap3A_254 : vector<16xi32> to vector<16xi32>
      %swap3A_256 = vector.shape_cast %add3A_252 : vector<16xi32> to vector<16xi32>
      tpu.vector_store %arg9[%swap3A_253], %swap3A_256 {strides = array<i32>} : memref<256xi32, #tpu.memory_space<vmem>>, vector<16xi32>,
      %get3A_257 = arith.constant 144 : index
      %get3A_258 = tpu.vector_load %arg9[%get3A_257] {strides = array<i32>} : memref<256xi32, #tpu.memory_space<vmem>>, vector<16xi32>,
      %get3A_259 = vector.shape_cast %get3A_258 : vector<16xi32> to vector<16xi32>
      %add3A_260 = vector.broadcast %mul3A_18 : i32 to vector<16xi32>
      %add3A_261 = arith.addi %get3A_259, %add3A_260 : vector<16xi32>
      %swap3A_262 = arith.constant 144 : index
      %swap3A_263 = tpu.vector_load %arg9[%swap3A_262] {strides = array<i32>} : memref<256xi32, #tpu.memory_space<vmem>>, vector<16xi32>,
      %swap3A_264 = vector.shape_cast %swap3A_263 : vector<16xi32> to vector<16xi32>
      %swap3A_265 = vector.shape_cast %add3A_261 : vector<16xi32> to vector<16xi32>
      tpu.vector_store %arg9[%swap3A_262], %swap3A_265 {strides = array<i32>} : memref<256xi32, #tpu.memory_space<vmem>>, vector<16xi32>,
      %get3A_266 = arith.constant 160 : index
      %get3A_267 = tpu.vector_load %arg9[%get3A_266] {strides = array<i32>} : memref<256xi32, #tpu.memory_space<vmem>>, vector<16xi32>,
      %get3A_268 = vector.shape_cast %get3A_267 : vector<16xi32> to vector<16xi32>
      %add3A_269 = vector.broadcast %mul3A_18 : i32 to vector<16xi32>
      %add3A_270 = arith.addi %get3A_268, %add3A_269 : vector<16xi32>
      %swap3A_271 = arith.constant 160 : index
      %swap3A_272 = tpu.vector_load %arg9[%swap3A_271] {strides = array<i32>} : memref<256xi32, #tpu.memory_space<vmem>>, vector<16xi32>,
      %swap3A_273 = vector.shape_cast %swap3A_272 : vector<16xi32> to vector<16xi32>
      %swap3A_274 = vector.shape_cast %add3A_270 : vector<16xi32> to vector<16xi32>
      tpu.vector_store %arg9[%swap3A_271], %swap3A_274 {strides = array<i32>} : memref<256xi32, #tpu.memory_space<vmem>>, vector<16xi32>,
      %get3A_275 = arith.constant 176 : index
      %get3A_276 = tpu.vector_load %arg9[%get3A_275] {strides = array<i32>} : memref<256xi32, #tpu.memory_space<vmem>>, vector<16xi32>,
      %get3A_277 = vector.shape_cast %get3A_276 : vector<16xi32> to vector<16xi32>
      %add3A_278 = vector.broadcast %mul3A_18 : i32 to vector<16xi32>
      %add3A_279 = arith.addi %get3A_277, %add3A_278 : vector<16xi32>
      %swap3A_280 = arith.constant 176 : index
      %swap3A_281 = tpu.vector_load %arg9[%swap3A_280] {strides = array<i32>} : memref<256xi32, #tpu.memory_space<vmem>>, vector<16xi32>,
      %swap3A_282 = vector.shape_cast %swap3A_281 : vector<16xi32> to vector<16xi32>
      %swap3A_283 = vector.shape_cast %add3A_279 : vector<16xi32> to vector<16xi32>
      tpu.vector_store %arg9[%swap3A_280], %swap3A_283 {strides = array<i32>} : memref<256xi32, #tpu.memory_space<vmem>>, vector<16xi32>,
      %get3A_284 = arith.constant 192 : index
      %get3A_285 = tpu.vector_load %arg9[%get3A_284] {strides = array<i32>} : memref<256xi32, #tpu.memory_space<vmem>>, vector<16xi32>,
      %get3A_286 = vector.shape_cast %get3A_285 : vector<16xi32> to vector<16xi32>
      %add3A_287 = vector.broadcast %mul3A_18 : i32 to vector<16xi32>
      %add3A_288 = arith.addi %get3A_286, %add3A_287 : vector<16xi32>
      %swap3A_289 = arith.constant 192 : index
      %swap3A_290 = tpu.vector_load %arg9[%swap3A_289] {strides = array<i32>} : memref<256xi32, #tpu.memory_space<vmem>>, vector<16xi32>,
      %swap3A_291 = vector.shape_cast %swap3A_290 : vector<16xi32> to vector<16xi32>
      %swap3A_292 = vector.shape_cast %add3A_288 : vector<16xi32> to vector<16xi32>
      tpu.vector_store %arg9[%swap3A_289], %swap3A_292 {strides = array<i32>} : memref<256xi32, #tpu.memory_space<vmem>>, vector<16xi32>,
      %get3A_293 = arith.constant 208 : index
      %get3A_294 = tpu.vector_load %arg9[%get3A_293] {strides = array<i32>} : memref<256xi32, #tpu.memory_space<vmem>>, vector<16xi32>,
      %get3A_295 = vector.shape_cast %get3A_294 : vector<16xi32> to vector<16xi32>
      %add3A_296 = vector.broadcast %mul3A_18 : i32 to vector<16xi32>
      %add3A_297 = arith.addi %get3A_295, %add3A_296 : vector<16xi32>
      %swap3A_298 = arith.constant 208 : index
      %swap3A_299 = tpu.vector_load %arg9[%swap3A_298] {strides = array<i32>} : memref<256xi32, #tpu.memory_space<vmem>>, vector<16xi32>,
      %swap3A_300 = vector.shape_cast %swap3A_299 : vector<16xi32> to vector<16xi32>
      %swap3A_301 = vector.shape_cast %add3A_297 : vector<16xi32> to vector<16xi32>
      tpu.vector_store %arg9[%swap3A_298], %swap3A_301 {strides = array<i32>} : memref<256xi32, #tpu.memory_space<vmem>>, vector<16xi32>,
      %get3A_302 = arith.constant 224 : index
      %get3A_303 = tpu.vector_load %arg9[%get3A_302] {strides = array<i32>} : memref<256xi32, #tpu.memory_space<vmem>>, vector<16xi32>,
      %get3A_304 = vector.shape_cast %get3A_303 : vector<16xi32> to vector<16xi32>
      %add3A_305 = vector.broadcast %mul3A_18 : i32 to vector<16xi32>
      %add3A_306 = arith.addi %get3A_304, %add3A_305 : vector<16xi32>
      %swap3A_307 = arith.constant 224 : index
      %swap3A_308 = tpu.vector_load %arg9[%swap3A_307] {strides = array<i32>} : memref<256xi32, #tpu.memory_space<vmem>>, vector<16xi32>,
      %swap3A_309 = vector.shape_cast %swap3A_308 : vector<16xi32> to vector<16xi32>
      %swap3A_310 = vector.shape_cast %add3A_306 : vector<16xi32> to vector<16xi32>
      tpu.vector_store %arg9[%swap3A_307], %swap3A_310 {strides = array<i32>} : memref<256xi32, #tpu.memory_space<vmem>>, vector<16xi32>,
      %get3A_311 = arith.constant 240 : index
      %get3A_312 = tpu.vector_load %arg9[%get3A_311] {strides = array<i32>} : memref<256xi32, #tpu.memory_space<vmem>>, vector<16xi32>,
      %get3A_313 = vector.shape_cast %get3A_312 : vector<16xi32> to vector<16xi32>
      %add3A_314 = vector.broadcast %mul3A_18 : i32 to vector<16xi32>
      %add3A_315 = arith.addi %get3A_313, %add3A_314 : vector<16xi32>
      %swap3A_316 = arith.constant 240 : index
      %swap3A_317 = tpu.vector_load %arg9[%swap3A_316] {strides = array<i32>} : memref<256xi32, #tpu.memory_space<vmem>>, vector<16xi32>,
      %swap3A_318 = vector.shape_cast %swap3A_317 : vector<16xi32> to vector<16xi32>
      %swap3A_319 = vector.shape_cast %add3A_315 : vector<16xi32> to vector<16xi32>
      tpu.vector_store %arg9[%swap3A_316], %swap3A_319 {strides = array<i32>} : memref<256xi32, #tpu.memory_space<vmem>>, vector<16xi32>,
      %dma_start3A = arith.constant 0 : i32
      %dma_start3A_320 = arith.constant 0 : i32
      %dma_start3A_321 = tpu.memref_slice %arg2[%dma_start3A, %dma_start3A_320] : memref<40960x128xf32, #tpu.memory_space<hbm>> -> memref<40960x128xf32, #tpu.memory_space<hbm>>
      tpu.enqueue_indirect_dma source(%dma_start3A_321 : memref<40960x128xf32, #tpu.memory_space<hbm>>) target(%arg7 : memref<256x128xf32, #tpu.memory_space<vmem>>) offsets(%arg9 : memref<256xi32, #tpu.memory_space<vmem>>) semaphore(%arg11 : memref<!tpu.dma_semaphore, #tpu.memory_space<semaphore_mem>>)
      %dma_wait3A = arith.constant 0 : i32
      %dma_wait3A_322 = arith.constant 0 : i32
      %dma_wait3A_323 = tpu.memref_slice %arg2[%dma_wait3A, %dma_wait3A_322] : memref<40960x128xf32, #tpu.memory_space<hbm>> -> memref<40960x128xf32, #tpu.memory_space<hbm>>
      tpu.wait_indirect_dma semaphore(%arg11 : memref<!tpu.dma_semaphore, #tpu.memory_space<semaphore_mem>>) src(%dma_wait3A_323 : memref<40960x128xf32, #tpu.memory_space<hbm>>) dst(%arg7 : memref<256x128xf32, #tpu.memory_space<vmem>>)
      "tpu.region"() ({
        %run_scoped3A = tpu.sem_alloc : memref<!tpu.dma_semaphore, #tpu.memory_space<semaphore_mem>>
        %dma_start3A_325 = arith.constant 0 : i32
        %dma_start3A_326 = arith.constant 0 : i32
        %dma_start3A_327 = tpu.memref_slice %arg6[%dma_start3A_325, %dma_start3A_326] : memref<10240x128xf32, #tpu.memory_space<vmem_shared>> -> memref<10240x128xf32, #tpu.memory_space<vmem_shared>>
        tpu.enqueue_indirect_dma source(%arg7 : memref<256x128xf32, #tpu.memory_space<vmem>>) target(%dma_start3A_327 : memref<10240x128xf32, #tpu.memory_space<vmem_shared>>) offsets(%arg10 : memref<256xi32, #tpu.memory_space<vmem>>) semaphore(%run_scoped3A : memref<!tpu.dma_semaphore, #tpu.memory_space<semaphore_mem>>) {add = true}
        %dma_wait3A_328 = arith.constant 0 : i32
        %dma_wait3A_329 = arith.constant 0 : i32
        %dma_wait3A_330 = tpu.memref_slice %arg6[%dma_wait3A_328, %dma_wait3A_329] : memref<10240x128xf32, #tpu.memory_space<vmem_shared>> -> memref<10240x128xf32, #tpu.memory_space<vmem_shared>>
        tpu.wait_indirect_dma semaphore(%run_scoped3A : memref<!tpu.dma_semaphore, #tpu.memory_space<semaphore_mem>>) src(%arg7 : memref<256x128xf32, #tpu.memory_space<vmem>>) dst(%dma_wait3A_330 : memref<10240x128xf32, #tpu.memory_space<vmem_shared>>)
        tpu.yield
      }) : () -> ()
      %while3A_324 = arith.constant 0 : i32
      scf.yield %while3A_324 : i32
    }
    %while3A_58 = arith.constant 1 : i32
    %while3A_59 = scf.for %while3A_173 = %while3A_55 to %while3A_51 step %while3A_58 iter_args(%while3A_174 = %while3A_57) -> (i32)  : i32 {
      %mul3A_175 = arith.constant 256 : i32
      %mul3A_176 = arith.muli %while3A_173, %mul3A_175 : i32
      %add3A_177 = arith.addi %mul3A_10, %mul3A_176 : i32
      "tpu.region"() ({
        %run_scoped3A = tpu.sem_alloc : memref<!tpu.dma_semaphore, #tpu.memory_space<semaphore_mem>>
        %dma_start3A_325 = tpu.memref_slice %arg3[%add3A_177] : memref<160000xi32, #tpu.memory_space<hbm>> -> memref<256xi32, #tpu.memory_space<hbm>>
        %dma_start3A_326 = tpu.memref_slice %arg3[%add3A_177] : memref<160000xi32, #tpu.memory_space<hbm>> -> memref<256xi32, #tpu.memory_space<hbm>>
        tpu.enqueue_dma source(%dma_start3A_326 : memref<256xi32, #tpu.memory_space<hbm>>) target(%arg9 : memref<256xi32, #tpu.memory_space<vmem>>) target_semaphore(%run_scoped3A : memref<!tpu.dma_semaphore, #tpu.memory_space<semaphore_mem>>)
        %dma_wait3A_327 = tpu.memref_slice %arg3[%add3A_177] : memref<160000xi32, #tpu.memory_space<hbm>> -> memref<256xi32, #tpu.memory_space<hbm>>
        %dma_wait3A_328 = tpu.memref_slice %arg3[%add3A_177] : memref<160000xi32, #tpu.memory_space<hbm>> -> memref<256xi32, #tpu.memory_space<hbm>>
        tpu.wait_dma2 semaphore(%run_scoped3A : memref<!tpu.dma_semaphore, #tpu.memory_space<semaphore_mem>>) src(%dma_wait3A_328 : memref<256xi32, #tpu.memory_space<hbm>>) dst(%arg9 : memref<256xi32, #tpu.memory_space<vmem>>)
        tpu.yield
      }) : () -> ()
      "tpu.region"() ({
        %run_scoped3A = tpu.sem_alloc : memref<!tpu.dma_semaphore, #tpu.memory_space<semaphore_mem>>
        %dma_start3A_325 = tpu.memref_slice %arg4[%add3A_177] : memref<160000xi32, #tpu.memory_space<hbm>> -> memref<256xi32, #tpu.memory_space<hbm>>
        %dma_start3A_326 = tpu.memref_slice %arg4[%add3A_177] : memref<160000xi32, #tpu.memory_space<hbm>> -> memref<256xi32, #tpu.memory_space<hbm>>
        tpu.enqueue_dma source(%dma_start3A_326 : memref<256xi32, #tpu.memory_space<hbm>>) target(%arg10 : memref<256xi32, #tpu.memory_space<vmem>>) target_semaphore(%run_scoped3A : memref<!tpu.dma_semaphore, #tpu.memory_space<semaphore_mem>>)
        %dma_wait3A_327 = tpu.memref_slice %arg4[%add3A_177] : memref<160000xi32, #tpu.memory_space<hbm>> -> memref<256xi32, #tpu.memory_space<hbm>>
        %dma_wait3A_328 = tpu.memref_slice %arg4[%add3A_177] : memref<160000xi32, #tpu.memory_space<hbm>> -> memref<256xi32, #tpu.memory_space<hbm>>
        tpu.wait_dma2 semaphore(%run_scoped3A : memref<!tpu.dma_semaphore, #tpu.memory_space<semaphore_mem>>) src(%dma_wait3A_328 : memref<256xi32, #tpu.memory_space<hbm>>) dst(%arg10 : memref<256xi32, #tpu.memory_space<vmem>>)
        tpu.yield
      }) : () -> ()
      %get3A = arith.constant 0 : index
      %get3A_178 = tpu.vector_load %arg9[%get3A] {strides = array<i32>} : memref<256xi32, #tpu.memory_space<vmem>>, vector<16xi32>,
      %get3A_179 = vector.shape_cast %get3A_178 : vector<16xi32> to vector<16xi32>
      %add3A_180 = vector.broadcast %mul3A_18 : i32 to vector<16xi32>
      %add3A_181 = arith.addi %get3A_179, %add3A_180 : vector<16xi32>
      %swap3A = arith.constant 0 : index
      %swap3A_182 = tpu.vector_load %arg9[%swap3A] {strides = array<i32>} : memref<256xi32, #tpu.memory_space<vmem>>, vector<16xi32>,
      %swap3A_183 = vector.shape_cast %swap3A_182 : vector<16xi32> to vector<16xi32>
      %swap3A_184 = vector.shape_cast %add3A_181 : vector<16xi32> to vector<16xi32>
      tpu.vector_store %arg9[%swap3A], %swap3A_184 {strides = array<i32>} : memref<256xi32, #tpu.memory_space<vmem>>, vector<16xi32>,
      %get3A_185 = arith.constant 16 : index
      %get3A_186 = tpu.vector_load %arg9[%get3A_185] {strides = array<i32>} : memref<256xi32, #tpu.memory_space<vmem>>, vector<16xi32>,
      %get3A_187 = vector.shape_cast %get3A_186 : vector<16xi32> to vector<16xi32>
      %add3A_188 = vector.broadcast %mul3A_18 : i32 to vector<16xi32>
      %add3A_189 = arith.addi %get3A_187, %add3A_188 : vector<16xi32>
      %swap3A_190 = arith.constant 16 : index
      %swap3A_191 = tpu.vector_load %arg9[%swap3A_190] {strides = array<i32>} : memref<256xi32, #tpu.memory_space<vmem>>, vector<16xi32>,
      %swap3A_192 = vector.shape_cast %swap3A_191 : vector<16xi32> to vector<16xi32>
      %swap3A_193 = vector.shape_cast %add3A_189 : vector<16xi32> to vector<16xi32>
      tpu.vector_store %arg9[%swap3A_190], %swap3A_193 {strides = array<i32>} : memref<256xi32, #tpu.memory_space<vmem>>, vector<16xi32>,
      %get3A_194 = arith.constant 32 : index
      %get3A_195 = tpu.vector_load %arg9[%get3A_194] {strides = array<i32>} : memref<256xi32, #tpu.memory_space<vmem>>, vector<16xi32>,
      %get3A_196 = vector.shape_cast %get3A_195 : vector<16xi32> to vector<16xi32>
      %add3A_197 = vector.broadcast %mul3A_18 : i32 to vector<16xi32>
      %add3A_198 = arith.addi %get3A_196, %add3A_197 : vector<16xi32>
      %swap3A_199 = arith.constant 32 : index
      %swap3A_200 = tpu.vector_load %arg9[%swap3A_199] {strides = array<i32>} : memref<256xi32, #tpu.memory_space<vmem>>, vector<16xi32>,
      %swap3A_201 = vector.shape_cast %swap3A_200 : vector<16xi32> to vector<16xi32>
      %swap3A_202 = vector.shape_cast %add3A_198 : vector<16xi32> to vector<16xi32>
      tpu.vector_store %arg9[%swap3A_199], %swap3A_202 {strides = array<i32>} : memref<256xi32, #tpu.memory_space<vmem>>, vector<16xi32>,
      %get3A_203 = arith.constant 48 : index
      %get3A_204 = tpu.vector_load %arg9[%get3A_203] {strides = array<i32>} : memref<256xi32, #tpu.memory_space<vmem>>, vector<16xi32>,
      %get3A_205 = vector.shape_cast %get3A_204 : vector<16xi32> to vector<16xi32>
      %add3A_206 = vector.broadcast %mul3A_18 : i32 to vector<16xi32>
      %add3A_207 = arith.addi %get3A_205, %add3A_206 : vector<16xi32>
      %swap3A_208 = arith.constant 48 : index
      %swap3A_209 = tpu.vector_load %arg9[%swap3A_208] {strides = array<i32>} : memref<256xi32, #tpu.memory_space<vmem>>, vector<16xi32>,
      %swap3A_210 = vector.shape_cast %swap3A_209 : vector<16xi32> to vector<16xi32>
      %swap3A_211 = vector.shape_cast %add3A_207 : vector<16xi32> to vector<16xi32>
      tpu.vector_store %arg9[%swap3A_208], %swap3A_211 {strides = array<i32>} : memref<256xi32, #tpu.memory_space<vmem>>, vector<16xi32>,
      %get3A_212 = arith.constant 64 : index
      %get3A_213 = tpu.vector_load %arg9[%get3A_212] {strides = array<i32>} : memref<256xi32, #tpu.memory_space<vmem>>, vector<16xi32>,
      %get3A_214 = vector.shape_cast %get3A_213 : vector<16xi32> to vector<16xi32>
      %add3A_215 = vector.broadcast %mul3A_18 : i32 to vector<16xi32>
      %add3A_216 = arith.addi %get3A_214, %add3A_215 : vector<16xi32>
      %swap3A_217 = arith.constant 64 : index
      %swap3A_218 = tpu.vector_load %arg9[%swap3A_217] {strides = array<i32>} : memref<256xi32, #tpu.memory_space<vmem>>, vector<16xi32>,
      %swap3A_219 = vector.shape_cast %swap3A_218 : vector<16xi32> to vector<16xi32>
      %swap3A_220 = vector.shape_cast %add3A_216 : vector<16xi32> to vector<16xi32>
      tpu.vector_store %arg9[%swap3A_217], %swap3A_220 {strides = array<i32>} : memref<256xi32, #tpu.memory_space<vmem>>, vector<16xi32>,
      %get3A_221 = arith.constant 80 : index
      %get3A_222 = tpu.vector_load %arg9[%get3A_221] {strides = array<i32>} : memref<256xi32, #tpu.memory_space<vmem>>, vector<16xi32>,
      %get3A_223 = vector.shape_cast %get3A_222 : vector<16xi32> to vector<16xi32>
      %add3A_224 = vector.broadcast %mul3A_18 : i32 to vector<16xi32>
      %add3A_225 = arith.addi %get3A_223, %add3A_224 : vector<16xi32>
      %swap3A_226 = arith.constant 80 : index
      %swap3A_227 = tpu.vector_load %arg9[%swap3A_226] {strides = array<i32>} : memref<256xi32, #tpu.memory_space<vmem>>, vector<16xi32>,
      %swap3A_228 = vector.shape_cast %swap3A_227 : vector<16xi32> to vector<16xi32>
      %swap3A_229 = vector.shape_cast %add3A_225 : vector<16xi32> to vector<16xi32>
      tpu.vector_store %arg9[%swap3A_226], %swap3A_229 {strides = array<i32>} : memref<256xi32, #tpu.memory_space<vmem>>, vector<16xi32>,
      %get3A_230 = arith.constant 96 : index
      %get3A_231 = tpu.vector_load %arg9[%get3A_230] {strides = array<i32>} : memref<256xi32, #tpu.memory_space<vmem>>, vector<16xi32>,
      %get3A_232 = vector.shape_cast %get3A_231 : vector<16xi32> to vector<16xi32>
      %add3A_233 = vector.broadcast %mul3A_18 : i32 to vector<16xi32>
      %add3A_234 = arith.addi %get3A_232, %add3A_233 : vector<16xi32>
      %swap3A_235 = arith.constant 96 : index
      %swap3A_236 = tpu.vector_load %arg9[%swap3A_235] {strides = array<i32>} : memref<256xi32, #tpu.memory_space<vmem>>, vector<16xi32>,
      %swap3A_237 = vector.shape_cast %swap3A_236 : vector<16xi32> to vector<16xi32>
      %swap3A_238 = vector.shape_cast %add3A_234 : vector<16xi32> to vector<16xi32>
      tpu.vector_store %arg9[%swap3A_235], %swap3A_238 {strides = array<i32>} : memref<256xi32, #tpu.memory_space<vmem>>, vector<16xi32>,
      %get3A_239 = arith.constant 112 : index
      %get3A_240 = tpu.vector_load %arg9[%get3A_239] {strides = array<i32>} : memref<256xi32, #tpu.memory_space<vmem>>, vector<16xi32>,
      %get3A_241 = vector.shape_cast %get3A_240 : vector<16xi32> to vector<16xi32>
      %add3A_242 = vector.broadcast %mul3A_18 : i32 to vector<16xi32>
      %add3A_243 = arith.addi %get3A_241, %add3A_242 : vector<16xi32>
      %swap3A_244 = arith.constant 112 : index
      %swap3A_245 = tpu.vector_load %arg9[%swap3A_244] {strides = array<i32>} : memref<256xi32, #tpu.memory_space<vmem>>, vector<16xi32>,
      %swap3A_246 = vector.shape_cast %swap3A_245 : vector<16xi32> to vector<16xi32>
      %swap3A_247 = vector.shape_cast %add3A_243 : vector<16xi32> to vector<16xi32>
      tpu.vector_store %arg9[%swap3A_244], %swap3A_247 {strides = array<i32>} : memref<256xi32, #tpu.memory_space<vmem>>, vector<16xi32>,
      %get3A_248 = arith.constant 128 : index
      %get3A_249 = tpu.vector_load %arg9[%get3A_248] {strides = array<i32>} : memref<256xi32, #tpu.memory_space<vmem>>, vector<16xi32>,
      %get3A_250 = vector.shape_cast %get3A_249 : vector<16xi32> to vector<16xi32>
      %add3A_251 = vector.broadcast %mul3A_18 : i32 to vector<16xi32>
      %add3A_252 = arith.addi %get3A_250, %add3A_251 : vector<16xi32>
      %swap3A_253 = arith.constant 128 : index
      %swap3A_254 = tpu.vector_load %arg9[%swap3A_253] {strides = array<i32>} : memref<256xi32, #tpu.memory_space<vmem>>, vector<16xi32>,
      %swap3A_255 = vector.shape_cast %swap3A_254 : vector<16xi32> to vector<16xi32>
      %swap3A_256 = vector.shape_cast %add3A_252 : vector<16xi32> to vector<16xi32>
      tpu.vector_store %arg9[%swap3A_253], %swap3A_256 {strides = array<i32>} : memref<256xi32, #tpu.memory_space<vmem>>, vector<16xi32>,
      %get3A_257 = arith.constant 144 : index
      %get3A_258 = tpu.vector_load %arg9[%get3A_257] {strides = array<i32>} : memref<256xi32, #tpu.memory_space<vmem>>, vector<16xi32>,
      %get3A_259 = vector.shape_cast %get3A_258 : vector<16xi32> to vector<16xi32>
      %add3A_260 = vector.broadcast %mul3A_18 : i32 to vector<16xi32>
      %add3A_261 = arith.addi %get3A_259, %add3A_260 : vector<16xi32>
      %swap3A_262 = arith.constant 144 : index
      %swap3A_263 = tpu.vector_load %arg9[%swap3A_262] {strides = array<i32>} : memref<256xi32, #tpu.memory_space<vmem>>, vector<16xi32>,
      %swap3A_264 = vector.shape_cast %swap3A_263 : vector<16xi32> to vector<16xi32>
      %swap3A_265 = vector.shape_cast %add3A_261 : vector<16xi32> to vector<16xi32>
      tpu.vector_store %arg9[%swap3A_262], %swap3A_265 {strides = array<i32>} : memref<256xi32, #tpu.memory_space<vmem>>, vector<16xi32>,
      %get3A_266 = arith.constant 160 : index
      %get3A_267 = tpu.vector_load %arg9[%get3A_266] {strides = array<i32>} : memref<256xi32, #tpu.memory_space<vmem>>, vector<16xi32>,
      %get3A_268 = vector.shape_cast %get3A_267 : vector<16xi32> to vector<16xi32>
      %add3A_269 = vector.broadcast %mul3A_18 : i32 to vector<16xi32>
      %add3A_270 = arith.addi %get3A_268, %add3A_269 : vector<16xi32>
      %swap3A_271 = arith.constant 160 : index
      %swap3A_272 = tpu.vector_load %arg9[%swap3A_271] {strides = array<i32>} : memref<256xi32, #tpu.memory_space<vmem>>, vector<16xi32>,
      %swap3A_273 = vector.shape_cast %swap3A_272 : vector<16xi32> to vector<16xi32>
      %swap3A_274 = vector.shape_cast %add3A_270 : vector<16xi32> to vector<16xi32>
      tpu.vector_store %arg9[%swap3A_271], %swap3A_274 {strides = array<i32>} : memref<256xi32, #tpu.memory_space<vmem>>, vector<16xi32>,
      %get3A_275 = arith.constant 176 : index
      %get3A_276 = tpu.vector_load %arg9[%get3A_275] {strides = array<i32>} : memref<256xi32, #tpu.memory_space<vmem>>, vector<16xi32>,
      %get3A_277 = vector.shape_cast %get3A_276 : vector<16xi32> to vector<16xi32>
      %add3A_278 = vector.broadcast %mul3A_18 : i32 to vector<16xi32>
      %add3A_279 = arith.addi %get3A_277, %add3A_278 : vector<16xi32>
      %swap3A_280 = arith.constant 176 : index
      %swap3A_281 = tpu.vector_load %arg9[%swap3A_280] {strides = array<i32>} : memref<256xi32, #tpu.memory_space<vmem>>, vector<16xi32>,
      %swap3A_282 = vector.shape_cast %swap3A_281 : vector<16xi32> to vector<16xi32>
      %swap3A_283 = vector.shape_cast %add3A_279 : vector<16xi32> to vector<16xi32>
      tpu.vector_store %arg9[%swap3A_280], %swap3A_283 {strides = array<i32>} : memref<256xi32, #tpu.memory_space<vmem>>, vector<16xi32>,
      %get3A_284 = arith.constant 192 : index
      %get3A_285 = tpu.vector_load %arg9[%get3A_284] {strides = array<i32>} : memref<256xi32, #tpu.memory_space<vmem>>, vector<16xi32>,
      %get3A_286 = vector.shape_cast %get3A_285 : vector<16xi32> to vector<16xi32>
      %add3A_287 = vector.broadcast %mul3A_18 : i32 to vector<16xi32>
      %add3A_288 = arith.addi %get3A_286, %add3A_287 : vector<16xi32>
      %swap3A_289 = arith.constant 192 : index
      %swap3A_290 = tpu.vector_load %arg9[%swap3A_289] {strides = array<i32>} : memref<256xi32, #tpu.memory_space<vmem>>, vector<16xi32>,
      %swap3A_291 = vector.shape_cast %swap3A_290 : vector<16xi32> to vector<16xi32>
      %swap3A_292 = vector.shape_cast %add3A_288 : vector<16xi32> to vector<16xi32>
      tpu.vector_store %arg9[%swap3A_289], %swap3A_292 {strides = array<i32>} : memref<256xi32, #tpu.memory_space<vmem>>, vector<16xi32>,
      %get3A_293 = arith.constant 208 : index
      %get3A_294 = tpu.vector_load %arg9[%get3A_293] {strides = array<i32>} : memref<256xi32, #tpu.memory_space<vmem>>, vector<16xi32>,
      %get3A_295 = vector.shape_cast %get3A_294 : vector<16xi32> to vector<16xi32>
      %add3A_296 = vector.broadcast %mul3A_18 : i32 to vector<16xi32>
      %add3A_297 = arith.addi %get3A_295, %add3A_296 : vector<16xi32>
      %swap3A_298 = arith.constant 208 : index
      %swap3A_299 = tpu.vector_load %arg9[%swap3A_298] {strides = array<i32>} : memref<256xi32, #tpu.memory_space<vmem>>, vector<16xi32>,
      %swap3A_300 = vector.shape_cast %swap3A_299 : vector<16xi32> to vector<16xi32>
      %swap3A_301 = vector.shape_cast %add3A_297 : vector<16xi32> to vector<16xi32>
      tpu.vector_store %arg9[%swap3A_298], %swap3A_301 {strides = array<i32>} : memref<256xi32, #tpu.memory_space<vmem>>, vector<16xi32>,
      %get3A_302 = arith.constant 224 : index
      %get3A_303 = tpu.vector_load %arg9[%get3A_302] {strides = array<i32>} : memref<256xi32, #tpu.memory_space<vmem>>, vector<16xi32>,
      %get3A_304 = vector.shape_cast %get3A_303 : vector<16xi32> to vector<16xi32>
      %add3A_305 = vector.broadcast %mul3A_18 : i32 to vector<16xi32>
      %add3A_306 = arith.addi %get3A_304, %add3A_305 : vector<16xi32>
      %swap3A_307 = arith.constant 224 : index
      %swap3A_308 = tpu.vector_load %arg9[%swap3A_307] {strides = array<i32>} : memref<256xi32, #tpu.memory_space<vmem>>, vector<16xi32>,
      %swap3A_309 = vector.shape_cast %swap3A_308 : vector<16xi32> to vector<16xi32>
      %swap3A_310 = vector.shape_cast %add3A_306 : vector<16xi32> to vector<16xi32>
      tpu.vector_store %arg9[%swap3A_307], %swap3A_310 {strides = array<i32>} : memref<256xi32, #tpu.memory_space<vmem>>, vector<16xi32>,
      %get3A_311 = arith.constant 240 : index
      %get3A_312 = tpu.vector_load %arg9[%get3A_311] {strides = array<i32>} : memref<256xi32, #tpu.memory_space<vmem>>, vector<16xi32>,
      %get3A_313 = vector.shape_cast %get3A_312 : vector<16xi32> to vector<16xi32>
      %add3A_314 = vector.broadcast %mul3A_18 : i32 to vector<16xi32>
      %add3A_315 = arith.addi %get3A_313, %add3A_314 : vector<16xi32>
      %swap3A_316 = arith.constant 240 : index
      %swap3A_317 = tpu.vector_load %arg9[%swap3A_316] {strides = array<i32>} : memref<256xi32, #tpu.memory_space<vmem>>, vector<16xi32>,
      %swap3A_318 = vector.shape_cast %swap3A_317 : vector<16xi32> to vector<16xi32>
      %swap3A_319 = vector.shape_cast %add3A_315 : vector<16xi32> to vector<16xi32>
      tpu.vector_store %arg9[%swap3A_316], %swap3A_319 {strides = array<i32>} : memref<256xi32, #tpu.memory_space<vmem>>, vector<16xi32>,
      %dma_start3A = arith.constant 0 : i32
      %dma_start3A_320 = arith.constant 0 : i32
      %dma_start3A_321 = tpu.memref_slice %arg2[%dma_start3A, %dma_start3A_320] : memref<40960x128xf32, #tpu.memory_space<hbm>> -> memref<40960x128xf32, #tpu.memory_space<hbm>>
      tpu.enqueue_indirect_dma source(%dma_start3A_321 : memref<40960x128xf32, #tpu.memory_space<hbm>>) target(%arg7 : memref<256x128xf32, #tpu.memory_space<vmem>>) offsets(%arg9 : memref<256xi32, #tpu.memory_space<vmem>>) semaphore(%arg11 : memref<!tpu.dma_semaphore, #tpu.memory_space<semaphore_mem>>)
      %dma_wait3A = arith.constant 0 : i32
      %dma_wait3A_322 = arith.constant 0 : i32
      %dma_wait3A_323 = tpu.memref_slice %arg2[%dma_wait3A, %dma_wait3A_322] : memref<40960x128xf32, #tpu.memory_space<hbm>> -> memref<40960x128xf32, #tpu.memory_space<hbm>>
      tpu.wait_indirect_dma semaphore(%arg11 : memref<!tpu.dma_semaphore, #tpu.memory_space<semaphore_mem>>) src(%dma_wait3A_323 : memref<40960x128xf32, #tpu.memory_space<hbm>>) dst(%arg7 : memref<256x128xf32, #tpu.memory_space<vmem>>)
      "tpu.region"() ({
        %run_scoped3A = tpu.sem_alloc : memref<!tpu.dma_semaphore, #tpu.memory_space<semaphore_mem>>
        %dma_start3A_325 = arith.constant 0 : i32
        %dma_start3A_326 = arith.constant 0 : i32
        %dma_start3A_327 = tpu.memref_slice %arg6[%dma_start3A_325, %dma_start3A_326] : memref<10240x128xf32, #tpu.memory_space<vmem_shared>> -> memref<10240x128xf32, #tpu.memory_space<vmem_shared>>
        tpu.enqueue_indirect_dma source(%arg7 : memref<256x128xf32, #tpu.memory_space<vmem>>) target(%dma_start3A_327 : memref<10240x128xf32, #tpu.memory_space<vmem_shared>>) offsets(%arg10 : memref<256xi32, #tpu.memory_space<vmem>>) semaphore(%run_scoped3A : memref<!tpu.dma_semaphore, #tpu.memory_space<semaphore_mem>>) {add = true}
        %dma_wait3A_328 = arith.constant 0 : i32
        %dma_wait3A_329 = arith.constant 0 : i32
        %dma_wait3A_330 = tpu.memref_slice %arg6[%dma_wait3A_328, %dma_wait3A_329] : memref<10240x128xf32, #tpu.memory_space<vmem_shared>> -> memref<10240x128xf32, #tpu.memory_space<vmem_shared>>
        tpu.wait_indirect_dma semaphore(%run_scoped3A : memref<!tpu.dma_semaphore, #tpu.memory_space<semaphore_mem>>) src(%arg7 : memref<256x128xf32, #tpu.memory_space<vmem>>) dst(%dma_wait3A_330 : memref<10240x128xf32, #tpu.memory_space<vmem_shared>>)
        tpu.yield
      }) : () -> ()
      %while3A_324 = arith.constant 0 : i32
      scf.yield %while3A_324 : i32
    }
    %barrier3A_60 = arith.constant 0 : index
    tpu.barrier barrier_id(%barrier3A_60)
    %add3A_61 = arith.constant 0 : i32
    %add3A_62 = arith.addi %mul3A_12, %add3A_61 : i32
    "tpu.region"() ({
      %run_scoped3A = tpu.sem_alloc : memref<!tpu.dma_semaphore, #tpu.memory_space<semaphore_mem>>
      %dma_start3A = arith.constant 0 : i32
      %dma_start3A_173 = tpu.memref_slice %arg6[%add3A_62, %dma_start3A] : memref<10240x128xf32, #tpu.memory_space<vmem_shared>> -> memref<64x128xf32, #tpu.memory_space<vmem_shared>>
      %dma_start3A_174 = arith.constant 0 : i32
      %dma_start3A_175 = tpu.memref_slice %arg6[%add3A_62, %dma_start3A_174] : memref<10240x128xf32, #tpu.memory_space<vmem_shared>> -> memref<64x128xf32, #tpu.memory_space<vmem_shared>>
      tpu.enqueue_dma source(%dma_start3A_175 : memref<64x128xf32, #tpu.memory_space<vmem_shared>>) target(%arg8 : memref<64x128xf32, #tpu.memory_space<vmem>>) target_semaphore(%run_scoped3A : memref<!tpu.dma_semaphore, #tpu.memory_space<semaphore_mem>>)
      %dma_wait3A = arith.constant 0 : i32
      %dma_wait3A_176 = tpu.memref_slice %arg6[%add3A_62, %dma_wait3A] : memref<10240x128xf32, #tpu.memory_space<vmem_shared>> -> memref<64x128xf32, #tpu.memory_space<vmem_shared>>
      %dma_wait3A_177 = arith.constant 0 : i32
      %dma_wait3A_178 = tpu.memref_slice %arg6[%add3A_62, %dma_wait3A_177] : memref<10240x128xf32, #tpu.memory_space<vmem_shared>> -> memref<64x128xf32, #tpu.memory_space<vmem_shared>>
      tpu.wait_dma2 semaphore(%run_scoped3A : memref<!tpu.dma_semaphore, #tpu.memory_space<semaphore_mem>>) src(%dma_wait3A_178 : memref<64x128xf32, #tpu.memory_space<vmem_shared>>) dst(%arg8 : memref<64x128xf32, #tpu.memory_space<vmem>>)
      tpu.yield
    }) : () -> ()
    %add3A_63 = arith.addi %mul3A_18, %add3A_62 : i32
    "tpu.region"() ({
      %run_scoped3A = tpu.sem_alloc : memref<!tpu.dma_semaphore, #tpu.memory_space<semaphore_mem>>
      %dma_start3A = arith.constant 0 : i32
      %dma_start3A_173 = tpu.memref_slice %arg5[%add3A_63, %dma_start3A] : memref<40960x128xf32, #tpu.memory_space<hbm>> -> memref<64x128xf32, #tpu.memory_space<hbm>>
      %dma_start3A_174 = arith.constant 0 : i32
      %dma_start3A_175 = tpu.memref_slice %arg5[%add3A_63, %dma_start3A_174] : memref<40960x128xf32, #tpu.memory_space<hbm>> -> memref<64x128xf32, #tpu.memory_space<hbm>>
      tpu.enqueue_dma source(%arg8 : memref<64x128xf32, #tpu.memory_space<vmem>>) target(%dma_start3A_175 : memref<64x128xf32, #tpu.memory_space<hbm>>) target_semaphore(%run_scoped3A : memref<!tpu.dma_semaphore, #tpu.memory_space<semaphore_mem>>)
      %dma_wait3A = arith.constant 0 : i32
      %dma_wait3A_176 = tpu.memref_slice %arg5[%add3A_63, %dma_wait3A] : memref<40960x128xf32, #tpu.memory_space<hbm>> -> memref<64x128xf32, #tpu.memory_space<hbm>>
      %dma_wait3A_177 = arith.constant 0 : i32
      %dma_wait3A_178 = tpu.memref_slice %arg5[%add3A_63, %dma_wait3A_177] : memref<40960x128xf32, #tpu.memory_space<hbm>> -> memref<64x128xf32, #tpu.memory_space<hbm>>
      tpu.wait_dma2 semaphore(%run_scoped3A : memref<!tpu.dma_semaphore, #tpu.memory_space<semaphore_mem>>) src(%arg8 : memref<64x128xf32, #tpu.memory_space<vmem>>) dst(%dma_wait3A_178 : memref<64x128xf32, #tpu.memory_space<hbm>>)
      tpu.yield
    }) : () -> ()
    %add3A_64 = arith.constant 64 : i32
    %add3A_65 = arith.addi %mul3A_12, %add3A_64 : i32
    "tpu.region"() ({
      %run_scoped3A = tpu.sem_alloc : memref<!tpu.dma_semaphore, #tpu.memory_space<semaphore_mem>>
      %dma_start3A = arith.constant 0 : i32
      %dma_start3A_173 = tpu.memref_slice %arg6[%add3A_65, %dma_start3A] : memref<10240x128xf32, #tpu.memory_space<vmem_shared>> -> memref<64x128xf32, #tpu.memory_space<vmem_shared>>
      %dma_start3A_174 = arith.constant 0 : i32
      %dma_start3A_175 = tpu.memref_slice %arg6[%add3A_65, %dma_start3A_174] : memref<10240x128xf32, #tpu.memory_space<vmem_shared>> -> memref<64x128xf32, #tpu.memory_space<vmem_shared>>
      tpu.enqueue_dma source(%dma_start3A_175 : memref<64x128xf32, #tpu.memory_space<vmem_shared>>) target(%arg8 : memref<64x128xf32, #tpu.memory_space<vmem>>) target_semaphore(%run_scoped3A : memref<!tpu.dma_semaphore, #tpu.memory_space<semaphore_mem>>)
      %dma_wait3A = arith.constant 0 : i32
      %dma_wait3A_176 = tpu.memref_slice %arg6[%add3A_65, %dma_wait3A] : memref<10240x128xf32, #tpu.memory_space<vmem_shared>> -> memref<64x128xf32, #tpu.memory_space<vmem_shared>>
      %dma_wait3A_177 = arith.constant 0 : i32
      %dma_wait3A_178 = tpu.memref_slice %arg6[%add3A_65, %dma_wait3A_177] : memref<10240x128xf32, #tpu.memory_space<vmem_shared>> -> memref<64x128xf32, #tpu.memory_space<vmem_shared>>
      tpu.wait_dma2 semaphore(%run_scoped3A : memref<!tpu.dma_semaphore, #tpu.memory_space<semaphore_mem>>) src(%dma_wait3A_178 : memref<64x128xf32, #tpu.memory_space<vmem_shared>>) dst(%arg8 : memref<64x128xf32, #tpu.memory_space<vmem>>)
      tpu.yield
    }) : () -> ()
    %add3A_66 = arith.addi %mul3A_18, %add3A_65 : i32
    "tpu.region"() ({
      %run_scoped3A = tpu.sem_alloc : memref<!tpu.dma_semaphore, #tpu.memory_space<semaphore_mem>>
      %dma_start3A = arith.constant 0 : i32
      %dma_start3A_173 = tpu.memref_slice %arg5[%add3A_66, %dma_start3A] : memref<40960x128xf32, #tpu.memory_space<hbm>> -> memref<64x128xf32, #tpu.memory_space<hbm>>
      %dma_start3A_174 = arith.constant 0 : i32
      %dma_start3A_175 = tpu.memref_slice %arg5[%add3A_66, %dma_start3A_174] : memref<40960x128xf32, #tpu.memory_space<hbm>> -> memref<64x128xf32, #tpu.memory_space<hbm>>
      tpu.enqueue_dma source(%arg8 : memref<64x128xf32, #tpu.memory_space<vmem>>) target(%dma_start3A_175 : memref<64x128xf32, #tpu.memory_space<hbm>>) target_semaphore(%run_scoped3A : memref<!tpu.dma_semaphore, #tpu.memory_space<semaphore_mem>>)
      %dma_wait3A = arith.constant 0 : i32
      %dma_wait3A_176 = tpu.memref_slice %arg5[%add3A_66, %dma_wait3A] : memref<40960x128xf32, #tpu.memory_space<hbm>> -> memref<64x128xf32, #tpu.memory_space<hbm>>
      %dma_wait3A_177 = arith.constant 0 : i32
      %dma_wait3A_178 = tpu.memref_slice %arg5[%add3A_66, %dma_wait3A_177] : memref<40960x128xf32, #tpu.memory_space<hbm>> -> memref<64x128xf32, #tpu.memory_space<hbm>>
      tpu.wait_dma2 semaphore(%run_scoped3A : memref<!tpu.dma_semaphore, #tpu.memory_space<semaphore_mem>>) src(%arg8 : memref<64x128xf32, #tpu.memory_space<vmem>>) dst(%dma_wait3A_178 : memref<64x128xf32, #tpu.memory_space<hbm>>)
      tpu.yield
    }) : () -> ()
    %add3A_67 = arith.constant 128 : i32
    %add3A_68 = arith.addi %mul3A_12, %add3A_67 : i32
    "tpu.region"() ({
      %run_scoped3A = tpu.sem_alloc : memref<!tpu.dma_semaphore, #tpu.memory_space<semaphore_mem>>
      %dma_start3A = arith.constant 0 : i32
      %dma_start3A_173 = tpu.memref_slice %arg6[%add3A_68, %dma_start3A] : memref<10240x128xf32, #tpu.memory_space<vmem_shared>> -> memref<64x128xf32, #tpu.memory_space<vmem_shared>>
      %dma_start3A_174 = arith.constant 0 : i32
      %dma_start3A_175 = tpu.memref_slice %arg6[%add3A_68, %dma_start3A_174] : memref<10240x128xf32, #tpu.memory_space<vmem_shared>> -> memref<64x128xf32, #tpu.memory_space<vmem_shared>>
      tpu.enqueue_dma source(%dma_start3A_175 : memref<64x128xf32, #tpu.memory_space<vmem_shared>>) target(%arg8 : memref<64x128xf32, #tpu.memory_space<vmem>>) target_semaphore(%run_scoped3A : memref<!tpu.dma_semaphore, #tpu.memory_space<semaphore_mem>>)
      %dma_wait3A = arith.constant 0 : i32
      %dma_wait3A_176 = tpu.memref_slice %arg6[%add3A_68, %dma_wait3A] : memref<10240x128xf32, #tpu.memory_space<vmem_shared>> -> memref<64x128xf32, #tpu.memory_space<vmem_shared>>
      %dma_wait3A_177 = arith.constant 0 : i32
      %dma_wait3A_178 = tpu.memref_slice %arg6[%add3A_68, %dma_wait3A_177] : memref<10240x128xf32, #tpu.memory_space<vmem_shared>> -> memref<64x128xf32, #tpu.memory_space<vmem_shared>>
      tpu.wait_dma2 semaphore(%run_scoped3A : memref<!tpu.dma_semaphore, #tpu.memory_space<semaphore_mem>>) src(%dma_wait3A_178 : memref<64x128xf32, #tpu.memory_space<vmem_shared>>) dst(%arg8 : memref<64x128xf32, #tpu.memory_space<vmem>>)
      tpu.yield
    }) : () -> ()
    %add3A_69 = arith.addi %mul3A_18, %add3A_68 : i32
    "tpu.region"() ({
      %run_scoped3A = tpu.sem_alloc : memref<!tpu.dma_semaphore, #tpu.memory_space<semaphore_mem>>
      %dma_start3A = arith.constant 0 : i32
      %dma_start3A_173 = tpu.memref_slice %arg5[%add3A_69, %dma_start3A] : memref<40960x128xf32, #tpu.memory_space<hbm>> -> memref<64x128xf32, #tpu.memory_space<hbm>>
      %dma_start3A_174 = arith.constant 0 : i32
      %dma_start3A_175 = tpu.memref_slice %arg5[%add3A_69, %dma_start3A_174] : memref<40960x128xf32, #tpu.memory_space<hbm>> -> memref<64x128xf32, #tpu.memory_space<hbm>>
      tpu.enqueue_dma source(%arg8 : memref<64x128xf32, #tpu.memory_space<vmem>>) target(%dma_start3A_175 : memref<64x128xf32, #tpu.memory_space<hbm>>) target_semaphore(%run_scoped3A : memref<!tpu.dma_semaphore, #tpu.memory_space<semaphore_mem>>)
      %dma_wait3A = arith.constant 0 : i32
      %dma_wait3A_176 = tpu.memref_slice %arg5[%add3A_69, %dma_wait3A] : memref<40960x128xf32, #tpu.memory_space<hbm>> -> memref<64x128xf32, #tpu.memory_space<hbm>>
      %dma_wait3A_177 = arith.constant 0 : i32
      %dma_wait3A_178 = tpu.memref_slice %arg5[%add3A_69, %dma_wait3A_177] : memref<40960x128xf32, #tpu.memory_space<hbm>> -> memref<64x128xf32, #tpu.memory_space<hbm>>
      tpu.wait_dma2 semaphore(%run_scoped3A : memref<!tpu.dma_semaphore, #tpu.memory_space<semaphore_mem>>) src(%arg8 : memref<64x128xf32, #tpu.memory_space<vmem>>) dst(%dma_wait3A_178 : memref<64x128xf32, #tpu.memory_space<hbm>>)
      tpu.yield
    }) : () -> ()
    %add3A_70 = arith.constant 192 : i32
    %add3A_71 = arith.addi %mul3A_12, %add3A_70 : i32
    "tpu.region"() ({
      %run_scoped3A = tpu.sem_alloc : memref<!tpu.dma_semaphore, #tpu.memory_space<semaphore_mem>>
      %dma_start3A = arith.constant 0 : i32
      %dma_start3A_173 = tpu.memref_slice %arg6[%add3A_71, %dma_start3A] : memref<10240x128xf32, #tpu.memory_space<vmem_shared>> -> memref<64x128xf32, #tpu.memory_space<vmem_shared>>
      %dma_start3A_174 = arith.constant 0 : i32
      %dma_start3A_175 = tpu.memref_slice %arg6[%add3A_71, %dma_start3A_174] : memref<10240x128xf32, #tpu.memory_space<vmem_shared>> -> memref<64x128xf32, #tpu.memory_space<vmem_shared>>
      tpu.enqueue_dma source(%dma_start3A_175 : memref<64x128xf32, #tpu.memory_space<vmem_shared>>) target(%arg8 : memref<64x128xf32, #tpu.memory_space<vmem>>) target_semaphore(%run_scoped3A : memref<!tpu.dma_semaphore, #tpu.memory_space<semaphore_mem>>)
      %dma_wait3A = arith.constant 0 : i32
      %dma_wait3A_176 = tpu.memref_slice %arg6[%add3A_71, %dma_wait3A] : memref<10240x128xf32, #tpu.memory_space<vmem_shared>> -> memref<64x128xf32, #tpu.memory_space<vmem_shared>>
      %dma_wait3A_177 = arith.constant 0 : i32
      %dma_wait3A_178 = tpu.memref_slice %arg6[%add3A_71, %dma_wait3A_177] : memref<10240x128xf32, #tpu.memory_space<vmem_shared>> -> memref<64x128xf32, #tpu.memory_space<vmem_shared>>
      tpu.wait_dma2 semaphore(%run_scoped3A : memref<!tpu.dma_semaphore, #tpu.memory_space<semaphore_mem>>) src(%dma_wait3A_178 : memref<64x128xf32, #tpu.memory_space<vmem_shared>>) dst(%arg8 : memref<64x128xf32, #tpu.memory_space<vmem>>)
      tpu.yield
    }) : () -> ()
    %add3A_72 = arith.addi %mul3A_18, %add3A_71 : i32
    "tpu.region"() ({
      %run_scoped3A = tpu.sem_alloc : memref<!tpu.dma_semaphore, #tpu.memory_space<semaphore_mem>>
      %dma_start3A = arith.constant 0 : i32
      %dma_start3A_173 = tpu.memref_slice %arg5[%add3A_72, %dma_start3A] : memref<40960x128xf32, #tpu.memory_space<hbm>> -> memref<64x128xf32, #tpu.memory_space<hbm>>
      %dma_start3A_174 = arith.constant 0 : i32
      %dma_start3A_175 = tpu.memref_slice %arg5[%add3A_72, %dma_start3A_174] : memref<40960x128xf32, #tpu.memory_space<hbm>> -> memref<64x128xf32, #tpu.memory_space<hbm>>
      tpu.enqueue_dma source(%arg8 : memref<64x128xf32, #tpu.memory_space<vmem>>) target(%dma_start3A_175 : memref<64x128xf32, #tpu.memory_space<hbm>>) target_semaphore(%run_scoped3A : memref<!tpu.dma_semaphore, #tpu.memory_space<semaphore_mem>>)
      %dma_wait3A = arith.constant 0 : i32
      %dma_wait3A_176 = tpu.memref_slice %arg5[%add3A_72, %dma_wait3A] : memref<40960x128xf32, #tpu.memory_space<hbm>> -> memref<64x128xf32, #tpu.memory_space<hbm>>
      %dma_wait3A_177 = arith.constant 0 : i32
      %dma_wait3A_178 = tpu.memref_slice %arg5[%add3A_72, %dma_wait3A_177] : memref<40960x128xf32, #tpu.memory_space<hbm>> -> memref<64x128xf32, #tpu.memory_space<hbm>>
      tpu.wait_dma2 semaphore(%run_scoped3A : memref<!tpu.dma_semaphore, #tpu.memory_space<semaphore_mem>>) src(%arg8 : memref<64x128xf32, #tpu.memory_space<vmem>>) dst(%dma_wait3A_178 : memref<64x128xf32, #tpu.memory_space<hbm>>)
      tpu.yield
    }) : () -> ()
    %add3A_73 = arith.constant 256 : i32
    %add3A_74 = arith.addi %mul3A_12, %add3A_73 : i32
    "tpu.region"() ({
      %run_scoped3A = tpu.sem_alloc : memref<!tpu.dma_semaphore, #tpu.memory_space<semaphore_mem>>
      %dma_start3A = arith.constant 0 : i32
      %dma_start3A_173 = tpu.memref_slice %arg6[%add3A_74, %dma_start3A] : memref<10240x128xf32, #tpu.memory_space<vmem_shared>> -> memref<64x128xf32, #tpu.memory_space<vmem_shared>>
      %dma_start3A_174 = arith.constant 0 : i32
      %dma_start3A_175 = tpu.memref_slice %arg6[%add3A_74, %dma_start3A_174] : memref<10240x128xf32, #tpu.memory_space<vmem_shared>> -> memref<64x128xf32, #tpu.memory_space<vmem_shared>>
      tpu.enqueue_dma source(%dma_start3A_175 : memref<64x128xf32, #tpu.memory_space<vmem_shared>>) target(%arg8 : memref<64x128xf32, #tpu.memory_space<vmem>>) target_semaphore(%run_scoped3A : memref<!tpu.dma_semaphore, #tpu.memory_space<semaphore_mem>>)
      %dma_wait3A = arith.constant 0 : i32
      %dma_wait3A_176 = tpu.memref_slice %arg6[%add3A_74, %dma_wait3A] : memref<10240x128xf32, #tpu.memory_space<vmem_shared>> -> memref<64x128xf32, #tpu.memory_space<vmem_shared>>
      %dma_wait3A_177 = arith.constant 0 : i32
      %dma_wait3A_178 = tpu.memref_slice %arg6[%add3A_74, %dma_wait3A_177] : memref<10240x128xf32, #tpu.memory_space<vmem_shared>> -> memref<64x128xf32, #tpu.memory_space<vmem_shared>>
      tpu.wait_dma2 semaphore(%run_scoped3A : memref<!tpu.dma_semaphore, #tpu.memory_space<semaphore_mem>>) src(%dma_wait3A_178 : memref<64x128xf32, #tpu.memory_space<vmem_shared>>) dst(%arg8 : memref<64x128xf32, #tpu.memory_space<vmem>>)
      tpu.yield
    }) : () -> ()
    %add3A_75 = arith.addi %mul3A_18, %add3A_74 : i32
    "tpu.region"() ({
      %run_scoped3A = tpu.sem_alloc : memref<!tpu.dma_semaphore, #tpu.memory_space<semaphore_mem>>
      %dma_start3A = arith.constant 0 : i32
      %dma_start3A_173 = tpu.memref_slice %arg5[%add3A_75, %dma_start3A] : memref<40960x128xf32, #tpu.memory_space<hbm>> -> memref<64x128xf32, #tpu.memory_space<hbm>>
      %dma_start3A_174 = arith.constant 0 : i32
      %dma_start3A_175 = tpu.memref_slice %arg5[%add3A_75, %dma_start3A_174] : memref<40960x128xf32, #tpu.memory_space<hbm>> -> memref<64x128xf32, #tpu.memory_space<hbm>>
      tpu.enqueue_dma source(%arg8 : memref<64x128xf32, #tpu.memory_space<vmem>>) target(%dma_start3A_175 : memref<64x128xf32, #tpu.memory_space<hbm>>) target_semaphore(%run_scoped3A : memref<!tpu.dma_semaphore, #tpu.memory_space<semaphore_mem>>)
      %dma_wait3A = arith.constant 0 : i32
      %dma_wait3A_176 = tpu.memref_slice %arg5[%add3A_75, %dma_wait3A] : memref<40960x128xf32, #tpu.memory_space<hbm>> -> memref<64x128xf32, #tpu.memory_space<hbm>>
      %dma_wait3A_177 = arith.constant 0 : i32
      %dma_wait3A_178 = tpu.memref_slice %arg5[%add3A_75, %dma_wait3A_177] : memref<40960x128xf32, #tpu.memory_space<hbm>> -> memref<64x128xf32, #tpu.memory_space<hbm>>
      tpu.wait_dma2 semaphore(%run_scoped3A : memref<!tpu.dma_semaphore, #tpu.memory_space<semaphore_mem>>) src(%arg8 : memref<64x128xf32, #tpu.memory_space<vmem>>) dst(%dma_wait3A_178 : memref<64x128xf32, #tpu.memory_space<hbm>>)
      tpu.yield
    }) : () -> ()
    %add3A_76 = arith.constant 320 : i32
    %add3A_77 = arith.addi %mul3A_12, %add3A_76 : i32
    "tpu.region"() ({
      %run_scoped3A = tpu.sem_alloc : memref<!tpu.dma_semaphore, #tpu.memory_space<semaphore_mem>>
      %dma_start3A = arith.constant 0 : i32
      %dma_start3A_173 = tpu.memref_slice %arg6[%add3A_77, %dma_start3A] : memref<10240x128xf32, #tpu.memory_space<vmem_shared>> -> memref<64x128xf32, #tpu.memory_space<vmem_shared>>
      %dma_start3A_174 = arith.constant 0 : i32
      %dma_start3A_175 = tpu.memref_slice %arg6[%add3A_77, %dma_start3A_174] : memref<10240x128xf32, #tpu.memory_space<vmem_shared>> -> memref<64x128xf32, #tpu.memory_space<vmem_shared>>
      tpu.enqueue_dma source(%dma_start3A_175 : memref<64x128xf32, #tpu.memory_space<vmem_shared>>) target(%arg8 : memref<64x128xf32, #tpu.memory_space<vmem>>) target_semaphore(%run_scoped3A : memref<!tpu.dma_semaphore, #tpu.memory_space<semaphore_mem>>)
      %dma_wait3A = arith.constant 0 : i32
      %dma_wait3A_176 = tpu.memref_slice %arg6[%add3A_77, %dma_wait3A] : memref<10240x128xf32, #tpu.memory_space<vmem_shared>> -> memref<64x128xf32, #tpu.memory_space<vmem_shared>>
      %dma_wait3A_177 = arith.constant 0 : i32
      %dma_wait3A_178 = tpu.memref_slice %arg6[%add3A_77, %dma_wait3A_177] : memref<10240x128xf32, #tpu.memory_space<vmem_shared>> -> memref<64x128xf32, #tpu.memory_space<vmem_shared>>
      tpu.wait_dma2 semaphore(%run_scoped3A : memref<!tpu.dma_semaphore, #tpu.memory_space<semaphore_mem>>) src(%dma_wait3A_178 : memref<64x128xf32, #tpu.memory_space<vmem_shared>>) dst(%arg8 : memref<64x128xf32, #tpu.memory_space<vmem>>)
      tpu.yield
    }) : () -> ()
    %add3A_78 = arith.addi %mul3A_18, %add3A_77 : i32
    "tpu.region"() ({
      %run_scoped3A = tpu.sem_alloc : memref<!tpu.dma_semaphore, #tpu.memory_space<semaphore_mem>>
      %dma_start3A = arith.constant 0 : i32
      %dma_start3A_173 = tpu.memref_slice %arg5[%add3A_78, %dma_start3A] : memref<40960x128xf32, #tpu.memory_space<hbm>> -> memref<64x128xf32, #tpu.memory_space<hbm>>
      %dma_start3A_174 = arith.constant 0 : i32
      %dma_start3A_175 = tpu.memref_slice %arg5[%add3A_78, %dma_start3A_174] : memref<40960x128xf32, #tpu.memory_space<hbm>> -> memref<64x128xf32, #tpu.memory_space<hbm>>
      tpu.enqueue_dma source(%arg8 : memref<64x128xf32, #tpu.memory_space<vmem>>) target(%dma_start3A_175 : memref<64x128xf32, #tpu.memory_space<hbm>>) target_semaphore(%run_scoped3A : memref<!tpu.dma_semaphore, #tpu.memory_space<semaphore_mem>>)
      %dma_wait3A = arith.constant 0 : i32
      %dma_wait3A_176 = tpu.memref_slice %arg5[%add3A_78, %dma_wait3A] : memref<40960x128xf32, #tpu.memory_space<hbm>> -> memref<64x128xf32, #tpu.memory_space<hbm>>
      %dma_wait3A_177 = arith.constant 0 : i32
      %dma_wait3A_178 = tpu.memref_slice %arg5[%add3A_78, %dma_wait3A_177] : memref<40960x128xf32, #tpu.memory_space<hbm>> -> memref<64x128xf32, #tpu.memory_space<hbm>>
      tpu.wait_dma2 semaphore(%run_scoped3A : memref<!tpu.dma_semaphore, #tpu.memory_space<semaphore_mem>>) src(%arg8 : memref<64x128xf32, #tpu.memory_space<vmem>>) dst(%dma_wait3A_178 : memref<64x128xf32, #tpu.memory_space<hbm>>)
      tpu.yield
    }) : () -> ()
    %add3A_79 = arith.constant 384 : i32
    %add3A_80 = arith.addi %mul3A_12, %add3A_79 : i32
    "tpu.region"() ({
      %run_scoped3A = tpu.sem_alloc : memref<!tpu.dma_semaphore, #tpu.memory_space<semaphore_mem>>
      %dma_start3A = arith.constant 0 : i32
      %dma_start3A_173 = tpu.memref_slice %arg6[%add3A_80, %dma_start3A] : memref<10240x128xf32, #tpu.memory_space<vmem_shared>> -> memref<64x128xf32, #tpu.memory_space<vmem_shared>>
      %dma_start3A_174 = arith.constant 0 : i32
      %dma_start3A_175 = tpu.memref_slice %arg6[%add3A_80, %dma_start3A_174] : memref<10240x128xf32, #tpu.memory_space<vmem_shared>> -> memref<64x128xf32, #tpu.memory_space<vmem_shared>>
      tpu.enqueue_dma source(%dma_start3A_175 : memref<64x128xf32, #tpu.memory_space<vmem_shared>>) target(%arg8 : memref<64x128xf32, #tpu.memory_space<vmem>>) target_semaphore(%run_scoped3A : memref<!tpu.dma_semaphore, #tpu.memory_space<semaphore_mem>>)
      %dma_wait3A = arith.constant 0 : i32
      %dma_wait3A_176 = tpu.memref_slice %arg6[%add3A_80, %dma_wait3A] : memref<10240x128xf32, #tpu.memory_space<vmem_shared>> -> memref<64x128xf32, #tpu.memory_space<vmem_shared>>
      %dma_wait3A_177 = arith.constant 0 : i32
      %dma_wait3A_178 = tpu.memref_slice %arg6[%add3A_80, %dma_wait3A_177] : memref<10240x128xf32, #tpu.memory_space<vmem_shared>> -> memref<64x128xf32, #tpu.memory_space<vmem_shared>>
      tpu.wait_dma2 semaphore(%run_scoped3A : memref<!tpu.dma_semaphore, #tpu.memory_space<semaphore_mem>>) src(%dma_wait3A_178 : memref<64x128xf32, #tpu.memory_space<vmem_shared>>) dst(%arg8 : memref<64x128xf32, #tpu.memory_space<vmem>>)
      tpu.yield
    }) : () -> ()
    %add3A_81 = arith.addi %mul3A_18, %add3A_80 : i32
    "tpu.region"() ({
      %run_scoped3A = tpu.sem_alloc : memref<!tpu.dma_semaphore, #tpu.memory_space<semaphore_mem>>
      %dma_start3A = arith.constant 0 : i32
      %dma_start3A_173 = tpu.memref_slice %arg5[%add3A_81, %dma_start3A] : memref<40960x128xf32, #tpu.memory_space<hbm>> -> memref<64x128xf32, #tpu.memory_space<hbm>>
      %dma_start3A_174 = arith.constant 0 : i32
      %dma_start3A_175 = tpu.memref_slice %arg5[%add3A_81, %dma_start3A_174] : memref<40960x128xf32, #tpu.memory_space<hbm>> -> memref<64x128xf32, #tpu.memory_space<hbm>>
      tpu.enqueue_dma source(%arg8 : memref<64x128xf32, #tpu.memory_space<vmem>>) target(%dma_start3A_175 : memref<64x128xf32, #tpu.memory_space<hbm>>) target_semaphore(%run_scoped3A : memref<!tpu.dma_semaphore, #tpu.memory_space<semaphore_mem>>)
      %dma_wait3A = arith.constant 0 : i32
      %dma_wait3A_176 = tpu.memref_slice %arg5[%add3A_81, %dma_wait3A] : memref<40960x128xf32, #tpu.memory_space<hbm>> -> memref<64x128xf32, #tpu.memory_space<hbm>>
      %dma_wait3A_177 = arith.constant 0 : i32
      %dma_wait3A_178 = tpu.memref_slice %arg5[%add3A_81, %dma_wait3A_177] : memref<40960x128xf32, #tpu.memory_space<hbm>> -> memref<64x128xf32, #tpu.memory_space<hbm>>
      tpu.wait_dma2 semaphore(%run_scoped3A : memref<!tpu.dma_semaphore, #tpu.memory_space<semaphore_mem>>) src(%arg8 : memref<64x128xf32, #tpu.memory_space<vmem>>) dst(%dma_wait3A_178 : memref<64x128xf32, #tpu.memory_space<hbm>>)
      tpu.yield
    }) : () -> ()
    %add3A_82 = arith.constant 448 : i32
    %add3A_83 = arith.addi %mul3A_12, %add3A_82 : i32
    "tpu.region"() ({
      %run_scoped3A = tpu.sem_alloc : memref<!tpu.dma_semaphore, #tpu.memory_space<semaphore_mem>>
      %dma_start3A = arith.constant 0 : i32
      %dma_start3A_173 = tpu.memref_slice %arg6[%add3A_83, %dma_start3A] : memref<10240x128xf32, #tpu.memory_space<vmem_shared>> -> memref<64x128xf32, #tpu.memory_space<vmem_shared>>
      %dma_start3A_174 = arith.constant 0 : i32
      %dma_start3A_175 = tpu.memref_slice %arg6[%add3A_83, %dma_start3A_174] : memref<10240x128xf32, #tpu.memory_space<vmem_shared>> -> memref<64x128xf32, #tpu.memory_space<vmem_shared>>
      tpu.enqueue_dma source(%dma_start3A_175 : memref<64x128xf32, #tpu.memory_space<vmem_shared>>) target(%arg8 : memref<64x128xf32, #tpu.memory_space<vmem>>) target_semaphore(%run_scoped3A : memref<!tpu.dma_semaphore, #tpu.memory_space<semaphore_mem>>)
      %dma_wait3A = arith.constant 0 : i32
      %dma_wait3A_176 = tpu.memref_slice %arg6[%add3A_83, %dma_wait3A] : memref<10240x128xf32, #tpu.memory_space<vmem_shared>> -> memref<64x128xf32, #tpu.memory_space<vmem_shared>>
      %dma_wait3A_177 = arith.constant 0 : i32
      %dma_wait3A_178 = tpu.memref_slice %arg6[%add3A_83, %dma_wait3A_177] : memref<10240x128xf32, #tpu.memory_space<vmem_shared>> -> memref<64x128xf32, #tpu.memory_space<vmem_shared>>
      tpu.wait_dma2 semaphore(%run_scoped3A : memref<!tpu.dma_semaphore, #tpu.memory_space<semaphore_mem>>) src(%dma_wait3A_178 : memref<64x128xf32, #tpu.memory_space<vmem_shared>>) dst(%arg8 : memref<64x128xf32, #tpu.memory_space<vmem>>)
      tpu.yield
    }) : () -> ()
    %add3A_84 = arith.addi %mul3A_18, %add3A_83 : i32
    "tpu.region"() ({
      %run_scoped3A = tpu.sem_alloc : memref<!tpu.dma_semaphore, #tpu.memory_space<semaphore_mem>>
      %dma_start3A = arith.constant 0 : i32
      %dma_start3A_173 = tpu.memref_slice %arg5[%add3A_84, %dma_start3A] : memref<40960x128xf32, #tpu.memory_space<hbm>> -> memref<64x128xf32, #tpu.memory_space<hbm>>
      %dma_start3A_174 = arith.constant 0 : i32
      %dma_start3A_175 = tpu.memref_slice %arg5[%add3A_84, %dma_start3A_174] : memref<40960x128xf32, #tpu.memory_space<hbm>> -> memref<64x128xf32, #tpu.memory_space<hbm>>
      tpu.enqueue_dma source(%arg8 : memref<64x128xf32, #tpu.memory_space<vmem>>) target(%dma_start3A_175 : memref<64x128xf32, #tpu.memory_space<hbm>>) target_semaphore(%run_scoped3A : memref<!tpu.dma_semaphore, #tpu.memory_space<semaphore_mem>>)
      %dma_wait3A = arith.constant 0 : i32
      %dma_wait3A_176 = tpu.memref_slice %arg5[%add3A_84, %dma_wait3A] : memref<40960x128xf32, #tpu.memory_space<hbm>> -> memref<64x128xf32, #tpu.memory_space<hbm>>
      %dma_wait3A_177 = arith.constant 0 : i32
      %dma_wait3A_178 = tpu.memref_slice %arg5[%add3A_84, %dma_wait3A_177] : memref<40960x128xf32, #tpu.memory_space<hbm>> -> memref<64x128xf32, #tpu.memory_space<hbm>>
      tpu.wait_dma2 semaphore(%run_scoped3A : memref<!tpu.dma_semaphore, #tpu.memory_space<semaphore_mem>>) src(%arg8 : memref<64x128xf32, #tpu.memory_space<vmem>>) dst(%dma_wait3A_178 : memref<64x128xf32, #tpu.memory_space<hbm>>)
      tpu.yield
    }) : () -> ()
    %add3A_85 = arith.constant 512 : i32
    %add3A_86 = arith.addi %mul3A_12, %add3A_85 : i32
    "tpu.region"() ({
      %run_scoped3A = tpu.sem_alloc : memref<!tpu.dma_semaphore, #tpu.memory_space<semaphore_mem>>
      %dma_start3A = arith.constant 0 : i32
      %dma_start3A_173 = tpu.memref_slice %arg6[%add3A_86, %dma_start3A] : memref<10240x128xf32, #tpu.memory_space<vmem_shared>> -> memref<64x128xf32, #tpu.memory_space<vmem_shared>>
      %dma_start3A_174 = arith.constant 0 : i32
      %dma_start3A_175 = tpu.memref_slice %arg6[%add3A_86, %dma_start3A_174] : memref<10240x128xf32, #tpu.memory_space<vmem_shared>> -> memref<64x128xf32, #tpu.memory_space<vmem_shared>>
      tpu.enqueue_dma source(%dma_start3A_175 : memref<64x128xf32, #tpu.memory_space<vmem_shared>>) target(%arg8 : memref<64x128xf32, #tpu.memory_space<vmem>>) target_semaphore(%run_scoped3A : memref<!tpu.dma_semaphore, #tpu.memory_space<semaphore_mem>>)
      %dma_wait3A = arith.constant 0 : i32
      %dma_wait3A_176 = tpu.memref_slice %arg6[%add3A_86, %dma_wait3A] : memref<10240x128xf32, #tpu.memory_space<vmem_shared>> -> memref<64x128xf32, #tpu.memory_space<vmem_shared>>
      %dma_wait3A_177 = arith.constant 0 : i32
      %dma_wait3A_178 = tpu.memref_slice %arg6[%add3A_86, %dma_wait3A_177] : memref<10240x128xf32, #tpu.memory_space<vmem_shared>> -> memref<64x128xf32, #tpu.memory_space<vmem_shared>>
      tpu.wait_dma2 semaphore(%run_scoped3A : memref<!tpu.dma_semaphore, #tpu.memory_space<semaphore_mem>>) src(%dma_wait3A_178 : memref<64x128xf32, #tpu.memory_space<vmem_shared>>) dst(%arg8 : memref<64x128xf32, #tpu.memory_space<vmem>>)
      tpu.yield
    }) : () -> ()
    %add3A_87 = arith.addi %mul3A_18, %add3A_86 : i32
    "tpu.region"() ({
      %run_scoped3A = tpu.sem_alloc : memref<!tpu.dma_semaphore, #tpu.memory_space<semaphore_mem>>
      %dma_start3A = arith.constant 0 : i32
      %dma_start3A_173 = tpu.memref_slice %arg5[%add3A_87, %dma_start3A] : memref<40960x128xf32, #tpu.memory_space<hbm>> -> memref<64x128xf32, #tpu.memory_space<hbm>>
      %dma_start3A_174 = arith.constant 0 : i32
      %dma_start3A_175 = tpu.memref_slice %arg5[%add3A_87, %dma_start3A_174] : memref<40960x128xf32, #tpu.memory_space<hbm>> -> memref<64x128xf32, #tpu.memory_space<hbm>>
      tpu.enqueue_dma source(%arg8 : memref<64x128xf32, #tpu.memory_space<vmem>>) target(%dma_start3A_175 : memref<64x128xf32, #tpu.memory_space<hbm>>) target_semaphore(%run_scoped3A : memref<!tpu.dma_semaphore, #tpu.memory_space<semaphore_mem>>)
      %dma_wait3A = arith.constant 0 : i32
      %dma_wait3A_176 = tpu.memref_slice %arg5[%add3A_87, %dma_wait3A] : memref<40960x128xf32, #tpu.memory_space<hbm>> -> memref<64x128xf32, #tpu.memory_space<hbm>>
      %dma_wait3A_177 = arith.constant 0 : i32
      %dma_wait3A_178 = tpu.memref_slice %arg5[%add3A_87, %dma_wait3A_177] : memref<40960x128xf32, #tpu.memory_space<hbm>> -> memref<64x128xf32, #tpu.memory_space<hbm>>
      tpu.wait_dma2 semaphore(%run_scoped3A : memref<!tpu.dma_semaphore, #tpu.memory_space<semaphore_mem>>) src(%arg8 : memref<64x128xf32, #tpu.memory_space<vmem>>) dst(%dma_wait3A_178 : memref<64x128xf32, #tpu.memory_space<hbm>>)
      tpu.yield
    }) : () -> ()
    %add3A_88 = arith.constant 576 : i32
    %add3A_89 = arith.addi %mul3A_12, %add3A_88 : i32
    "tpu.region"() ({
      %run_scoped3A = tpu.sem_alloc : memref<!tpu.dma_semaphore, #tpu.memory_space<semaphore_mem>>
      %dma_start3A = arith.constant 0 : i32
      %dma_start3A_173 = tpu.memref_slice %arg6[%add3A_89, %dma_start3A] : memref<10240x128xf32, #tpu.memory_space<vmem_shared>> -> memref<64x128xf32, #tpu.memory_space<vmem_shared>>
      %dma_start3A_174 = arith.constant 0 : i32
      %dma_start3A_175 = tpu.memref_slice %arg6[%add3A_89, %dma_start3A_174] : memref<10240x128xf32, #tpu.memory_space<vmem_shared>> -> memref<64x128xf32, #tpu.memory_space<vmem_shared>>
      tpu.enqueue_dma source(%dma_start3A_175 : memref<64x128xf32, #tpu.memory_space<vmem_shared>>) target(%arg8 : memref<64x128xf32, #tpu.memory_space<vmem>>) target_semaphore(%run_scoped3A : memref<!tpu.dma_semaphore, #tpu.memory_space<semaphore_mem>>)
      %dma_wait3A = arith.constant 0 : i32
      %dma_wait3A_176 = tpu.memref_slice %arg6[%add3A_89, %dma_wait3A] : memref<10240x128xf32, #tpu.memory_space<vmem_shared>> -> memref<64x128xf32, #tpu.memory_space<vmem_shared>>
      %dma_wait3A_177 = arith.constant 0 : i32
      %dma_wait3A_178 = tpu.memref_slice %arg6[%add3A_89, %dma_wait3A_177] : memref<10240x128xf32, #tpu.memory_space<vmem_shared>> -> memref<64x128xf32, #tpu.memory_space<vmem_shared>>
      tpu.wait_dma2 semaphore(%run_scoped3A : memref<!tpu.dma_semaphore, #tpu.memory_space<semaphore_mem>>) src(%dma_wait3A_178 : memref<64x128xf32, #tpu.memory_space<vmem_shared>>) dst(%arg8 : memref<64x128xf32, #tpu.memory_space<vmem>>)
      tpu.yield
    }) : () -> ()
    %add3A_90 = arith.addi %mul3A_18, %add3A_89 : i32
    "tpu.region"() ({
      %run_scoped3A = tpu.sem_alloc : memref<!tpu.dma_semaphore, #tpu.memory_space<semaphore_mem>>
      %dma_start3A = arith.constant 0 : i32
      %dma_start3A_173 = tpu.memref_slice %arg5[%add3A_90, %dma_start3A] : memref<40960x128xf32, #tpu.memory_space<hbm>> -> memref<64x128xf32, #tpu.memory_space<hbm>>
      %dma_start3A_174 = arith.constant 0 : i32
      %dma_start3A_175 = tpu.memref_slice %arg5[%add3A_90, %dma_start3A_174] : memref<40960x128xf32, #tpu.memory_space<hbm>> -> memref<64x128xf32, #tpu.memory_space<hbm>>
      tpu.enqueue_dma source(%arg8 : memref<64x128xf32, #tpu.memory_space<vmem>>) target(%dma_start3A_175 : memref<64x128xf32, #tpu.memory_space<hbm>>) target_semaphore(%run_scoped3A : memref<!tpu.dma_semaphore, #tpu.memory_space<semaphore_mem>>)
      %dma_wait3A = arith.constant 0 : i32
      %dma_wait3A_176 = tpu.memref_slice %arg5[%add3A_90, %dma_wait3A] : memref<40960x128xf32, #tpu.memory_space<hbm>> -> memref<64x128xf32, #tpu.memory_space<hbm>>
      %dma_wait3A_177 = arith.constant 0 : i32
      %dma_wait3A_178 = tpu.memref_slice %arg5[%add3A_90, %dma_wait3A_177] : memref<40960x128xf32, #tpu.memory_space<hbm>> -> memref<64x128xf32, #tpu.memory_space<hbm>>
      tpu.wait_dma2 semaphore(%run_scoped3A : memref<!tpu.dma_semaphore, #tpu.memory_space<semaphore_mem>>) src(%arg8 : memref<64x128xf32, #tpu.memory_space<vmem>>) dst(%dma_wait3A_178 : memref<64x128xf32, #tpu.memory_space<hbm>>)
      tpu.yield
    }) : () -> ()
    %barrier3A_91 = arith.constant 0 : index
    tpu.barrier barrier_id(%barrier3A_91)
    %mul3A_92 = arith.constant 2 : i32
    %mul3A_93 = arith.muli %arg0, %mul3A_92 : i32
    %add3A_94 = arith.constant 1 : i32
    %add3A_95 = arith.addi %mul3A_93, %add3A_94 : i32
    %mul3A_96 = arith.constant 10240 : i32
    %mul3A_97 = arith.muli %add3A_95, %mul3A_96 : i32
    %add3A_98 = arith.constant 0 : i32
    %add3A_99 = arith.addi %mul3A_12, %add3A_98 : i32
    %add3A_100 = arith.addi %mul3A_97, %add3A_99 : i32
    "tpu.region"() ({
      %run_scoped3A = tpu.sem_alloc : memref<!tpu.dma_semaphore, #tpu.memory_space<semaphore_mem>>
      %dma_start3A = arith.constant 0 : i32
      %dma_start3A_173 = tpu.memref_slice %arg2[%add3A_100, %dma_start3A] : memref<40960x128xf32, #tpu.memory_space<hbm>> -> memref<64x128xf32, #tpu.memory_space<hbm>>
      %dma_start3A_174 = arith.constant 0 : i32
      %dma_start3A_175 = tpu.memref_slice %arg2[%add3A_100, %dma_start3A_174] : memref<40960x128xf32, #tpu.memory_space<hbm>> -> memref<64x128xf32, #tpu.memory_space<hbm>>
      tpu.enqueue_dma source(%dma_start3A_175 : memref<64x128xf32, #tpu.memory_space<hbm>>) target(%arg8 : memref<64x128xf32, #tpu.memory_space<vmem>>) target_semaphore(%run_scoped3A : memref<!tpu.dma_semaphore, #tpu.memory_space<semaphore_mem>>)
      %dma_wait3A = arith.constant 0 : i32
      %dma_wait3A_176 = tpu.memref_slice %arg2[%add3A_100, %dma_wait3A] : memref<40960x128xf32, #tpu.memory_space<hbm>> -> memref<64x128xf32, #tpu.memory_space<hbm>>
      %dma_wait3A_177 = arith.constant 0 : i32
      %dma_wait3A_178 = tpu.memref_slice %arg2[%add3A_100, %dma_wait3A_177] : memref<40960x128xf32, #tpu.memory_space<hbm>> -> memref<64x128xf32, #tpu.memory_space<hbm>>
      tpu.wait_dma2 semaphore(%run_scoped3A : memref<!tpu.dma_semaphore, #tpu.memory_space<semaphore_mem>>) src(%dma_wait3A_178 : memref<64x128xf32, #tpu.memory_space<hbm>>) dst(%arg8 : memref<64x128xf32, #tpu.memory_space<vmem>>)
      tpu.yield
    }) : () -> ()
    "tpu.region"() ({
      %run_scoped3A = tpu.sem_alloc : memref<!tpu.dma_semaphore, #tpu.memory_space<semaphore_mem>>
      %dma_start3A = arith.constant 0 : i32
      %dma_start3A_173 = tpu.memref_slice %arg6[%add3A_99, %dma_start3A] : memref<10240x128xf32, #tpu.memory_space<vmem_shared>> -> memref<64x128xf32, #tpu.memory_space<vmem_shared>>
      %dma_start3A_174 = arith.constant 0 : i32
      %dma_start3A_175 = tpu.memref_slice %arg6[%add3A_99, %dma_start3A_174] : memref<10240x128xf32, #tpu.memory_space<vmem_shared>> -> memref<64x128xf32, #tpu.memory_space<vmem_shared>>
      tpu.enqueue_dma source(%arg8 : memref<64x128xf32, #tpu.memory_space<vmem>>) target(%dma_start3A_175 : memref<64x128xf32, #tpu.memory_space<vmem_shared>>) target_semaphore(%run_scoped3A : memref<!tpu.dma_semaphore, #tpu.memory_space<semaphore_mem>>)
      %dma_wait3A = arith.constant 0 : i32
      %dma_wait3A_176 = tpu.memref_slice %arg6[%add3A_99, %dma_wait3A] : memref<10240x128xf32, #tpu.memory_space<vmem_shared>> -> memref<64x128xf32, #tpu.memory_space<vmem_shared>>
      %dma_wait3A_177 = arith.constant 0 : i32
      %dma_wait3A_178 = tpu.memref_slice %arg6[%add3A_99, %dma_wait3A_177] : memref<10240x128xf32, #tpu.memory_space<vmem_shared>> -> memref<64x128xf32, #tpu.memory_space<vmem_shared>>
      tpu.wait_dma2 semaphore(%run_scoped3A : memref<!tpu.dma_semaphore, #tpu.memory_space<semaphore_mem>>) src(%arg8 : memref<64x128xf32, #tpu.memory_space<vmem>>) dst(%dma_wait3A_178 : memref<64x128xf32, #tpu.memory_space<vmem_shared>>)
      tpu.yield
    }) : () -> ()
    %add3A_101 = arith.constant 64 : i32
    %add3A_102 = arith.addi %mul3A_12, %add3A_101 : i32
    %add3A_103 = arith.addi %mul3A_97, %add3A_102 : i32
    "tpu.region"() ({
      %run_scoped3A = tpu.sem_alloc : memref<!tpu.dma_semaphore, #tpu.memory_space<semaphore_mem>>
      %dma_start3A = arith.constant 0 : i32
      %dma_start3A_173 = tpu.memref_slice %arg2[%add3A_103, %dma_start3A] : memref<40960x128xf32, #tpu.memory_space<hbm>> -> memref<64x128xf32, #tpu.memory_space<hbm>>
      %dma_start3A_174 = arith.constant 0 : i32
      %dma_start3A_175 = tpu.memref_slice %arg2[%add3A_103, %dma_start3A_174] : memref<40960x128xf32, #tpu.memory_space<hbm>> -> memref<64x128xf32, #tpu.memory_space<hbm>>
      tpu.enqueue_dma source(%dma_start3A_175 : memref<64x128xf32, #tpu.memory_space<hbm>>) target(%arg8 : memref<64x128xf32, #tpu.memory_space<vmem>>) target_semaphore(%run_scoped3A : memref<!tpu.dma_semaphore, #tpu.memory_space<semaphore_mem>>)
      %dma_wait3A = arith.constant 0 : i32
      %dma_wait3A_176 = tpu.memref_slice %arg2[%add3A_103, %dma_wait3A] : memref<40960x128xf32, #tpu.memory_space<hbm>> -> memref<64x128xf32, #tpu.memory_space<hbm>>
      %dma_wait3A_177 = arith.constant 0 : i32
      %dma_wait3A_178 = tpu.memref_slice %arg2[%add3A_103, %dma_wait3A_177] : memref<40960x128xf32, #tpu.memory_space<hbm>> -> memref<64x128xf32, #tpu.memory_space<hbm>>
      tpu.wait_dma2 semaphore(%run_scoped3A : memref<!tpu.dma_semaphore, #tpu.memory_space<semaphore_mem>>) src(%dma_wait3A_178 : memref<64x128xf32, #tpu.memory_space<hbm>>) dst(%arg8 : memref<64x128xf32, #tpu.memory_space<vmem>>)
      tpu.yield
    }) : () -> ()
    "tpu.region"() ({
      %run_scoped3A = tpu.sem_alloc : memref<!tpu.dma_semaphore, #tpu.memory_space<semaphore_mem>>
      %dma_start3A = arith.constant 0 : i32
      %dma_start3A_173 = tpu.memref_slice %arg6[%add3A_102, %dma_start3A] : memref<10240x128xf32, #tpu.memory_space<vmem_shared>> -> memref<64x128xf32, #tpu.memory_space<vmem_shared>>
      %dma_start3A_174 = arith.constant 0 : i32
      %dma_start3A_175 = tpu.memref_slice %arg6[%add3A_102, %dma_start3A_174] : memref<10240x128xf32, #tpu.memory_space<vmem_shared>> -> memref<64x128xf32, #tpu.memory_space<vmem_shared>>
      tpu.enqueue_dma source(%arg8 : memref<64x128xf32, #tpu.memory_space<vmem>>) target(%dma_start3A_175 : memref<64x128xf32, #tpu.memory_space<vmem_shared>>) target_semaphore(%run_scoped3A : memref<!tpu.dma_semaphore, #tpu.memory_space<semaphore_mem>>)
      %dma_wait3A = arith.constant 0 : i32
      %dma_wait3A_176 = tpu.memref_slice %arg6[%add3A_102, %dma_wait3A] : memref<10240x128xf32, #tpu.memory_space<vmem_shared>> -> memref<64x128xf32, #tpu.memory_space<vmem_shared>>
      %dma_wait3A_177 = arith.constant 0 : i32
      %dma_wait3A_178 = tpu.memref_slice %arg6[%add3A_102, %dma_wait3A_177] : memref<10240x128xf32, #tpu.memory_space<vmem_shared>> -> memref<64x128xf32, #tpu.memory_space<vmem_shared>>
      tpu.wait_dma2 semaphore(%run_scoped3A : memref<!tpu.dma_semaphore, #tpu.memory_space<semaphore_mem>>) src(%arg8 : memref<64x128xf32, #tpu.memory_space<vmem>>) dst(%dma_wait3A_178 : memref<64x128xf32, #tpu.memory_space<vmem_shared>>)
      tpu.yield
    }) : () -> ()
    %add3A_104 = arith.constant 128 : i32
    %add3A_105 = arith.addi %mul3A_12, %add3A_104 : i32
    %add3A_106 = arith.addi %mul3A_97, %add3A_105 : i32
    "tpu.region"() ({
      %run_scoped3A = tpu.sem_alloc : memref<!tpu.dma_semaphore, #tpu.memory_space<semaphore_mem>>
      %dma_start3A = arith.constant 0 : i32
      %dma_start3A_173 = tpu.memref_slice %arg2[%add3A_106, %dma_start3A] : memref<40960x128xf32, #tpu.memory_space<hbm>> -> memref<64x128xf32, #tpu.memory_space<hbm>>
      %dma_start3A_174 = arith.constant 0 : i32
      %dma_start3A_175 = tpu.memref_slice %arg2[%add3A_106, %dma_start3A_174] : memref<40960x128xf32, #tpu.memory_space<hbm>> -> memref<64x128xf32, #tpu.memory_space<hbm>>
      tpu.enqueue_dma source(%dma_start3A_175 : memref<64x128xf32, #tpu.memory_space<hbm>>) target(%arg8 : memref<64x128xf32, #tpu.memory_space<vmem>>) target_semaphore(%run_scoped3A : memref<!tpu.dma_semaphore, #tpu.memory_space<semaphore_mem>>)
      %dma_wait3A = arith.constant 0 : i32
      %dma_wait3A_176 = tpu.memref_slice %arg2[%add3A_106, %dma_wait3A] : memref<40960x128xf32, #tpu.memory_space<hbm>> -> memref<64x128xf32, #tpu.memory_space<hbm>>
      %dma_wait3A_177 = arith.constant 0 : i32
      %dma_wait3A_178 = tpu.memref_slice %arg2[%add3A_106, %dma_wait3A_177] : memref<40960x128xf32, #tpu.memory_space<hbm>> -> memref<64x128xf32, #tpu.memory_space<hbm>>
      tpu.wait_dma2 semaphore(%run_scoped3A : memref<!tpu.dma_semaphore, #tpu.memory_space<semaphore_mem>>) src(%dma_wait3A_178 : memref<64x128xf32, #tpu.memory_space<hbm>>) dst(%arg8 : memref<64x128xf32, #tpu.memory_space<vmem>>)
      tpu.yield
    }) : () -> ()
    "tpu.region"() ({
      %run_scoped3A = tpu.sem_alloc : memref<!tpu.dma_semaphore, #tpu.memory_space<semaphore_mem>>
      %dma_start3A = arith.constant 0 : i32
      %dma_start3A_173 = tpu.memref_slice %arg6[%add3A_105, %dma_start3A] : memref<10240x128xf32, #tpu.memory_space<vmem_shared>> -> memref<64x128xf32, #tpu.memory_space<vmem_shared>>
      %dma_start3A_174 = arith.constant 0 : i32
      %dma_start3A_175 = tpu.memref_slice %arg6[%add3A_105, %dma_start3A_174] : memref<10240x128xf32, #tpu.memory_space<vmem_shared>> -> memref<64x128xf32, #tpu.memory_space<vmem_shared>>
      tpu.enqueue_dma source(%arg8 : memref<64x128xf32, #tpu.memory_space<vmem>>) target(%dma_start3A_175 : memref<64x128xf32, #tpu.memory_space<vmem_shared>>) target_semaphore(%run_scoped3A : memref<!tpu.dma_semaphore, #tpu.memory_space<semaphore_mem>>)
      %dma_wait3A = arith.constant 0 : i32
      %dma_wait3A_176 = tpu.memref_slice %arg6[%add3A_105, %dma_wait3A] : memref<10240x128xf32, #tpu.memory_space<vmem_shared>> -> memref<64x128xf32, #tpu.memory_space<vmem_shared>>
      %dma_wait3A_177 = arith.constant 0 : i32
      %dma_wait3A_178 = tpu.memref_slice %arg6[%add3A_105, %dma_wait3A_177] : memref<10240x128xf32, #tpu.memory_space<vmem_shared>> -> memref<64x128xf32, #tpu.memory_space<vmem_shared>>
      tpu.wait_dma2 semaphore(%run_scoped3A : memref<!tpu.dma_semaphore, #tpu.memory_space<semaphore_mem>>) src(%arg8 : memref<64x128xf32, #tpu.memory_space<vmem>>) dst(%dma_wait3A_178 : memref<64x128xf32, #tpu.memory_space<vmem_shared>>)
      tpu.yield
    }) : () -> ()
    %add3A_107 = arith.constant 192 : i32
    %add3A_108 = arith.addi %mul3A_12, %add3A_107 : i32
    %add3A_109 = arith.addi %mul3A_97, %add3A_108 : i32
    "tpu.region"() ({
      %run_scoped3A = tpu.sem_alloc : memref<!tpu.dma_semaphore, #tpu.memory_space<semaphore_mem>>
      %dma_start3A = arith.constant 0 : i32
      %dma_start3A_173 = tpu.memref_slice %arg2[%add3A_109, %dma_start3A] : memref<40960x128xf32, #tpu.memory_space<hbm>> -> memref<64x128xf32, #tpu.memory_space<hbm>>
      %dma_start3A_174 = arith.constant 0 : i32
      %dma_start3A_175 = tpu.memref_slice %arg2[%add3A_109, %dma_start3A_174] : memref<40960x128xf32, #tpu.memory_space<hbm>> -> memref<64x128xf32, #tpu.memory_space<hbm>>
      tpu.enqueue_dma source(%dma_start3A_175 : memref<64x128xf32, #tpu.memory_space<hbm>>) target(%arg8 : memref<64x128xf32, #tpu.memory_space<vmem>>) target_semaphore(%run_scoped3A : memref<!tpu.dma_semaphore, #tpu.memory_space<semaphore_mem>>)
      %dma_wait3A = arith.constant 0 : i32
      %dma_wait3A_176 = tpu.memref_slice %arg2[%add3A_109, %dma_wait3A] : memref<40960x128xf32, #tpu.memory_space<hbm>> -> memref<64x128xf32, #tpu.memory_space<hbm>>
      %dma_wait3A_177 = arith.constant 0 : i32
      %dma_wait3A_178 = tpu.memref_slice %arg2[%add3A_109, %dma_wait3A_177] : memref<40960x128xf32, #tpu.memory_space<hbm>> -> memref<64x128xf32, #tpu.memory_space<hbm>>
      tpu.wait_dma2 semaphore(%run_scoped3A : memref<!tpu.dma_semaphore, #tpu.memory_space<semaphore_mem>>) src(%dma_wait3A_178 : memref<64x128xf32, #tpu.memory_space<hbm>>) dst(%arg8 : memref<64x128xf32, #tpu.memory_space<vmem>>)
      tpu.yield
    }) : () -> ()
    "tpu.region"() ({
      %run_scoped3A = tpu.sem_alloc : memref<!tpu.dma_semaphore, #tpu.memory_space<semaphore_mem>>
      %dma_start3A = arith.constant 0 : i32
      %dma_start3A_173 = tpu.memref_slice %arg6[%add3A_108, %dma_start3A] : memref<10240x128xf32, #tpu.memory_space<vmem_shared>> -> memref<64x128xf32, #tpu.memory_space<vmem_shared>>
      %dma_start3A_174 = arith.constant 0 : i32
      %dma_start3A_175 = tpu.memref_slice %arg6[%add3A_108, %dma_start3A_174] : memref<10240x128xf32, #tpu.memory_space<vmem_shared>> -> memref<64x128xf32, #tpu.memory_space<vmem_shared>>
      tpu.enqueue_dma source(%arg8 : memref<64x128xf32, #tpu.memory_space<vmem>>) target(%dma_start3A_175 : memref<64x128xf32, #tpu.memory_space<vmem_shared>>) target_semaphore(%run_scoped3A : memref<!tpu.dma_semaphore, #tpu.memory_space<semaphore_mem>>)
      %dma_wait3A = arith.constant 0 : i32
      %dma_wait3A_176 = tpu.memref_slice %arg6[%add3A_108, %dma_wait3A] : memref<10240x128xf32, #tpu.memory_space<vmem_shared>> -> memref<64x128xf32, #tpu.memory_space<vmem_shared>>
      %dma_wait3A_177 = arith.constant 0 : i32
      %dma_wait3A_178 = tpu.memref_slice %arg6[%add3A_108, %dma_wait3A_177] : memref<10240x128xf32, #tpu.memory_space<vmem_shared>> -> memref<64x128xf32, #tpu.memory_space<vmem_shared>>
      tpu.wait_dma2 semaphore(%run_scoped3A : memref<!tpu.dma_semaphore, #tpu.memory_space<semaphore_mem>>) src(%arg8 : memref<64x128xf32, #tpu.memory_space<vmem>>) dst(%dma_wait3A_178 : memref<64x128xf32, #tpu.memory_space<vmem_shared>>)
      tpu.yield
    }) : () -> ()
    %add3A_110 = arith.constant 256 : i32
    %add3A_111 = arith.addi %mul3A_12, %add3A_110 : i32
    %add3A_112 = arith.addi %mul3A_97, %add3A_111 : i32
    "tpu.region"() ({
      %run_scoped3A = tpu.sem_alloc : memref<!tpu.dma_semaphore, #tpu.memory_space<semaphore_mem>>
      %dma_start3A = arith.constant 0 : i32
      %dma_start3A_173 = tpu.memref_slice %arg2[%add3A_112, %dma_start3A] : memref<40960x128xf32, #tpu.memory_space<hbm>> -> memref<64x128xf32, #tpu.memory_space<hbm>>
      %dma_start3A_174 = arith.constant 0 : i32
      %dma_start3A_175 = tpu.memref_slice %arg2[%add3A_112, %dma_start3A_174] : memref<40960x128xf32, #tpu.memory_space<hbm>> -> memref<64x128xf32, #tpu.memory_space<hbm>>
      tpu.enqueue_dma source(%dma_start3A_175 : memref<64x128xf32, #tpu.memory_space<hbm>>) target(%arg8 : memref<64x128xf32, #tpu.memory_space<vmem>>) target_semaphore(%run_scoped3A : memref<!tpu.dma_semaphore, #tpu.memory_space<semaphore_mem>>)
      %dma_wait3A = arith.constant 0 : i32
      %dma_wait3A_176 = tpu.memref_slice %arg2[%add3A_112, %dma_wait3A] : memref<40960x128xf32, #tpu.memory_space<hbm>> -> memref<64x128xf32, #tpu.memory_space<hbm>>
      %dma_wait3A_177 = arith.constant 0 : i32
      %dma_wait3A_178 = tpu.memref_slice %arg2[%add3A_112, %dma_wait3A_177] : memref<40960x128xf32, #tpu.memory_space<hbm>> -> memref<64x128xf32, #tpu.memory_space<hbm>>
      tpu.wait_dma2 semaphore(%run_scoped3A : memref<!tpu.dma_semaphore, #tpu.memory_space<semaphore_mem>>) src(%dma_wait3A_178 : memref<64x128xf32, #tpu.memory_space<hbm>>) dst(%arg8 : memref<64x128xf32, #tpu.memory_space<vmem>>)
      tpu.yield
    }) : () -> ()
    "tpu.region"() ({
      %run_scoped3A = tpu.sem_alloc : memref<!tpu.dma_semaphore, #tpu.memory_space<semaphore_mem>>
      %dma_start3A = arith.constant 0 : i32
      %dma_start3A_173 = tpu.memref_slice %arg6[%add3A_111, %dma_start3A] : memref<10240x128xf32, #tpu.memory_space<vmem_shared>> -> memref<64x128xf32, #tpu.memory_space<vmem_shared>>
      %dma_start3A_174 = arith.constant 0 : i32
      %dma_start3A_175 = tpu.memref_slice %arg6[%add3A_111, %dma_start3A_174] : memref<10240x128xf32, #tpu.memory_space<vmem_shared>> -> memref<64x128xf32, #tpu.memory_space<vmem_shared>>
      tpu.enqueue_dma source(%arg8 : memref<64x128xf32, #tpu.memory_space<vmem>>) target(%dma_start3A_175 : memref<64x128xf32, #tpu.memory_space<vmem_shared>>) target_semaphore(%run_scoped3A : memref<!tpu.dma_semaphore, #tpu.memory_space<semaphore_mem>>)
      %dma_wait3A = arith.constant 0 : i32
      %dma_wait3A_176 = tpu.memref_slice %arg6[%add3A_111, %dma_wait3A] : memref<10240x128xf32, #tpu.memory_space<vmem_shared>> -> memref<64x128xf32, #tpu.memory_space<vmem_shared>>
      %dma_wait3A_177 = arith.constant 0 : i32
      %dma_wait3A_178 = tpu.memref_slice %arg6[%add3A_111, %dma_wait3A_177] : memref<10240x128xf32, #tpu.memory_space<vmem_shared>> -> memref<64x128xf32, #tpu.memory_space<vmem_shared>>
      tpu.wait_dma2 semaphore(%run_scoped3A : memref<!tpu.dma_semaphore, #tpu.memory_space<semaphore_mem>>) src(%arg8 : memref<64x128xf32, #tpu.memory_space<vmem>>) dst(%dma_wait3A_178 : memref<64x128xf32, #tpu.memory_space<vmem_shared>>)
      tpu.yield
    }) : () -> ()
    %add3A_113 = arith.constant 320 : i32
    %add3A_114 = arith.addi %mul3A_12, %add3A_113 : i32
    %add3A_115 = arith.addi %mul3A_97, %add3A_114 : i32
    "tpu.region"() ({
      %run_scoped3A = tpu.sem_alloc : memref<!tpu.dma_semaphore, #tpu.memory_space<semaphore_mem>>
      %dma_start3A = arith.constant 0 : i32
      %dma_start3A_173 = tpu.memref_slice %arg2[%add3A_115, %dma_start3A] : memref<40960x128xf32, #tpu.memory_space<hbm>> -> memref<64x128xf32, #tpu.memory_space<hbm>>
      %dma_start3A_174 = arith.constant 0 : i32
      %dma_start3A_175 = tpu.memref_slice %arg2[%add3A_115, %dma_start3A_174] : memref<40960x128xf32, #tpu.memory_space<hbm>> -> memref<64x128xf32, #tpu.memory_space<hbm>>
      tpu.enqueue_dma source(%dma_start3A_175 : memref<64x128xf32, #tpu.memory_space<hbm>>) target(%arg8 : memref<64x128xf32, #tpu.memory_space<vmem>>) target_semaphore(%run_scoped3A : memref<!tpu.dma_semaphore, #tpu.memory_space<semaphore_mem>>)
      %dma_wait3A = arith.constant 0 : i32
      %dma_wait3A_176 = tpu.memref_slice %arg2[%add3A_115, %dma_wait3A] : memref<40960x128xf32, #tpu.memory_space<hbm>> -> memref<64x128xf32, #tpu.memory_space<hbm>>
      %dma_wait3A_177 = arith.constant 0 : i32
      %dma_wait3A_178 = tpu.memref_slice %arg2[%add3A_115, %dma_wait3A_177] : memref<40960x128xf32, #tpu.memory_space<hbm>> -> memref<64x128xf32, #tpu.memory_space<hbm>>
      tpu.wait_dma2 semaphore(%run_scoped3A : memref<!tpu.dma_semaphore, #tpu.memory_space<semaphore_mem>>) src(%dma_wait3A_178 : memref<64x128xf32, #tpu.memory_space<hbm>>) dst(%arg8 : memref<64x128xf32, #tpu.memory_space<vmem>>)
      tpu.yield
    }) : () -> ()
    "tpu.region"() ({
      %run_scoped3A = tpu.sem_alloc : memref<!tpu.dma_semaphore, #tpu.memory_space<semaphore_mem>>
      %dma_start3A = arith.constant 0 : i32
      %dma_start3A_173 = tpu.memref_slice %arg6[%add3A_114, %dma_start3A] : memref<10240x128xf32, #tpu.memory_space<vmem_shared>> -> memref<64x128xf32, #tpu.memory_space<vmem_shared>>
      %dma_start3A_174 = arith.constant 0 : i32
      %dma_start3A_175 = tpu.memref_slice %arg6[%add3A_114, %dma_start3A_174] : memref<10240x128xf32, #tpu.memory_space<vmem_shared>> -> memref<64x128xf32, #tpu.memory_space<vmem_shared>>
      tpu.enqueue_dma source(%arg8 : memref<64x128xf32, #tpu.memory_space<vmem>>) target(%dma_start3A_175 : memref<64x128xf32, #tpu.memory_space<vmem_shared>>) target_semaphore(%run_scoped3A : memref<!tpu.dma_semaphore, #tpu.memory_space<semaphore_mem>>)
      %dma_wait3A = arith.constant 0 : i32
      %dma_wait3A_176 = tpu.memref_slice %arg6[%add3A_114, %dma_wait3A] : memref<10240x128xf32, #tpu.memory_space<vmem_shared>> -> memref<64x128xf32, #tpu.memory_space<vmem_shared>>
      %dma_wait3A_177 = arith.constant 0 : i32
      %dma_wait3A_178 = tpu.memref_slice %arg6[%add3A_114, %dma_wait3A_177] : memref<10240x128xf32, #tpu.memory_space<vmem_shared>> -> memref<64x128xf32, #tpu.memory_space<vmem_shared>>
      tpu.wait_dma2 semaphore(%run_scoped3A : memref<!tpu.dma_semaphore, #tpu.memory_space<semaphore_mem>>) src(%arg8 : memref<64x128xf32, #tpu.memory_space<vmem>>) dst(%dma_wait3A_178 : memref<64x128xf32, #tpu.memory_space<vmem_shared>>)
      tpu.yield
    }) : () -> ()
    %add3A_116 = arith.constant 384 : i32
    %add3A_117 = arith.addi %mul3A_12, %add3A_116 : i32
    %add3A_118 = arith.addi %mul3A_97, %add3A_117 : i32
    "tpu.region"() ({
      %run_scoped3A = tpu.sem_alloc : memref<!tpu.dma_semaphore, #tpu.memory_space<semaphore_mem>>
      %dma_start3A = arith.constant 0 : i32
      %dma_start3A_173 = tpu.memref_slice %arg2[%add3A_118, %dma_start3A] : memref<40960x128xf32, #tpu.memory_space<hbm>> -> memref<64x128xf32, #tpu.memory_space<hbm>>
      %dma_start3A_174 = arith.constant 0 : i32
      %dma_start3A_175 = tpu.memref_slice %arg2[%add3A_118, %dma_start3A_174] : memref<40960x128xf32, #tpu.memory_space<hbm>> -> memref<64x128xf32, #tpu.memory_space<hbm>>
      tpu.enqueue_dma source(%dma_start3A_175 : memref<64x128xf32, #tpu.memory_space<hbm>>) target(%arg8 : memref<64x128xf32, #tpu.memory_space<vmem>>) target_semaphore(%run_scoped3A : memref<!tpu.dma_semaphore, #tpu.memory_space<semaphore_mem>>)
      %dma_wait3A = arith.constant 0 : i32
      %dma_wait3A_176 = tpu.memref_slice %arg2[%add3A_118, %dma_wait3A] : memref<40960x128xf32, #tpu.memory_space<hbm>> -> memref<64x128xf32, #tpu.memory_space<hbm>>
      %dma_wait3A_177 = arith.constant 0 : i32
      %dma_wait3A_178 = tpu.memref_slice %arg2[%add3A_118, %dma_wait3A_177] : memref<40960x128xf32, #tpu.memory_space<hbm>> -> memref<64x128xf32, #tpu.memory_space<hbm>>
      tpu.wait_dma2 semaphore(%run_scoped3A : memref<!tpu.dma_semaphore, #tpu.memory_space<semaphore_mem>>) src(%dma_wait3A_178 : memref<64x128xf32, #tpu.memory_space<hbm>>) dst(%arg8 : memref<64x128xf32, #tpu.memory_space<vmem>>)
      tpu.yield
    }) : () -> ()
    "tpu.region"() ({
      %run_scoped3A = tpu.sem_alloc : memref<!tpu.dma_semaphore, #tpu.memory_space<semaphore_mem>>
      %dma_start3A = arith.constant 0 : i32
      %dma_start3A_173 = tpu.memref_slice %arg6[%add3A_117, %dma_start3A] : memref<10240x128xf32, #tpu.memory_space<vmem_shared>> -> memref<64x128xf32, #tpu.memory_space<vmem_shared>>
      %dma_start3A_174 = arith.constant 0 : i32
      %dma_start3A_175 = tpu.memref_slice %arg6[%add3A_117, %dma_start3A_174] : memref<10240x128xf32, #tpu.memory_space<vmem_shared>> -> memref<64x128xf32, #tpu.memory_space<vmem_shared>>
      tpu.enqueue_dma source(%arg8 : memref<64x128xf32, #tpu.memory_space<vmem>>) target(%dma_start3A_175 : memref<64x128xf32, #tpu.memory_space<vmem_shared>>) target_semaphore(%run_scoped3A : memref<!tpu.dma_semaphore, #tpu.memory_space<semaphore_mem>>)
      %dma_wait3A = arith.constant 0 : i32
      %dma_wait3A_176 = tpu.memref_slice %arg6[%add3A_117, %dma_wait3A] : memref<10240x128xf32, #tpu.memory_space<vmem_shared>> -> memref<64x128xf32, #tpu.memory_space<vmem_shared>>
      %dma_wait3A_177 = arith.constant 0 : i32
      %dma_wait3A_178 = tpu.memref_slice %arg6[%add3A_117, %dma_wait3A_177] : memref<10240x128xf32, #tpu.memory_space<vmem_shared>> -> memref<64x128xf32, #tpu.memory_space<vmem_shared>>
      tpu.wait_dma2 semaphore(%run_scoped3A : memref<!tpu.dma_semaphore, #tpu.memory_space<semaphore_mem>>) src(%arg8 : memref<64x128xf32, #tpu.memory_space<vmem>>) dst(%dma_wait3A_178 : memref<64x128xf32, #tpu.memory_space<vmem_shared>>)
      tpu.yield
    }) : () -> ()
    %add3A_119 = arith.constant 448 : i32
    %add3A_120 = arith.addi %mul3A_12, %add3A_119 : i32
    %add3A_121 = arith.addi %mul3A_97, %add3A_120 : i32
    "tpu.region"() ({
      %run_scoped3A = tpu.sem_alloc : memref<!tpu.dma_semaphore, #tpu.memory_space<semaphore_mem>>
      %dma_start3A = arith.constant 0 : i32
      %dma_start3A_173 = tpu.memref_slice %arg2[%add3A_121, %dma_start3A] : memref<40960x128xf32, #tpu.memory_space<hbm>> -> memref<64x128xf32, #tpu.memory_space<hbm>>
      %dma_start3A_174 = arith.constant 0 : i32
      %dma_start3A_175 = tpu.memref_slice %arg2[%add3A_121, %dma_start3A_174] : memref<40960x128xf32, #tpu.memory_space<hbm>> -> memref<64x128xf32, #tpu.memory_space<hbm>>
      tpu.enqueue_dma source(%dma_start3A_175 : memref<64x128xf32, #tpu.memory_space<hbm>>) target(%arg8 : memref<64x128xf32, #tpu.memory_space<vmem>>) target_semaphore(%run_scoped3A : memref<!tpu.dma_semaphore, #tpu.memory_space<semaphore_mem>>)
      %dma_wait3A = arith.constant 0 : i32
      %dma_wait3A_176 = tpu.memref_slice %arg2[%add3A_121, %dma_wait3A] : memref<40960x128xf32, #tpu.memory_space<hbm>> -> memref<64x128xf32, #tpu.memory_space<hbm>>
      %dma_wait3A_177 = arith.constant 0 : i32
      %dma_wait3A_178 = tpu.memref_slice %arg2[%add3A_121, %dma_wait3A_177] : memref<40960x128xf32, #tpu.memory_space<hbm>> -> memref<64x128xf32, #tpu.memory_space<hbm>>
      tpu.wait_dma2 semaphore(%run_scoped3A : memref<!tpu.dma_semaphore, #tpu.memory_space<semaphore_mem>>) src(%dma_wait3A_178 : memref<64x128xf32, #tpu.memory_space<hbm>>) dst(%arg8 : memref<64x128xf32, #tpu.memory_space<vmem>>)
      tpu.yield
    }) : () -> ()
    "tpu.region"() ({
      %run_scoped3A = tpu.sem_alloc : memref<!tpu.dma_semaphore, #tpu.memory_space<semaphore_mem>>
      %dma_start3A = arith.constant 0 : i32
      %dma_start3A_173 = tpu.memref_slice %arg6[%add3A_120, %dma_start3A] : memref<10240x128xf32, #tpu.memory_space<vmem_shared>> -> memref<64x128xf32, #tpu.memory_space<vmem_shared>>
      %dma_start3A_174 = arith.constant 0 : i32
      %dma_start3A_175 = tpu.memref_slice %arg6[%add3A_120, %dma_start3A_174] : memref<10240x128xf32, #tpu.memory_space<vmem_shared>> -> memref<64x128xf32, #tpu.memory_space<vmem_shared>>
      tpu.enqueue_dma source(%arg8 : memref<64x128xf32, #tpu.memory_space<vmem>>) target(%dma_start3A_175 : memref<64x128xf32, #tpu.memory_space<vmem_shared>>) target_semaphore(%run_scoped3A : memref<!tpu.dma_semaphore, #tpu.memory_space<semaphore_mem>>)
      %dma_wait3A = arith.constant 0 : i32
      %dma_wait3A_176 = tpu.memref_slice %arg6[%add3A_120, %dma_wait3A] : memref<10240x128xf32, #tpu.memory_space<vmem_shared>> -> memref<64x128xf32, #tpu.memory_space<vmem_shared>>
      %dma_wait3A_177 = arith.constant 0 : i32
      %dma_wait3A_178 = tpu.memref_slice %arg6[%add3A_120, %dma_wait3A_177] : memref<10240x128xf32, #tpu.memory_space<vmem_shared>> -> memref<64x128xf32, #tpu.memory_space<vmem_shared>>
      tpu.wait_dma2 semaphore(%run_scoped3A : memref<!tpu.dma_semaphore, #tpu.memory_space<semaphore_mem>>) src(%arg8 : memref<64x128xf32, #tpu.memory_space<vmem>>) dst(%dma_wait3A_178 : memref<64x128xf32, #tpu.memory_space<vmem_shared>>)
      tpu.yield
    }) : () -> ()
    %add3A_122 = arith.constant 512 : i32
    %add3A_123 = arith.addi %mul3A_12, %add3A_122 : i32
    %add3A_124 = arith.addi %mul3A_97, %add3A_123 : i32
    "tpu.region"() ({
      %run_scoped3A = tpu.sem_alloc : memref<!tpu.dma_semaphore, #tpu.memory_space<semaphore_mem>>
      %dma_start3A = arith.constant 0 : i32
      %dma_start3A_173 = tpu.memref_slice %arg2[%add3A_124, %dma_start3A] : memref<40960x128xf32, #tpu.memory_space<hbm>> -> memref<64x128xf32, #tpu.memory_space<hbm>>
      %dma_start3A_174 = arith.constant 0 : i32
      %dma_start3A_175 = tpu.memref_slice %arg2[%add3A_124, %dma_start3A_174] : memref<40960x128xf32, #tpu.memory_space<hbm>> -> memref<64x128xf32, #tpu.memory_space<hbm>>
      tpu.enqueue_dma source(%dma_start3A_175 : memref<64x128xf32, #tpu.memory_space<hbm>>) target(%arg8 : memref<64x128xf32, #tpu.memory_space<vmem>>) target_semaphore(%run_scoped3A : memref<!tpu.dma_semaphore, #tpu.memory_space<semaphore_mem>>)
      %dma_wait3A = arith.constant 0 : i32
      %dma_wait3A_176 = tpu.memref_slice %arg2[%add3A_124, %dma_wait3A] : memref<40960x128xf32, #tpu.memory_space<hbm>> -> memref<64x128xf32, #tpu.memory_space<hbm>>
      %dma_wait3A_177 = arith.constant 0 : i32
      %dma_wait3A_178 = tpu.memref_slice %arg2[%add3A_124, %dma_wait3A_177] : memref<40960x128xf32, #tpu.memory_space<hbm>> -> memref<64x128xf32, #tpu.memory_space<hbm>>
      tpu.wait_dma2 semaphore(%run_scoped3A : memref<!tpu.dma_semaphore, #tpu.memory_space<semaphore_mem>>) src(%dma_wait3A_178 : memref<64x128xf32, #tpu.memory_space<hbm>>) dst(%arg8 : memref<64x128xf32, #tpu.memory_space<vmem>>)
      tpu.yield
    }) : () -> ()
    "tpu.region"() ({
      %run_scoped3A = tpu.sem_alloc : memref<!tpu.dma_semaphore, #tpu.memory_space<semaphore_mem>>
      %dma_start3A = arith.constant 0 : i32
      %dma_start3A_173 = tpu.memref_slice %arg6[%add3A_123, %dma_start3A] : memref<10240x128xf32, #tpu.memory_space<vmem_shared>> -> memref<64x128xf32, #tpu.memory_space<vmem_shared>>
      %dma_start3A_174 = arith.constant 0 : i32
      %dma_start3A_175 = tpu.memref_slice %arg6[%add3A_123, %dma_start3A_174] : memref<10240x128xf32, #tpu.memory_space<vmem_shared>> -> memref<64x128xf32, #tpu.memory_space<vmem_shared>>
      tpu.enqueue_dma source(%arg8 : memref<64x128xf32, #tpu.memory_space<vmem>>) target(%dma_start3A_175 : memref<64x128xf32, #tpu.memory_space<vmem_shared>>) target_semaphore(%run_scoped3A : memref<!tpu.dma_semaphore, #tpu.memory_space<semaphore_mem>>)
      %dma_wait3A = arith.constant 0 : i32
      %dma_wait3A_176 = tpu.memref_slice %arg6[%add3A_123, %dma_wait3A] : memref<10240x128xf32, #tpu.memory_space<vmem_shared>> -> memref<64x128xf32, #tpu.memory_space<vmem_shared>>
      %dma_wait3A_177 = arith.constant 0 : i32
      %dma_wait3A_178 = tpu.memref_slice %arg6[%add3A_123, %dma_wait3A_177] : memref<10240x128xf32, #tpu.memory_space<vmem_shared>> -> memref<64x128xf32, #tpu.memory_space<vmem_shared>>
      tpu.wait_dma2 semaphore(%run_scoped3A : memref<!tpu.dma_semaphore, #tpu.memory_space<semaphore_mem>>) src(%arg8 : memref<64x128xf32, #tpu.memory_space<vmem>>) dst(%dma_wait3A_178 : memref<64x128xf32, #tpu.memory_space<vmem_shared>>)
      tpu.yield
    }) : () -> ()
    %add3A_125 = arith.constant 576 : i32
    %add3A_126 = arith.addi %mul3A_12, %add3A_125 : i32
    %add3A_127 = arith.addi %mul3A_97, %add3A_126 : i32
    "tpu.region"() ({
      %run_scoped3A = tpu.sem_alloc : memref<!tpu.dma_semaphore, #tpu.memory_space<semaphore_mem>>
      %dma_start3A = arith.constant 0 : i32
      %dma_start3A_173 = tpu.memref_slice %arg2[%add3A_127, %dma_start3A] : memref<40960x128xf32, #tpu.memory_space<hbm>> -> memref<64x128xf32, #tpu.memory_space<hbm>>
      %dma_start3A_174 = arith.constant 0 : i32
      %dma_start3A_175 = tpu.memref_slice %arg2[%add3A_127, %dma_start3A_174] : memref<40960x128xf32, #tpu.memory_space<hbm>> -> memref<64x128xf32, #tpu.memory_space<hbm>>
      tpu.enqueue_dma source(%dma_start3A_175 : memref<64x128xf32, #tpu.memory_space<hbm>>) target(%arg8 : memref<64x128xf32, #tpu.memory_space<vmem>>) target_semaphore(%run_scoped3A : memref<!tpu.dma_semaphore, #tpu.memory_space<semaphore_mem>>)
      %dma_wait3A = arith.constant 0 : i32
      %dma_wait3A_176 = tpu.memref_slice %arg2[%add3A_127, %dma_wait3A] : memref<40960x128xf32, #tpu.memory_space<hbm>> -> memref<64x128xf32, #tpu.memory_space<hbm>>
      %dma_wait3A_177 = arith.constant 0 : i32
      %dma_wait3A_178 = tpu.memref_slice %arg2[%add3A_127, %dma_wait3A_177] : memref<40960x128xf32, #tpu.memory_space<hbm>> -> memref<64x128xf32, #tpu.memory_space<hbm>>
      tpu.wait_dma2 semaphore(%run_scoped3A : memref<!tpu.dma_semaphore, #tpu.memory_space<semaphore_mem>>) src(%dma_wait3A_178 : memref<64x128xf32, #tpu.memory_space<hbm>>) dst(%arg8 : memref<64x128xf32, #tpu.memory_space<vmem>>)
      tpu.yield
    }) : () -> ()
    "tpu.region"() ({
      %run_scoped3A = tpu.sem_alloc : memref<!tpu.dma_semaphore, #tpu.memory_space<semaphore_mem>>
      %dma_start3A = arith.constant 0 : i32
      %dma_start3A_173 = tpu.memref_slice %arg6[%add3A_126, %dma_start3A] : memref<10240x128xf32, #tpu.memory_space<vmem_shared>> -> memref<64x128xf32, #tpu.memory_space<vmem_shared>>
      %dma_start3A_174 = arith.constant 0 : i32
      %dma_start3A_175 = tpu.memref_slice %arg6[%add3A_126, %dma_start3A_174] : memref<10240x128xf32, #tpu.memory_space<vmem_shared>> -> memref<64x128xf32, #tpu.memory_space<vmem_shared>>
      tpu.enqueue_dma source(%arg8 : memref<64x128xf32, #tpu.memory_space<vmem>>) target(%dma_start3A_175 : memref<64x128xf32, #tpu.memory_space<vmem_shared>>) target_semaphore(%run_scoped3A : memref<!tpu.dma_semaphore, #tpu.memory_space<semaphore_mem>>)
      %dma_wait3A = arith.constant 0 : i32
      %dma_wait3A_176 = tpu.memref_slice %arg6[%add3A_126, %dma_wait3A] : memref<10240x128xf32, #tpu.memory_space<vmem_shared>> -> memref<64x128xf32, #tpu.memory_space<vmem_shared>>
      %dma_wait3A_177 = arith.constant 0 : i32
      %dma_wait3A_178 = tpu.memref_slice %arg6[%add3A_126, %dma_wait3A_177] : memref<10240x128xf32, #tpu.memory_space<vmem_shared>> -> memref<64x128xf32, #tpu.memory_space<vmem_shared>>
      tpu.wait_dma2 semaphore(%run_scoped3A : memref<!tpu.dma_semaphore, #tpu.memory_space<semaphore_mem>>) src(%arg8 : memref<64x128xf32, #tpu.memory_space<vmem>>) dst(%dma_wait3A_178 : memref<64x128xf32, #tpu.memory_space<vmem_shared>>)
      tpu.yield
    }) : () -> ()
    %barrier3A_128 = arith.constant 0 : index
    tpu.barrier barrier_id(%barrier3A_128)
    %while3A_129 = arith.constant 0 : i32
    %while3A_130 = arith.constant 0 : i32
    %while3A_131 = arith.subi %select_n3A, %while3A_129 : i32
    %while3A_132 = arith.addi %while3A_129, %while3A_131 : i32
    %while3A_133 = arith.constant 1 : i32
    %while3A_134 = arith.divsi %while3A_131, %while3A_133 : i32
    %while3A_135 = arith.muli %while3A_134, %while3A_133 : i32
    %while3A_136 = arith.addi %while3A_129, %while3A_135 : i32
    %while3A_137 = arith.constant 1 : i32
    %while3A_138 = scf.for %while3A_173 = %while3A_129 to %while3A_136 step %while3A_137 iter_args(%while3A_174 = %while3A_130) -> (i32)  : i32 {
      %mul3A_175 = arith.constant 256 : i32
      %mul3A_176 = arith.muli %while3A_173, %mul3A_175 : i32
      %add3A_177 = arith.addi %mul3A_10, %mul3A_176 : i32
      "tpu.region"() ({
        %run_scoped3A = tpu.sem_alloc : memref<!tpu.dma_semaphore, #tpu.memory_space<semaphore_mem>>
        %dma_start3A_325 = tpu.memref_slice %arg3[%add3A_177] : memref<160000xi32, #tpu.memory_space<hbm>> -> memref<256xi32, #tpu.memory_space<hbm>>
        %dma_start3A_326 = tpu.memref_slice %arg3[%add3A_177] : memref<160000xi32, #tpu.memory_space<hbm>> -> memref<256xi32, #tpu.memory_space<hbm>>
        tpu.enqueue_dma source(%dma_start3A_326 : memref<256xi32, #tpu.memory_space<hbm>>) target(%arg9 : memref<256xi32, #tpu.memory_space<vmem>>) target_semaphore(%run_scoped3A : memref<!tpu.dma_semaphore, #tpu.memory_space<semaphore_mem>>)
        %dma_wait3A_327 = tpu.memref_slice %arg3[%add3A_177] : memref<160000xi32, #tpu.memory_space<hbm>> -> memref<256xi32, #tpu.memory_space<hbm>>
        %dma_wait3A_328 = tpu.memref_slice %arg3[%add3A_177] : memref<160000xi32, #tpu.memory_space<hbm>> -> memref<256xi32, #tpu.memory_space<hbm>>
        tpu.wait_dma2 semaphore(%run_scoped3A : memref<!tpu.dma_semaphore, #tpu.memory_space<semaphore_mem>>) src(%dma_wait3A_328 : memref<256xi32, #tpu.memory_space<hbm>>) dst(%arg9 : memref<256xi32, #tpu.memory_space<vmem>>)
        tpu.yield
      }) : () -> ()
      "tpu.region"() ({
        %run_scoped3A = tpu.sem_alloc : memref<!tpu.dma_semaphore, #tpu.memory_space<semaphore_mem>>
        %dma_start3A_325 = tpu.memref_slice %arg4[%add3A_177] : memref<160000xi32, #tpu.memory_space<hbm>> -> memref<256xi32, #tpu.memory_space<hbm>>
        %dma_start3A_326 = tpu.memref_slice %arg4[%add3A_177] : memref<160000xi32, #tpu.memory_space<hbm>> -> memref<256xi32, #tpu.memory_space<hbm>>
        tpu.enqueue_dma source(%dma_start3A_326 : memref<256xi32, #tpu.memory_space<hbm>>) target(%arg10 : memref<256xi32, #tpu.memory_space<vmem>>) target_semaphore(%run_scoped3A : memref<!tpu.dma_semaphore, #tpu.memory_space<semaphore_mem>>)
        %dma_wait3A_327 = tpu.memref_slice %arg4[%add3A_177] : memref<160000xi32, #tpu.memory_space<hbm>> -> memref<256xi32, #tpu.memory_space<hbm>>
        %dma_wait3A_328 = tpu.memref_slice %arg4[%add3A_177] : memref<160000xi32, #tpu.memory_space<hbm>> -> memref<256xi32, #tpu.memory_space<hbm>>
        tpu.wait_dma2 semaphore(%run_scoped3A : memref<!tpu.dma_semaphore, #tpu.memory_space<semaphore_mem>>) src(%dma_wait3A_328 : memref<256xi32, #tpu.memory_space<hbm>>) dst(%arg10 : memref<256xi32, #tpu.memory_space<vmem>>)
        tpu.yield
      }) : () -> ()
      %get3A = arith.constant 0 : index
      %get3A_178 = tpu.vector_load %arg9[%get3A] {strides = array<i32>} : memref<256xi32, #tpu.memory_space<vmem>>, vector<16xi32>,
      %get3A_179 = vector.shape_cast %get3A_178 : vector<16xi32> to vector<16xi32>
      %add3A_180 = vector.broadcast %mul3A_97 : i32 to vector<16xi32>
      %add3A_181 = arith.addi %get3A_179, %add3A_180 : vector<16xi32>
      %swap3A = arith.constant 0 : index
      %swap3A_182 = tpu.vector_load %arg9[%swap3A] {strides = array<i32>} : memref<256xi32, #tpu.memory_space<vmem>>, vector<16xi32>,
      %swap3A_183 = vector.shape_cast %swap3A_182 : vector<16xi32> to vector<16xi32>
      %swap3A_184 = vector.shape_cast %add3A_181 : vector<16xi32> to vector<16xi32>
      tpu.vector_store %arg9[%swap3A], %swap3A_184 {strides = array<i32>} : memref<256xi32, #tpu.memory_space<vmem>>, vector<16xi32>,
      %get3A_185 = arith.constant 16 : index
      %get3A_186 = tpu.vector_load %arg9[%get3A_185] {strides = array<i32>} : memref<256xi32, #tpu.memory_space<vmem>>, vector<16xi32>,
      %get3A_187 = vector.shape_cast %get3A_186 : vector<16xi32> to vector<16xi32>
      %add3A_188 = vector.broadcast %mul3A_97 : i32 to vector<16xi32>
      %add3A_189 = arith.addi %get3A_187, %add3A_188 : vector<16xi32>
      %swap3A_190 = arith.constant 16 : index
      %swap3A_191 = tpu.vector_load %arg9[%swap3A_190] {strides = array<i32>} : memref<256xi32, #tpu.memory_space<vmem>>, vector<16xi32>,
      %swap3A_192 = vector.shape_cast %swap3A_191 : vector<16xi32> to vector<16xi32>
      %swap3A_193 = vector.shape_cast %add3A_189 : vector<16xi32> to vector<16xi32>
      tpu.vector_store %arg9[%swap3A_190], %swap3A_193 {strides = array<i32>} : memref<256xi32, #tpu.memory_space<vmem>>, vector<16xi32>,
      %get3A_194 = arith.constant 32 : index
      %get3A_195 = tpu.vector_load %arg9[%get3A_194] {strides = array<i32>} : memref<256xi32, #tpu.memory_space<vmem>>, vector<16xi32>,
      %get3A_196 = vector.shape_cast %get3A_195 : vector<16xi32> to vector<16xi32>
      %add3A_197 = vector.broadcast %mul3A_97 : i32 to vector<16xi32>
      %add3A_198 = arith.addi %get3A_196, %add3A_197 : vector<16xi32>
      %swap3A_199 = arith.constant 32 : index
      %swap3A_200 = tpu.vector_load %arg9[%swap3A_199] {strides = array<i32>} : memref<256xi32, #tpu.memory_space<vmem>>, vector<16xi32>,
      %swap3A_201 = vector.shape_cast %swap3A_200 : vector<16xi32> to vector<16xi32>
      %swap3A_202 = vector.shape_cast %add3A_198 : vector<16xi32> to vector<16xi32>
      tpu.vector_store %arg9[%swap3A_199], %swap3A_202 {strides = array<i32>} : memref<256xi32, #tpu.memory_space<vmem>>, vector<16xi32>,
      %get3A_203 = arith.constant 48 : index
      %get3A_204 = tpu.vector_load %arg9[%get3A_203] {strides = array<i32>} : memref<256xi32, #tpu.memory_space<vmem>>, vector<16xi32>,
      %get3A_205 = vector.shape_cast %get3A_204 : vector<16xi32> to vector<16xi32>
      %add3A_206 = vector.broadcast %mul3A_97 : i32 to vector<16xi32>
      %add3A_207 = arith.addi %get3A_205, %add3A_206 : vector<16xi32>
      %swap3A_208 = arith.constant 48 : index
      %swap3A_209 = tpu.vector_load %arg9[%swap3A_208] {strides = array<i32>} : memref<256xi32, #tpu.memory_space<vmem>>, vector<16xi32>,
      %swap3A_210 = vector.shape_cast %swap3A_209 : vector<16xi32> to vector<16xi32>
      %swap3A_211 = vector.shape_cast %add3A_207 : vector<16xi32> to vector<16xi32>
      tpu.vector_store %arg9[%swap3A_208], %swap3A_211 {strides = array<i32>} : memref<256xi32, #tpu.memory_space<vmem>>, vector<16xi32>,
      %get3A_212 = arith.constant 64 : index
      %get3A_213 = tpu.vector_load %arg9[%get3A_212] {strides = array<i32>} : memref<256xi32, #tpu.memory_space<vmem>>, vector<16xi32>,
      %get3A_214 = vector.shape_cast %get3A_213 : vector<16xi32> to vector<16xi32>
      %add3A_215 = vector.broadcast %mul3A_97 : i32 to vector<16xi32>
      %add3A_216 = arith.addi %get3A_214, %add3A_215 : vector<16xi32>
      %swap3A_217 = arith.constant 64 : index
      %swap3A_218 = tpu.vector_load %arg9[%swap3A_217] {strides = array<i32>} : memref<256xi32, #tpu.memory_space<vmem>>, vector<16xi32>,
      %swap3A_219 = vector.shape_cast %swap3A_218 : vector<16xi32> to vector<16xi32>
      %swap3A_220 = vector.shape_cast %add3A_216 : vector<16xi32> to vector<16xi32>
      tpu.vector_store %arg9[%swap3A_217], %swap3A_220 {strides = array<i32>} : memref<256xi32, #tpu.memory_space<vmem>>, vector<16xi32>,
      %get3A_221 = arith.constant 80 : index
      %get3A_222 = tpu.vector_load %arg9[%get3A_221] {strides = array<i32>} : memref<256xi32, #tpu.memory_space<vmem>>, vector<16xi32>,
      %get3A_223 = vector.shape_cast %get3A_222 : vector<16xi32> to vector<16xi32>
      %add3A_224 = vector.broadcast %mul3A_97 : i32 to vector<16xi32>
      %add3A_225 = arith.addi %get3A_223, %add3A_224 : vector<16xi32>
      %swap3A_226 = arith.constant 80 : index
      %swap3A_227 = tpu.vector_load %arg9[%swap3A_226] {strides = array<i32>} : memref<256xi32, #tpu.memory_space<vmem>>, vector<16xi32>,
      %swap3A_228 = vector.shape_cast %swap3A_227 : vector<16xi32> to vector<16xi32>
      %swap3A_229 = vector.shape_cast %add3A_225 : vector<16xi32> to vector<16xi32>
      tpu.vector_store %arg9[%swap3A_226], %swap3A_229 {strides = array<i32>} : memref<256xi32, #tpu.memory_space<vmem>>, vector<16xi32>,
      %get3A_230 = arith.constant 96 : index
      %get3A_231 = tpu.vector_load %arg9[%get3A_230] {strides = array<i32>} : memref<256xi32, #tpu.memory_space<vmem>>, vector<16xi32>,
      %get3A_232 = vector.shape_cast %get3A_231 : vector<16xi32> to vector<16xi32>
      %add3A_233 = vector.broadcast %mul3A_97 : i32 to vector<16xi32>
      %add3A_234 = arith.addi %get3A_232, %add3A_233 : vector<16xi32>
      %swap3A_235 = arith.constant 96 : index
      %swap3A_236 = tpu.vector_load %arg9[%swap3A_235] {strides = array<i32>} : memref<256xi32, #tpu.memory_space<vmem>>, vector<16xi32>,
      %swap3A_237 = vector.shape_cast %swap3A_236 : vector<16xi32> to vector<16xi32>
      %swap3A_238 = vector.shape_cast %add3A_234 : vector<16xi32> to vector<16xi32>
      tpu.vector_store %arg9[%swap3A_235], %swap3A_238 {strides = array<i32>} : memref<256xi32, #tpu.memory_space<vmem>>, vector<16xi32>,
      %get3A_239 = arith.constant 112 : index
      %get3A_240 = tpu.vector_load %arg9[%get3A_239] {strides = array<i32>} : memref<256xi32, #tpu.memory_space<vmem>>, vector<16xi32>,
      %get3A_241 = vector.shape_cast %get3A_240 : vector<16xi32> to vector<16xi32>
      %add3A_242 = vector.broadcast %mul3A_97 : i32 to vector<16xi32>
      %add3A_243 = arith.addi %get3A_241, %add3A_242 : vector<16xi32>
      %swap3A_244 = arith.constant 112 : index
      %swap3A_245 = tpu.vector_load %arg9[%swap3A_244] {strides = array<i32>} : memref<256xi32, #tpu.memory_space<vmem>>, vector<16xi32>,
      %swap3A_246 = vector.shape_cast %swap3A_245 : vector<16xi32> to vector<16xi32>
      %swap3A_247 = vector.shape_cast %add3A_243 : vector<16xi32> to vector<16xi32>
      tpu.vector_store %arg9[%swap3A_244], %swap3A_247 {strides = array<i32>} : memref<256xi32, #tpu.memory_space<vmem>>, vector<16xi32>,
      %get3A_248 = arith.constant 128 : index
      %get3A_249 = tpu.vector_load %arg9[%get3A_248] {strides = array<i32>} : memref<256xi32, #tpu.memory_space<vmem>>, vector<16xi32>,
      %get3A_250 = vector.shape_cast %get3A_249 : vector<16xi32> to vector<16xi32>
      %add3A_251 = vector.broadcast %mul3A_97 : i32 to vector<16xi32>
      %add3A_252 = arith.addi %get3A_250, %add3A_251 : vector<16xi32>
      %swap3A_253 = arith.constant 128 : index
      %swap3A_254 = tpu.vector_load %arg9[%swap3A_253] {strides = array<i32>} : memref<256xi32, #tpu.memory_space<vmem>>, vector<16xi32>,
      %swap3A_255 = vector.shape_cast %swap3A_254 : vector<16xi32> to vector<16xi32>
      %swap3A_256 = vector.shape_cast %add3A_252 : vector<16xi32> to vector<16xi32>
      tpu.vector_store %arg9[%swap3A_253], %swap3A_256 {strides = array<i32>} : memref<256xi32, #tpu.memory_space<vmem>>, vector<16xi32>,
      %get3A_257 = arith.constant 144 : index
      %get3A_258 = tpu.vector_load %arg9[%get3A_257] {strides = array<i32>} : memref<256xi32, #tpu.memory_space<vmem>>, vector<16xi32>,
      %get3A_259 = vector.shape_cast %get3A_258 : vector<16xi32> to vector<16xi32>
      %add3A_260 = vector.broadcast %mul3A_97 : i32 to vector<16xi32>
      %add3A_261 = arith.addi %get3A_259, %add3A_260 : vector<16xi32>
      %swap3A_262 = arith.constant 144 : index
      %swap3A_263 = tpu.vector_load %arg9[%swap3A_262] {strides = array<i32>} : memref<256xi32, #tpu.memory_space<vmem>>, vector<16xi32>,
      %swap3A_264 = vector.shape_cast %swap3A_263 : vector<16xi32> to vector<16xi32>
      %swap3A_265 = vector.shape_cast %add3A_261 : vector<16xi32> to vector<16xi32>
      tpu.vector_store %arg9[%swap3A_262], %swap3A_265 {strides = array<i32>} : memref<256xi32, #tpu.memory_space<vmem>>, vector<16xi32>,
      %get3A_266 = arith.constant 160 : index
      %get3A_267 = tpu.vector_load %arg9[%get3A_266] {strides = array<i32>} : memref<256xi32, #tpu.memory_space<vmem>>, vector<16xi32>,
      %get3A_268 = vector.shape_cast %get3A_267 : vector<16xi32> to vector<16xi32>
      %add3A_269 = vector.broadcast %mul3A_97 : i32 to vector<16xi32>
      %add3A_270 = arith.addi %get3A_268, %add3A_269 : vector<16xi32>
      %swap3A_271 = arith.constant 160 : index
      %swap3A_272 = tpu.vector_load %arg9[%swap3A_271] {strides = array<i32>} : memref<256xi32, #tpu.memory_space<vmem>>, vector<16xi32>,
      %swap3A_273 = vector.shape_cast %swap3A_272 : vector<16xi32> to vector<16xi32>
      %swap3A_274 = vector.shape_cast %add3A_270 : vector<16xi32> to vector<16xi32>
      tpu.vector_store %arg9[%swap3A_271], %swap3A_274 {strides = array<i32>} : memref<256xi32, #tpu.memory_space<vmem>>, vector<16xi32>,
      %get3A_275 = arith.constant 176 : index
      %get3A_276 = tpu.vector_load %arg9[%get3A_275] {strides = array<i32>} : memref<256xi32, #tpu.memory_space<vmem>>, vector<16xi32>,
      %get3A_277 = vector.shape_cast %get3A_276 : vector<16xi32> to vector<16xi32>
      %add3A_278 = vector.broadcast %mul3A_97 : i32 to vector<16xi32>
      %add3A_279 = arith.addi %get3A_277, %add3A_278 : vector<16xi32>
      %swap3A_280 = arith.constant 176 : index
      %swap3A_281 = tpu.vector_load %arg9[%swap3A_280] {strides = array<i32>} : memref<256xi32, #tpu.memory_space<vmem>>, vector<16xi32>,
      %swap3A_282 = vector.shape_cast %swap3A_281 : vector<16xi32> to vector<16xi32>
      %swap3A_283 = vector.shape_cast %add3A_279 : vector<16xi32> to vector<16xi32>
      tpu.vector_store %arg9[%swap3A_280], %swap3A_283 {strides = array<i32>} : memref<256xi32, #tpu.memory_space<vmem>>, vector<16xi32>,
      %get3A_284 = arith.constant 192 : index
      %get3A_285 = tpu.vector_load %arg9[%get3A_284] {strides = array<i32>} : memref<256xi32, #tpu.memory_space<vmem>>, vector<16xi32>,
      %get3A_286 = vector.shape_cast %get3A_285 : vector<16xi32> to vector<16xi32>
      %add3A_287 = vector.broadcast %mul3A_97 : i32 to vector<16xi32>
      %add3A_288 = arith.addi %get3A_286, %add3A_287 : vector<16xi32>
      %swap3A_289 = arith.constant 192 : index
      %swap3A_290 = tpu.vector_load %arg9[%swap3A_289] {strides = array<i32>} : memref<256xi32, #tpu.memory_space<vmem>>, vector<16xi32>,
      %swap3A_291 = vector.shape_cast %swap3A_290 : vector<16xi32> to vector<16xi32>
      %swap3A_292 = vector.shape_cast %add3A_288 : vector<16xi32> to vector<16xi32>
      tpu.vector_store %arg9[%swap3A_289], %swap3A_292 {strides = array<i32>} : memref<256xi32, #tpu.memory_space<vmem>>, vector<16xi32>,
      %get3A_293 = arith.constant 208 : index
      %get3A_294 = tpu.vector_load %arg9[%get3A_293] {strides = array<i32>} : memref<256xi32, #tpu.memory_space<vmem>>, vector<16xi32>,
      %get3A_295 = vector.shape_cast %get3A_294 : vector<16xi32> to vector<16xi32>
      %add3A_296 = vector.broadcast %mul3A_97 : i32 to vector<16xi32>
      %add3A_297 = arith.addi %get3A_295, %add3A_296 : vector<16xi32>
      %swap3A_298 = arith.constant 208 : index
      %swap3A_299 = tpu.vector_load %arg9[%swap3A_298] {strides = array<i32>} : memref<256xi32, #tpu.memory_space<vmem>>, vector<16xi32>,
      %swap3A_300 = vector.shape_cast %swap3A_299 : vector<16xi32> to vector<16xi32>
      %swap3A_301 = vector.shape_cast %add3A_297 : vector<16xi32> to vector<16xi32>
      tpu.vector_store %arg9[%swap3A_298], %swap3A_301 {strides = array<i32>} : memref<256xi32, #tpu.memory_space<vmem>>, vector<16xi32>,
      %get3A_302 = arith.constant 224 : index
      %get3A_303 = tpu.vector_load %arg9[%get3A_302] {strides = array<i32>} : memref<256xi32, #tpu.memory_space<vmem>>, vector<16xi32>,
      %get3A_304 = vector.shape_cast %get3A_303 : vector<16xi32> to vector<16xi32>
      %add3A_305 = vector.broadcast %mul3A_97 : i32 to vector<16xi32>
      %add3A_306 = arith.addi %get3A_304, %add3A_305 : vector<16xi32>
      %swap3A_307 = arith.constant 224 : index
      %swap3A_308 = tpu.vector_load %arg9[%swap3A_307] {strides = array<i32>} : memref<256xi32, #tpu.memory_space<vmem>>, vector<16xi32>,
      %swap3A_309 = vector.shape_cast %swap3A_308 : vector<16xi32> to vector<16xi32>
      %swap3A_310 = vector.shape_cast %add3A_306 : vector<16xi32> to vector<16xi32>
      tpu.vector_store %arg9[%swap3A_307], %swap3A_310 {strides = array<i32>} : memref<256xi32, #tpu.memory_space<vmem>>, vector<16xi32>,
      %get3A_311 = arith.constant 240 : index
      %get3A_312 = tpu.vector_load %arg9[%get3A_311] {strides = array<i32>} : memref<256xi32, #tpu.memory_space<vmem>>, vector<16xi32>,
      %get3A_313 = vector.shape_cast %get3A_312 : vector<16xi32> to vector<16xi32>
      %add3A_314 = vector.broadcast %mul3A_97 : i32 to vector<16xi32>
      %add3A_315 = arith.addi %get3A_313, %add3A_314 : vector<16xi32>
      %swap3A_316 = arith.constant 240 : index
      %swap3A_317 = tpu.vector_load %arg9[%swap3A_316] {strides = array<i32>} : memref<256xi32, #tpu.memory_space<vmem>>, vector<16xi32>,
      %swap3A_318 = vector.shape_cast %swap3A_317 : vector<16xi32> to vector<16xi32>
      %swap3A_319 = vector.shape_cast %add3A_315 : vector<16xi32> to vector<16xi32>
      tpu.vector_store %arg9[%swap3A_316], %swap3A_319 {strides = array<i32>} : memref<256xi32, #tpu.memory_space<vmem>>, vector<16xi32>,
      %dma_start3A = arith.constant 0 : i32
      %dma_start3A_320 = arith.constant 0 : i32
      %dma_start3A_321 = tpu.memref_slice %arg2[%dma_start3A, %dma_start3A_320] : memref<40960x128xf32, #tpu.memory_space<hbm>> -> memref<40960x128xf32, #tpu.memory_space<hbm>>
      tpu.enqueue_indirect_dma source(%dma_start3A_321 : memref<40960x128xf32, #tpu.memory_space<hbm>>) target(%arg7 : memref<256x128xf32, #tpu.memory_space<vmem>>) offsets(%arg9 : memref<256xi32, #tpu.memory_space<vmem>>) semaphore(%arg11 : memref<!tpu.dma_semaphore, #tpu.memory_space<semaphore_mem>>)
      %dma_wait3A = arith.constant 0 : i32
      %dma_wait3A_322 = arith.constant 0 : i32
      %dma_wait3A_323 = tpu.memref_slice %arg2[%dma_wait3A, %dma_wait3A_322] : memref<40960x128xf32, #tpu.memory_space<hbm>> -> memref<40960x128xf32, #tpu.memory_space<hbm>>
      tpu.wait_indirect_dma semaphore(%arg11 : memref<!tpu.dma_semaphore, #tpu.memory_space<semaphore_mem>>) src(%dma_wait3A_323 : memref<40960x128xf32, #tpu.memory_space<hbm>>) dst(%arg7 : memref<256x128xf32, #tpu.memory_space<vmem>>)
      "tpu.region"() ({
        %run_scoped3A = tpu.sem_alloc : memref<!tpu.dma_semaphore, #tpu.memory_space<semaphore_mem>>
        %dma_start3A_325 = arith.constant 0 : i32
        %dma_start3A_326 = arith.constant 0 : i32
        %dma_start3A_327 = tpu.memref_slice %arg6[%dma_start3A_325, %dma_start3A_326] : memref<10240x128xf32, #tpu.memory_space<vmem_shared>> -> memref<10240x128xf32, #tpu.memory_space<vmem_shared>>
        tpu.enqueue_indirect_dma source(%arg7 : memref<256x128xf32, #tpu.memory_space<vmem>>) target(%dma_start3A_327 : memref<10240x128xf32, #tpu.memory_space<vmem_shared>>) offsets(%arg10 : memref<256xi32, #tpu.memory_space<vmem>>) semaphore(%run_scoped3A : memref<!tpu.dma_semaphore, #tpu.memory_space<semaphore_mem>>) {add = true}
        %dma_wait3A_328 = arith.constant 0 : i32
        %dma_wait3A_329 = arith.constant 0 : i32
        %dma_wait3A_330 = tpu.memref_slice %arg6[%dma_wait3A_328, %dma_wait3A_329] : memref<10240x128xf32, #tpu.memory_space<vmem_shared>> -> memref<10240x128xf32, #tpu.memory_space<vmem_shared>>
        tpu.wait_indirect_dma semaphore(%run_scoped3A : memref<!tpu.dma_semaphore, #tpu.memory_space<semaphore_mem>>) src(%arg7 : memref<256x128xf32, #tpu.memory_space<vmem>>) dst(%dma_wait3A_330 : memref<10240x128xf32, #tpu.memory_space<vmem_shared>>)
        tpu.yield
      }) : () -> ()
      %while3A_324 = arith.constant 0 : i32
      scf.yield %while3A_324 : i32
    }
    %while3A_139 = arith.constant 1 : i32
    %while3A_140 = scf.for %while3A_173 = %while3A_136 to %while3A_132 step %while3A_139 iter_args(%while3A_174 = %while3A_138) -> (i32)  : i32 {
      %mul3A_175 = arith.constant 256 : i32
      %mul3A_176 = arith.muli %while3A_173, %mul3A_175 : i32
      %add3A_177 = arith.addi %mul3A_10, %mul3A_176 : i32
      "tpu.region"() ({
        %run_scoped3A = tpu.sem_alloc : memref<!tpu.dma_semaphore, #tpu.memory_space<semaphore_mem>>
        %dma_start3A_325 = tpu.memref_slice %arg3[%add3A_177] : memref<160000xi32, #tpu.memory_space<hbm>> -> memref<256xi32, #tpu.memory_space<hbm>>
        %dma_start3A_326 = tpu.memref_slice %arg3[%add3A_177] : memref<160000xi32, #tpu.memory_space<hbm>> -> memref<256xi32, #tpu.memory_space<hbm>>
        tpu.enqueue_dma source(%dma_start3A_326 : memref<256xi32, #tpu.memory_space<hbm>>) target(%arg9 : memref<256xi32, #tpu.memory_space<vmem>>) target_semaphore(%run_scoped3A : memref<!tpu.dma_semaphore, #tpu.memory_space<semaphore_mem>>)
        %dma_wait3A_327 = tpu.memref_slice %arg3[%add3A_177] : memref<160000xi32, #tpu.memory_space<hbm>> -> memref<256xi32, #tpu.memory_space<hbm>>
        %dma_wait3A_328 = tpu.memref_slice %arg3[%add3A_177] : memref<160000xi32, #tpu.memory_space<hbm>> -> memref<256xi32, #tpu.memory_space<hbm>>
        tpu.wait_dma2 semaphore(%run_scoped3A : memref<!tpu.dma_semaphore, #tpu.memory_space<semaphore_mem>>) src(%dma_wait3A_328 : memref<256xi32, #tpu.memory_space<hbm>>) dst(%arg9 : memref<256xi32, #tpu.memory_space<vmem>>)
        tpu.yield
      }) : () -> ()
      "tpu.region"() ({
        %run_scoped3A = tpu.sem_alloc : memref<!tpu.dma_semaphore, #tpu.memory_space<semaphore_mem>>
        %dma_start3A_325 = tpu.memref_slice %arg4[%add3A_177] : memref<160000xi32, #tpu.memory_space<hbm>> -> memref<256xi32, #tpu.memory_space<hbm>>
        %dma_start3A_326 = tpu.memref_slice %arg4[%add3A_177] : memref<160000xi32, #tpu.memory_space<hbm>> -> memref<256xi32, #tpu.memory_space<hbm>>
        tpu.enqueue_dma source(%dma_start3A_326 : memref<256xi32, #tpu.memory_space<hbm>>) target(%arg10 : memref<256xi32, #tpu.memory_space<vmem>>) target_semaphore(%run_scoped3A : memref<!tpu.dma_semaphore, #tpu.memory_space<semaphore_mem>>)
        %dma_wait3A_327 = tpu.memref_slice %arg4[%add3A_177] : memref<160000xi32, #tpu.memory_space<hbm>> -> memref<256xi32, #tpu.memory_space<hbm>>
        %dma_wait3A_328 = tpu.memref_slice %arg4[%add3A_177] : memref<160000xi32, #tpu.memory_space<hbm>> -> memref<256xi32, #tpu.memory_space<hbm>>
        tpu.wait_dma2 semaphore(%run_scoped3A : memref<!tpu.dma_semaphore, #tpu.memory_space<semaphore_mem>>) src(%dma_wait3A_328 : memref<256xi32, #tpu.memory_space<hbm>>) dst(%arg10 : memref<256xi32, #tpu.memory_space<vmem>>)
        tpu.yield
      }) : () -> ()
      %get3A = arith.constant 0 : index
      %get3A_178 = tpu.vector_load %arg9[%get3A] {strides = array<i32>} : memref<256xi32, #tpu.memory_space<vmem>>, vector<16xi32>,
      %get3A_179 = vector.shape_cast %get3A_178 : vector<16xi32> to vector<16xi32>
      %add3A_180 = vector.broadcast %mul3A_97 : i32 to vector<16xi32>
      %add3A_181 = arith.addi %get3A_179, %add3A_180 : vector<16xi32>
      %swap3A = arith.constant 0 : index
      %swap3A_182 = tpu.vector_load %arg9[%swap3A] {strides = array<i32>} : memref<256xi32, #tpu.memory_space<vmem>>, vector<16xi32>,
      %swap3A_183 = vector.shape_cast %swap3A_182 : vector<16xi32> to vector<16xi32>
      %swap3A_184 = vector.shape_cast %add3A_181 : vector<16xi32> to vector<16xi32>
      tpu.vector_store %arg9[%swap3A], %swap3A_184 {strides = array<i32>} : memref<256xi32, #tpu.memory_space<vmem>>, vector<16xi32>,
      %get3A_185 = arith.constant 16 : index
      %get3A_186 = tpu.vector_load %arg9[%get3A_185] {strides = array<i32>} : memref<256xi32, #tpu.memory_space<vmem>>, vector<16xi32>,
      %get3A_187 = vector.shape_cast %get3A_186 : vector<16xi32> to vector<16xi32>
      %add3A_188 = vector.broadcast %mul3A_97 : i32 to vector<16xi32>
      %add3A_189 = arith.addi %get3A_187, %add3A_188 : vector<16xi32>
      %swap3A_190 = arith.constant 16 : index
      %swap3A_191 = tpu.vector_load %arg9[%swap3A_190] {strides = array<i32>} : memref<256xi32, #tpu.memory_space<vmem>>, vector<16xi32>,
      %swap3A_192 = vector.shape_cast %swap3A_191 : vector<16xi32> to vector<16xi32>
      %swap3A_193 = vector.shape_cast %add3A_189 : vector<16xi32> to vector<16xi32>
      tpu.vector_store %arg9[%swap3A_190], %swap3A_193 {strides = array<i32>} : memref<256xi32, #tpu.memory_space<vmem>>, vector<16xi32>,
      %get3A_194 = arith.constant 32 : index
      %get3A_195 = tpu.vector_load %arg9[%get3A_194] {strides = array<i32>} : memref<256xi32, #tpu.memory_space<vmem>>, vector<16xi32>,
      %get3A_196 = vector.shape_cast %get3A_195 : vector<16xi32> to vector<16xi32>
      %add3A_197 = vector.broadcast %mul3A_97 : i32 to vector<16xi32>
      %add3A_198 = arith.addi %get3A_196, %add3A_197 : vector<16xi32>
      %swap3A_199 = arith.constant 32 : index
      %swap3A_200 = tpu.vector_load %arg9[%swap3A_199] {strides = array<i32>} : memref<256xi32, #tpu.memory_space<vmem>>, vector<16xi32>,
      %swap3A_201 = vector.shape_cast %swap3A_200 : vector<16xi32> to vector<16xi32>
      %swap3A_202 = vector.shape_cast %add3A_198 : vector<16xi32> to vector<16xi32>
      tpu.vector_store %arg9[%swap3A_199], %swap3A_202 {strides = array<i32>} : memref<256xi32, #tpu.memory_space<vmem>>, vector<16xi32>,
      %get3A_203 = arith.constant 48 : index
      %get3A_204 = tpu.vector_load %arg9[%get3A_203] {strides = array<i32>} : memref<256xi32, #tpu.memory_space<vmem>>, vector<16xi32>,
      %get3A_205 = vector.shape_cast %get3A_204 : vector<16xi32> to vector<16xi32>
      %add3A_206 = vector.broadcast %mul3A_97 : i32 to vector<16xi32>
      %add3A_207 = arith.addi %get3A_205, %add3A_206 : vector<16xi32>
      %swap3A_208 = arith.constant 48 : index
      %swap3A_209 = tpu.vector_load %arg9[%swap3A_208] {strides = array<i32>} : memref<256xi32, #tpu.memory_space<vmem>>, vector<16xi32>,
      %swap3A_210 = vector.shape_cast %swap3A_209 : vector<16xi32> to vector<16xi32>
      %swap3A_211 = vector.shape_cast %add3A_207 : vector<16xi32> to vector<16xi32>
      tpu.vector_store %arg9[%swap3A_208], %swap3A_211 {strides = array<i32>} : memref<256xi32, #tpu.memory_space<vmem>>, vector<16xi32>,
      %get3A_212 = arith.constant 64 : index
      %get3A_213 = tpu.vector_load %arg9[%get3A_212] {strides = array<i32>} : memref<256xi32, #tpu.memory_space<vmem>>, vector<16xi32>,
      %get3A_214 = vector.shape_cast %get3A_213 : vector<16xi32> to vector<16xi32>
      %add3A_215 = vector.broadcast %mul3A_97 : i32 to vector<16xi32>
      %add3A_216 = arith.addi %get3A_214, %add3A_215 : vector<16xi32>
      %swap3A_217 = arith.constant 64 : index
      %swap3A_218 = tpu.vector_load %arg9[%swap3A_217] {strides = array<i32>} : memref<256xi32, #tpu.memory_space<vmem>>, vector<16xi32>,
      %swap3A_219 = vector.shape_cast %swap3A_218 : vector<16xi32> to vector<16xi32>
      %swap3A_220 = vector.shape_cast %add3A_216 : vector<16xi32> to vector<16xi32>
      tpu.vector_store %arg9[%swap3A_217], %swap3A_220 {strides = array<i32>} : memref<256xi32, #tpu.memory_space<vmem>>, vector<16xi32>,
      %get3A_221 = arith.constant 80 : index
      %get3A_222 = tpu.vector_load %arg9[%get3A_221] {strides = array<i32>} : memref<256xi32, #tpu.memory_space<vmem>>, vector<16xi32>,
      %get3A_223 = vector.shape_cast %get3A_222 : vector<16xi32> to vector<16xi32>
      %add3A_224 = vector.broadcast %mul3A_97 : i32 to vector<16xi32>
      %add3A_225 = arith.addi %get3A_223, %add3A_224 : vector<16xi32>
      %swap3A_226 = arith.constant 80 : index
      %swap3A_227 = tpu.vector_load %arg9[%swap3A_226] {strides = array<i32>} : memref<256xi32, #tpu.memory_space<vmem>>, vector<16xi32>,
      %swap3A_228 = vector.shape_cast %swap3A_227 : vector<16xi32> to vector<16xi32>
      %swap3A_229 = vector.shape_cast %add3A_225 : vector<16xi32> to vector<16xi32>
      tpu.vector_store %arg9[%swap3A_226], %swap3A_229 {strides = array<i32>} : memref<256xi32, #tpu.memory_space<vmem>>, vector<16xi32>,
      %get3A_230 = arith.constant 96 : index
      %get3A_231 = tpu.vector_load %arg9[%get3A_230] {strides = array<i32>} : memref<256xi32, #tpu.memory_space<vmem>>, vector<16xi32>,
      %get3A_232 = vector.shape_cast %get3A_231 : vector<16xi32> to vector<16xi32>
      %add3A_233 = vector.broadcast %mul3A_97 : i32 to vector<16xi32>
      %add3A_234 = arith.addi %get3A_232, %add3A_233 : vector<16xi32>
      %swap3A_235 = arith.constant 96 : index
      %swap3A_236 = tpu.vector_load %arg9[%swap3A_235] {strides = array<i32>} : memref<256xi32, #tpu.memory_space<vmem>>, vector<16xi32>,
      %swap3A_237 = vector.shape_cast %swap3A_236 : vector<16xi32> to vector<16xi32>
      %swap3A_238 = vector.shape_cast %add3A_234 : vector<16xi32> to vector<16xi32>
      tpu.vector_store %arg9[%swap3A_235], %swap3A_238 {strides = array<i32>} : memref<256xi32, #tpu.memory_space<vmem>>, vector<16xi32>,
      %get3A_239 = arith.constant 112 : index
      %get3A_240 = tpu.vector_load %arg9[%get3A_239] {strides = array<i32>} : memref<256xi32, #tpu.memory_space<vmem>>, vector<16xi32>,
      %get3A_241 = vector.shape_cast %get3A_240 : vector<16xi32> to vector<16xi32>
      %add3A_242 = vector.broadcast %mul3A_97 : i32 to vector<16xi32>
      %add3A_243 = arith.addi %get3A_241, %add3A_242 : vector<16xi32>
      %swap3A_244 = arith.constant 112 : index
      %swap3A_245 = tpu.vector_load %arg9[%swap3A_244] {strides = array<i32>} : memref<256xi32, #tpu.memory_space<vmem>>, vector<16xi32>,
      %swap3A_246 = vector.shape_cast %swap3A_245 : vector<16xi32> to vector<16xi32>
      %swap3A_247 = vector.shape_cast %add3A_243 : vector<16xi32> to vector<16xi32>
      tpu.vector_store %arg9[%swap3A_244], %swap3A_247 {strides = array<i32>} : memref<256xi32, #tpu.memory_space<vmem>>, vector<16xi32>,
      %get3A_248 = arith.constant 128 : index
      %get3A_249 = tpu.vector_load %arg9[%get3A_248] {strides = array<i32>} : memref<256xi32, #tpu.memory_space<vmem>>, vector<16xi32>,
      %get3A_250 = vector.shape_cast %get3A_249 : vector<16xi32> to vector<16xi32>
      %add3A_251 = vector.broadcast %mul3A_97 : i32 to vector<16xi32>
      %add3A_252 = arith.addi %get3A_250, %add3A_251 : vector<16xi32>
      %swap3A_253 = arith.constant 128 : index
      %swap3A_254 = tpu.vector_load %arg9[%swap3A_253] {strides = array<i32>} : memref<256xi32, #tpu.memory_space<vmem>>, vector<16xi32>,
      %swap3A_255 = vector.shape_cast %swap3A_254 : vector<16xi32> to vector<16xi32>
      %swap3A_256 = vector.shape_cast %add3A_252 : vector<16xi32> to vector<16xi32>
      tpu.vector_store %arg9[%swap3A_253], %swap3A_256 {strides = array<i32>} : memref<256xi32, #tpu.memory_space<vmem>>, vector<16xi32>,
      %get3A_257 = arith.constant 144 : index
      %get3A_258 = tpu.vector_load %arg9[%get3A_257] {strides = array<i32>} : memref<256xi32, #tpu.memory_space<vmem>>, vector<16xi32>,
      %get3A_259 = vector.shape_cast %get3A_258 : vector<16xi32> to vector<16xi32>
      %add3A_260 = vector.broadcast %mul3A_97 : i32 to vector<16xi32>
      %add3A_261 = arith.addi %get3A_259, %add3A_260 : vector<16xi32>
      %swap3A_262 = arith.constant 144 : index
      %swap3A_263 = tpu.vector_load %arg9[%swap3A_262] {strides = array<i32>} : memref<256xi32, #tpu.memory_space<vmem>>, vector<16xi32>,
      %swap3A_264 = vector.shape_cast %swap3A_263 : vector<16xi32> to vector<16xi32>
      %swap3A_265 = vector.shape_cast %add3A_261 : vector<16xi32> to vector<16xi32>
      tpu.vector_store %arg9[%swap3A_262], %swap3A_265 {strides = array<i32>} : memref<256xi32, #tpu.memory_space<vmem>>, vector<16xi32>,
      %get3A_266 = arith.constant 160 : index
      %get3A_267 = tpu.vector_load %arg9[%get3A_266] {strides = array<i32>} : memref<256xi32, #tpu.memory_space<vmem>>, vector<16xi32>,
      %get3A_268 = vector.shape_cast %get3A_267 : vector<16xi32> to vector<16xi32>
      %add3A_269 = vector.broadcast %mul3A_97 : i32 to vector<16xi32>
      %add3A_270 = arith.addi %get3A_268, %add3A_269 : vector<16xi32>
      %swap3A_271 = arith.constant 160 : index
      %swap3A_272 = tpu.vector_load %arg9[%swap3A_271] {strides = array<i32>} : memref<256xi32, #tpu.memory_space<vmem>>, vector<16xi32>,
      %swap3A_273 = vector.shape_cast %swap3A_272 : vector<16xi32> to vector<16xi32>
      %swap3A_274 = vector.shape_cast %add3A_270 : vector<16xi32> to vector<16xi32>
      tpu.vector_store %arg9[%swap3A_271], %swap3A_274 {strides = array<i32>} : memref<256xi32, #tpu.memory_space<vmem>>, vector<16xi32>,
      %get3A_275 = arith.constant 176 : index
      %get3A_276 = tpu.vector_load %arg9[%get3A_275] {strides = array<i32>} : memref<256xi32, #tpu.memory_space<vmem>>, vector<16xi32>,
      %get3A_277 = vector.shape_cast %get3A_276 : vector<16xi32> to vector<16xi32>
      %add3A_278 = vector.broadcast %mul3A_97 : i32 to vector<16xi32>
      %add3A_279 = arith.addi %get3A_277, %add3A_278 : vector<16xi32>
      %swap3A_280 = arith.constant 176 : index
      %swap3A_281 = tpu.vector_load %arg9[%swap3A_280] {strides = array<i32>} : memref<256xi32, #tpu.memory_space<vmem>>, vector<16xi32>,
      %swap3A_282 = vector.shape_cast %swap3A_281 : vector<16xi32> to vector<16xi32>
      %swap3A_283 = vector.shape_cast %add3A_279 : vector<16xi32> to vector<16xi32>
      tpu.vector_store %arg9[%swap3A_280], %swap3A_283 {strides = array<i32>} : memref<256xi32, #tpu.memory_space<vmem>>, vector<16xi32>,
      %get3A_284 = arith.constant 192 : index
      %get3A_285 = tpu.vector_load %arg9[%get3A_284] {strides = array<i32>} : memref<256xi32, #tpu.memory_space<vmem>>, vector<16xi32>,
      %get3A_286 = vector.shape_cast %get3A_285 : vector<16xi32> to vector<16xi32>
      %add3A_287 = vector.broadcast %mul3A_97 : i32 to vector<16xi32>
      %add3A_288 = arith.addi %get3A_286, %add3A_287 : vector<16xi32>
      %swap3A_289 = arith.constant 192 : index
      %swap3A_290 = tpu.vector_load %arg9[%swap3A_289] {strides = array<i32>} : memref<256xi32, #tpu.memory_space<vmem>>, vector<16xi32>,
      %swap3A_291 = vector.shape_cast %swap3A_290 : vector<16xi32> to vector<16xi32>
      %swap3A_292 = vector.shape_cast %add3A_288 : vector<16xi32> to vector<16xi32>
      tpu.vector_store %arg9[%swap3A_289], %swap3A_292 {strides = array<i32>} : memref<256xi32, #tpu.memory_space<vmem>>, vector<16xi32>,
      %get3A_293 = arith.constant 208 : index
      %get3A_294 = tpu.vector_load %arg9[%get3A_293] {strides = array<i32>} : memref<256xi32, #tpu.memory_space<vmem>>, vector<16xi32>,
      %get3A_295 = vector.shape_cast %get3A_294 : vector<16xi32> to vector<16xi32>
      %add3A_296 = vector.broadcast %mul3A_97 : i32 to vector<16xi32>
      %add3A_297 = arith.addi %get3A_295, %add3A_296 : vector<16xi32>
      %swap3A_298 = arith.constant 208 : index
      %swap3A_299 = tpu.vector_load %arg9[%swap3A_298] {strides = array<i32>} : memref<256xi32, #tpu.memory_space<vmem>>, vector<16xi32>,
      %swap3A_300 = vector.shape_cast %swap3A_299 : vector<16xi32> to vector<16xi32>
      %swap3A_301 = vector.shape_cast %add3A_297 : vector<16xi32> to vector<16xi32>
      tpu.vector_store %arg9[%swap3A_298], %swap3A_301 {strides = array<i32>} : memref<256xi32, #tpu.memory_space<vmem>>, vector<16xi32>,
      %get3A_302 = arith.constant 224 : index
      %get3A_303 = tpu.vector_load %arg9[%get3A_302] {strides = array<i32>} : memref<256xi32, #tpu.memory_space<vmem>>, vector<16xi32>,
      %get3A_304 = vector.shape_cast %get3A_303 : vector<16xi32> to vector<16xi32>
      %add3A_305 = vector.broadcast %mul3A_97 : i32 to vector<16xi32>
      %add3A_306 = arith.addi %get3A_304, %add3A_305 : vector<16xi32>
      %swap3A_307 = arith.constant 224 : index
      %swap3A_308 = tpu.vector_load %arg9[%swap3A_307] {strides = array<i32>} : memref<256xi32, #tpu.memory_space<vmem>>, vector<16xi32>,
      %swap3A_309 = vector.shape_cast %swap3A_308 : vector<16xi32> to vector<16xi32>
      %swap3A_310 = vector.shape_cast %add3A_306 : vector<16xi32> to vector<16xi32>
      tpu.vector_store %arg9[%swap3A_307], %swap3A_310 {strides = array<i32>} : memref<256xi32, #tpu.memory_space<vmem>>, vector<16xi32>,
      %get3A_311 = arith.constant 240 : index
      %get3A_312 = tpu.vector_load %arg9[%get3A_311] {strides = array<i32>} : memref<256xi32, #tpu.memory_space<vmem>>, vector<16xi32>,
      %get3A_313 = vector.shape_cast %get3A_312 : vector<16xi32> to vector<16xi32>
      %add3A_314 = vector.broadcast %mul3A_97 : i32 to vector<16xi32>
      %add3A_315 = arith.addi %get3A_313, %add3A_314 : vector<16xi32>
      %swap3A_316 = arith.constant 240 : index
      %swap3A_317 = tpu.vector_load %arg9[%swap3A_316] {strides = array<i32>} : memref<256xi32, #tpu.memory_space<vmem>>, vector<16xi32>,
      %swap3A_318 = vector.shape_cast %swap3A_317 : vector<16xi32> to vector<16xi32>
      %swap3A_319 = vector.shape_cast %add3A_315 : vector<16xi32> to vector<16xi32>
      tpu.vector_store %arg9[%swap3A_316], %swap3A_319 {strides = array<i32>} : memref<256xi32, #tpu.memory_space<vmem>>, vector<16xi32>,
      %dma_start3A = arith.constant 0 : i32
      %dma_start3A_320 = arith.constant 0 : i32
      %dma_start3A_321 = tpu.memref_slice %arg2[%dma_start3A, %dma_start3A_320] : memref<40960x128xf32, #tpu.memory_space<hbm>> -> memref<40960x128xf32, #tpu.memory_space<hbm>>
      tpu.enqueue_indirect_dma source(%dma_start3A_321 : memref<40960x128xf32, #tpu.memory_space<hbm>>) target(%arg7 : memref<256x128xf32, #tpu.memory_space<vmem>>) offsets(%arg9 : memref<256xi32, #tpu.memory_space<vmem>>) semaphore(%arg11 : memref<!tpu.dma_semaphore, #tpu.memory_space<semaphore_mem>>)
      %dma_wait3A = arith.constant 0 : i32
      %dma_wait3A_322 = arith.constant 0 : i32
      %dma_wait3A_323 = tpu.memref_slice %arg2[%dma_wait3A, %dma_wait3A_322] : memref<40960x128xf32, #tpu.memory_space<hbm>> -> memref<40960x128xf32, #tpu.memory_space<hbm>>
      tpu.wait_indirect_dma semaphore(%arg11 : memref<!tpu.dma_semaphore, #tpu.memory_space<semaphore_mem>>) src(%dma_wait3A_323 : memref<40960x128xf32, #tpu.memory_space<hbm>>) dst(%arg7 : memref<256x128xf32, #tpu.memory_space<vmem>>)
      "tpu.region"() ({
        %run_scoped3A = tpu.sem_alloc : memref<!tpu.dma_semaphore, #tpu.memory_space<semaphore_mem>>
        %dma_start3A_325 = arith.constant 0 : i32
        %dma_start3A_326 = arith.constant 0 : i32
        %dma_start3A_327 = tpu.memref_slice %arg6[%dma_start3A_325, %dma_start3A_326] : memref<10240x128xf32, #tpu.memory_space<vmem_shared>> -> memref<10240x128xf32, #tpu.memory_space<vmem_shared>>
        tpu.enqueue_indirect_dma source(%arg7 : memref<256x128xf32, #tpu.memory_space<vmem>>) target(%dma_start3A_327 : memref<10240x128xf32, #tpu.memory_space<vmem_shared>>) offsets(%arg10 : memref<256xi32, #tpu.memory_space<vmem>>) semaphore(%run_scoped3A : memref<!tpu.dma_semaphore, #tpu.memory_space<semaphore_mem>>) {add = true}
        %dma_wait3A_328 = arith.constant 0 : i32
        %dma_wait3A_329 = arith.constant 0 : i32
        %dma_wait3A_330 = tpu.memref_slice %arg6[%dma_wait3A_328, %dma_wait3A_329] : memref<10240x128xf32, #tpu.memory_space<vmem_shared>> -> memref<10240x128xf32, #tpu.memory_space<vmem_shared>>
        tpu.wait_indirect_dma semaphore(%run_scoped3A : memref<!tpu.dma_semaphore, #tpu.memory_space<semaphore_mem>>) src(%arg7 : memref<256x128xf32, #tpu.memory_space<vmem>>) dst(%dma_wait3A_330 : memref<10240x128xf32, #tpu.memory_space<vmem_shared>>)
        tpu.yield
      }) : () -> ()
      %while3A_324 = arith.constant 0 : i32
      scf.yield %while3A_324 : i32
    }
    %barrier3A_141 = arith.constant 0 : index
    tpu.barrier barrier_id(%barrier3A_141)
    %add3A_142 = arith.constant 0 : i32
    %add3A_143 = arith.addi %mul3A_12, %add3A_142 : i32
    "tpu.region"() ({
      %run_scoped3A = tpu.sem_alloc : memref<!tpu.dma_semaphore, #tpu.memory_space<semaphore_mem>>
      %dma_start3A = arith.constant 0 : i32
      %dma_start3A_173 = tpu.memref_slice %arg6[%add3A_143, %dma_start3A] : memref<10240x128xf32, #tpu.memory_space<vmem_shared>> -> memref<64x128xf32, #tpu.memory_space<vmem_shared>>
      %dma_start3A_174 = arith.constant 0 : i32
      %dma_start3A_175 = tpu.memref_slice %arg6[%add3A_143, %dma_start3A_174] : memref<10240x128xf32, #tpu.memory_space<vmem_shared>> -> memref<64x128xf32, #tpu.memory_space<vmem_shared>>
      tpu.enqueue_dma source(%dma_start3A_175 : memref<64x128xf32, #tpu.memory_space<vmem_shared>>) target(%arg8 : memref<64x128xf32, #tpu.memory_space<vmem>>) target_semaphore(%run_scoped3A : memref<!tpu.dma_semaphore, #tpu.memory_space<semaphore_mem>>)
      %dma_wait3A = arith.constant 0 : i32
      %dma_wait3A_176 = tpu.memref_slice %arg6[%add3A_143, %dma_wait3A] : memref<10240x128xf32, #tpu.memory_space<vmem_shared>> -> memref<64x128xf32, #tpu.memory_space<vmem_shared>>
      %dma_wait3A_177 = arith.constant 0 : i32
      %dma_wait3A_178 = tpu.memref_slice %arg6[%add3A_143, %dma_wait3A_177] : memref<10240x128xf32, #tpu.memory_space<vmem_shared>> -> memref<64x128xf32, #tpu.memory_space<vmem_shared>>
      tpu.wait_dma2 semaphore(%run_scoped3A : memref<!tpu.dma_semaphore, #tpu.memory_space<semaphore_mem>>) src(%dma_wait3A_178 : memref<64x128xf32, #tpu.memory_space<vmem_shared>>) dst(%arg8 : memref<64x128xf32, #tpu.memory_space<vmem>>)
      tpu.yield
    }) : () -> ()
    %add3A_144 = arith.addi %mul3A_97, %add3A_143 : i32
    "tpu.region"() ({
      %run_scoped3A = tpu.sem_alloc : memref<!tpu.dma_semaphore, #tpu.memory_space<semaphore_mem>>
      %dma_start3A = arith.constant 0 : i32
      %dma_start3A_173 = tpu.memref_slice %arg5[%add3A_144, %dma_start3A] : memref<40960x128xf32, #tpu.memory_space<hbm>> -> memref<64x128xf32, #tpu.memory_space<hbm>>
      %dma_start3A_174 = arith.constant 0 : i32
      %dma_start3A_175 = tpu.memref_slice %arg5[%add3A_144, %dma_start3A_174] : memref<40960x128xf32, #tpu.memory_space<hbm>> -> memref<64x128xf32, #tpu.memory_space<hbm>>
      tpu.enqueue_dma source(%arg8 : memref<64x128xf32, #tpu.memory_space<vmem>>) target(%dma_start3A_175 : memref<64x128xf32, #tpu.memory_space<hbm>>) target_semaphore(%run_scoped3A : memref<!tpu.dma_semaphore, #tpu.memory_space<semaphore_mem>>)
      %dma_wait3A = arith.constant 0 : i32
      %dma_wait3A_176 = tpu.memref_slice %arg5[%add3A_144, %dma_wait3A] : memref<40960x128xf32, #tpu.memory_space<hbm>> -> memref<64x128xf32, #tpu.memory_space<hbm>>
      %dma_wait3A_177 = arith.constant 0 : i32
      %dma_wait3A_178 = tpu.memref_slice %arg5[%add3A_144, %dma_wait3A_177] : memref<40960x128xf32, #tpu.memory_space<hbm>> -> memref<64x128xf32, #tpu.memory_space<hbm>>
      tpu.wait_dma2 semaphore(%run_scoped3A : memref<!tpu.dma_semaphore, #tpu.memory_space<semaphore_mem>>) src(%arg8 : memref<64x128xf32, #tpu.memory_space<vmem>>) dst(%dma_wait3A_178 : memref<64x128xf32, #tpu.memory_space<hbm>>)
      tpu.yield
    }) : () -> ()
    %add3A_145 = arith.constant 64 : i32
    %add3A_146 = arith.addi %mul3A_12, %add3A_145 : i32
    "tpu.region"() ({
      %run_scoped3A = tpu.sem_alloc : memref<!tpu.dma_semaphore, #tpu.memory_space<semaphore_mem>>
      %dma_start3A = arith.constant 0 : i32
      %dma_start3A_173 = tpu.memref_slice %arg6[%add3A_146, %dma_start3A] : memref<10240x128xf32, #tpu.memory_space<vmem_shared>> -> memref<64x128xf32, #tpu.memory_space<vmem_shared>>
      %dma_start3A_174 = arith.constant 0 : i32
      %dma_start3A_175 = tpu.memref_slice %arg6[%add3A_146, %dma_start3A_174] : memref<10240x128xf32, #tpu.memory_space<vmem_shared>> -> memref<64x128xf32, #tpu.memory_space<vmem_shared>>
      tpu.enqueue_dma source(%dma_start3A_175 : memref<64x128xf32, #tpu.memory_space<vmem_shared>>) target(%arg8 : memref<64x128xf32, #tpu.memory_space<vmem>>) target_semaphore(%run_scoped3A : memref<!tpu.dma_semaphore, #tpu.memory_space<semaphore_mem>>)
      %dma_wait3A = arith.constant 0 : i32
      %dma_wait3A_176 = tpu.memref_slice %arg6[%add3A_146, %dma_wait3A] : memref<10240x128xf32, #tpu.memory_space<vmem_shared>> -> memref<64x128xf32, #tpu.memory_space<vmem_shared>>
      %dma_wait3A_177 = arith.constant 0 : i32
      %dma_wait3A_178 = tpu.memref_slice %arg6[%add3A_146, %dma_wait3A_177] : memref<10240x128xf32, #tpu.memory_space<vmem_shared>> -> memref<64x128xf32, #tpu.memory_space<vmem_shared>>
      tpu.wait_dma2 semaphore(%run_scoped3A : memref<!tpu.dma_semaphore, #tpu.memory_space<semaphore_mem>>) src(%dma_wait3A_178 : memref<64x128xf32, #tpu.memory_space<vmem_shared>>) dst(%arg8 : memref<64x128xf32, #tpu.memory_space<vmem>>)
      tpu.yield
    }) : () -> ()
    %add3A_147 = arith.addi %mul3A_97, %add3A_146 : i32
    "tpu.region"() ({
      %run_scoped3A = tpu.sem_alloc : memref<!tpu.dma_semaphore, #tpu.memory_space<semaphore_mem>>
      %dma_start3A = arith.constant 0 : i32
      %dma_start3A_173 = tpu.memref_slice %arg5[%add3A_147, %dma_start3A] : memref<40960x128xf32, #tpu.memory_space<hbm>> -> memref<64x128xf32, #tpu.memory_space<hbm>>
      %dma_start3A_174 = arith.constant 0 : i32
      %dma_start3A_175 = tpu.memref_slice %arg5[%add3A_147, %dma_start3A_174] : memref<40960x128xf32, #tpu.memory_space<hbm>> -> memref<64x128xf32, #tpu.memory_space<hbm>>
      tpu.enqueue_dma source(%arg8 : memref<64x128xf32, #tpu.memory_space<vmem>>) target(%dma_start3A_175 : memref<64x128xf32, #tpu.memory_space<hbm>>) target_semaphore(%run_scoped3A : memref<!tpu.dma_semaphore, #tpu.memory_space<semaphore_mem>>)
      %dma_wait3A = arith.constant 0 : i32
      %dma_wait3A_176 = tpu.memref_slice %arg5[%add3A_147, %dma_wait3A] : memref<40960x128xf32, #tpu.memory_space<hbm>> -> memref<64x128xf32, #tpu.memory_space<hbm>>
      %dma_wait3A_177 = arith.constant 0 : i32
      %dma_wait3A_178 = tpu.memref_slice %arg5[%add3A_147, %dma_wait3A_177] : memref<40960x128xf32, #tpu.memory_space<hbm>> -> memref<64x128xf32, #tpu.memory_space<hbm>>
      tpu.wait_dma2 semaphore(%run_scoped3A : memref<!tpu.dma_semaphore, #tpu.memory_space<semaphore_mem>>) src(%arg8 : memref<64x128xf32, #tpu.memory_space<vmem>>) dst(%dma_wait3A_178 : memref<64x128xf32, #tpu.memory_space<hbm>>)
      tpu.yield
    }) : () -> ()
    %add3A_148 = arith.constant 128 : i32
    %add3A_149 = arith.addi %mul3A_12, %add3A_148 : i32
    "tpu.region"() ({
      %run_scoped3A = tpu.sem_alloc : memref<!tpu.dma_semaphore, #tpu.memory_space<semaphore_mem>>
      %dma_start3A = arith.constant 0 : i32
      %dma_start3A_173 = tpu.memref_slice %arg6[%add3A_149, %dma_start3A] : memref<10240x128xf32, #tpu.memory_space<vmem_shared>> -> memref<64x128xf32, #tpu.memory_space<vmem_shared>>
      %dma_start3A_174 = arith.constant 0 : i32
      %dma_start3A_175 = tpu.memref_slice %arg6[%add3A_149, %dma_start3A_174] : memref<10240x128xf32, #tpu.memory_space<vmem_shared>> -> memref<64x128xf32, #tpu.memory_space<vmem_shared>>
      tpu.enqueue_dma source(%dma_start3A_175 : memref<64x128xf32, #tpu.memory_space<vmem_shared>>) target(%arg8 : memref<64x128xf32, #tpu.memory_space<vmem>>) target_semaphore(%run_scoped3A : memref<!tpu.dma_semaphore, #tpu.memory_space<semaphore_mem>>)
      %dma_wait3A = arith.constant 0 : i32
      %dma_wait3A_176 = tpu.memref_slice %arg6[%add3A_149, %dma_wait3A] : memref<10240x128xf32, #tpu.memory_space<vmem_shared>> -> memref<64x128xf32, #tpu.memory_space<vmem_shared>>
      %dma_wait3A_177 = arith.constant 0 : i32
      %dma_wait3A_178 = tpu.memref_slice %arg6[%add3A_149, %dma_wait3A_177] : memref<10240x128xf32, #tpu.memory_space<vmem_shared>> -> memref<64x128xf32, #tpu.memory_space<vmem_shared>>
      tpu.wait_dma2 semaphore(%run_scoped3A : memref<!tpu.dma_semaphore, #tpu.memory_space<semaphore_mem>>) src(%dma_wait3A_178 : memref<64x128xf32, #tpu.memory_space<vmem_shared>>) dst(%arg8 : memref<64x128xf32, #tpu.memory_space<vmem>>)
      tpu.yield
    }) : () -> ()
    %add3A_150 = arith.addi %mul3A_97, %add3A_149 : i32
    "tpu.region"() ({
      %run_scoped3A = tpu.sem_alloc : memref<!tpu.dma_semaphore, #tpu.memory_space<semaphore_mem>>
      %dma_start3A = arith.constant 0 : i32
      %dma_start3A_173 = tpu.memref_slice %arg5[%add3A_150, %dma_start3A] : memref<40960x128xf32, #tpu.memory_space<hbm>> -> memref<64x128xf32, #tpu.memory_space<hbm>>
      %dma_start3A_174 = arith.constant 0 : i32
      %dma_start3A_175 = tpu.memref_slice %arg5[%add3A_150, %dma_start3A_174] : memref<40960x128xf32, #tpu.memory_space<hbm>> -> memref<64x128xf32, #tpu.memory_space<hbm>>
      tpu.enqueue_dma source(%arg8 : memref<64x128xf32, #tpu.memory_space<vmem>>) target(%dma_start3A_175 : memref<64x128xf32, #tpu.memory_space<hbm>>) target_semaphore(%run_scoped3A : memref<!tpu.dma_semaphore, #tpu.memory_space<semaphore_mem>>)
      %dma_wait3A = arith.constant 0 : i32
      %dma_wait3A_176 = tpu.memref_slice %arg5[%add3A_150, %dma_wait3A] : memref<40960x128xf32, #tpu.memory_space<hbm>> -> memref<64x128xf32, #tpu.memory_space<hbm>>
      %dma_wait3A_177 = arith.constant 0 : i32
      %dma_wait3A_178 = tpu.memref_slice %arg5[%add3A_150, %dma_wait3A_177] : memref<40960x128xf32, #tpu.memory_space<hbm>> -> memref<64x128xf32, #tpu.memory_space<hbm>>
      tpu.wait_dma2 semaphore(%run_scoped3A : memref<!tpu.dma_semaphore, #tpu.memory_space<semaphore_mem>>) src(%arg8 : memref<64x128xf32, #tpu.memory_space<vmem>>) dst(%dma_wait3A_178 : memref<64x128xf32, #tpu.memory_space<hbm>>)
      tpu.yield
    }) : () -> ()
    %add3A_151 = arith.constant 192 : i32
    %add3A_152 = arith.addi %mul3A_12, %add3A_151 : i32
    "tpu.region"() ({
      %run_scoped3A = tpu.sem_alloc : memref<!tpu.dma_semaphore, #tpu.memory_space<semaphore_mem>>
      %dma_start3A = arith.constant 0 : i32
      %dma_start3A_173 = tpu.memref_slice %arg6[%add3A_152, %dma_start3A] : memref<10240x128xf32, #tpu.memory_space<vmem_shared>> -> memref<64x128xf32, #tpu.memory_space<vmem_shared>>
      %dma_start3A_174 = arith.constant 0 : i32
      %dma_start3A_175 = tpu.memref_slice %arg6[%add3A_152, %dma_start3A_174] : memref<10240x128xf32, #tpu.memory_space<vmem_shared>> -> memref<64x128xf32, #tpu.memory_space<vmem_shared>>
      tpu.enqueue_dma source(%dma_start3A_175 : memref<64x128xf32, #tpu.memory_space<vmem_shared>>) target(%arg8 : memref<64x128xf32, #tpu.memory_space<vmem>>) target_semaphore(%run_scoped3A : memref<!tpu.dma_semaphore, #tpu.memory_space<semaphore_mem>>)
      %dma_wait3A = arith.constant 0 : i32
      %dma_wait3A_176 = tpu.memref_slice %arg6[%add3A_152, %dma_wait3A] : memref<10240x128xf32, #tpu.memory_space<vmem_shared>> -> memref<64x128xf32, #tpu.memory_space<vmem_shared>>
      %dma_wait3A_177 = arith.constant 0 : i32
      %dma_wait3A_178 = tpu.memref_slice %arg6[%add3A_152, %dma_wait3A_177] : memref<10240x128xf32, #tpu.memory_space<vmem_shared>> -> memref<64x128xf32, #tpu.memory_space<vmem_shared>>
      tpu.wait_dma2 semaphore(%run_scoped3A : memref<!tpu.dma_semaphore, #tpu.memory_space<semaphore_mem>>) src(%dma_wait3A_178 : memref<64x128xf32, #tpu.memory_space<vmem_shared>>) dst(%arg8 : memref<64x128xf32, #tpu.memory_space<vmem>>)
      tpu.yield
    }) : () -> ()
    %add3A_153 = arith.addi %mul3A_97, %add3A_152 : i32
    "tpu.region"() ({
      %run_scoped3A = tpu.sem_alloc : memref<!tpu.dma_semaphore, #tpu.memory_space<semaphore_mem>>
      %dma_start3A = arith.constant 0 : i32
      %dma_start3A_173 = tpu.memref_slice %arg5[%add3A_153, %dma_start3A] : memref<40960x128xf32, #tpu.memory_space<hbm>> -> memref<64x128xf32, #tpu.memory_space<hbm>>
      %dma_start3A_174 = arith.constant 0 : i32
      %dma_start3A_175 = tpu.memref_slice %arg5[%add3A_153, %dma_start3A_174] : memref<40960x128xf32, #tpu.memory_space<hbm>> -> memref<64x128xf32, #tpu.memory_space<hbm>>
      tpu.enqueue_dma source(%arg8 : memref<64x128xf32, #tpu.memory_space<vmem>>) target(%dma_start3A_175 : memref<64x128xf32, #tpu.memory_space<hbm>>) target_semaphore(%run_scoped3A : memref<!tpu.dma_semaphore, #tpu.memory_space<semaphore_mem>>)
      %dma_wait3A = arith.constant 0 : i32
      %dma_wait3A_176 = tpu.memref_slice %arg5[%add3A_153, %dma_wait3A] : memref<40960x128xf32, #tpu.memory_space<hbm>> -> memref<64x128xf32, #tpu.memory_space<hbm>>
      %dma_wait3A_177 = arith.constant 0 : i32
      %dma_wait3A_178 = tpu.memref_slice %arg5[%add3A_153, %dma_wait3A_177] : memref<40960x128xf32, #tpu.memory_space<hbm>> -> memref<64x128xf32, #tpu.memory_space<hbm>>
      tpu.wait_dma2 semaphore(%run_scoped3A : memref<!tpu.dma_semaphore, #tpu.memory_space<semaphore_mem>>) src(%arg8 : memref<64x128xf32, #tpu.memory_space<vmem>>) dst(%dma_wait3A_178 : memref<64x128xf32, #tpu.memory_space<hbm>>)
      tpu.yield
    }) : () -> ()
    %add3A_154 = arith.constant 256 : i32
    %add3A_155 = arith.addi %mul3A_12, %add3A_154 : i32
    "tpu.region"() ({
      %run_scoped3A = tpu.sem_alloc : memref<!tpu.dma_semaphore, #tpu.memory_space<semaphore_mem>>
      %dma_start3A = arith.constant 0 : i32
      %dma_start3A_173 = tpu.memref_slice %arg6[%add3A_155, %dma_start3A] : memref<10240x128xf32, #tpu.memory_space<vmem_shared>> -> memref<64x128xf32, #tpu.memory_space<vmem_shared>>
      %dma_start3A_174 = arith.constant 0 : i32
      %dma_start3A_175 = tpu.memref_slice %arg6[%add3A_155, %dma_start3A_174] : memref<10240x128xf32, #tpu.memory_space<vmem_shared>> -> memref<64x128xf32, #tpu.memory_space<vmem_shared>>
      tpu.enqueue_dma source(%dma_start3A_175 : memref<64x128xf32, #tpu.memory_space<vmem_shared>>) target(%arg8 : memref<64x128xf32, #tpu.memory_space<vmem>>) target_semaphore(%run_scoped3A : memref<!tpu.dma_semaphore, #tpu.memory_space<semaphore_mem>>)
      %dma_wait3A = arith.constant 0 : i32
      %dma_wait3A_176 = tpu.memref_slice %arg6[%add3A_155, %dma_wait3A] : memref<10240x128xf32, #tpu.memory_space<vmem_shared>> -> memref<64x128xf32, #tpu.memory_space<vmem_shared>>
      %dma_wait3A_177 = arith.constant 0 : i32
      %dma_wait3A_178 = tpu.memref_slice %arg6[%add3A_155, %dma_wait3A_177] : memref<10240x128xf32, #tpu.memory_space<vmem_shared>> -> memref<64x128xf32, #tpu.memory_space<vmem_shared>>
      tpu.wait_dma2 semaphore(%run_scoped3A : memref<!tpu.dma_semaphore, #tpu.memory_space<semaphore_mem>>) src(%dma_wait3A_178 : memref<64x128xf32, #tpu.memory_space<vmem_shared>>) dst(%arg8 : memref<64x128xf32, #tpu.memory_space<vmem>>)
      tpu.yield
    }) : () -> ()
    %add3A_156 = arith.addi %mul3A_97, %add3A_155 : i32
    "tpu.region"() ({
      %run_scoped3A = tpu.sem_alloc : memref<!tpu.dma_semaphore, #tpu.memory_space<semaphore_mem>>
      %dma_start3A = arith.constant 0 : i32
      %dma_start3A_173 = tpu.memref_slice %arg5[%add3A_156, %dma_start3A] : memref<40960x128xf32, #tpu.memory_space<hbm>> -> memref<64x128xf32, #tpu.memory_space<hbm>>
      %dma_start3A_174 = arith.constant 0 : i32
      %dma_start3A_175 = tpu.memref_slice %arg5[%add3A_156, %dma_start3A_174] : memref<40960x128xf32, #tpu.memory_space<hbm>> -> memref<64x128xf32, #tpu.memory_space<hbm>>
      tpu.enqueue_dma source(%arg8 : memref<64x128xf32, #tpu.memory_space<vmem>>) target(%dma_start3A_175 : memref<64x128xf32, #tpu.memory_space<hbm>>) target_semaphore(%run_scoped3A : memref<!tpu.dma_semaphore, #tpu.memory_space<semaphore_mem>>)
      %dma_wait3A = arith.constant 0 : i32
      %dma_wait3A_176 = tpu.memref_slice %arg5[%add3A_156, %dma_wait3A] : memref<40960x128xf32, #tpu.memory_space<hbm>> -> memref<64x128xf32, #tpu.memory_space<hbm>>
      %dma_wait3A_177 = arith.constant 0 : i32
      %dma_wait3A_178 = tpu.memref_slice %arg5[%add3A_156, %dma_wait3A_177] : memref<40960x128xf32, #tpu.memory_space<hbm>> -> memref<64x128xf32, #tpu.memory_space<hbm>>
      tpu.wait_dma2 semaphore(%run_scoped3A : memref<!tpu.dma_semaphore, #tpu.memory_space<semaphore_mem>>) src(%arg8 : memref<64x128xf32, #tpu.memory_space<vmem>>) dst(%dma_wait3A_178 : memref<64x128xf32, #tpu.memory_space<hbm>>)
      tpu.yield
    }) : () -> ()
    %add3A_157 = arith.constant 320 : i32
    %add3A_158 = arith.addi %mul3A_12, %add3A_157 : i32
    "tpu.region"() ({
      %run_scoped3A = tpu.sem_alloc : memref<!tpu.dma_semaphore, #tpu.memory_space<semaphore_mem>>
      %dma_start3A = arith.constant 0 : i32
      %dma_start3A_173 = tpu.memref_slice %arg6[%add3A_158, %dma_start3A] : memref<10240x128xf32, #tpu.memory_space<vmem_shared>> -> memref<64x128xf32, #tpu.memory_space<vmem_shared>>
      %dma_start3A_174 = arith.constant 0 : i32
      %dma_start3A_175 = tpu.memref_slice %arg6[%add3A_158, %dma_start3A_174] : memref<10240x128xf32, #tpu.memory_space<vmem_shared>> -> memref<64x128xf32, #tpu.memory_space<vmem_shared>>
      tpu.enqueue_dma source(%dma_start3A_175 : memref<64x128xf32, #tpu.memory_space<vmem_shared>>) target(%arg8 : memref<64x128xf32, #tpu.memory_space<vmem>>) target_semaphore(%run_scoped3A : memref<!tpu.dma_semaphore, #tpu.memory_space<semaphore_mem>>)
      %dma_wait3A = arith.constant 0 : i32
      %dma_wait3A_176 = tpu.memref_slice %arg6[%add3A_158, %dma_wait3A] : memref<10240x128xf32, #tpu.memory_space<vmem_shared>> -> memref<64x128xf32, #tpu.memory_space<vmem_shared>>
      %dma_wait3A_177 = arith.constant 0 : i32
      %dma_wait3A_178 = tpu.memref_slice %arg6[%add3A_158, %dma_wait3A_177] : memref<10240x128xf32, #tpu.memory_space<vmem_shared>> -> memref<64x128xf32, #tpu.memory_space<vmem_shared>>
      tpu.wait_dma2 semaphore(%run_scoped3A : memref<!tpu.dma_semaphore, #tpu.memory_space<semaphore_mem>>) src(%dma_wait3A_178 : memref<64x128xf32, #tpu.memory_space<vmem_shared>>) dst(%arg8 : memref<64x128xf32, #tpu.memory_space<vmem>>)
      tpu.yield
    }) : () -> ()
    %add3A_159 = arith.addi %mul3A_97, %add3A_158 : i32
    "tpu.region"() ({
      %run_scoped3A = tpu.sem_alloc : memref<!tpu.dma_semaphore, #tpu.memory_space<semaphore_mem>>
      %dma_start3A = arith.constant 0 : i32
      %dma_start3A_173 = tpu.memref_slice %arg5[%add3A_159, %dma_start3A] : memref<40960x128xf32, #tpu.memory_space<hbm>> -> memref<64x128xf32, #tpu.memory_space<hbm>>
      %dma_start3A_174 = arith.constant 0 : i32
      %dma_start3A_175 = tpu.memref_slice %arg5[%add3A_159, %dma_start3A_174] : memref<40960x128xf32, #tpu.memory_space<hbm>> -> memref<64x128xf32, #tpu.memory_space<hbm>>
      tpu.enqueue_dma source(%arg8 : memref<64x128xf32, #tpu.memory_space<vmem>>) target(%dma_start3A_175 : memref<64x128xf32, #tpu.memory_space<hbm>>) target_semaphore(%run_scoped3A : memref<!tpu.dma_semaphore, #tpu.memory_space<semaphore_mem>>)
      %dma_wait3A = arith.constant 0 : i32
      %dma_wait3A_176 = tpu.memref_slice %arg5[%add3A_159, %dma_wait3A] : memref<40960x128xf32, #tpu.memory_space<hbm>> -> memref<64x128xf32, #tpu.memory_space<hbm>>
      %dma_wait3A_177 = arith.constant 0 : i32
      %dma_wait3A_178 = tpu.memref_slice %arg5[%add3A_159, %dma_wait3A_177] : memref<40960x128xf32, #tpu.memory_space<hbm>> -> memref<64x128xf32, #tpu.memory_space<hbm>>
      tpu.wait_dma2 semaphore(%run_scoped3A : memref<!tpu.dma_semaphore, #tpu.memory_space<semaphore_mem>>) src(%arg8 : memref<64x128xf32, #tpu.memory_space<vmem>>) dst(%dma_wait3A_178 : memref<64x128xf32, #tpu.memory_space<hbm>>)
      tpu.yield
    }) : () -> ()
    %add3A_160 = arith.constant 384 : i32
    %add3A_161 = arith.addi %mul3A_12, %add3A_160 : i32
    "tpu.region"() ({
      %run_scoped3A = tpu.sem_alloc : memref<!tpu.dma_semaphore, #tpu.memory_space<semaphore_mem>>
      %dma_start3A = arith.constant 0 : i32
      %dma_start3A_173 = tpu.memref_slice %arg6[%add3A_161, %dma_start3A] : memref<10240x128xf32, #tpu.memory_space<vmem_shared>> -> memref<64x128xf32, #tpu.memory_space<vmem_shared>>
      %dma_start3A_174 = arith.constant 0 : i32
      %dma_start3A_175 = tpu.memref_slice %arg6[%add3A_161, %dma_start3A_174] : memref<10240x128xf32, #tpu.memory_space<vmem_shared>> -> memref<64x128xf32, #tpu.memory_space<vmem_shared>>
      tpu.enqueue_dma source(%dma_start3A_175 : memref<64x128xf32, #tpu.memory_space<vmem_shared>>) target(%arg8 : memref<64x128xf32, #tpu.memory_space<vmem>>) target_semaphore(%run_scoped3A : memref<!tpu.dma_semaphore, #tpu.memory_space<semaphore_mem>>)
      %dma_wait3A = arith.constant 0 : i32
      %dma_wait3A_176 = tpu.memref_slice %arg6[%add3A_161, %dma_wait3A] : memref<10240x128xf32, #tpu.memory_space<vmem_shared>> -> memref<64x128xf32, #tpu.memory_space<vmem_shared>>
      %dma_wait3A_177 = arith.constant 0 : i32
      %dma_wait3A_178 = tpu.memref_slice %arg6[%add3A_161, %dma_wait3A_177] : memref<10240x128xf32, #tpu.memory_space<vmem_shared>> -> memref<64x128xf32, #tpu.memory_space<vmem_shared>>
      tpu.wait_dma2 semaphore(%run_scoped3A : memref<!tpu.dma_semaphore, #tpu.memory_space<semaphore_mem>>) src(%dma_wait3A_178 : memref<64x128xf32, #tpu.memory_space<vmem_shared>>) dst(%arg8 : memref<64x128xf32, #tpu.memory_space<vmem>>)
      tpu.yield
    }) : () -> ()
    %add3A_162 = arith.addi %mul3A_97, %add3A_161 : i32
    "tpu.region"() ({
      %run_scoped3A = tpu.sem_alloc : memref<!tpu.dma_semaphore, #tpu.memory_space<semaphore_mem>>
      %dma_start3A = arith.constant 0 : i32
      %dma_start3A_173 = tpu.memref_slice %arg5[%add3A_162, %dma_start3A] : memref<40960x128xf32, #tpu.memory_space<hbm>> -> memref<64x128xf32, #tpu.memory_space<hbm>>
      %dma_start3A_174 = arith.constant 0 : i32
      %dma_start3A_175 = tpu.memref_slice %arg5[%add3A_162, %dma_start3A_174] : memref<40960x128xf32, #tpu.memory_space<hbm>> -> memref<64x128xf32, #tpu.memory_space<hbm>>
      tpu.enqueue_dma source(%arg8 : memref<64x128xf32, #tpu.memory_space<vmem>>) target(%dma_start3A_175 : memref<64x128xf32, #tpu.memory_space<hbm>>) target_semaphore(%run_scoped3A : memref<!tpu.dma_semaphore, #tpu.memory_space<semaphore_mem>>)
      %dma_wait3A = arith.constant 0 : i32
      %dma_wait3A_176 = tpu.memref_slice %arg5[%add3A_162, %dma_wait3A] : memref<40960x128xf32, #tpu.memory_space<hbm>> -> memref<64x128xf32, #tpu.memory_space<hbm>>
      %dma_wait3A_177 = arith.constant 0 : i32
      %dma_wait3A_178 = tpu.memref_slice %arg5[%add3A_162, %dma_wait3A_177] : memref<40960x128xf32, #tpu.memory_space<hbm>> -> memref<64x128xf32, #tpu.memory_space<hbm>>
      tpu.wait_dma2 semaphore(%run_scoped3A : memref<!tpu.dma_semaphore, #tpu.memory_space<semaphore_mem>>) src(%arg8 : memref<64x128xf32, #tpu.memory_space<vmem>>) dst(%dma_wait3A_178 : memref<64x128xf32, #tpu.memory_space<hbm>>)
      tpu.yield
    }) : () -> ()
    %add3A_163 = arith.constant 448 : i32
    %add3A_164 = arith.addi %mul3A_12, %add3A_163 : i32
    "tpu.region"() ({
      %run_scoped3A = tpu.sem_alloc : memref<!tpu.dma_semaphore, #tpu.memory_space<semaphore_mem>>
      %dma_start3A = arith.constant 0 : i32
      %dma_start3A_173 = tpu.memref_slice %arg6[%add3A_164, %dma_start3A] : memref<10240x128xf32, #tpu.memory_space<vmem_shared>> -> memref<64x128xf32, #tpu.memory_space<vmem_shared>>
      %dma_start3A_174 = arith.constant 0 : i32
      %dma_start3A_175 = tpu.memref_slice %arg6[%add3A_164, %dma_start3A_174] : memref<10240x128xf32, #tpu.memory_space<vmem_shared>> -> memref<64x128xf32, #tpu.memory_space<vmem_shared>>
      tpu.enqueue_dma source(%dma_start3A_175 : memref<64x128xf32, #tpu.memory_space<vmem_shared>>) target(%arg8 : memref<64x128xf32, #tpu.memory_space<vmem>>) target_semaphore(%run_scoped3A : memref<!tpu.dma_semaphore, #tpu.memory_space<semaphore_mem>>)
      %dma_wait3A = arith.constant 0 : i32
      %dma_wait3A_176 = tpu.memref_slice %arg6[%add3A_164, %dma_wait3A] : memref<10240x128xf32, #tpu.memory_space<vmem_shared>> -> memref<64x128xf32, #tpu.memory_space<vmem_shared>>
      %dma_wait3A_177 = arith.constant 0 : i32
      %dma_wait3A_178 = tpu.memref_slice %arg6[%add3A_164, %dma_wait3A_177] : memref<10240x128xf32, #tpu.memory_space<vmem_shared>> -> memref<64x128xf32, #tpu.memory_space<vmem_shared>>
      tpu.wait_dma2 semaphore(%run_scoped3A : memref<!tpu.dma_semaphore, #tpu.memory_space<semaphore_mem>>) src(%dma_wait3A_178 : memref<64x128xf32, #tpu.memory_space<vmem_shared>>) dst(%arg8 : memref<64x128xf32, #tpu.memory_space<vmem>>)
      tpu.yield
    }) : () -> ()
    %add3A_165 = arith.addi %mul3A_97, %add3A_164 : i32
    "tpu.region"() ({
      %run_scoped3A = tpu.sem_alloc : memref<!tpu.dma_semaphore, #tpu.memory_space<semaphore_mem>>
      %dma_start3A = arith.constant 0 : i32
      %dma_start3A_173 = tpu.memref_slice %arg5[%add3A_165, %dma_start3A] : memref<40960x128xf32, #tpu.memory_space<hbm>> -> memref<64x128xf32, #tpu.memory_space<hbm>>
      %dma_start3A_174 = arith.constant 0 : i32
      %dma_start3A_175 = tpu.memref_slice %arg5[%add3A_165, %dma_start3A_174] : memref<40960x128xf32, #tpu.memory_space<hbm>> -> memref<64x128xf32, #tpu.memory_space<hbm>>
      tpu.enqueue_dma source(%arg8 : memref<64x128xf32, #tpu.memory_space<vmem>>) target(%dma_start3A_175 : memref<64x128xf32, #tpu.memory_space<hbm>>) target_semaphore(%run_scoped3A : memref<!tpu.dma_semaphore, #tpu.memory_space<semaphore_mem>>)
      %dma_wait3A = arith.constant 0 : i32
      %dma_wait3A_176 = tpu.memref_slice %arg5[%add3A_165, %dma_wait3A] : memref<40960x128xf32, #tpu.memory_space<hbm>> -> memref<64x128xf32, #tpu.memory_space<hbm>>
      %dma_wait3A_177 = arith.constant 0 : i32
      %dma_wait3A_178 = tpu.memref_slice %arg5[%add3A_165, %dma_wait3A_177] : memref<40960x128xf32, #tpu.memory_space<hbm>> -> memref<64x128xf32, #tpu.memory_space<hbm>>
      tpu.wait_dma2 semaphore(%run_scoped3A : memref<!tpu.dma_semaphore, #tpu.memory_space<semaphore_mem>>) src(%arg8 : memref<64x128xf32, #tpu.memory_space<vmem>>) dst(%dma_wait3A_178 : memref<64x128xf32, #tpu.memory_space<hbm>>)
      tpu.yield
    }) : () -> ()
    %add3A_166 = arith.constant 512 : i32
    %add3A_167 = arith.addi %mul3A_12, %add3A_166 : i32
    "tpu.region"() ({
      %run_scoped3A = tpu.sem_alloc : memref<!tpu.dma_semaphore, #tpu.memory_space<semaphore_mem>>
      %dma_start3A = arith.constant 0 : i32
      %dma_start3A_173 = tpu.memref_slice %arg6[%add3A_167, %dma_start3A] : memref<10240x128xf32, #tpu.memory_space<vmem_shared>> -> memref<64x128xf32, #tpu.memory_space<vmem_shared>>
      %dma_start3A_174 = arith.constant 0 : i32
      %dma_start3A_175 = tpu.memref_slice %arg6[%add3A_167, %dma_start3A_174] : memref<10240x128xf32, #tpu.memory_space<vmem_shared>> -> memref<64x128xf32, #tpu.memory_space<vmem_shared>>
      tpu.enqueue_dma source(%dma_start3A_175 : memref<64x128xf32, #tpu.memory_space<vmem_shared>>) target(%arg8 : memref<64x128xf32, #tpu.memory_space<vmem>>) target_semaphore(%run_scoped3A : memref<!tpu.dma_semaphore, #tpu.memory_space<semaphore_mem>>)
      %dma_wait3A = arith.constant 0 : i32
      %dma_wait3A_176 = tpu.memref_slice %arg6[%add3A_167, %dma_wait3A] : memref<10240x128xf32, #tpu.memory_space<vmem_shared>> -> memref<64x128xf32, #tpu.memory_space<vmem_shared>>
      %dma_wait3A_177 = arith.constant 0 : i32
      %dma_wait3A_178 = tpu.memref_slice %arg6[%add3A_167, %dma_wait3A_177] : memref<10240x128xf32, #tpu.memory_space<vmem_shared>> -> memref<64x128xf32, #tpu.memory_space<vmem_shared>>
      tpu.wait_dma2 semaphore(%run_scoped3A : memref<!tpu.dma_semaphore, #tpu.memory_space<semaphore_mem>>) src(%dma_wait3A_178 : memref<64x128xf32, #tpu.memory_space<vmem_shared>>) dst(%arg8 : memref<64x128xf32, #tpu.memory_space<vmem>>)
      tpu.yield
    }) : () -> ()
    %add3A_168 = arith.addi %mul3A_97, %add3A_167 : i32
    "tpu.region"() ({
      %run_scoped3A = tpu.sem_alloc : memref<!tpu.dma_semaphore, #tpu.memory_space<semaphore_mem>>
      %dma_start3A = arith.constant 0 : i32
      %dma_start3A_173 = tpu.memref_slice %arg5[%add3A_168, %dma_start3A] : memref<40960x128xf32, #tpu.memory_space<hbm>> -> memref<64x128xf32, #tpu.memory_space<hbm>>
      %dma_start3A_174 = arith.constant 0 : i32
      %dma_start3A_175 = tpu.memref_slice %arg5[%add3A_168, %dma_start3A_174] : memref<40960x128xf32, #tpu.memory_space<hbm>> -> memref<64x128xf32, #tpu.memory_space<hbm>>
      tpu.enqueue_dma source(%arg8 : memref<64x128xf32, #tpu.memory_space<vmem>>) target(%dma_start3A_175 : memref<64x128xf32, #tpu.memory_space<hbm>>) target_semaphore(%run_scoped3A : memref<!tpu.dma_semaphore, #tpu.memory_space<semaphore_mem>>)
      %dma_wait3A = arith.constant 0 : i32
      %dma_wait3A_176 = tpu.memref_slice %arg5[%add3A_168, %dma_wait3A] : memref<40960x128xf32, #tpu.memory_space<hbm>> -> memref<64x128xf32, #tpu.memory_space<hbm>>
      %dma_wait3A_177 = arith.constant 0 : i32
      %dma_wait3A_178 = tpu.memref_slice %arg5[%add3A_168, %dma_wait3A_177] : memref<40960x128xf32, #tpu.memory_space<hbm>> -> memref<64x128xf32, #tpu.memory_space<hbm>>
      tpu.wait_dma2 semaphore(%run_scoped3A : memref<!tpu.dma_semaphore, #tpu.memory_space<semaphore_mem>>) src(%arg8 : memref<64x128xf32, #tpu.memory_space<vmem>>) dst(%dma_wait3A_178 : memref<64x128xf32, #tpu.memory_space<hbm>>)
      tpu.yield
    }) : () -> ()
    %add3A_169 = arith.constant 576 : i32
    %add3A_170 = arith.addi %mul3A_12, %add3A_169 : i32
    "tpu.region"() ({
      %run_scoped3A = tpu.sem_alloc : memref<!tpu.dma_semaphore, #tpu.memory_space<semaphore_mem>>
      %dma_start3A = arith.constant 0 : i32
      %dma_start3A_173 = tpu.memref_slice %arg6[%add3A_170, %dma_start3A] : memref<10240x128xf32, #tpu.memory_space<vmem_shared>> -> memref<64x128xf32, #tpu.memory_space<vmem_shared>>
      %dma_start3A_174 = arith.constant 0 : i32
      %dma_start3A_175 = tpu.memref_slice %arg6[%add3A_170, %dma_start3A_174] : memref<10240x128xf32, #tpu.memory_space<vmem_shared>> -> memref<64x128xf32, #tpu.memory_space<vmem_shared>>
      tpu.enqueue_dma source(%dma_start3A_175 : memref<64x128xf32, #tpu.memory_space<vmem_shared>>) target(%arg8 : memref<64x128xf32, #tpu.memory_space<vmem>>) target_semaphore(%run_scoped3A : memref<!tpu.dma_semaphore, #tpu.memory_space<semaphore_mem>>)
      %dma_wait3A = arith.constant 0 : i32
      %dma_wait3A_176 = tpu.memref_slice %arg6[%add3A_170, %dma_wait3A] : memref<10240x128xf32, #tpu.memory_space<vmem_shared>> -> memref<64x128xf32, #tpu.memory_space<vmem_shared>>
      %dma_wait3A_177 = arith.constant 0 : i32
      %dma_wait3A_178 = tpu.memref_slice %arg6[%add3A_170, %dma_wait3A_177] : memref<10240x128xf32, #tpu.memory_space<vmem_shared>> -> memref<64x128xf32, #tpu.memory_space<vmem_shared>>
      tpu.wait_dma2 semaphore(%run_scoped3A : memref<!tpu.dma_semaphore, #tpu.memory_space<semaphore_mem>>) src(%dma_wait3A_178 : memref<64x128xf32, #tpu.memory_space<vmem_shared>>) dst(%arg8 : memref<64x128xf32, #tpu.memory_space<vmem>>)
      tpu.yield
    }) : () -> ()
    %add3A_171 = arith.addi %mul3A_97, %add3A_170 : i32
    "tpu.region"() ({
      %run_scoped3A = tpu.sem_alloc : memref<!tpu.dma_semaphore, #tpu.memory_space<semaphore_mem>>
      %dma_start3A = arith.constant 0 : i32
      %dma_start3A_173 = tpu.memref_slice %arg5[%add3A_171, %dma_start3A] : memref<40960x128xf32, #tpu.memory_space<hbm>> -> memref<64x128xf32, #tpu.memory_space<hbm>>
      %dma_start3A_174 = arith.constant 0 : i32
      %dma_start3A_175 = tpu.memref_slice %arg5[%add3A_171, %dma_start3A_174] : memref<40960x128xf32, #tpu.memory_space<hbm>> -> memref<64x128xf32, #tpu.memory_space<hbm>>
      tpu.enqueue_dma source(%arg8 : memref<64x128xf32, #tpu.memory_space<vmem>>) target(%dma_start3A_175 : memref<64x128xf32, #tpu.memory_space<hbm>>) target_semaphore(%run_scoped3A : memref<!tpu.dma_semaphore, #tpu.memory_space<semaphore_mem>>)
      %dma_wait3A = arith.constant 0 : i32
      %dma_wait3A_176 = tpu.memref_slice %arg5[%add3A_171, %dma_wait3A] : memref<40960x128xf32, #tpu.memory_space<hbm>> -> memref<64x128xf32, #tpu.memory_space<hbm>>
      %dma_wait3A_177 = arith.constant 0 : i32
      %dma_wait3A_178 = tpu.memref_slice %arg5[%add3A_171, %dma_wait3A_177] : memref<40960x128xf32, #tpu.memory_space<hbm>> -> memref<64x128xf32, #tpu.memory_space<hbm>>
      tpu.wait_dma2 semaphore(%run_scoped3A : memref<!tpu.dma_semaphore, #tpu.memory_space<semaphore_mem>>) src(%arg8 : memref<64x128xf32, #tpu.memory_space<vmem>>) dst(%dma_wait3A_178 : memref<64x128xf32, #tpu.memory_space<hbm>>)
      tpu.yield
    }) : () -> ()
    %barrier3A_172 = arith.constant 0 : index
    tpu.barrier barrier_id(%barrier3A_172)
    return
  }
}

#map = affine_map<(d0, d1) -> (0)>
module attributes {stable_mosaic.version = 14 : i64} {
  func.func @_deg_kernel(%arg0: i32, %arg1: i32, %arg2: memref<160000xi32, #tpu.memory_space<hbm>>, %arg3: memref<20480xf32, #tpu.memory_space<hbm>>, %arg4: memref<10240xf32, #tpu.memory_space<vmem_shared>>, %arg5: memref<1600xi32, #tpu.memory_space<vmem>>, %arg6: memref<1600xf32, #tpu.memory_space<vmem>>, %arg7: memref<320xf32, #tpu.memory_space<vmem>>) attributes {dimension_semantics = [#tpu.dimension_semantics<core_parallel>, #tpu.dimension_semantics<subcore_parallel>], iteration_bounds = array<i64: 2, 16>, scalar_prefetch = 0 : i64, scratch_operands = 4 : i64, tpu.core_type = #tpu.core_type<sc_vector_subcore>, window_params = [{transform_indices = #map}, {transform_indices = #map}]} {
    %mul3A = arith.constant 320 : i32
    %mul3A_0 = arith.muli %arg1, %mul3A : i32
    %broadcast_in_dim3A = arith.constant 0.000000e+00 : f32
    %broadcast_in_dim3A_1 = vector.broadcast %broadcast_in_dim3A : f32 to vector<16xf32>
    %swap3A = arith.constant 0 : index
    %swap3A_2 = tpu.vector_load %arg7[%swap3A] {strides = array<i32>} : memref<320xf32, #tpu.memory_space<vmem>>, vector<16xf32>,
    %swap3A_3 = vector.shape_cast %swap3A_2 : vector<16xf32> to vector<16xf32>
    %swap3A_4 = vector.shape_cast %broadcast_in_dim3A_1 : vector<16xf32> to vector<16xf32>
    tpu.vector_store %arg7[%swap3A], %swap3A_4 {strides = array<i32>} : memref<320xf32, #tpu.memory_space<vmem>>, vector<16xf32>,
    %broadcast_in_dim3A_5 = arith.constant 0.000000e+00 : f32
    %broadcast_in_dim3A_6 = vector.broadcast %broadcast_in_dim3A_5 : f32 to vector<16xf32>
    %swap3A_7 = arith.constant 16 : index
    %swap3A_8 = tpu.vector_load %arg7[%swap3A_7] {strides = array<i32>} : memref<320xf32, #tpu.memory_space<vmem>>, vector<16xf32>,
    %swap3A_9 = vector.shape_cast %swap3A_8 : vector<16xf32> to vector<16xf32>
    %swap3A_10 = vector.shape_cast %broadcast_in_dim3A_6 : vector<16xf32> to vector<16xf32>
    tpu.vector_store %arg7[%swap3A_7], %swap3A_10 {strides = array<i32>} : memref<320xf32, #tpu.memory_space<vmem>>, vector<16xf32>,
    %broadcast_in_dim3A_11 = arith.constant 0.000000e+00 : f32
    %broadcast_in_dim3A_12 = vector.broadcast %broadcast_in_dim3A_11 : f32 to vector<16xf32>
    %swap3A_13 = arith.constant 32 : index
    %swap3A_14 = tpu.vector_load %arg7[%swap3A_13] {strides = array<i32>} : memref<320xf32, #tpu.memory_space<vmem>>, vector<16xf32>,
    %swap3A_15 = vector.shape_cast %swap3A_14 : vector<16xf32> to vector<16xf32>
    %swap3A_16 = vector.shape_cast %broadcast_in_dim3A_12 : vector<16xf32> to vector<16xf32>
    tpu.vector_store %arg7[%swap3A_13], %swap3A_16 {strides = array<i32>} : memref<320xf32, #tpu.memory_space<vmem>>, vector<16xf32>,
    %broadcast_in_dim3A_17 = arith.constant 0.000000e+00 : f32
    %broadcast_in_dim3A_18 = vector.broadcast %broadcast_in_dim3A_17 : f32 to vector<16xf32>
    %swap3A_19 = arith.constant 48 : index
    %swap3A_20 = tpu.vector_load %arg7[%swap3A_19] {strides = array<i32>} : memref<320xf32, #tpu.memory_space<vmem>>, vector<16xf32>,
    %swap3A_21 = vector.shape_cast %swap3A_20 : vector<16xf32> to vector<16xf32>
    %swap3A_22 = vector.shape_cast %broadcast_in_dim3A_18 : vector<16xf32> to vector<16xf32>
    tpu.vector_store %arg7[%swap3A_19], %swap3A_22 {strides = array<i32>} : memref<320xf32, #tpu.memory_space<vmem>>, vector<16xf32>,
    %broadcast_in_dim3A_23 = arith.constant 0.000000e+00 : f32
    %broadcast_in_dim3A_24 = vector.broadcast %broadcast_in_dim3A_23 : f32 to vector<16xf32>
    %swap3A_25 = arith.constant 64 : index
    %swap3A_26 = tpu.vector_load %arg7[%swap3A_25] {strides = array<i32>} : memref<320xf32, #tpu.memory_space<vmem>>, vector<16xf32>,
    %swap3A_27 = vector.shape_cast %swap3A_26 : vector<16xf32> to vector<16xf32>
    %swap3A_28 = vector.shape_cast %broadcast_in_dim3A_24 : vector<16xf32> to vector<16xf32>
    tpu.vector_store %arg7[%swap3A_25], %swap3A_28 {strides = array<i32>} : memref<320xf32, #tpu.memory_space<vmem>>, vector<16xf32>,
    %broadcast_in_dim3A_29 = arith.constant 0.000000e+00 : f32
    %broadcast_in_dim3A_30 = vector.broadcast %broadcast_in_dim3A_29 : f32 to vector<16xf32>
    %swap3A_31 = arith.constant 80 : index
    %swap3A_32 = tpu.vector_load %arg7[%swap3A_31] {strides = array<i32>} : memref<320xf32, #tpu.memory_space<vmem>>, vector<16xf32>,
    %swap3A_33 = vector.shape_cast %swap3A_32 : vector<16xf32> to vector<16xf32>
    %swap3A_34 = vector.shape_cast %broadcast_in_dim3A_30 : vector<16xf32> to vector<16xf32>
    tpu.vector_store %arg7[%swap3A_31], %swap3A_34 {strides = array<i32>} : memref<320xf32, #tpu.memory_space<vmem>>, vector<16xf32>,
    %broadcast_in_dim3A_35 = arith.constant 0.000000e+00 : f32
    %broadcast_in_dim3A_36 = vector.broadcast %broadcast_in_dim3A_35 : f32 to vector<16xf32>
    %swap3A_37 = arith.constant 96 : index
    %swap3A_38 = tpu.vector_load %arg7[%swap3A_37] {strides = array<i32>} : memref<320xf32, #tpu.memory_space<vmem>>, vector<16xf32>,
    %swap3A_39 = vector.shape_cast %swap3A_38 : vector<16xf32> to vector<16xf32>
    %swap3A_40 = vector.shape_cast %broadcast_in_dim3A_36 : vector<16xf32> to vector<16xf32>
    tpu.vector_store %arg7[%swap3A_37], %swap3A_40 {strides = array<i32>} : memref<320xf32, #tpu.memory_space<vmem>>, vector<16xf32>,
    %broadcast_in_dim3A_41 = arith.constant 0.000000e+00 : f32
    %broadcast_in_dim3A_42 = vector.broadcast %broadcast_in_dim3A_41 : f32 to vector<16xf32>
    %swap3A_43 = arith.constant 112 : index
    %swap3A_44 = tpu.vector_load %arg7[%swap3A_43] {strides = array<i32>} : memref<320xf32, #tpu.memory_space<vmem>>, vector<16xf32>,
    %swap3A_45 = vector.shape_cast %swap3A_44 : vector<16xf32> to vector<16xf32>
    %swap3A_46 = vector.shape_cast %broadcast_in_dim3A_42 : vector<16xf32> to vector<16xf32>
    tpu.vector_store %arg7[%swap3A_43], %swap3A_46 {strides = array<i32>} : memref<320xf32, #tpu.memory_space<vmem>>, vector<16xf32>,
    %broadcast_in_dim3A_47 = arith.constant 0.000000e+00 : f32
    %broadcast_in_dim3A_48 = vector.broadcast %broadcast_in_dim3A_47 : f32 to vector<16xf32>
    %swap3A_49 = arith.constant 128 : index
    %swap3A_50 = tpu.vector_load %arg7[%swap3A_49] {strides = array<i32>} : memref<320xf32, #tpu.memory_space<vmem>>, vector<16xf32>,
    %swap3A_51 = vector.shape_cast %swap3A_50 : vector<16xf32> to vector<16xf32>
    %swap3A_52 = vector.shape_cast %broadcast_in_dim3A_48 : vector<16xf32> to vector<16xf32>
    tpu.vector_store %arg7[%swap3A_49], %swap3A_52 {strides = array<i32>} : memref<320xf32, #tpu.memory_space<vmem>>, vector<16xf32>,
    %broadcast_in_dim3A_53 = arith.constant 0.000000e+00 : f32
    %broadcast_in_dim3A_54 = vector.broadcast %broadcast_in_dim3A_53 : f32 to vector<16xf32>
    %swap3A_55 = arith.constant 144 : index
    %swap3A_56 = tpu.vector_load %arg7[%swap3A_55] {strides = array<i32>} : memref<320xf32, #tpu.memory_space<vmem>>, vector<16xf32>,
    %swap3A_57 = vector.shape_cast %swap3A_56 : vector<16xf32> to vector<16xf32>
    %swap3A_58 = vector.shape_cast %broadcast_in_dim3A_54 : vector<16xf32> to vector<16xf32>
    tpu.vector_store %arg7[%swap3A_55], %swap3A_58 {strides = array<i32>} : memref<320xf32, #tpu.memory_space<vmem>>, vector<16xf32>,
    %broadcast_in_dim3A_59 = arith.constant 0.000000e+00 : f32
    %broadcast_in_dim3A_60 = vector.broadcast %broadcast_in_dim3A_59 : f32 to vector<16xf32>
    %swap3A_61 = arith.constant 160 : index
    %swap3A_62 = tpu.vector_load %arg7[%swap3A_61] {strides = array<i32>} : memref<320xf32, #tpu.memory_space<vmem>>, vector<16xf32>,
    %swap3A_63 = vector.shape_cast %swap3A_62 : vector<16xf32> to vector<16xf32>
    %swap3A_64 = vector.shape_cast %broadcast_in_dim3A_60 : vector<16xf32> to vector<16xf32>
    tpu.vector_store %arg7[%swap3A_61], %swap3A_64 {strides = array<i32>} : memref<320xf32, #tpu.memory_space<vmem>>, vector<16xf32>,
    %broadcast_in_dim3A_65 = arith.constant 0.000000e+00 : f32
    %broadcast_in_dim3A_66 = vector.broadcast %broadcast_in_dim3A_65 : f32 to vector<16xf32>
    %swap3A_67 = arith.constant 176 : index
    %swap3A_68 = tpu.vector_load %arg7[%swap3A_67] {strides = array<i32>} : memref<320xf32, #tpu.memory_space<vmem>>, vector<16xf32>,
    %swap3A_69 = vector.shape_cast %swap3A_68 : vector<16xf32> to vector<16xf32>
    %swap3A_70 = vector.shape_cast %broadcast_in_dim3A_66 : vector<16xf32> to vector<16xf32>
    tpu.vector_store %arg7[%swap3A_67], %swap3A_70 {strides = array<i32>} : memref<320xf32, #tpu.memory_space<vmem>>, vector<16xf32>,
    %broadcast_in_dim3A_71 = arith.constant 0.000000e+00 : f32
    %broadcast_in_dim3A_72 = vector.broadcast %broadcast_in_dim3A_71 : f32 to vector<16xf32>
    %swap3A_73 = arith.constant 192 : index
    %swap3A_74 = tpu.vector_load %arg7[%swap3A_73] {strides = array<i32>} : memref<320xf32, #tpu.memory_space<vmem>>, vector<16xf32>,
    %swap3A_75 = vector.shape_cast %swap3A_74 : vector<16xf32> to vector<16xf32>
    %swap3A_76 = vector.shape_cast %broadcast_in_dim3A_72 : vector<16xf32> to vector<16xf32>
    tpu.vector_store %arg7[%swap3A_73], %swap3A_76 {strides = array<i32>} : memref<320xf32, #tpu.memory_space<vmem>>, vector<16xf32>,
    %broadcast_in_dim3A_77 = arith.constant 0.000000e+00 : f32
    %broadcast_in_dim3A_78 = vector.broadcast %broadcast_in_dim3A_77 : f32 to vector<16xf32>
    %swap3A_79 = arith.constant 208 : index
    %swap3A_80 = tpu.vector_load %arg7[%swap3A_79] {strides = array<i32>} : memref<320xf32, #tpu.memory_space<vmem>>, vector<16xf32>,
    %swap3A_81 = vector.shape_cast %swap3A_80 : vector<16xf32> to vector<16xf32>
    %swap3A_82 = vector.shape_cast %broadcast_in_dim3A_78 : vector<16xf32> to vector<16xf32>
    tpu.vector_store %arg7[%swap3A_79], %swap3A_82 {strides = array<i32>} : memref<320xf32, #tpu.memory_space<vmem>>, vector<16xf32>,
    %broadcast_in_dim3A_83 = arith.constant 0.000000e+00 : f32
    %broadcast_in_dim3A_84 = vector.broadcast %broadcast_in_dim3A_83 : f32 to vector<16xf32>
    %swap3A_85 = arith.constant 224 : index
    %swap3A_86 = tpu.vector_load %arg7[%swap3A_85] {strides = array<i32>} : memref<320xf32, #tpu.memory_space<vmem>>, vector<16xf32>,
    %swap3A_87 = vector.shape_cast %swap3A_86 : vector<16xf32> to vector<16xf32>
    %swap3A_88 = vector.shape_cast %broadcast_in_dim3A_84 : vector<16xf32> to vector<16xf32>
    tpu.vector_store %arg7[%swap3A_85], %swap3A_88 {strides = array<i32>} : memref<320xf32, #tpu.memory_space<vmem>>, vector<16xf32>,
    %broadcast_in_dim3A_89 = arith.constant 0.000000e+00 : f32
    %broadcast_in_dim3A_90 = vector.broadcast %broadcast_in_dim3A_89 : f32 to vector<16xf32>
    %swap3A_91 = arith.constant 240 : index
    %swap3A_92 = tpu.vector_load %arg7[%swap3A_91] {strides = array<i32>} : memref<320xf32, #tpu.memory_space<vmem>>, vector<16xf32>,
    %swap3A_93 = vector.shape_cast %swap3A_92 : vector<16xf32> to vector<16xf32>
    %swap3A_94 = vector.shape_cast %broadcast_in_dim3A_90 : vector<16xf32> to vector<16xf32>
    tpu.vector_store %arg7[%swap3A_91], %swap3A_94 {strides = array<i32>} : memref<320xf32, #tpu.memory_space<vmem>>, vector<16xf32>,
    %broadcast_in_dim3A_95 = arith.constant 0.000000e+00 : f32
    %broadcast_in_dim3A_96 = vector.broadcast %broadcast_in_dim3A_95 : f32 to vector<16xf32>
    %swap3A_97 = arith.constant 256 : index
    %swap3A_98 = tpu.vector_load %arg7[%swap3A_97] {strides = array<i32>} : memref<320xf32, #tpu.memory_space<vmem>>, vector<16xf32>,
    %swap3A_99 = vector.shape_cast %swap3A_98 : vector<16xf32> to vector<16xf32>
    %swap3A_100 = vector.shape_cast %broadcast_in_dim3A_96 : vector<16xf32> to vector<16xf32>
    tpu.vector_store %arg7[%swap3A_97], %swap3A_100 {strides = array<i32>} : memref<320xf32, #tpu.memory_space<vmem>>, vector<16xf32>,
    %broadcast_in_dim3A_101 = arith.constant 0.000000e+00 : f32
    %broadcast_in_dim3A_102 = vector.broadcast %broadcast_in_dim3A_101 : f32 to vector<16xf32>
    %swap3A_103 = arith.constant 272 : index
    %swap3A_104 = tpu.vector_load %arg7[%swap3A_103] {strides = array<i32>} : memref<320xf32, #tpu.memory_space<vmem>>, vector<16xf32>,
    %swap3A_105 = vector.shape_cast %swap3A_104 : vector<16xf32> to vector<16xf32>
    %swap3A_106 = vector.shape_cast %broadcast_in_dim3A_102 : vector<16xf32> to vector<16xf32>
    tpu.vector_store %arg7[%swap3A_103], %swap3A_106 {strides = array<i32>} : memref<320xf32, #tpu.memory_space<vmem>>, vector<16xf32>,
    %broadcast_in_dim3A_107 = arith.constant 0.000000e+00 : f32
    %broadcast_in_dim3A_108 = vector.broadcast %broadcast_in_dim3A_107 : f32 to vector<16xf32>
    %swap3A_109 = arith.constant 288 : index
    %swap3A_110 = tpu.vector_load %arg7[%swap3A_109] {strides = array<i32>} : memref<320xf32, #tpu.memory_space<vmem>>, vector<16xf32>,
    %swap3A_111 = vector.shape_cast %swap3A_110 : vector<16xf32> to vector<16xf32>
    %swap3A_112 = vector.shape_cast %broadcast_in_dim3A_108 : vector<16xf32> to vector<16xf32>
    tpu.vector_store %arg7[%swap3A_109], %swap3A_112 {strides = array<i32>} : memref<320xf32, #tpu.memory_space<vmem>>, vector<16xf32>,
    %broadcast_in_dim3A_113 = arith.constant 0.000000e+00 : f32
    %broadcast_in_dim3A_114 = vector.broadcast %broadcast_in_dim3A_113 : f32 to vector<16xf32>
    %swap3A_115 = arith.constant 304 : index
    %swap3A_116 = tpu.vector_load %arg7[%swap3A_115] {strides = array<i32>} : memref<320xf32, #tpu.memory_space<vmem>>, vector<16xf32>,
    %swap3A_117 = vector.shape_cast %swap3A_116 : vector<16xf32> to vector<16xf32>
    %swap3A_118 = vector.shape_cast %broadcast_in_dim3A_114 : vector<16xf32> to vector<16xf32>
    tpu.vector_store %arg7[%swap3A_115], %swap3A_118 {strides = array<i32>} : memref<320xf32, #tpu.memory_space<vmem>>, vector<16xf32>,
    "tpu.region"() ({
      %run_scoped3A = tpu.sem_alloc : memref<!tpu.dma_semaphore, #tpu.memory_space<semaphore_mem>>
      %dma_start3A = tpu.memref_slice %arg4[%mul3A_0] : memref<10240xf32, #tpu.memory_space<vmem_shared>> -> memref<320xf32, #tpu.memory_space<vmem_shared>>
      %dma_start3A_750 = tpu.memref_slice %arg4[%mul3A_0] : memref<10240xf32, #tpu.memory_space<vmem_shared>> -> memref<320xf32, #tpu.memory_space<vmem_shared>>
      tpu.enqueue_dma source(%arg7 : memref<320xf32, #tpu.memory_space<vmem>>) target(%dma_start3A_750 : memref<320xf32, #tpu.memory_space<vmem_shared>>) target_semaphore(%run_scoped3A : memref<!tpu.dma_semaphore, #tpu.memory_space<semaphore_mem>>)
      %dma_wait3A = tpu.memref_slice %arg4[%mul3A_0] : memref<10240xf32, #tpu.memory_space<vmem_shared>> -> memref<320xf32, #tpu.memory_space<vmem_shared>>
      %dma_wait3A_751 = tpu.memref_slice %arg4[%mul3A_0] : memref<10240xf32, #tpu.memory_space<vmem_shared>> -> memref<320xf32, #tpu.memory_space<vmem_shared>>
      tpu.wait_dma2 semaphore(%run_scoped3A : memref<!tpu.dma_semaphore, #tpu.memory_space<semaphore_mem>>) src(%arg7 : memref<320xf32, #tpu.memory_space<vmem>>) dst(%dma_wait3A_751 : memref<320xf32, #tpu.memory_space<vmem_shared>>)
      tpu.yield
    }) : () -> ()
    %broadcast_in_dim3A_119 = arith.constant 1.000000e+00 : f32
    %broadcast_in_dim3A_120 = vector.broadcast %broadcast_in_dim3A_119 : f32 to vector<16xf32>
    %swap3A_121 = arith.constant 0 : index
    %swap3A_122 = tpu.vector_load %arg6[%swap3A_121] {strides = array<i32>} : memref<1600xf32, #tpu.memory_space<vmem>>, vector<16xf32>,
    %swap3A_123 = vector.shape_cast %swap3A_122 : vector<16xf32> to vector<16xf32>
    %swap3A_124 = vector.shape_cast %broadcast_in_dim3A_120 : vector<16xf32> to vector<16xf32>
    tpu.vector_store %arg6[%swap3A_121], %swap3A_124 {strides = array<i32>} : memref<1600xf32, #tpu.memory_space<vmem>>, vector<16xf32>,
    %broadcast_in_dim3A_125 = arith.constant 1.000000e+00 : f32
    %broadcast_in_dim3A_126 = vector.broadcast %broadcast_in_dim3A_125 : f32 to vector<16xf32>
    %swap3A_127 = arith.constant 16 : index
    %swap3A_128 = tpu.vector_load %arg6[%swap3A_127] {strides = array<i32>} : memref<1600xf32, #tpu.memory_space<vmem>>, vector<16xf32>,
    %swap3A_129 = vector.shape_cast %swap3A_128 : vector<16xf32> to vector<16xf32>
    %swap3A_130 = vector.shape_cast %broadcast_in_dim3A_126 : vector<16xf32> to vector<16xf32>
    tpu.vector_store %arg6[%swap3A_127], %swap3A_130 {strides = array<i32>} : memref<1600xf32, #tpu.memory_space<vmem>>, vector<16xf32>,
    %broadcast_in_dim3A_131 = arith.constant 1.000000e+00 : f32
    %broadcast_in_dim3A_132 = vector.broadcast %broadcast_in_dim3A_131 : f32 to vector<16xf32>
    %swap3A_133 = arith.constant 32 : index
    %swap3A_134 = tpu.vector_load %arg6[%swap3A_133] {strides = array<i32>} : memref<1600xf32, #tpu.memory_space<vmem>>, vector<16xf32>,
    %swap3A_135 = vector.shape_cast %swap3A_134 : vector<16xf32> to vector<16xf32>
    %swap3A_136 = vector.shape_cast %broadcast_in_dim3A_132 : vector<16xf32> to vector<16xf32>
    tpu.vector_store %arg6[%swap3A_133], %swap3A_136 {strides = array<i32>} : memref<1600xf32, #tpu.memory_space<vmem>>, vector<16xf32>,
    %broadcast_in_dim3A_137 = arith.constant 1.000000e+00 : f32
    %broadcast_in_dim3A_138 = vector.broadcast %broadcast_in_dim3A_137 : f32 to vector<16xf32>
    %swap3A_139 = arith.constant 48 : index
    %swap3A_140 = tpu.vector_load %arg6[%swap3A_139] {strides = array<i32>} : memref<1600xf32, #tpu.memory_space<vmem>>, vector<16xf32>,
    %swap3A_141 = vector.shape_cast %swap3A_140 : vector<16xf32> to vector<16xf32>
    %swap3A_142 = vector.shape_cast %broadcast_in_dim3A_138 : vector<16xf32> to vector<16xf32>
    tpu.vector_store %arg6[%swap3A_139], %swap3A_142 {strides = array<i32>} : memref<1600xf32, #tpu.memory_space<vmem>>, vector<16xf32>,
    %broadcast_in_dim3A_143 = arith.constant 1.000000e+00 : f32
    %broadcast_in_dim3A_144 = vector.broadcast %broadcast_in_dim3A_143 : f32 to vector<16xf32>
    %swap3A_145 = arith.constant 64 : index
    %swap3A_146 = tpu.vector_load %arg6[%swap3A_145] {strides = array<i32>} : memref<1600xf32, #tpu.memory_space<vmem>>, vector<16xf32>,
    %swap3A_147 = vector.shape_cast %swap3A_146 : vector<16xf32> to vector<16xf32>
    %swap3A_148 = vector.shape_cast %broadcast_in_dim3A_144 : vector<16xf32> to vector<16xf32>
    tpu.vector_store %arg6[%swap3A_145], %swap3A_148 {strides = array<i32>} : memref<1600xf32, #tpu.memory_space<vmem>>, vector<16xf32>,
    %broadcast_in_dim3A_149 = arith.constant 1.000000e+00 : f32
    %broadcast_in_dim3A_150 = vector.broadcast %broadcast_in_dim3A_149 : f32 to vector<16xf32>
    %swap3A_151 = arith.constant 80 : index
    %swap3A_152 = tpu.vector_load %arg6[%swap3A_151] {strides = array<i32>} : memref<1600xf32, #tpu.memory_space<vmem>>, vector<16xf32>,
    %swap3A_153 = vector.shape_cast %swap3A_152 : vector<16xf32> to vector<16xf32>
    %swap3A_154 = vector.shape_cast %broadcast_in_dim3A_150 : vector<16xf32> to vector<16xf32>
    tpu.vector_store %arg6[%swap3A_151], %swap3A_154 {strides = array<i32>} : memref<1600xf32, #tpu.memory_space<vmem>>, vector<16xf32>,
    %broadcast_in_dim3A_155 = arith.constant 1.000000e+00 : f32
    %broadcast_in_dim3A_156 = vector.broadcast %broadcast_in_dim3A_155 : f32 to vector<16xf32>
    %swap3A_157 = arith.constant 96 : index
    %swap3A_158 = tpu.vector_load %arg6[%swap3A_157] {strides = array<i32>} : memref<1600xf32, #tpu.memory_space<vmem>>, vector<16xf32>,
    %swap3A_159 = vector.shape_cast %swap3A_158 : vector<16xf32> to vector<16xf32>
    %swap3A_160 = vector.shape_cast %broadcast_in_dim3A_156 : vector<16xf32> to vector<16xf32>
    tpu.vector_store %arg6[%swap3A_157], %swap3A_160 {strides = array<i32>} : memref<1600xf32, #tpu.memory_space<vmem>>, vector<16xf32>,
    %broadcast_in_dim3A_161 = arith.constant 1.000000e+00 : f32
    %broadcast_in_dim3A_162 = vector.broadcast %broadcast_in_dim3A_161 : f32 to vector<16xf32>
    %swap3A_163 = arith.constant 112 : index
    %swap3A_164 = tpu.vector_load %arg6[%swap3A_163] {strides = array<i32>} : memref<1600xf32, #tpu.memory_space<vmem>>, vector<16xf32>,
    %swap3A_165 = vector.shape_cast %swap3A_164 : vector<16xf32> to vector<16xf32>
    %swap3A_166 = vector.shape_cast %broadcast_in_dim3A_162 : vector<16xf32> to vector<16xf32>
    tpu.vector_store %arg6[%swap3A_163], %swap3A_166 {strides = array<i32>} : memref<1600xf32, #tpu.memory_space<vmem>>, vector<16xf32>,
    %broadcast_in_dim3A_167 = arith.constant 1.000000e+00 : f32
    %broadcast_in_dim3A_168 = vector.broadcast %broadcast_in_dim3A_167 : f32 to vector<16xf32>
    %swap3A_169 = arith.constant 128 : index
    %swap3A_170 = tpu.vector_load %arg6[%swap3A_169] {strides = array<i32>} : memref<1600xf32, #tpu.memory_space<vmem>>, vector<16xf32>,
    %swap3A_171 = vector.shape_cast %swap3A_170 : vector<16xf32> to vector<16xf32>
    %swap3A_172 = vector.shape_cast %broadcast_in_dim3A_168 : vector<16xf32> to vector<16xf32>
    tpu.vector_store %arg6[%swap3A_169], %swap3A_172 {strides = array<i32>} : memref<1600xf32, #tpu.memory_space<vmem>>, vector<16xf32>,
    %broadcast_in_dim3A_173 = arith.constant 1.000000e+00 : f32
    %broadcast_in_dim3A_174 = vector.broadcast %broadcast_in_dim3A_173 : f32 to vector<16xf32>
    %swap3A_175 = arith.constant 144 : index
    %swap3A_176 = tpu.vector_load %arg6[%swap3A_175] {strides = array<i32>} : memref<1600xf32, #tpu.memory_space<vmem>>, vector<16xf32>,
    %swap3A_177 = vector.shape_cast %swap3A_176 : vector<16xf32> to vector<16xf32>
    %swap3A_178 = vector.shape_cast %broadcast_in_dim3A_174 : vector<16xf32> to vector<16xf32>
    tpu.vector_store %arg6[%swap3A_175], %swap3A_178 {strides = array<i32>} : memref<1600xf32, #tpu.memory_space<vmem>>, vector<16xf32>,
    %broadcast_in_dim3A_179 = arith.constant 1.000000e+00 : f32
    %broadcast_in_dim3A_180 = vector.broadcast %broadcast_in_dim3A_179 : f32 to vector<16xf32>
    %swap3A_181 = arith.constant 160 : index
    %swap3A_182 = tpu.vector_load %arg6[%swap3A_181] {strides = array<i32>} : memref<1600xf32, #tpu.memory_space<vmem>>, vector<16xf32>,
    %swap3A_183 = vector.shape_cast %swap3A_182 : vector<16xf32> to vector<16xf32>
    %swap3A_184 = vector.shape_cast %broadcast_in_dim3A_180 : vector<16xf32> to vector<16xf32>
    tpu.vector_store %arg6[%swap3A_181], %swap3A_184 {strides = array<i32>} : memref<1600xf32, #tpu.memory_space<vmem>>, vector<16xf32>,
    %broadcast_in_dim3A_185 = arith.constant 1.000000e+00 : f32
    %broadcast_in_dim3A_186 = vector.broadcast %broadcast_in_dim3A_185 : f32 to vector<16xf32>
    %swap3A_187 = arith.constant 176 : index
    %swap3A_188 = tpu.vector_load %arg6[%swap3A_187] {strides = array<i32>} : memref<1600xf32, #tpu.memory_space<vmem>>, vector<16xf32>,
    %swap3A_189 = vector.shape_cast %swap3A_188 : vector<16xf32> to vector<16xf32>
    %swap3A_190 = vector.shape_cast %broadcast_in_dim3A_186 : vector<16xf32> to vector<16xf32>
    tpu.vector_store %arg6[%swap3A_187], %swap3A_190 {strides = array<i32>} : memref<1600xf32, #tpu.memory_space<vmem>>, vector<16xf32>,
    %broadcast_in_dim3A_191 = arith.constant 1.000000e+00 : f32
    %broadcast_in_dim3A_192 = vector.broadcast %broadcast_in_dim3A_191 : f32 to vector<16xf32>
    %swap3A_193 = arith.constant 192 : index
    %swap3A_194 = tpu.vector_load %arg6[%swap3A_193] {strides = array<i32>} : memref<1600xf32, #tpu.memory_space<vmem>>, vector<16xf32>,
    %swap3A_195 = vector.shape_cast %swap3A_194 : vector<16xf32> to vector<16xf32>
    %swap3A_196 = vector.shape_cast %broadcast_in_dim3A_192 : vector<16xf32> to vector<16xf32>
    tpu.vector_store %arg6[%swap3A_193], %swap3A_196 {strides = array<i32>} : memref<1600xf32, #tpu.memory_space<vmem>>, vector<16xf32>,
    %broadcast_in_dim3A_197 = arith.constant 1.000000e+00 : f32
    %broadcast_in_dim3A_198 = vector.broadcast %broadcast_in_dim3A_197 : f32 to vector<16xf32>
    %swap3A_199 = arith.constant 208 : index
    %swap3A_200 = tpu.vector_load %arg6[%swap3A_199] {strides = array<i32>} : memref<1600xf32, #tpu.memory_space<vmem>>, vector<16xf32>,
    %swap3A_201 = vector.shape_cast %swap3A_200 : vector<16xf32> to vector<16xf32>
    %swap3A_202 = vector.shape_cast %broadcast_in_dim3A_198 : vector<16xf32> to vector<16xf32>
    tpu.vector_store %arg6[%swap3A_199], %swap3A_202 {strides = array<i32>} : memref<1600xf32, #tpu.memory_space<vmem>>, vector<16xf32>,
    %broadcast_in_dim3A_203 = arith.constant 1.000000e+00 : f32
    %broadcast_in_dim3A_204 = vector.broadcast %broadcast_in_dim3A_203 : f32 to vector<16xf32>
    %swap3A_205 = arith.constant 224 : index
    %swap3A_206 = tpu.vector_load %arg6[%swap3A_205] {strides = array<i32>} : memref<1600xf32, #tpu.memory_space<vmem>>, vector<16xf32>,
    %swap3A_207 = vector.shape_cast %swap3A_206 : vector<16xf32> to vector<16xf32>
    %swap3A_208 = vector.shape_cast %broadcast_in_dim3A_204 : vector<16xf32> to vector<16xf32>
    tpu.vector_store %arg6[%swap3A_205], %swap3A_208 {strides = array<i32>} : memref<1600xf32, #tpu.memory_space<vmem>>, vector<16xf32>,
    %broadcast_in_dim3A_209 = arith.constant 1.000000e+00 : f32
    %broadcast_in_dim3A_210 = vector.broadcast %broadcast_in_dim3A_209 : f32 to vector<16xf32>
    %swap3A_211 = arith.constant 240 : index
    %swap3A_212 = tpu.vector_load %arg6[%swap3A_211] {strides = array<i32>} : memref<1600xf32, #tpu.memory_space<vmem>>, vector<16xf32>,
    %swap3A_213 = vector.shape_cast %swap3A_212 : vector<16xf32> to vector<16xf32>
    %swap3A_214 = vector.shape_cast %broadcast_in_dim3A_210 : vector<16xf32> to vector<16xf32>
    tpu.vector_store %arg6[%swap3A_211], %swap3A_214 {strides = array<i32>} : memref<1600xf32, #tpu.memory_space<vmem>>, vector<16xf32>,
    %broadcast_in_dim3A_215 = arith.constant 1.000000e+00 : f32
    %broadcast_in_dim3A_216 = vector.broadcast %broadcast_in_dim3A_215 : f32 to vector<16xf32>
    %swap3A_217 = arith.constant 256 : index
    %swap3A_218 = tpu.vector_load %arg6[%swap3A_217] {strides = array<i32>} : memref<1600xf32, #tpu.memory_space<vmem>>, vector<16xf32>,
    %swap3A_219 = vector.shape_cast %swap3A_218 : vector<16xf32> to vector<16xf32>
    %swap3A_220 = vector.shape_cast %broadcast_in_dim3A_216 : vector<16xf32> to vector<16xf32>
    tpu.vector_store %arg6[%swap3A_217], %swap3A_220 {strides = array<i32>} : memref<1600xf32, #tpu.memory_space<vmem>>, vector<16xf32>,
    %broadcast_in_dim3A_221 = arith.constant 1.000000e+00 : f32
    %broadcast_in_dim3A_222 = vector.broadcast %broadcast_in_dim3A_221 : f32 to vector<16xf32>
    %swap3A_223 = arith.constant 272 : index
    %swap3A_224 = tpu.vector_load %arg6[%swap3A_223] {strides = array<i32>} : memref<1600xf32, #tpu.memory_space<vmem>>, vector<16xf32>,
    %swap3A_225 = vector.shape_cast %swap3A_224 : vector<16xf32> to vector<16xf32>
    %swap3A_226 = vector.shape_cast %broadcast_in_dim3A_222 : vector<16xf32> to vector<16xf32>
    tpu.vector_store %arg6[%swap3A_223], %swap3A_226 {strides = array<i32>} : memref<1600xf32, #tpu.memory_space<vmem>>, vector<16xf32>,
    %broadcast_in_dim3A_227 = arith.constant 1.000000e+00 : f32
    %broadcast_in_dim3A_228 = vector.broadcast %broadcast_in_dim3A_227 : f32 to vector<16xf32>
    %swap3A_229 = arith.constant 288 : index
    %swap3A_230 = tpu.vector_load %arg6[%swap3A_229] {strides = array<i32>} : memref<1600xf32, #tpu.memory_space<vmem>>, vector<16xf32>,
    %swap3A_231 = vector.shape_cast %swap3A_230 : vector<16xf32> to vector<16xf32>
    %swap3A_232 = vector.shape_cast %broadcast_in_dim3A_228 : vector<16xf32> to vector<16xf32>
    tpu.vector_store %arg6[%swap3A_229], %swap3A_232 {strides = array<i32>} : memref<1600xf32, #tpu.memory_space<vmem>>, vector<16xf32>,
    %broadcast_in_dim3A_233 = arith.constant 1.000000e+00 : f32
    %broadcast_in_dim3A_234 = vector.broadcast %broadcast_in_dim3A_233 : f32 to vector<16xf32>
    %swap3A_235 = arith.constant 304 : index
    %swap3A_236 = tpu.vector_load %arg6[%swap3A_235] {strides = array<i32>} : memref<1600xf32, #tpu.memory_space<vmem>>, vector<16xf32>,
    %swap3A_237 = vector.shape_cast %swap3A_236 : vector<16xf32> to vector<16xf32>
    %swap3A_238 = vector.shape_cast %broadcast_in_dim3A_234 : vector<16xf32> to vector<16xf32>
    tpu.vector_store %arg6[%swap3A_235], %swap3A_238 {strides = array<i32>} : memref<1600xf32, #tpu.memory_space<vmem>>, vector<16xf32>,
    %broadcast_in_dim3A_239 = arith.constant 1.000000e+00 : f32
    %broadcast_in_dim3A_240 = vector.broadcast %broadcast_in_dim3A_239 : f32 to vector<16xf32>
    %swap3A_241 = arith.constant 320 : index
    %swap3A_242 = tpu.vector_load %arg6[%swap3A_241] {strides = array<i32>} : memref<1600xf32, #tpu.memory_space<vmem>>, vector<16xf32>,
    %swap3A_243 = vector.shape_cast %swap3A_242 : vector<16xf32> to vector<16xf32>
    %swap3A_244 = vector.shape_cast %broadcast_in_dim3A_240 : vector<16xf32> to vector<16xf32>
    tpu.vector_store %arg6[%swap3A_241], %swap3A_244 {strides = array<i32>} : memref<1600xf32, #tpu.memory_space<vmem>>, vector<16xf32>,
    %broadcast_in_dim3A_245 = arith.constant 1.000000e+00 : f32
    %broadcast_in_dim3A_246 = vector.broadcast %broadcast_in_dim3A_245 : f32 to vector<16xf32>
    %swap3A_247 = arith.constant 336 : index
    %swap3A_248 = tpu.vector_load %arg6[%swap3A_247] {strides = array<i32>} : memref<1600xf32, #tpu.memory_space<vmem>>, vector<16xf32>,
    %swap3A_249 = vector.shape_cast %swap3A_248 : vector<16xf32> to vector<16xf32>
    %swap3A_250 = vector.shape_cast %broadcast_in_dim3A_246 : vector<16xf32> to vector<16xf32>
    tpu.vector_store %arg6[%swap3A_247], %swap3A_250 {strides = array<i32>} : memref<1600xf32, #tpu.memory_space<vmem>>, vector<16xf32>,
    %broadcast_in_dim3A_251 = arith.constant 1.000000e+00 : f32
    %broadcast_in_dim3A_252 = vector.broadcast %broadcast_in_dim3A_251 : f32 to vector<16xf32>
    %swap3A_253 = arith.constant 352 : index
    %swap3A_254 = tpu.vector_load %arg6[%swap3A_253] {strides = array<i32>} : memref<1600xf32, #tpu.memory_space<vmem>>, vector<16xf32>,
    %swap3A_255 = vector.shape_cast %swap3A_254 : vector<16xf32> to vector<16xf32>
    %swap3A_256 = vector.shape_cast %broadcast_in_dim3A_252 : vector<16xf32> to vector<16xf32>
    tpu.vector_store %arg6[%swap3A_253], %swap3A_256 {strides = array<i32>} : memref<1600xf32, #tpu.memory_space<vmem>>, vector<16xf32>,
    %broadcast_in_dim3A_257 = arith.constant 1.000000e+00 : f32
    %broadcast_in_dim3A_258 = vector.broadcast %broadcast_in_dim3A_257 : f32 to vector<16xf32>
    %swap3A_259 = arith.constant 368 : index
    %swap3A_260 = tpu.vector_load %arg6[%swap3A_259] {strides = array<i32>} : memref<1600xf32, #tpu.memory_space<vmem>>, vector<16xf32>,
    %swap3A_261 = vector.shape_cast %swap3A_260 : vector<16xf32> to vector<16xf32>
    %swap3A_262 = vector.shape_cast %broadcast_in_dim3A_258 : vector<16xf32> to vector<16xf32>
    tpu.vector_store %arg6[%swap3A_259], %swap3A_262 {strides = array<i32>} : memref<1600xf32, #tpu.memory_space<vmem>>, vector<16xf32>,
    %broadcast_in_dim3A_263 = arith.constant 1.000000e+00 : f32
    %broadcast_in_dim3A_264 = vector.broadcast %broadcast_in_dim3A_263 : f32 to vector<16xf32>
    %swap3A_265 = arith.constant 384 : index
    %swap3A_266 = tpu.vector_load %arg6[%swap3A_265] {strides = array<i32>} : memref<1600xf32, #tpu.memory_space<vmem>>, vector<16xf32>,
    %swap3A_267 = vector.shape_cast %swap3A_266 : vector<16xf32> to vector<16xf32>
    %swap3A_268 = vector.shape_cast %broadcast_in_dim3A_264 : vector<16xf32> to vector<16xf32>
    tpu.vector_store %arg6[%swap3A_265], %swap3A_268 {strides = array<i32>} : memref<1600xf32, #tpu.memory_space<vmem>>, vector<16xf32>,
    %broadcast_in_dim3A_269 = arith.constant 1.000000e+00 : f32
    %broadcast_in_dim3A_270 = vector.broadcast %broadcast_in_dim3A_269 : f32 to vector<16xf32>
    %swap3A_271 = arith.constant 400 : index
    %swap3A_272 = tpu.vector_load %arg6[%swap3A_271] {strides = array<i32>} : memref<1600xf32, #tpu.memory_space<vmem>>, vector<16xf32>,
    %swap3A_273 = vector.shape_cast %swap3A_272 : vector<16xf32> to vector<16xf32>
    %swap3A_274 = vector.shape_cast %broadcast_in_dim3A_270 : vector<16xf32> to vector<16xf32>
    tpu.vector_store %arg6[%swap3A_271], %swap3A_274 {strides = array<i32>} : memref<1600xf32, #tpu.memory_space<vmem>>, vector<16xf32>,
    %broadcast_in_dim3A_275 = arith.constant 1.000000e+00 : f32
    %broadcast_in_dim3A_276 = vector.broadcast %broadcast_in_dim3A_275 : f32 to vector<16xf32>
    %swap3A_277 = arith.constant 416 : index
    %swap3A_278 = tpu.vector_load %arg6[%swap3A_277] {strides = array<i32>} : memref<1600xf32, #tpu.memory_space<vmem>>, vector<16xf32>,
    %swap3A_279 = vector.shape_cast %swap3A_278 : vector<16xf32> to vector<16xf32>
    %swap3A_280 = vector.shape_cast %broadcast_in_dim3A_276 : vector<16xf32> to vector<16xf32>
    tpu.vector_store %arg6[%swap3A_277], %swap3A_280 {strides = array<i32>} : memref<1600xf32, #tpu.memory_space<vmem>>, vector<16xf32>,
    %broadcast_in_dim3A_281 = arith.constant 1.000000e+00 : f32
    %broadcast_in_dim3A_282 = vector.broadcast %broadcast_in_dim3A_281 : f32 to vector<16xf32>
    %swap3A_283 = arith.constant 432 : index
    %swap3A_284 = tpu.vector_load %arg6[%swap3A_283] {strides = array<i32>} : memref<1600xf32, #tpu.memory_space<vmem>>, vector<16xf32>,
    %swap3A_285 = vector.shape_cast %swap3A_284 : vector<16xf32> to vector<16xf32>
    %swap3A_286 = vector.shape_cast %broadcast_in_dim3A_282 : vector<16xf32> to vector<16xf32>
    tpu.vector_store %arg6[%swap3A_283], %swap3A_286 {strides = array<i32>} : memref<1600xf32, #tpu.memory_space<vmem>>, vector<16xf32>,
    %broadcast_in_dim3A_287 = arith.constant 1.000000e+00 : f32
    %broadcast_in_dim3A_288 = vector.broadcast %broadcast_in_dim3A_287 : f32 to vector<16xf32>
    %swap3A_289 = arith.constant 448 : index
    %swap3A_290 = tpu.vector_load %arg6[%swap3A_289] {strides = array<i32>} : memref<1600xf32, #tpu.memory_space<vmem>>, vector<16xf32>,
    %swap3A_291 = vector.shape_cast %swap3A_290 : vector<16xf32> to vector<16xf32>
    %swap3A_292 = vector.shape_cast %broadcast_in_dim3A_288 : vector<16xf32> to vector<16xf32>
    tpu.vector_store %arg6[%swap3A_289], %swap3A_292 {strides = array<i32>} : memref<1600xf32, #tpu.memory_space<vmem>>, vector<16xf32>,
    %broadcast_in_dim3A_293 = arith.constant 1.000000e+00 : f32
    %broadcast_in_dim3A_294 = vector.broadcast %broadcast_in_dim3A_293 : f32 to vector<16xf32>
    %swap3A_295 = arith.constant 464 : index
    %swap3A_296 = tpu.vector_load %arg6[%swap3A_295] {strides = array<i32>} : memref<1600xf32, #tpu.memory_space<vmem>>, vector<16xf32>,
    %swap3A_297 = vector.shape_cast %swap3A_296 : vector<16xf32> to vector<16xf32>
    %swap3A_298 = vector.shape_cast %broadcast_in_dim3A_294 : vector<16xf32> to vector<16xf32>
    tpu.vector_store %arg6[%swap3A_295], %swap3A_298 {strides = array<i32>} : memref<1600xf32, #tpu.memory_space<vmem>>, vector<16xf32>,
    %broadcast_in_dim3A_299 = arith.constant 1.000000e+00 : f32
    %broadcast_in_dim3A_300 = vector.broadcast %broadcast_in_dim3A_299 : f32 to vector<16xf32>
    %swap3A_301 = arith.constant 480 : index
    %swap3A_302 = tpu.vector_load %arg6[%swap3A_301] {strides = array<i32>} : memref<1600xf32, #tpu.memory_space<vmem>>, vector<16xf32>,
    %swap3A_303 = vector.shape_cast %swap3A_302 : vector<16xf32> to vector<16xf32>
    %swap3A_304 = vector.shape_cast %broadcast_in_dim3A_300 : vector<16xf32> to vector<16xf32>
    tpu.vector_store %arg6[%swap3A_301], %swap3A_304 {strides = array<i32>} : memref<1600xf32, #tpu.memory_space<vmem>>, vector<16xf32>,
    %broadcast_in_dim3A_305 = arith.constant 1.000000e+00 : f32
    %broadcast_in_dim3A_306 = vector.broadcast %broadcast_in_dim3A_305 : f32 to vector<16xf32>
    %swap3A_307 = arith.constant 496 : index
    %swap3A_308 = tpu.vector_load %arg6[%swap3A_307] {strides = array<i32>} : memref<1600xf32, #tpu.memory_space<vmem>>, vector<16xf32>,
    %swap3A_309 = vector.shape_cast %swap3A_308 : vector<16xf32> to vector<16xf32>
    %swap3A_310 = vector.shape_cast %broadcast_in_dim3A_306 : vector<16xf32> to vector<16xf32>
    tpu.vector_store %arg6[%swap3A_307], %swap3A_310 {strides = array<i32>} : memref<1600xf32, #tpu.memory_space<vmem>>, vector<16xf32>,
    %broadcast_in_dim3A_311 = arith.constant 1.000000e+00 : f32
    %broadcast_in_dim3A_312 = vector.broadcast %broadcast_in_dim3A_311 : f32 to vector<16xf32>
    %swap3A_313 = arith.constant 512 : index
    %swap3A_314 = tpu.vector_load %arg6[%swap3A_313] {strides = array<i32>} : memref<1600xf32, #tpu.memory_space<vmem>>, vector<16xf32>,
    %swap3A_315 = vector.shape_cast %swap3A_314 : vector<16xf32> to vector<16xf32>
    %swap3A_316 = vector.shape_cast %broadcast_in_dim3A_312 : vector<16xf32> to vector<16xf32>
    tpu.vector_store %arg6[%swap3A_313], %swap3A_316 {strides = array<i32>} : memref<1600xf32, #tpu.memory_space<vmem>>, vector<16xf32>,
    %broadcast_in_dim3A_317 = arith.constant 1.000000e+00 : f32
    %broadcast_in_dim3A_318 = vector.broadcast %broadcast_in_dim3A_317 : f32 to vector<16xf32>
    %swap3A_319 = arith.constant 528 : index
    %swap3A_320 = tpu.vector_load %arg6[%swap3A_319] {strides = array<i32>} : memref<1600xf32, #tpu.memory_space<vmem>>, vector<16xf32>,
    %swap3A_321 = vector.shape_cast %swap3A_320 : vector<16xf32> to vector<16xf32>
    %swap3A_322 = vector.shape_cast %broadcast_in_dim3A_318 : vector<16xf32> to vector<16xf32>
    tpu.vector_store %arg6[%swap3A_319], %swap3A_322 {strides = array<i32>} : memref<1600xf32, #tpu.memory_space<vmem>>, vector<16xf32>,
    %broadcast_in_dim3A_323 = arith.constant 1.000000e+00 : f32
    %broadcast_in_dim3A_324 = vector.broadcast %broadcast_in_dim3A_323 : f32 to vector<16xf32>
    %swap3A_325 = arith.constant 544 : index
    %swap3A_326 = tpu.vector_load %arg6[%swap3A_325] {strides = array<i32>} : memref<1600xf32, #tpu.memory_space<vmem>>, vector<16xf32>,
    %swap3A_327 = vector.shape_cast %swap3A_326 : vector<16xf32> to vector<16xf32>
    %swap3A_328 = vector.shape_cast %broadcast_in_dim3A_324 : vector<16xf32> to vector<16xf32>
    tpu.vector_store %arg6[%swap3A_325], %swap3A_328 {strides = array<i32>} : memref<1600xf32, #tpu.memory_space<vmem>>, vector<16xf32>,
    %broadcast_in_dim3A_329 = arith.constant 1.000000e+00 : f32
    %broadcast_in_dim3A_330 = vector.broadcast %broadcast_in_dim3A_329 : f32 to vector<16xf32>
    %swap3A_331 = arith.constant 560 : index
    %swap3A_332 = tpu.vector_load %arg6[%swap3A_331] {strides = array<i32>} : memref<1600xf32, #tpu.memory_space<vmem>>, vector<16xf32>,
    %swap3A_333 = vector.shape_cast %swap3A_332 : vector<16xf32> to vector<16xf32>
    %swap3A_334 = vector.shape_cast %broadcast_in_dim3A_330 : vector<16xf32> to vector<16xf32>
    tpu.vector_store %arg6[%swap3A_331], %swap3A_334 {strides = array<i32>} : memref<1600xf32, #tpu.memory_space<vmem>>, vector<16xf32>,
    %broadcast_in_dim3A_335 = arith.constant 1.000000e+00 : f32
    %broadcast_in_dim3A_336 = vector.broadcast %broadcast_in_dim3A_335 : f32 to vector<16xf32>
    %swap3A_337 = arith.constant 576 : index
    %swap3A_338 = tpu.vector_load %arg6[%swap3A_337] {strides = array<i32>} : memref<1600xf32, #tpu.memory_space<vmem>>, vector<16xf32>,
    %swap3A_339 = vector.shape_cast %swap3A_338 : vector<16xf32> to vector<16xf32>
    %swap3A_340 = vector.shape_cast %broadcast_in_dim3A_336 : vector<16xf32> to vector<16xf32>
    tpu.vector_store %arg6[%swap3A_337], %swap3A_340 {strides = array<i32>} : memref<1600xf32, #tpu.memory_space<vmem>>, vector<16xf32>,
    %broadcast_in_dim3A_341 = arith.constant 1.000000e+00 : f32
    %broadcast_in_dim3A_342 = vector.broadcast %broadcast_in_dim3A_341 : f32 to vector<16xf32>
    %swap3A_343 = arith.constant 592 : index
    %swap3A_344 = tpu.vector_load %arg6[%swap3A_343] {strides = array<i32>} : memref<1600xf32, #tpu.memory_space<vmem>>, vector<16xf32>,
    %swap3A_345 = vector.shape_cast %swap3A_344 : vector<16xf32> to vector<16xf32>
    %swap3A_346 = vector.shape_cast %broadcast_in_dim3A_342 : vector<16xf32> to vector<16xf32>
    tpu.vector_store %arg6[%swap3A_343], %swap3A_346 {strides = array<i32>} : memref<1600xf32, #tpu.memory_space<vmem>>, vector<16xf32>,
    %broadcast_in_dim3A_347 = arith.constant 1.000000e+00 : f32
    %broadcast_in_dim3A_348 = vector.broadcast %broadcast_in_dim3A_347 : f32 to vector<16xf32>
    %swap3A_349 = arith.constant 608 : index
    %swap3A_350 = tpu.vector_load %arg6[%swap3A_349] {strides = array<i32>} : memref<1600xf32, #tpu.memory_space<vmem>>, vector<16xf32>,
    %swap3A_351 = vector.shape_cast %swap3A_350 : vector<16xf32> to vector<16xf32>
    %swap3A_352 = vector.shape_cast %broadcast_in_dim3A_348 : vector<16xf32> to vector<16xf32>
    tpu.vector_store %arg6[%swap3A_349], %swap3A_352 {strides = array<i32>} : memref<1600xf32, #tpu.memory_space<vmem>>, vector<16xf32>,
    %broadcast_in_dim3A_353 = arith.constant 1.000000e+00 : f32
    %broadcast_in_dim3A_354 = vector.broadcast %broadcast_in_dim3A_353 : f32 to vector<16xf32>
    %swap3A_355 = arith.constant 624 : index
    %swap3A_356 = tpu.vector_load %arg6[%swap3A_355] {strides = array<i32>} : memref<1600xf32, #tpu.memory_space<vmem>>, vector<16xf32>,
    %swap3A_357 = vector.shape_cast %swap3A_356 : vector<16xf32> to vector<16xf32>
    %swap3A_358 = vector.shape_cast %broadcast_in_dim3A_354 : vector<16xf32> to vector<16xf32>
    tpu.vector_store %arg6[%swap3A_355], %swap3A_358 {strides = array<i32>} : memref<1600xf32, #tpu.memory_space<vmem>>, vector<16xf32>,
    %broadcast_in_dim3A_359 = arith.constant 1.000000e+00 : f32
    %broadcast_in_dim3A_360 = vector.broadcast %broadcast_in_dim3A_359 : f32 to vector<16xf32>
    %swap3A_361 = arith.constant 640 : index
    %swap3A_362 = tpu.vector_load %arg6[%swap3A_361] {strides = array<i32>} : memref<1600xf32, #tpu.memory_space<vmem>>, vector<16xf32>,
    %swap3A_363 = vector.shape_cast %swap3A_362 : vector<16xf32> to vector<16xf32>
    %swap3A_364 = vector.shape_cast %broadcast_in_dim3A_360 : vector<16xf32> to vector<16xf32>
    tpu.vector_store %arg6[%swap3A_361], %swap3A_364 {strides = array<i32>} : memref<1600xf32, #tpu.memory_space<vmem>>, vector<16xf32>,
    %broadcast_in_dim3A_365 = arith.constant 1.000000e+00 : f32
    %broadcast_in_dim3A_366 = vector.broadcast %broadcast_in_dim3A_365 : f32 to vector<16xf32>
    %swap3A_367 = arith.constant 656 : index
    %swap3A_368 = tpu.vector_load %arg6[%swap3A_367] {strides = array<i32>} : memref<1600xf32, #tpu.memory_space<vmem>>, vector<16xf32>,
    %swap3A_369 = vector.shape_cast %swap3A_368 : vector<16xf32> to vector<16xf32>
    %swap3A_370 = vector.shape_cast %broadcast_in_dim3A_366 : vector<16xf32> to vector<16xf32>
    tpu.vector_store %arg6[%swap3A_367], %swap3A_370 {strides = array<i32>} : memref<1600xf32, #tpu.memory_space<vmem>>, vector<16xf32>,
    %broadcast_in_dim3A_371 = arith.constant 1.000000e+00 : f32
    %broadcast_in_dim3A_372 = vector.broadcast %broadcast_in_dim3A_371 : f32 to vector<16xf32>
    %swap3A_373 = arith.constant 672 : index
    %swap3A_374 = tpu.vector_load %arg6[%swap3A_373] {strides = array<i32>} : memref<1600xf32, #tpu.memory_space<vmem>>, vector<16xf32>,
    %swap3A_375 = vector.shape_cast %swap3A_374 : vector<16xf32> to vector<16xf32>
    %swap3A_376 = vector.shape_cast %broadcast_in_dim3A_372 : vector<16xf32> to vector<16xf32>
    tpu.vector_store %arg6[%swap3A_373], %swap3A_376 {strides = array<i32>} : memref<1600xf32, #tpu.memory_space<vmem>>, vector<16xf32>,
    %broadcast_in_dim3A_377 = arith.constant 1.000000e+00 : f32
    %broadcast_in_dim3A_378 = vector.broadcast %broadcast_in_dim3A_377 : f32 to vector<16xf32>
    %swap3A_379 = arith.constant 688 : index
    %swap3A_380 = tpu.vector_load %arg6[%swap3A_379] {strides = array<i32>} : memref<1600xf32, #tpu.memory_space<vmem>>, vector<16xf32>,
    %swap3A_381 = vector.shape_cast %swap3A_380 : vector<16xf32> to vector<16xf32>
    %swap3A_382 = vector.shape_cast %broadcast_in_dim3A_378 : vector<16xf32> to vector<16xf32>
    tpu.vector_store %arg6[%swap3A_379], %swap3A_382 {strides = array<i32>} : memref<1600xf32, #tpu.memory_space<vmem>>, vector<16xf32>,
    %broadcast_in_dim3A_383 = arith.constant 1.000000e+00 : f32
    %broadcast_in_dim3A_384 = vector.broadcast %broadcast_in_dim3A_383 : f32 to vector<16xf32>
    %swap3A_385 = arith.constant 704 : index
    %swap3A_386 = tpu.vector_load %arg6[%swap3A_385] {strides = array<i32>} : memref<1600xf32, #tpu.memory_space<vmem>>, vector<16xf32>,
    %swap3A_387 = vector.shape_cast %swap3A_386 : vector<16xf32> to vector<16xf32>
    %swap3A_388 = vector.shape_cast %broadcast_in_dim3A_384 : vector<16xf32> to vector<16xf32>
    tpu.vector_store %arg6[%swap3A_385], %swap3A_388 {strides = array<i32>} : memref<1600xf32, #tpu.memory_space<vmem>>, vector<16xf32>,
    %broadcast_in_dim3A_389 = arith.constant 1.000000e+00 : f32
    %broadcast_in_dim3A_390 = vector.broadcast %broadcast_in_dim3A_389 : f32 to vector<16xf32>
    %swap3A_391 = arith.constant 720 : index
    %swap3A_392 = tpu.vector_load %arg6[%swap3A_391] {strides = array<i32>} : memref<1600xf32, #tpu.memory_space<vmem>>, vector<16xf32>,
    %swap3A_393 = vector.shape_cast %swap3A_392 : vector<16xf32> to vector<16xf32>
    %swap3A_394 = vector.shape_cast %broadcast_in_dim3A_390 : vector<16xf32> to vector<16xf32>
    tpu.vector_store %arg6[%swap3A_391], %swap3A_394 {strides = array<i32>} : memref<1600xf32, #tpu.memory_space<vmem>>, vector<16xf32>,
    %broadcast_in_dim3A_395 = arith.constant 1.000000e+00 : f32
    %broadcast_in_dim3A_396 = vector.broadcast %broadcast_in_dim3A_395 : f32 to vector<16xf32>
    %swap3A_397 = arith.constant 736 : index
    %swap3A_398 = tpu.vector_load %arg6[%swap3A_397] {strides = array<i32>} : memref<1600xf32, #tpu.memory_space<vmem>>, vector<16xf32>,
    %swap3A_399 = vector.shape_cast %swap3A_398 : vector<16xf32> to vector<16xf32>
    %swap3A_400 = vector.shape_cast %broadcast_in_dim3A_396 : vector<16xf32> to vector<16xf32>
    tpu.vector_store %arg6[%swap3A_397], %swap3A_400 {strides = array<i32>} : memref<1600xf32, #tpu.memory_space<vmem>>, vector<16xf32>,
    %broadcast_in_dim3A_401 = arith.constant 1.000000e+00 : f32
    %broadcast_in_dim3A_402 = vector.broadcast %broadcast_in_dim3A_401 : f32 to vector<16xf32>
    %swap3A_403 = arith.constant 752 : index
    %swap3A_404 = tpu.vector_load %arg6[%swap3A_403] {strides = array<i32>} : memref<1600xf32, #tpu.memory_space<vmem>>, vector<16xf32>,
    %swap3A_405 = vector.shape_cast %swap3A_404 : vector<16xf32> to vector<16xf32>
    %swap3A_406 = vector.shape_cast %broadcast_in_dim3A_402 : vector<16xf32> to vector<16xf32>
    tpu.vector_store %arg6[%swap3A_403], %swap3A_406 {strides = array<i32>} : memref<1600xf32, #tpu.memory_space<vmem>>, vector<16xf32>,
    %broadcast_in_dim3A_407 = arith.constant 1.000000e+00 : f32
    %broadcast_in_dim3A_408 = vector.broadcast %broadcast_in_dim3A_407 : f32 to vector<16xf32>
    %swap3A_409 = arith.constant 768 : index
    %swap3A_410 = tpu.vector_load %arg6[%swap3A_409] {strides = array<i32>} : memref<1600xf32, #tpu.memory_space<vmem>>, vector<16xf32>,
    %swap3A_411 = vector.shape_cast %swap3A_410 : vector<16xf32> to vector<16xf32>
    %swap3A_412 = vector.shape_cast %broadcast_in_dim3A_408 : vector<16xf32> to vector<16xf32>
    tpu.vector_store %arg6[%swap3A_409], %swap3A_412 {strides = array<i32>} : memref<1600xf32, #tpu.memory_space<vmem>>, vector<16xf32>,
    %broadcast_in_dim3A_413 = arith.constant 1.000000e+00 : f32
    %broadcast_in_dim3A_414 = vector.broadcast %broadcast_in_dim3A_413 : f32 to vector<16xf32>
    %swap3A_415 = arith.constant 784 : index
    %swap3A_416 = tpu.vector_load %arg6[%swap3A_415] {strides = array<i32>} : memref<1600xf32, #tpu.memory_space<vmem>>, vector<16xf32>,
    %swap3A_417 = vector.shape_cast %swap3A_416 : vector<16xf32> to vector<16xf32>
    %swap3A_418 = vector.shape_cast %broadcast_in_dim3A_414 : vector<16xf32> to vector<16xf32>
    tpu.vector_store %arg6[%swap3A_415], %swap3A_418 {strides = array<i32>} : memref<1600xf32, #tpu.memory_space<vmem>>, vector<16xf32>,
    %broadcast_in_dim3A_419 = arith.constant 1.000000e+00 : f32
    %broadcast_in_dim3A_420 = vector.broadcast %broadcast_in_dim3A_419 : f32 to vector<16xf32>
    %swap3A_421 = arith.constant 800 : index
    %swap3A_422 = tpu.vector_load %arg6[%swap3A_421] {strides = array<i32>} : memref<1600xf32, #tpu.memory_space<vmem>>, vector<16xf32>,
    %swap3A_423 = vector.shape_cast %swap3A_422 : vector<16xf32> to vector<16xf32>
    %swap3A_424 = vector.shape_cast %broadcast_in_dim3A_420 : vector<16xf32> to vector<16xf32>
    tpu.vector_store %arg6[%swap3A_421], %swap3A_424 {strides = array<i32>} : memref<1600xf32, #tpu.memory_space<vmem>>, vector<16xf32>,
    %broadcast_in_dim3A_425 = arith.constant 1.000000e+00 : f32
    %broadcast_in_dim3A_426 = vector.broadcast %broadcast_in_dim3A_425 : f32 to vector<16xf32>
    %swap3A_427 = arith.constant 816 : index
    %swap3A_428 = tpu.vector_load %arg6[%swap3A_427] {strides = array<i32>} : memref<1600xf32, #tpu.memory_space<vmem>>, vector<16xf32>,
    %swap3A_429 = vector.shape_cast %swap3A_428 : vector<16xf32> to vector<16xf32>
    %swap3A_430 = vector.shape_cast %broadcast_in_dim3A_426 : vector<16xf32> to vector<16xf32>
    tpu.vector_store %arg6[%swap3A_427], %swap3A_430 {strides = array<i32>} : memref<1600xf32, #tpu.memory_space<vmem>>, vector<16xf32>,
    %broadcast_in_dim3A_431 = arith.constant 1.000000e+00 : f32
    %broadcast_in_dim3A_432 = vector.broadcast %broadcast_in_dim3A_431 : f32 to vector<16xf32>
    %swap3A_433 = arith.constant 832 : index
    %swap3A_434 = tpu.vector_load %arg6[%swap3A_433] {strides = array<i32>} : memref<1600xf32, #tpu.memory_space<vmem>>, vector<16xf32>,
    %swap3A_435 = vector.shape_cast %swap3A_434 : vector<16xf32> to vector<16xf32>
    %swap3A_436 = vector.shape_cast %broadcast_in_dim3A_432 : vector<16xf32> to vector<16xf32>
    tpu.vector_store %arg6[%swap3A_433], %swap3A_436 {strides = array<i32>} : memref<1600xf32, #tpu.memory_space<vmem>>, vector<16xf32>,
    %broadcast_in_dim3A_437 = arith.constant 1.000000e+00 : f32
    %broadcast_in_dim3A_438 = vector.broadcast %broadcast_in_dim3A_437 : f32 to vector<16xf32>
    %swap3A_439 = arith.constant 848 : index
    %swap3A_440 = tpu.vector_load %arg6[%swap3A_439] {strides = array<i32>} : memref<1600xf32, #tpu.memory_space<vmem>>, vector<16xf32>,
    %swap3A_441 = vector.shape_cast %swap3A_440 : vector<16xf32> to vector<16xf32>
    %swap3A_442 = vector.shape_cast %broadcast_in_dim3A_438 : vector<16xf32> to vector<16xf32>
    tpu.vector_store %arg6[%swap3A_439], %swap3A_442 {strides = array<i32>} : memref<1600xf32, #tpu.memory_space<vmem>>, vector<16xf32>,
    %broadcast_in_dim3A_443 = arith.constant 1.000000e+00 : f32
    %broadcast_in_dim3A_444 = vector.broadcast %broadcast_in_dim3A_443 : f32 to vector<16xf32>
    %swap3A_445 = arith.constant 864 : index
    %swap3A_446 = tpu.vector_load %arg6[%swap3A_445] {strides = array<i32>} : memref<1600xf32, #tpu.memory_space<vmem>>, vector<16xf32>,
    %swap3A_447 = vector.shape_cast %swap3A_446 : vector<16xf32> to vector<16xf32>
    %swap3A_448 = vector.shape_cast %broadcast_in_dim3A_444 : vector<16xf32> to vector<16xf32>
    tpu.vector_store %arg6[%swap3A_445], %swap3A_448 {strides = array<i32>} : memref<1600xf32, #tpu.memory_space<vmem>>, vector<16xf32>,
    %broadcast_in_dim3A_449 = arith.constant 1.000000e+00 : f32
    %broadcast_in_dim3A_450 = vector.broadcast %broadcast_in_dim3A_449 : f32 to vector<16xf32>
    %swap3A_451 = arith.constant 880 : index
    %swap3A_452 = tpu.vector_load %arg6[%swap3A_451] {strides = array<i32>} : memref<1600xf32, #tpu.memory_space<vmem>>, vector<16xf32>,
    %swap3A_453 = vector.shape_cast %swap3A_452 : vector<16xf32> to vector<16xf32>
    %swap3A_454 = vector.shape_cast %broadcast_in_dim3A_450 : vector<16xf32> to vector<16xf32>
    tpu.vector_store %arg6[%swap3A_451], %swap3A_454 {strides = array<i32>} : memref<1600xf32, #tpu.memory_space<vmem>>, vector<16xf32>,
    %broadcast_in_dim3A_455 = arith.constant 1.000000e+00 : f32
    %broadcast_in_dim3A_456 = vector.broadcast %broadcast_in_dim3A_455 : f32 to vector<16xf32>
    %swap3A_457 = arith.constant 896 : index
    %swap3A_458 = tpu.vector_load %arg6[%swap3A_457] {strides = array<i32>} : memref<1600xf32, #tpu.memory_space<vmem>>, vector<16xf32>,
    %swap3A_459 = vector.shape_cast %swap3A_458 : vector<16xf32> to vector<16xf32>
    %swap3A_460 = vector.shape_cast %broadcast_in_dim3A_456 : vector<16xf32> to vector<16xf32>
    tpu.vector_store %arg6[%swap3A_457], %swap3A_460 {strides = array<i32>} : memref<1600xf32, #tpu.memory_space<vmem>>, vector<16xf32>,
    %broadcast_in_dim3A_461 = arith.constant 1.000000e+00 : f32
    %broadcast_in_dim3A_462 = vector.broadcast %broadcast_in_dim3A_461 : f32 to vector<16xf32>
    %swap3A_463 = arith.constant 912 : index
    %swap3A_464 = tpu.vector_load %arg6[%swap3A_463] {strides = array<i32>} : memref<1600xf32, #tpu.memory_space<vmem>>, vector<16xf32>,
    %swap3A_465 = vector.shape_cast %swap3A_464 : vector<16xf32> to vector<16xf32>
    %swap3A_466 = vector.shape_cast %broadcast_in_dim3A_462 : vector<16xf32> to vector<16xf32>
    tpu.vector_store %arg6[%swap3A_463], %swap3A_466 {strides = array<i32>} : memref<1600xf32, #tpu.memory_space<vmem>>, vector<16xf32>,
    %broadcast_in_dim3A_467 = arith.constant 1.000000e+00 : f32
    %broadcast_in_dim3A_468 = vector.broadcast %broadcast_in_dim3A_467 : f32 to vector<16xf32>
    %swap3A_469 = arith.constant 928 : index
    %swap3A_470 = tpu.vector_load %arg6[%swap3A_469] {strides = array<i32>} : memref<1600xf32, #tpu.memory_space<vmem>>, vector<16xf32>,
    %swap3A_471 = vector.shape_cast %swap3A_470 : vector<16xf32> to vector<16xf32>
    %swap3A_472 = vector.shape_cast %broadcast_in_dim3A_468 : vector<16xf32> to vector<16xf32>
    tpu.vector_store %arg6[%swap3A_469], %swap3A_472 {strides = array<i32>} : memref<1600xf32, #tpu.memory_space<vmem>>, vector<16xf32>,
    %broadcast_in_dim3A_473 = arith.constant 1.000000e+00 : f32
    %broadcast_in_dim3A_474 = vector.broadcast %broadcast_in_dim3A_473 : f32 to vector<16xf32>
    %swap3A_475 = arith.constant 944 : index
    %swap3A_476 = tpu.vector_load %arg6[%swap3A_475] {strides = array<i32>} : memref<1600xf32, #tpu.memory_space<vmem>>, vector<16xf32>,
    %swap3A_477 = vector.shape_cast %swap3A_476 : vector<16xf32> to vector<16xf32>
    %swap3A_478 = vector.shape_cast %broadcast_in_dim3A_474 : vector<16xf32> to vector<16xf32>
    tpu.vector_store %arg6[%swap3A_475], %swap3A_478 {strides = array<i32>} : memref<1600xf32, #tpu.memory_space<vmem>>, vector<16xf32>,
    %broadcast_in_dim3A_479 = arith.constant 1.000000e+00 : f32
    %broadcast_in_dim3A_480 = vector.broadcast %broadcast_in_dim3A_479 : f32 to vector<16xf32>
    %swap3A_481 = arith.constant 960 : index
    %swap3A_482 = tpu.vector_load %arg6[%swap3A_481] {strides = array<i32>} : memref<1600xf32, #tpu.memory_space<vmem>>, vector<16xf32>,
    %swap3A_483 = vector.shape_cast %swap3A_482 : vector<16xf32> to vector<16xf32>
    %swap3A_484 = vector.shape_cast %broadcast_in_dim3A_480 : vector<16xf32> to vector<16xf32>
    tpu.vector_store %arg6[%swap3A_481], %swap3A_484 {strides = array<i32>} : memref<1600xf32, #tpu.memory_space<vmem>>, vector<16xf32>,
    %broadcast_in_dim3A_485 = arith.constant 1.000000e+00 : f32
    %broadcast_in_dim3A_486 = vector.broadcast %broadcast_in_dim3A_485 : f32 to vector<16xf32>
    %swap3A_487 = arith.constant 976 : index
    %swap3A_488 = tpu.vector_load %arg6[%swap3A_487] {strides = array<i32>} : memref<1600xf32, #tpu.memory_space<vmem>>, vector<16xf32>,
    %swap3A_489 = vector.shape_cast %swap3A_488 : vector<16xf32> to vector<16xf32>
    %swap3A_490 = vector.shape_cast %broadcast_in_dim3A_486 : vector<16xf32> to vector<16xf32>
    tpu.vector_store %arg6[%swap3A_487], %swap3A_490 {strides = array<i32>} : memref<1600xf32, #tpu.memory_space<vmem>>, vector<16xf32>,
    %broadcast_in_dim3A_491 = arith.constant 1.000000e+00 : f32
    %broadcast_in_dim3A_492 = vector.broadcast %broadcast_in_dim3A_491 : f32 to vector<16xf32>
    %swap3A_493 = arith.constant 992 : index
    %swap3A_494 = tpu.vector_load %arg6[%swap3A_493] {strides = array<i32>} : memref<1600xf32, #tpu.memory_space<vmem>>, vector<16xf32>,
    %swap3A_495 = vector.shape_cast %swap3A_494 : vector<16xf32> to vector<16xf32>
    %swap3A_496 = vector.shape_cast %broadcast_in_dim3A_492 : vector<16xf32> to vector<16xf32>
    tpu.vector_store %arg6[%swap3A_493], %swap3A_496 {strides = array<i32>} : memref<1600xf32, #tpu.memory_space<vmem>>, vector<16xf32>,
    %broadcast_in_dim3A_497 = arith.constant 1.000000e+00 : f32
    %broadcast_in_dim3A_498 = vector.broadcast %broadcast_in_dim3A_497 : f32 to vector<16xf32>
    %swap3A_499 = arith.constant 1008 : index
    %swap3A_500 = tpu.vector_load %arg6[%swap3A_499] {strides = array<i32>} : memref<1600xf32, #tpu.memory_space<vmem>>, vector<16xf32>,
    %swap3A_501 = vector.shape_cast %swap3A_500 : vector<16xf32> to vector<16xf32>
    %swap3A_502 = vector.shape_cast %broadcast_in_dim3A_498 : vector<16xf32> to vector<16xf32>
    tpu.vector_store %arg6[%swap3A_499], %swap3A_502 {strides = array<i32>} : memref<1600xf32, #tpu.memory_space<vmem>>, vector<16xf32>,
    %broadcast_in_dim3A_503 = arith.constant 1.000000e+00 : f32
    %broadcast_in_dim3A_504 = vector.broadcast %broadcast_in_dim3A_503 : f32 to vector<16xf32>
    %swap3A_505 = arith.constant 1024 : index
    %swap3A_506 = tpu.vector_load %arg6[%swap3A_505] {strides = array<i32>} : memref<1600xf32, #tpu.memory_space<vmem>>, vector<16xf32>,
    %swap3A_507 = vector.shape_cast %swap3A_506 : vector<16xf32> to vector<16xf32>
    %swap3A_508 = vector.shape_cast %broadcast_in_dim3A_504 : vector<16xf32> to vector<16xf32>
    tpu.vector_store %arg6[%swap3A_505], %swap3A_508 {strides = array<i32>} : memref<1600xf32, #tpu.memory_space<vmem>>, vector<16xf32>,
    %broadcast_in_dim3A_509 = arith.constant 1.000000e+00 : f32
    %broadcast_in_dim3A_510 = vector.broadcast %broadcast_in_dim3A_509 : f32 to vector<16xf32>
    %swap3A_511 = arith.constant 1040 : index
    %swap3A_512 = tpu.vector_load %arg6[%swap3A_511] {strides = array<i32>} : memref<1600xf32, #tpu.memory_space<vmem>>, vector<16xf32>,
    %swap3A_513 = vector.shape_cast %swap3A_512 : vector<16xf32> to vector<16xf32>
    %swap3A_514 = vector.shape_cast %broadcast_in_dim3A_510 : vector<16xf32> to vector<16xf32>
    tpu.vector_store %arg6[%swap3A_511], %swap3A_514 {strides = array<i32>} : memref<1600xf32, #tpu.memory_space<vmem>>, vector<16xf32>,
    %broadcast_in_dim3A_515 = arith.constant 1.000000e+00 : f32
    %broadcast_in_dim3A_516 = vector.broadcast %broadcast_in_dim3A_515 : f32 to vector<16xf32>
    %swap3A_517 = arith.constant 1056 : index
    %swap3A_518 = tpu.vector_load %arg6[%swap3A_517] {strides = array<i32>} : memref<1600xf32, #tpu.memory_space<vmem>>, vector<16xf32>,
    %swap3A_519 = vector.shape_cast %swap3A_518 : vector<16xf32> to vector<16xf32>
    %swap3A_520 = vector.shape_cast %broadcast_in_dim3A_516 : vector<16xf32> to vector<16xf32>
    tpu.vector_store %arg6[%swap3A_517], %swap3A_520 {strides = array<i32>} : memref<1600xf32, #tpu.memory_space<vmem>>, vector<16xf32>,
    %broadcast_in_dim3A_521 = arith.constant 1.000000e+00 : f32
    %broadcast_in_dim3A_522 = vector.broadcast %broadcast_in_dim3A_521 : f32 to vector<16xf32>
    %swap3A_523 = arith.constant 1072 : index
    %swap3A_524 = tpu.vector_load %arg6[%swap3A_523] {strides = array<i32>} : memref<1600xf32, #tpu.memory_space<vmem>>, vector<16xf32>,
    %swap3A_525 = vector.shape_cast %swap3A_524 : vector<16xf32> to vector<16xf32>
    %swap3A_526 = vector.shape_cast %broadcast_in_dim3A_522 : vector<16xf32> to vector<16xf32>
    tpu.vector_store %arg6[%swap3A_523], %swap3A_526 {strides = array<i32>} : memref<1600xf32, #tpu.memory_space<vmem>>, vector<16xf32>,
    %broadcast_in_dim3A_527 = arith.constant 1.000000e+00 : f32
    %broadcast_in_dim3A_528 = vector.broadcast %broadcast_in_dim3A_527 : f32 to vector<16xf32>
    %swap3A_529 = arith.constant 1088 : index
    %swap3A_530 = tpu.vector_load %arg6[%swap3A_529] {strides = array<i32>} : memref<1600xf32, #tpu.memory_space<vmem>>, vector<16xf32>,
    %swap3A_531 = vector.shape_cast %swap3A_530 : vector<16xf32> to vector<16xf32>
    %swap3A_532 = vector.shape_cast %broadcast_in_dim3A_528 : vector<16xf32> to vector<16xf32>
    tpu.vector_store %arg6[%swap3A_529], %swap3A_532 {strides = array<i32>} : memref<1600xf32, #tpu.memory_space<vmem>>, vector<16xf32>,
    %broadcast_in_dim3A_533 = arith.constant 1.000000e+00 : f32
    %broadcast_in_dim3A_534 = vector.broadcast %broadcast_in_dim3A_533 : f32 to vector<16xf32>
    %swap3A_535 = arith.constant 1104 : index
    %swap3A_536 = tpu.vector_load %arg6[%swap3A_535] {strides = array<i32>} : memref<1600xf32, #tpu.memory_space<vmem>>, vector<16xf32>,
    %swap3A_537 = vector.shape_cast %swap3A_536 : vector<16xf32> to vector<16xf32>
    %swap3A_538 = vector.shape_cast %broadcast_in_dim3A_534 : vector<16xf32> to vector<16xf32>
    tpu.vector_store %arg6[%swap3A_535], %swap3A_538 {strides = array<i32>} : memref<1600xf32, #tpu.memory_space<vmem>>, vector<16xf32>,
    %broadcast_in_dim3A_539 = arith.constant 1.000000e+00 : f32
    %broadcast_in_dim3A_540 = vector.broadcast %broadcast_in_dim3A_539 : f32 to vector<16xf32>
    %swap3A_541 = arith.constant 1120 : index
    %swap3A_542 = tpu.vector_load %arg6[%swap3A_541] {strides = array<i32>} : memref<1600xf32, #tpu.memory_space<vmem>>, vector<16xf32>,
    %swap3A_543 = vector.shape_cast %swap3A_542 : vector<16xf32> to vector<16xf32>
    %swap3A_544 = vector.shape_cast %broadcast_in_dim3A_540 : vector<16xf32> to vector<16xf32>
    tpu.vector_store %arg6[%swap3A_541], %swap3A_544 {strides = array<i32>} : memref<1600xf32, #tpu.memory_space<vmem>>, vector<16xf32>,
    %broadcast_in_dim3A_545 = arith.constant 1.000000e+00 : f32
    %broadcast_in_dim3A_546 = vector.broadcast %broadcast_in_dim3A_545 : f32 to vector<16xf32>
    %swap3A_547 = arith.constant 1136 : index
    %swap3A_548 = tpu.vector_load %arg6[%swap3A_547] {strides = array<i32>} : memref<1600xf32, #tpu.memory_space<vmem>>, vector<16xf32>,
    %swap3A_549 = vector.shape_cast %swap3A_548 : vector<16xf32> to vector<16xf32>
    %swap3A_550 = vector.shape_cast %broadcast_in_dim3A_546 : vector<16xf32> to vector<16xf32>
    tpu.vector_store %arg6[%swap3A_547], %swap3A_550 {strides = array<i32>} : memref<1600xf32, #tpu.memory_space<vmem>>, vector<16xf32>,
    %broadcast_in_dim3A_551 = arith.constant 1.000000e+00 : f32
    %broadcast_in_dim3A_552 = vector.broadcast %broadcast_in_dim3A_551 : f32 to vector<16xf32>
    %swap3A_553 = arith.constant 1152 : index
    %swap3A_554 = tpu.vector_load %arg6[%swap3A_553] {strides = array<i32>} : memref<1600xf32, #tpu.memory_space<vmem>>, vector<16xf32>,
    %swap3A_555 = vector.shape_cast %swap3A_554 : vector<16xf32> to vector<16xf32>
    %swap3A_556 = vector.shape_cast %broadcast_in_dim3A_552 : vector<16xf32> to vector<16xf32>
    tpu.vector_store %arg6[%swap3A_553], %swap3A_556 {strides = array<i32>} : memref<1600xf32, #tpu.memory_space<vmem>>, vector<16xf32>,
    %broadcast_in_dim3A_557 = arith.constant 1.000000e+00 : f32
    %broadcast_in_dim3A_558 = vector.broadcast %broadcast_in_dim3A_557 : f32 to vector<16xf32>
    %swap3A_559 = arith.constant 1168 : index
    %swap3A_560 = tpu.vector_load %arg6[%swap3A_559] {strides = array<i32>} : memref<1600xf32, #tpu.memory_space<vmem>>, vector<16xf32>,
    %swap3A_561 = vector.shape_cast %swap3A_560 : vector<16xf32> to vector<16xf32>
    %swap3A_562 = vector.shape_cast %broadcast_in_dim3A_558 : vector<16xf32> to vector<16xf32>
    tpu.vector_store %arg6[%swap3A_559], %swap3A_562 {strides = array<i32>} : memref<1600xf32, #tpu.memory_space<vmem>>, vector<16xf32>,
    %broadcast_in_dim3A_563 = arith.constant 1.000000e+00 : f32
    %broadcast_in_dim3A_564 = vector.broadcast %broadcast_in_dim3A_563 : f32 to vector<16xf32>
    %swap3A_565 = arith.constant 1184 : index
    %swap3A_566 = tpu.vector_load %arg6[%swap3A_565] {strides = array<i32>} : memref<1600xf32, #tpu.memory_space<vmem>>, vector<16xf32>,
    %swap3A_567 = vector.shape_cast %swap3A_566 : vector<16xf32> to vector<16xf32>
    %swap3A_568 = vector.shape_cast %broadcast_in_dim3A_564 : vector<16xf32> to vector<16xf32>
    tpu.vector_store %arg6[%swap3A_565], %swap3A_568 {strides = array<i32>} : memref<1600xf32, #tpu.memory_space<vmem>>, vector<16xf32>,
    %broadcast_in_dim3A_569 = arith.constant 1.000000e+00 : f32
    %broadcast_in_dim3A_570 = vector.broadcast %broadcast_in_dim3A_569 : f32 to vector<16xf32>
    %swap3A_571 = arith.constant 1200 : index
    %swap3A_572 = tpu.vector_load %arg6[%swap3A_571] {strides = array<i32>} : memref<1600xf32, #tpu.memory_space<vmem>>, vector<16xf32>,
    %swap3A_573 = vector.shape_cast %swap3A_572 : vector<16xf32> to vector<16xf32>
    %swap3A_574 = vector.shape_cast %broadcast_in_dim3A_570 : vector<16xf32> to vector<16xf32>
    tpu.vector_store %arg6[%swap3A_571], %swap3A_574 {strides = array<i32>} : memref<1600xf32, #tpu.memory_space<vmem>>, vector<16xf32>,
    %broadcast_in_dim3A_575 = arith.constant 1.000000e+00 : f32
    %broadcast_in_dim3A_576 = vector.broadcast %broadcast_in_dim3A_575 : f32 to vector<16xf32>
    %swap3A_577 = arith.constant 1216 : index
    %swap3A_578 = tpu.vector_load %arg6[%swap3A_577] {strides = array<i32>} : memref<1600xf32, #tpu.memory_space<vmem>>, vector<16xf32>,
    %swap3A_579 = vector.shape_cast %swap3A_578 : vector<16xf32> to vector<16xf32>
    %swap3A_580 = vector.shape_cast %broadcast_in_dim3A_576 : vector<16xf32> to vector<16xf32>
    tpu.vector_store %arg6[%swap3A_577], %swap3A_580 {strides = array<i32>} : memref<1600xf32, #tpu.memory_space<vmem>>, vector<16xf32>,
    %broadcast_in_dim3A_581 = arith.constant 1.000000e+00 : f32
    %broadcast_in_dim3A_582 = vector.broadcast %broadcast_in_dim3A_581 : f32 to vector<16xf32>
    %swap3A_583 = arith.constant 1232 : index
    %swap3A_584 = tpu.vector_load %arg6[%swap3A_583] {strides = array<i32>} : memref<1600xf32, #tpu.memory_space<vmem>>, vector<16xf32>,
    %swap3A_585 = vector.shape_cast %swap3A_584 : vector<16xf32> to vector<16xf32>
    %swap3A_586 = vector.shape_cast %broadcast_in_dim3A_582 : vector<16xf32> to vector<16xf32>
    tpu.vector_store %arg6[%swap3A_583], %swap3A_586 {strides = array<i32>} : memref<1600xf32, #tpu.memory_space<vmem>>, vector<16xf32>,
    %broadcast_in_dim3A_587 = arith.constant 1.000000e+00 : f32
    %broadcast_in_dim3A_588 = vector.broadcast %broadcast_in_dim3A_587 : f32 to vector<16xf32>
    %swap3A_589 = arith.constant 1248 : index
    %swap3A_590 = tpu.vector_load %arg6[%swap3A_589] {strides = array<i32>} : memref<1600xf32, #tpu.memory_space<vmem>>, vector<16xf32>,
    %swap3A_591 = vector.shape_cast %swap3A_590 : vector<16xf32> to vector<16xf32>
    %swap3A_592 = vector.shape_cast %broadcast_in_dim3A_588 : vector<16xf32> to vector<16xf32>
    tpu.vector_store %arg6[%swap3A_589], %swap3A_592 {strides = array<i32>} : memref<1600xf32, #tpu.memory_space<vmem>>, vector<16xf32>,
    %broadcast_in_dim3A_593 = arith.constant 1.000000e+00 : f32
    %broadcast_in_dim3A_594 = vector.broadcast %broadcast_in_dim3A_593 : f32 to vector<16xf32>
    %swap3A_595 = arith.constant 1264 : index
    %swap3A_596 = tpu.vector_load %arg6[%swap3A_595] {strides = array<i32>} : memref<1600xf32, #tpu.memory_space<vmem>>, vector<16xf32>,
    %swap3A_597 = vector.shape_cast %swap3A_596 : vector<16xf32> to vector<16xf32>
    %swap3A_598 = vector.shape_cast %broadcast_in_dim3A_594 : vector<16xf32> to vector<16xf32>
    tpu.vector_store %arg6[%swap3A_595], %swap3A_598 {strides = array<i32>} : memref<1600xf32, #tpu.memory_space<vmem>>, vector<16xf32>,
    %broadcast_in_dim3A_599 = arith.constant 1.000000e+00 : f32
    %broadcast_in_dim3A_600 = vector.broadcast %broadcast_in_dim3A_599 : f32 to vector<16xf32>
    %swap3A_601 = arith.constant 1280 : index
    %swap3A_602 = tpu.vector_load %arg6[%swap3A_601] {strides = array<i32>} : memref<1600xf32, #tpu.memory_space<vmem>>, vector<16xf32>,
    %swap3A_603 = vector.shape_cast %swap3A_602 : vector<16xf32> to vector<16xf32>
    %swap3A_604 = vector.shape_cast %broadcast_in_dim3A_600 : vector<16xf32> to vector<16xf32>
    tpu.vector_store %arg6[%swap3A_601], %swap3A_604 {strides = array<i32>} : memref<1600xf32, #tpu.memory_space<vmem>>, vector<16xf32>,
    %broadcast_in_dim3A_605 = arith.constant 1.000000e+00 : f32
    %broadcast_in_dim3A_606 = vector.broadcast %broadcast_in_dim3A_605 : f32 to vector<16xf32>
    %swap3A_607 = arith.constant 1296 : index
    %swap3A_608 = tpu.vector_load %arg6[%swap3A_607] {strides = array<i32>} : memref<1600xf32, #tpu.memory_space<vmem>>, vector<16xf32>,
    %swap3A_609 = vector.shape_cast %swap3A_608 : vector<16xf32> to vector<16xf32>
    %swap3A_610 = vector.shape_cast %broadcast_in_dim3A_606 : vector<16xf32> to vector<16xf32>
    tpu.vector_store %arg6[%swap3A_607], %swap3A_610 {strides = array<i32>} : memref<1600xf32, #tpu.memory_space<vmem>>, vector<16xf32>,
    %broadcast_in_dim3A_611 = arith.constant 1.000000e+00 : f32
    %broadcast_in_dim3A_612 = vector.broadcast %broadcast_in_dim3A_611 : f32 to vector<16xf32>
    %swap3A_613 = arith.constant 1312 : index
    %swap3A_614 = tpu.vector_load %arg6[%swap3A_613] {strides = array<i32>} : memref<1600xf32, #tpu.memory_space<vmem>>, vector<16xf32>,
    %swap3A_615 = vector.shape_cast %swap3A_614 : vector<16xf32> to vector<16xf32>
    %swap3A_616 = vector.shape_cast %broadcast_in_dim3A_612 : vector<16xf32> to vector<16xf32>
    tpu.vector_store %arg6[%swap3A_613], %swap3A_616 {strides = array<i32>} : memref<1600xf32, #tpu.memory_space<vmem>>, vector<16xf32>,
    %broadcast_in_dim3A_617 = arith.constant 1.000000e+00 : f32
    %broadcast_in_dim3A_618 = vector.broadcast %broadcast_in_dim3A_617 : f32 to vector<16xf32>
    %swap3A_619 = arith.constant 1328 : index
    %swap3A_620 = tpu.vector_load %arg6[%swap3A_619] {strides = array<i32>} : memref<1600xf32, #tpu.memory_space<vmem>>, vector<16xf32>,
    %swap3A_621 = vector.shape_cast %swap3A_620 : vector<16xf32> to vector<16xf32>
    %swap3A_622 = vector.shape_cast %broadcast_in_dim3A_618 : vector<16xf32> to vector<16xf32>
    tpu.vector_store %arg6[%swap3A_619], %swap3A_622 {strides = array<i32>} : memref<1600xf32, #tpu.memory_space<vmem>>, vector<16xf32>,
    %broadcast_in_dim3A_623 = arith.constant 1.000000e+00 : f32
    %broadcast_in_dim3A_624 = vector.broadcast %broadcast_in_dim3A_623 : f32 to vector<16xf32>
    %swap3A_625 = arith.constant 1344 : index
    %swap3A_626 = tpu.vector_load %arg6[%swap3A_625] {strides = array<i32>} : memref<1600xf32, #tpu.memory_space<vmem>>, vector<16xf32>,
    %swap3A_627 = vector.shape_cast %swap3A_626 : vector<16xf32> to vector<16xf32>
    %swap3A_628 = vector.shape_cast %broadcast_in_dim3A_624 : vector<16xf32> to vector<16xf32>
    tpu.vector_store %arg6[%swap3A_625], %swap3A_628 {strides = array<i32>} : memref<1600xf32, #tpu.memory_space<vmem>>, vector<16xf32>,
    %broadcast_in_dim3A_629 = arith.constant 1.000000e+00 : f32
    %broadcast_in_dim3A_630 = vector.broadcast %broadcast_in_dim3A_629 : f32 to vector<16xf32>
    %swap3A_631 = arith.constant 1360 : index
    %swap3A_632 = tpu.vector_load %arg6[%swap3A_631] {strides = array<i32>} : memref<1600xf32, #tpu.memory_space<vmem>>, vector<16xf32>,
    %swap3A_633 = vector.shape_cast %swap3A_632 : vector<16xf32> to vector<16xf32>
    %swap3A_634 = vector.shape_cast %broadcast_in_dim3A_630 : vector<16xf32> to vector<16xf32>
    tpu.vector_store %arg6[%swap3A_631], %swap3A_634 {strides = array<i32>} : memref<1600xf32, #tpu.memory_space<vmem>>, vector<16xf32>,
    %broadcast_in_dim3A_635 = arith.constant 1.000000e+00 : f32
    %broadcast_in_dim3A_636 = vector.broadcast %broadcast_in_dim3A_635 : f32 to vector<16xf32>
    %swap3A_637 = arith.constant 1376 : index
    %swap3A_638 = tpu.vector_load %arg6[%swap3A_637] {strides = array<i32>} : memref<1600xf32, #tpu.memory_space<vmem>>, vector<16xf32>,
    %swap3A_639 = vector.shape_cast %swap3A_638 : vector<16xf32> to vector<16xf32>
    %swap3A_640 = vector.shape_cast %broadcast_in_dim3A_636 : vector<16xf32> to vector<16xf32>
    tpu.vector_store %arg6[%swap3A_637], %swap3A_640 {strides = array<i32>} : memref<1600xf32, #tpu.memory_space<vmem>>, vector<16xf32>,
    %broadcast_in_dim3A_641 = arith.constant 1.000000e+00 : f32
    %broadcast_in_dim3A_642 = vector.broadcast %broadcast_in_dim3A_641 : f32 to vector<16xf32>
    %swap3A_643 = arith.constant 1392 : index
    %swap3A_644 = tpu.vector_load %arg6[%swap3A_643] {strides = array<i32>} : memref<1600xf32, #tpu.memory_space<vmem>>, vector<16xf32>,
    %swap3A_645 = vector.shape_cast %swap3A_644 : vector<16xf32> to vector<16xf32>
    %swap3A_646 = vector.shape_cast %broadcast_in_dim3A_642 : vector<16xf32> to vector<16xf32>
    tpu.vector_store %arg6[%swap3A_643], %swap3A_646 {strides = array<i32>} : memref<1600xf32, #tpu.memory_space<vmem>>, vector<16xf32>,
    %broadcast_in_dim3A_647 = arith.constant 1.000000e+00 : f32
    %broadcast_in_dim3A_648 = vector.broadcast %broadcast_in_dim3A_647 : f32 to vector<16xf32>
    %swap3A_649 = arith.constant 1408 : index
    %swap3A_650 = tpu.vector_load %arg6[%swap3A_649] {strides = array<i32>} : memref<1600xf32, #tpu.memory_space<vmem>>, vector<16xf32>,
    %swap3A_651 = vector.shape_cast %swap3A_650 : vector<16xf32> to vector<16xf32>
    %swap3A_652 = vector.shape_cast %broadcast_in_dim3A_648 : vector<16xf32> to vector<16xf32>
    tpu.vector_store %arg6[%swap3A_649], %swap3A_652 {strides = array<i32>} : memref<1600xf32, #tpu.memory_space<vmem>>, vector<16xf32>,
    %broadcast_in_dim3A_653 = arith.constant 1.000000e+00 : f32
    %broadcast_in_dim3A_654 = vector.broadcast %broadcast_in_dim3A_653 : f32 to vector<16xf32>
    %swap3A_655 = arith.constant 1424 : index
    %swap3A_656 = tpu.vector_load %arg6[%swap3A_655] {strides = array<i32>} : memref<1600xf32, #tpu.memory_space<vmem>>, vector<16xf32>,
    %swap3A_657 = vector.shape_cast %swap3A_656 : vector<16xf32> to vector<16xf32>
    %swap3A_658 = vector.shape_cast %broadcast_in_dim3A_654 : vector<16xf32> to vector<16xf32>
    tpu.vector_store %arg6[%swap3A_655], %swap3A_658 {strides = array<i32>} : memref<1600xf32, #tpu.memory_space<vmem>>, vector<16xf32>,
    %broadcast_in_dim3A_659 = arith.constant 1.000000e+00 : f32
    %broadcast_in_dim3A_660 = vector.broadcast %broadcast_in_dim3A_659 : f32 to vector<16xf32>
    %swap3A_661 = arith.constant 1440 : index
    %swap3A_662 = tpu.vector_load %arg6[%swap3A_661] {strides = array<i32>} : memref<1600xf32, #tpu.memory_space<vmem>>, vector<16xf32>,
    %swap3A_663 = vector.shape_cast %swap3A_662 : vector<16xf32> to vector<16xf32>
    %swap3A_664 = vector.shape_cast %broadcast_in_dim3A_660 : vector<16xf32> to vector<16xf32>
    tpu.vector_store %arg6[%swap3A_661], %swap3A_664 {strides = array<i32>} : memref<1600xf32, #tpu.memory_space<vmem>>, vector<16xf32>,
    %broadcast_in_dim3A_665 = arith.constant 1.000000e+00 : f32
    %broadcast_in_dim3A_666 = vector.broadcast %broadcast_in_dim3A_665 : f32 to vector<16xf32>
    %swap3A_667 = arith.constant 1456 : index
    %swap3A_668 = tpu.vector_load %arg6[%swap3A_667] {strides = array<i32>} : memref<1600xf32, #tpu.memory_space<vmem>>, vector<16xf32>,
    %swap3A_669 = vector.shape_cast %swap3A_668 : vector<16xf32> to vector<16xf32>
    %swap3A_670 = vector.shape_cast %broadcast_in_dim3A_666 : vector<16xf32> to vector<16xf32>
    tpu.vector_store %arg6[%swap3A_667], %swap3A_670 {strides = array<i32>} : memref<1600xf32, #tpu.memory_space<vmem>>, vector<16xf32>,
    %broadcast_in_dim3A_671 = arith.constant 1.000000e+00 : f32
    %broadcast_in_dim3A_672 = vector.broadcast %broadcast_in_dim3A_671 : f32 to vector<16xf32>
    %swap3A_673 = arith.constant 1472 : index
    %swap3A_674 = tpu.vector_load %arg6[%swap3A_673] {strides = array<i32>} : memref<1600xf32, #tpu.memory_space<vmem>>, vector<16xf32>,
    %swap3A_675 = vector.shape_cast %swap3A_674 : vector<16xf32> to vector<16xf32>
    %swap3A_676 = vector.shape_cast %broadcast_in_dim3A_672 : vector<16xf32> to vector<16xf32>
    tpu.vector_store %arg6[%swap3A_673], %swap3A_676 {strides = array<i32>} : memref<1600xf32, #tpu.memory_space<vmem>>, vector<16xf32>,
    %broadcast_in_dim3A_677 = arith.constant 1.000000e+00 : f32
    %broadcast_in_dim3A_678 = vector.broadcast %broadcast_in_dim3A_677 : f32 to vector<16xf32>
    %swap3A_679 = arith.constant 1488 : index
    %swap3A_680 = tpu.vector_load %arg6[%swap3A_679] {strides = array<i32>} : memref<1600xf32, #tpu.memory_space<vmem>>, vector<16xf32>,
    %swap3A_681 = vector.shape_cast %swap3A_680 : vector<16xf32> to vector<16xf32>
    %swap3A_682 = vector.shape_cast %broadcast_in_dim3A_678 : vector<16xf32> to vector<16xf32>
    tpu.vector_store %arg6[%swap3A_679], %swap3A_682 {strides = array<i32>} : memref<1600xf32, #tpu.memory_space<vmem>>, vector<16xf32>,
    %broadcast_in_dim3A_683 = arith.constant 1.000000e+00 : f32
    %broadcast_in_dim3A_684 = vector.broadcast %broadcast_in_dim3A_683 : f32 to vector<16xf32>
    %swap3A_685 = arith.constant 1504 : index
    %swap3A_686 = tpu.vector_load %arg6[%swap3A_685] {strides = array<i32>} : memref<1600xf32, #tpu.memory_space<vmem>>, vector<16xf32>,
    %swap3A_687 = vector.shape_cast %swap3A_686 : vector<16xf32> to vector<16xf32>
    %swap3A_688 = vector.shape_cast %broadcast_in_dim3A_684 : vector<16xf32> to vector<16xf32>
    tpu.vector_store %arg6[%swap3A_685], %swap3A_688 {strides = array<i32>} : memref<1600xf32, #tpu.memory_space<vmem>>, vector<16xf32>,
    %broadcast_in_dim3A_689 = arith.constant 1.000000e+00 : f32
    %broadcast_in_dim3A_690 = vector.broadcast %broadcast_in_dim3A_689 : f32 to vector<16xf32>
    %swap3A_691 = arith.constant 1520 : index
    %swap3A_692 = tpu.vector_load %arg6[%swap3A_691] {strides = array<i32>} : memref<1600xf32, #tpu.memory_space<vmem>>, vector<16xf32>,
    %swap3A_693 = vector.shape_cast %swap3A_692 : vector<16xf32> to vector<16xf32>
    %swap3A_694 = vector.shape_cast %broadcast_in_dim3A_690 : vector<16xf32> to vector<16xf32>
    tpu.vector_store %arg6[%swap3A_691], %swap3A_694 {strides = array<i32>} : memref<1600xf32, #tpu.memory_space<vmem>>, vector<16xf32>,
    %broadcast_in_dim3A_695 = arith.constant 1.000000e+00 : f32
    %broadcast_in_dim3A_696 = vector.broadcast %broadcast_in_dim3A_695 : f32 to vector<16xf32>
    %swap3A_697 = arith.constant 1536 : index
    %swap3A_698 = tpu.vector_load %arg6[%swap3A_697] {strides = array<i32>} : memref<1600xf32, #tpu.memory_space<vmem>>, vector<16xf32>,
    %swap3A_699 = vector.shape_cast %swap3A_698 : vector<16xf32> to vector<16xf32>
    %swap3A_700 = vector.shape_cast %broadcast_in_dim3A_696 : vector<16xf32> to vector<16xf32>
    tpu.vector_store %arg6[%swap3A_697], %swap3A_700 {strides = array<i32>} : memref<1600xf32, #tpu.memory_space<vmem>>, vector<16xf32>,
    %broadcast_in_dim3A_701 = arith.constant 1.000000e+00 : f32
    %broadcast_in_dim3A_702 = vector.broadcast %broadcast_in_dim3A_701 : f32 to vector<16xf32>
    %swap3A_703 = arith.constant 1552 : index
    %swap3A_704 = tpu.vector_load %arg6[%swap3A_703] {strides = array<i32>} : memref<1600xf32, #tpu.memory_space<vmem>>, vector<16xf32>,
    %swap3A_705 = vector.shape_cast %swap3A_704 : vector<16xf32> to vector<16xf32>
    %swap3A_706 = vector.shape_cast %broadcast_in_dim3A_702 : vector<16xf32> to vector<16xf32>
    tpu.vector_store %arg6[%swap3A_703], %swap3A_706 {strides = array<i32>} : memref<1600xf32, #tpu.memory_space<vmem>>, vector<16xf32>,
    %broadcast_in_dim3A_707 = arith.constant 1.000000e+00 : f32
    %broadcast_in_dim3A_708 = vector.broadcast %broadcast_in_dim3A_707 : f32 to vector<16xf32>
    %swap3A_709 = arith.constant 1568 : index
    %swap3A_710 = tpu.vector_load %arg6[%swap3A_709] {strides = array<i32>} : memref<1600xf32, #tpu.memory_space<vmem>>, vector<16xf32>,
    %swap3A_711 = vector.shape_cast %swap3A_710 : vector<16xf32> to vector<16xf32>
    %swap3A_712 = vector.shape_cast %broadcast_in_dim3A_708 : vector<16xf32> to vector<16xf32>
    tpu.vector_store %arg6[%swap3A_709], %swap3A_712 {strides = array<i32>} : memref<1600xf32, #tpu.memory_space<vmem>>, vector<16xf32>,
    %broadcast_in_dim3A_713 = arith.constant 1.000000e+00 : f32
    %broadcast_in_dim3A_714 = vector.broadcast %broadcast_in_dim3A_713 : f32 to vector<16xf32>
    %swap3A_715 = arith.constant 1584 : index
    %swap3A_716 = tpu.vector_load %arg6[%swap3A_715] {strides = array<i32>} : memref<1600xf32, #tpu.memory_space<vmem>>, vector<16xf32>,
    %swap3A_717 = vector.shape_cast %swap3A_716 : vector<16xf32> to vector<16xf32>
    %swap3A_718 = vector.shape_cast %broadcast_in_dim3A_714 : vector<16xf32> to vector<16xf32>
    tpu.vector_store %arg6[%swap3A_715], %swap3A_718 {strides = array<i32>} : memref<1600xf32, #tpu.memory_space<vmem>>, vector<16xf32>,
    %barrier3A = arith.constant 0 : index
    tpu.barrier barrier_id(%barrier3A)
    %mul3A_719 = arith.constant 16 : i32
    %mul3A_720 = arith.muli %arg0, %mul3A_719 : i32
    %add3A = arith.addi %mul3A_720, %arg1 : i32
    %lt3A = arith.constant 4 : i32
    %lt3A_721 = arith.cmpi slt, %add3A, %lt3A : i32
    %jit3A = arith.constant 4 : i32
    %jit3A_722 = arith.constant 3 : i32
    %select_n3A = arith.select %lt3A_721, %jit3A, %jit3A_722 : i32
    %lt3A_723 = arith.constant 4 : i32
    %lt3A_724 = arith.cmpi slt, %add3A, %lt3A_723 : i32
    %mul3A_725 = arith.constant 4 : i32
    %mul3A_726 = arith.muli %add3A, %mul3A_725 : i32
    %sub3A = arith.constant 4 : i32
    %sub3A_727 = arith.subi %add3A, %sub3A : i32
    %mul3A_728 = arith.constant 3 : i32
    %mul3A_729 = arith.muli %sub3A_727, %mul3A_728 : i32
    %add3A_730 = arith.constant 16 : i32
    %add3A_731 = arith.addi %add3A_730, %mul3A_729 : i32
    %select_n3A_732 = arith.select %lt3A_724, %mul3A_726, %add3A_731 : i32
    %mul3A_733 = arith.constant 1600 : i32
    %mul3A_734 = arith.muli %mul3A_733, %select_n3A_732 : i32
    %while3A = arith.constant 0 : i32
    %while3A_735 = arith.constant 0 : i32
    %while3A_736 = arith.subi %select_n3A, %while3A : i32
    %while3A_737 = arith.addi %while3A, %while3A_736 : i32
    %while3A_738 = arith.constant 1 : i32
    %while3A_739 = arith.divsi %while3A_736, %while3A_738 : i32
    %while3A_740 = arith.muli %while3A_739, %while3A_738 : i32
    %while3A_741 = arith.addi %while3A, %while3A_740 : i32
    %while3A_742 = arith.constant 1 : i32
    %while3A_743 = scf.for %while3A_750 = %while3A to %while3A_741 step %while3A_742 iter_args(%while3A_751 = %while3A_735) -> (i32)  : i32 {
      %mul3A_752 = arith.constant 1600 : i32
      %mul3A_753 = arith.muli %while3A_750, %mul3A_752 : i32
      %add3A_754 = arith.addi %mul3A_734, %mul3A_753 : i32
      "tpu.region"() ({
        %run_scoped3A = tpu.sem_alloc : memref<!tpu.dma_semaphore, #tpu.memory_space<semaphore_mem>>
        %dma_start3A = tpu.memref_slice %arg2[%add3A_754] : memref<160000xi32, #tpu.memory_space<hbm>> -> memref<1600xi32, #tpu.memory_space<hbm>>
        %dma_start3A_756 = tpu.memref_slice %arg2[%add3A_754] : memref<160000xi32, #tpu.memory_space<hbm>> -> memref<1600xi32, #tpu.memory_space<hbm>>
        tpu.enqueue_dma source(%dma_start3A_756 : memref<1600xi32, #tpu.memory_space<hbm>>) target(%arg5 : memref<1600xi32, #tpu.memory_space<vmem>>) target_semaphore(%run_scoped3A : memref<!tpu.dma_semaphore, #tpu.memory_space<semaphore_mem>>)
        %dma_wait3A = tpu.memref_slice %arg2[%add3A_754] : memref<160000xi32, #tpu.memory_space<hbm>> -> memref<1600xi32, #tpu.memory_space<hbm>>
        %dma_wait3A_757 = tpu.memref_slice %arg2[%add3A_754] : memref<160000xi32, #tpu.memory_space<hbm>> -> memref<1600xi32, #tpu.memory_space<hbm>>
        tpu.wait_dma2 semaphore(%run_scoped3A : memref<!tpu.dma_semaphore, #tpu.memory_space<semaphore_mem>>) src(%dma_wait3A_757 : memref<1600xi32, #tpu.memory_space<hbm>>) dst(%arg5 : memref<1600xi32, #tpu.memory_space<vmem>>)
        tpu.yield
      }) : () -> ()
      "tpu.region"() ({
        %run_scoped3A = tpu.sem_alloc : memref<!tpu.dma_semaphore, #tpu.memory_space<semaphore_mem>>
        %dma_start3A = arith.constant 0 : i32
        %dma_start3A_756 = tpu.memref_slice %arg4[%dma_start3A] : memref<10240xf32, #tpu.memory_space<vmem_shared>> -> memref<10240xf32, #tpu.memory_space<vmem_shared>>
        tpu.enqueue_indirect_dma source(%arg6 : memref<1600xf32, #tpu.memory_space<vmem>>) target(%dma_start3A_756 : memref<10240xf32, #tpu.memory_space<vmem_shared>>) offsets(%arg5 : memref<1600xi32, #tpu.memory_space<vmem>>) semaphore(%run_scoped3A : memref<!tpu.dma_semaphore, #tpu.memory_space<semaphore_mem>>) {add = true}
        %dma_wait3A = arith.constant 0 : i32
        %dma_wait3A_757 = tpu.memref_slice %arg4[%dma_wait3A] : memref<10240xf32, #tpu.memory_space<vmem_shared>> -> memref<10240xf32, #tpu.memory_space<vmem_shared>>
        tpu.wait_indirect_dma semaphore(%run_scoped3A : memref<!tpu.dma_semaphore, #tpu.memory_space<semaphore_mem>>) src(%arg6 : memref<1600xf32, #tpu.memory_space<vmem>>) dst(%dma_wait3A_757 : memref<10240xf32, #tpu.memory_space<vmem_shared>>)
        tpu.yield
      }) : () -> ()
      %while3A_755 = arith.constant 0 : i32
      scf.yield %while3A_755 : i32
    }
    %while3A_744 = arith.constant 1 : i32
    %while3A_745 = scf.for %while3A_750 = %while3A_741 to %while3A_737 step %while3A_744 iter_args(%while3A_751 = %while3A_743) -> (i32)  : i32 {
      %mul3A_752 = arith.constant 1600 : i32
      %mul3A_753 = arith.muli %while3A_750, %mul3A_752 : i32
      %add3A_754 = arith.addi %mul3A_734, %mul3A_753 : i32
      "tpu.region"() ({
        %run_scoped3A = tpu.sem_alloc : memref<!tpu.dma_semaphore, #tpu.memory_space<semaphore_mem>>
        %dma_start3A = tpu.memref_slice %arg2[%add3A_754] : memref<160000xi32, #tpu.memory_space<hbm>> -> memref<1600xi32, #tpu.memory_space<hbm>>
        %dma_start3A_756 = tpu.memref_slice %arg2[%add3A_754] : memref<160000xi32, #tpu.memory_space<hbm>> -> memref<1600xi32, #tpu.memory_space<hbm>>
        tpu.enqueue_dma source(%dma_start3A_756 : memref<1600xi32, #tpu.memory_space<hbm>>) target(%arg5 : memref<1600xi32, #tpu.memory_space<vmem>>) target_semaphore(%run_scoped3A : memref<!tpu.dma_semaphore, #tpu.memory_space<semaphore_mem>>)
        %dma_wait3A = tpu.memref_slice %arg2[%add3A_754] : memref<160000xi32, #tpu.memory_space<hbm>> -> memref<1600xi32, #tpu.memory_space<hbm>>
        %dma_wait3A_757 = tpu.memref_slice %arg2[%add3A_754] : memref<160000xi32, #tpu.memory_space<hbm>> -> memref<1600xi32, #tpu.memory_space<hbm>>
        tpu.wait_dma2 semaphore(%run_scoped3A : memref<!tpu.dma_semaphore, #tpu.memory_space<semaphore_mem>>) src(%dma_wait3A_757 : memref<1600xi32, #tpu.memory_space<hbm>>) dst(%arg5 : memref<1600xi32, #tpu.memory_space<vmem>>)
        tpu.yield
      }) : () -> ()
      "tpu.region"() ({
        %run_scoped3A = tpu.sem_alloc : memref<!tpu.dma_semaphore, #tpu.memory_space<semaphore_mem>>
        %dma_start3A = arith.constant 0 : i32
        %dma_start3A_756 = tpu.memref_slice %arg4[%dma_start3A] : memref<10240xf32, #tpu.memory_space<vmem_shared>> -> memref<10240xf32, #tpu.memory_space<vmem_shared>>
        tpu.enqueue_indirect_dma source(%arg6 : memref<1600xf32, #tpu.memory_space<vmem>>) target(%dma_start3A_756 : memref<10240xf32, #tpu.memory_space<vmem_shared>>) offsets(%arg5 : memref<1600xi32, #tpu.memory_space<vmem>>) semaphore(%run_scoped3A : memref<!tpu.dma_semaphore, #tpu.memory_space<semaphore_mem>>) {add = true}
        %dma_wait3A = arith.constant 0 : i32
        %dma_wait3A_757 = tpu.memref_slice %arg4[%dma_wait3A] : memref<10240xf32, #tpu.memory_space<vmem_shared>> -> memref<10240xf32, #tpu.memory_space<vmem_shared>>
        tpu.wait_indirect_dma semaphore(%run_scoped3A : memref<!tpu.dma_semaphore, #tpu.memory_space<semaphore_mem>>) src(%arg6 : memref<1600xf32, #tpu.memory_space<vmem>>) dst(%dma_wait3A_757 : memref<10240xf32, #tpu.memory_space<vmem_shared>>)
        tpu.yield
      }) : () -> ()
      %while3A_755 = arith.constant 0 : i32
      scf.yield %while3A_755 : i32
    }
    %barrier3A_746 = arith.constant 0 : index
    tpu.barrier barrier_id(%barrier3A_746)
    "tpu.region"() ({
      %run_scoped3A = tpu.sem_alloc : memref<!tpu.dma_semaphore, #tpu.memory_space<semaphore_mem>>
      %dma_start3A = tpu.memref_slice %arg4[%mul3A_0] : memref<10240xf32, #tpu.memory_space<vmem_shared>> -> memref<320xf32, #tpu.memory_space<vmem_shared>>
      %dma_start3A_750 = tpu.memref_slice %arg4[%mul3A_0] : memref<10240xf32, #tpu.memory_space<vmem_shared>> -> memref<320xf32, #tpu.memory_space<vmem_shared>>
      tpu.enqueue_dma source(%dma_start3A_750 : memref<320xf32, #tpu.memory_space<vmem_shared>>) target(%arg7 : memref<320xf32, #tpu.memory_space<vmem>>) target_semaphore(%run_scoped3A : memref<!tpu.dma_semaphore, #tpu.memory_space<semaphore_mem>>)
      %dma_wait3A = tpu.memref_slice %arg4[%mul3A_0] : memref<10240xf32, #tpu.memory_space<vmem_shared>> -> memref<320xf32, #tpu.memory_space<vmem_shared>>
      %dma_wait3A_751 = tpu.memref_slice %arg4[%mul3A_0] : memref<10240xf32, #tpu.memory_space<vmem_shared>> -> memref<320xf32, #tpu.memory_space<vmem_shared>>
      tpu.wait_dma2 semaphore(%run_scoped3A : memref<!tpu.dma_semaphore, #tpu.memory_space<semaphore_mem>>) src(%dma_wait3A_751 : memref<320xf32, #tpu.memory_space<vmem_shared>>) dst(%arg7 : memref<320xf32, #tpu.memory_space<vmem>>)
      tpu.yield
    }) : () -> ()
    %mul3A_747 = arith.constant 10240 : i32
    %mul3A_748 = arith.muli %arg0, %mul3A_747 : i32
    %add3A_749 = arith.addi %mul3A_748, %mul3A_0 : i32
    "tpu.region"() ({
      %run_scoped3A = tpu.sem_alloc : memref<!tpu.dma_semaphore, #tpu.memory_space<semaphore_mem>>
      %dma_start3A = tpu.memref_slice %arg3[%add3A_749] : memref<20480xf32, #tpu.memory_space<hbm>> -> memref<320xf32, #tpu.memory_space<hbm>>
      %dma_start3A_750 = tpu.memref_slice %arg3[%add3A_749] : memref<20480xf32, #tpu.memory_space<hbm>> -> memref<320xf32, #tpu.memory_space<hbm>>
      tpu.enqueue_dma source(%arg7 : memref<320xf32, #tpu.memory_space<vmem>>) target(%dma_start3A_750 : memref<320xf32, #tpu.memory_space<hbm>>) target_semaphore(%run_scoped3A : memref<!tpu.dma_semaphore, #tpu.memory_space<semaphore_mem>>)
      %dma_wait3A = tpu.memref_slice %arg3[%add3A_749] : memref<20480xf32, #tpu.memory_space<hbm>> -> memref<320xf32, #tpu.memory_space<hbm>>
      %dma_wait3A_751 = tpu.memref_slice %arg3[%add3A_749] : memref<20480xf32, #tpu.memory_space<hbm>> -> memref<320xf32, #tpu.memory_space<hbm>>
      tpu.wait_dma2 semaphore(%run_scoped3A : memref<!tpu.dma_semaphore, #tpu.memory_space<semaphore_mem>>) src(%arg7 : memref<320xf32, #tpu.memory_space<vmem>>) dst(%dma_wait3A_751 : memref<320xf32, #tpu.memory_space<hbm>>)
      tpu.yield
    }) : () -> ()
    return
  }
}

module attributes {stable_mosaic.version = 14 : i64} {
  func.func @_mlp_body(%arg0: i32, %arg1: memref<400x512xf32, #tpu.memory_space<vmem>>, %arg2: memref<512x512xf32, #tpu.memory_space<vmem>>, %arg3: memref<1x512xf32, #tpu.memory_space<vmem>>, %arg4: memref<512x512xf32, #tpu.memory_space<vmem>>, %arg5: memref<1x512xf32, #tpu.memory_space<vmem>>, %arg6: memref<512x512xf32, #tpu.memory_space<vmem>>, %arg7: memref<1x512xf32, #tpu.memory_space<vmem>>, %arg8: memref<4x400x128xf32, #tpu.memory_space<vmem>>) attributes {dimension_semantics = [#tpu.dimension_semantics<arbitrary>], iteration_bounds = array<i64: 25>, scalar_prefetch = 0 : i64, scratch_operands = 0 : i64, tpu.core_type = #tpu.core_type<tc>, window_params = [{transform_indices = @transform_0, window_bounds = array<i64: 400, 512>}, {pipeline_mode = #tpu.pipeline_mode<synchronous>, transform_indices = @transform_1, window_bounds = array<i64: 512, 512>}, {pipeline_mode = #tpu.pipeline_mode<synchronous>, transform_indices = @transform_2, window_bounds = array<i64: 1, 512>}, {pipeline_mode = #tpu.pipeline_mode<synchronous>, transform_indices = @transform_3, window_bounds = array<i64: 512, 512>}, {pipeline_mode = #tpu.pipeline_mode<synchronous>, transform_indices = @transform_4, window_bounds = array<i64: 1, 512>}, {pipeline_mode = #tpu.pipeline_mode<synchronous>, transform_indices = @transform_5, window_bounds = array<i64: 512, 512>}, {pipeline_mode = #tpu.pipeline_mode<synchronous>, transform_indices = @transform_6, window_bounds = array<i64: 1, 512>}, {transform_indices = @transform_7, window_bounds = array<i64: 4, 400, 128>}]} {
    %get3A = arith.constant 0 : index
    %get3A_0 = arith.constant 0 : index
    %get3A_1 = vector.load %arg1[%get3A, %get3A_0] : memref<400x512xf32, #tpu.memory_space<vmem>>, vector<400x512xf32>
    %get3A_2 = arith.constant 0 : index
    %get3A_3 = arith.constant 0 : index
    %get3A_4 = vector.load %arg2[%get3A_2, %get3A_3] : memref<512x512xf32, #tpu.memory_space<vmem>>, vector<512x512xf32>
    %dot_general3A = arith.constant dense<0.000000e+00> : vector<400x512xf32>
    %dot_general3A_5 = tpu.matmul %get3A_1, %get3A_4, %dot_general3A {dimension_numbers = #tpu.dot_dimension_numbers<[1], [0], [0], [1], [0, 0, 1, 1], [], []>, transpose_lhs_hint = false} : vector<400x512xf32>, vector<512x512xf32>, vector<400x512xf32> -> vector<400x512xf32>
    %get3A_6 = arith.constant 0 : index
    %get3A_7 = arith.constant 0 : index
    %get3A_8 = vector.load %arg3[%get3A_6, %get3A_7] : memref<1x512xf32, #tpu.memory_space<vmem>>, vector<1x512xf32>
    %add3A = vector.broadcast %get3A_8 : vector<1x512xf32> to vector<400x512xf32>
    %add3A_9 = arith.addf %dot_general3A_5, %add3A : vector<400x512xf32>
    %max3A = arith.constant 0.000000e+00 : f32
    %max3A_10 = vector.broadcast %max3A : f32 to vector<400x512xf32>
    %max3A_11 = arith.maximumf %add3A_9, %max3A_10 : vector<400x512xf32>
    %get3A_12 = arith.constant 0 : index
    %get3A_13 = arith.constant 0 : index
    %get3A_14 = vector.load %arg4[%get3A_12, %get3A_13] : memref<512x512xf32, #tpu.memory_space<vmem>>, vector<512x512xf32>
    %dot_general3A_15 = arith.constant dense<0.000000e+00> : vector<400x512xf32>
    %dot_general3A_16 = tpu.matmul %max3A_11, %get3A_14, %dot_general3A_15 {dimension_numbers = #tpu.dot_dimension_numbers<[1], [0], [0], [1], [0, 0, 1, 1], [], []>, transpose_lhs_hint = false} : vector<400x512xf32>, vector<512x512xf32>, vector<400x512xf32> -> vector<400x512xf32>
    %get3A_17 = arith.constant 0 : index
    %get3A_18 = arith.constant 0 : index
    %get3A_19 = vector.load %arg5[%get3A_17, %get3A_18] : memref<1x512xf32, #tpu.memory_space<vmem>>, vector<1x512xf32>
    %add3A_20 = vector.broadcast %get3A_19 : vector<1x512xf32> to vector<400x512xf32>
    %add3A_21 = arith.addf %dot_general3A_16, %add3A_20 : vector<400x512xf32>
    %get3A_22 = arith.constant 0 : index
    %get3A_23 = arith.constant 0 : index
    %get3A_24 = vector.load %arg6[%get3A_22, %get3A_23] : memref<512x512xf32, #tpu.memory_space<vmem>>, vector<512x512xf32>
    %dot_general3A_25 = arith.constant dense<0.000000e+00> : vector<400x512xf32>
    %dot_general3A_26 = tpu.matmul %add3A_21, %get3A_24, %dot_general3A_25 {dimension_numbers = #tpu.dot_dimension_numbers<[1], [0], [0], [1], [0, 0, 1, 1], [], []>, transpose_lhs_hint = false} : vector<400x512xf32>, vector<512x512xf32>, vector<400x512xf32> -> vector<400x512xf32>
    %get3A_27 = arith.constant 0 : index
    %get3A_28 = arith.constant 0 : index
    %get3A_29 = vector.load %arg7[%get3A_27, %get3A_28] : memref<1x512xf32, #tpu.memory_space<vmem>>, vector<1x512xf32>
    %add3A_30 = vector.broadcast %get3A_29 : vector<1x512xf32> to vector<400x512xf32>
    %add3A_31 = arith.addf %dot_general3A_26, %add3A_30 : vector<400x512xf32>
    %slice3A = vector.extract_strided_slice %add3A_31 {offsets = [0, 0], sizes = [400, 128], strides = [1, 1]} : vector<400x512xf32> to vector<400x128xf32>
    %swap3A = arith.constant 0 : index
    %swap3A_32 = arith.constant 0 : index
    %swap3A_33 = arith.constant 0 : index
    %swap3A_34 = vector.load %arg8[%swap3A, %swap3A_32, %swap3A_33] : memref<4x400x128xf32, #tpu.memory_space<vmem>>, vector<1x400x128xf32>
    %swap3A_35 = vector.shape_cast %swap3A_34 : vector<1x400x128xf32> to vector<400x128xf32>
    %swap3A_36 = vector.shape_cast %slice3A : vector<400x128xf32> to vector<1x400x128xf32>
    tpu.vector_store %arg8[%swap3A, %swap3A_32, %swap3A_33], %swap3A_36 {strides = array<i32>} : memref<4x400x128xf32, #tpu.memory_space<vmem>>, vector<1x400x128xf32>,
    %slice3A_37 = vector.extract_strided_slice %add3A_31 {offsets = [0, 128], sizes = [400, 128], strides = [1, 1]} : vector<400x512xf32> to vector<400x128xf32>
    %swap3A_38 = arith.constant 1 : index
    %swap3A_39 = arith.constant 0 : index
    %swap3A_40 = arith.constant 0 : index
    %swap3A_41 = vector.load %arg8[%swap3A_38, %swap3A_39, %swap3A_40] : memref<4x400x128xf32, #tpu.memory_space<vmem>>, vector<1x400x128xf32>
    %swap3A_42 = vector.shape_cast %swap3A_41 : vector<1x400x128xf32> to vector<400x128xf32>
    %swap3A_43 = vector.shape_cast %slice3A_37 : vector<400x128xf32> to vector<1x400x128xf32>
    tpu.vector_store %arg8[%swap3A_38, %swap3A_39, %swap3A_40], %swap3A_43 {strides = array<i32>} : memref<4x400x128xf32, #tpu.memory_space<vmem>>, vector<1x400x128xf32>,
    %slice3A_44 = vector.extract_strided_slice %add3A_31 {offsets = [0, 256], sizes = [400, 128], strides = [1, 1]} : vector<400x512xf32> to vector<400x128xf32>
    %swap3A_45 = arith.constant 2 : index
    %swap3A_46 = arith.constant 0 : index
    %swap3A_47 = arith.constant 0 : index
    %swap3A_48 = vector.load %arg8[%swap3A_45, %swap3A_46, %swap3A_47] : memref<4x400x128xf32, #tpu.memory_space<vmem>>, vector<1x400x128xf32>
    %swap3A_49 = vector.shape_cast %swap3A_48 : vector<1x400x128xf32> to vector<400x128xf32>
    %swap3A_50 = vector.shape_cast %slice3A_44 : vector<400x128xf32> to vector<1x400x128xf32>
    tpu.vector_store %arg8[%swap3A_45, %swap3A_46, %swap3A_47], %swap3A_50 {strides = array<i32>} : memref<4x400x128xf32, #tpu.memory_space<vmem>>, vector<1x400x128xf32>,
    %slice3A_51 = vector.extract_strided_slice %add3A_31 {offsets = [0, 384], sizes = [400, 128], strides = [1, 1]} : vector<400x512xf32> to vector<400x128xf32>
    %swap3A_52 = arith.constant 3 : index
    %swap3A_53 = arith.constant 0 : index
    %swap3A_54 = arith.constant 0 : index
    %swap3A_55 = vector.load %arg8[%swap3A_52, %swap3A_53, %swap3A_54] : memref<4x400x128xf32, #tpu.memory_space<vmem>>, vector<1x400x128xf32>
    %swap3A_56 = vector.shape_cast %swap3A_55 : vector<1x400x128xf32> to vector<400x128xf32>
    %swap3A_57 = vector.shape_cast %slice3A_51 : vector<400x128xf32> to vector<1x400x128xf32>
    tpu.vector_store %arg8[%swap3A_52, %swap3A_53, %swap3A_54], %swap3A_57 {strides = array<i32>} : memref<4x400x128xf32, #tpu.memory_space<vmem>>, vector<1x400x128xf32>,
    return
  }
  func.func @transform_0(%arg0: i32) -> (i32, i32) {
    %c0_i32 = arith.constant 0 : i32
    %c0_i32_0 = arith.constant 0 : i32
    return %arg0, %c0_i32 : i32, i32
  }
  func.func @transform_1(%arg0: i32) -> (i32, i32) {
    %c0_i32 = arith.constant 0 : i32
    %c0_i32_0 = arith.constant 0 : i32
    %c0_i32_1 = arith.constant 0 : i32
    return %c0_i32, %c0_i32_0 : i32, i32
  }
  func.func @transform_2(%arg0: i32) -> (i32, i32) {
    %c0_i32 = arith.constant 0 : i32
    %c0_i32_0 = arith.constant 0 : i32
    %c0_i32_1 = arith.constant 0 : i32
    return %c0_i32, %c0_i32_0 : i32, i32
  }
  func.func @transform_3(%arg0: i32) -> (i32, i32) {
    %c0_i32 = arith.constant 0 : i32
    %c0_i32_0 = arith.constant 0 : i32
    %c0_i32_1 = arith.constant 0 : i32
    return %c0_i32, %c0_i32_0 : i32, i32
  }
  func.func @transform_4(%arg0: i32) -> (i32, i32) {
    %c0_i32 = arith.constant 0 : i32
    %c0_i32_0 = arith.constant 0 : i32
    %c0_i32_1 = arith.constant 0 : i32
    return %c0_i32, %c0_i32_0 : i32, i32
  }
  func.func @transform_5(%arg0: i32) -> (i32, i32) {
    %c0_i32 = arith.constant 0 : i32
    %c0_i32_0 = arith.constant 0 : i32
    %c0_i32_1 = arith.constant 0 : i32
    return %c0_i32, %c0_i32_0 : i32, i32
  }
  func.func @transform_6(%arg0: i32) -> (i32, i32) {
    %c0_i32 = arith.constant 0 : i32
    %c0_i32_0 = arith.constant 0 : i32
    %c0_i32_1 = arith.constant 0 : i32
    return %c0_i32, %c0_i32_0 : i32, i32
  }
  func.func @transform_7(%arg0: i32) -> (i32, i32, i32) {
    %c0_i32 = arith.constant 0 : i32
    %c0_i32_0 = arith.constant 0 : i32
    %c0_i32_1 = arith.constant 0 : i32
    return %c0_i32, %arg0, %c0_i32_0 : i32, i32, i32
  }
}

module attributes {stable_mosaic.version = 14 : i64} {
  func.func @_scale_body(%arg0: i32, %arg1: i32, %arg2: memref<1x1280x128xf32, #tpu.memory_space<vmem>>, %arg3: memref<1280x2xf32, #tpu.memory_space<vmem>>, %arg4: memref<1x1280x128xf32, #tpu.memory_space<vmem>>, %arg5: memref<1280x1xf32, #tpu.memory_space<vmem>>) attributes {dimension_semantics = [#tpu.dimension_semantics<arbitrary>, #tpu.dimension_semantics<arbitrary>], iteration_bounds = array<i64: 4, 8>, scalar_prefetch = 0 : i64, scratch_operands = 0 : i64, tpu.core_type = #tpu.core_type<tc>, window_params = [{transform_indices = @transform_0, window_bounds = array<i64: 1, 1280, 128>}, {transform_indices = @transform_1, window_bounds = array<i64: 1280, 2>}, {transform_indices = @transform_2, window_bounds = array<i64: 1, 1280, 128>}, {transform_indices = @transform_3, window_bounds = array<i64: 1280, 1>}]} {
    %get3A = arith.constant 0 : index
    %get3A_0 = arith.constant 0 : index
    %get3A_1 = vector.load %arg3[%get3A, %get3A_0] : memref<1280x2xf32, #tpu.memory_space<vmem>>, vector<1280x1xf32>
    %get3A_2 = arith.constant 0 : index
    %get3A_3 = arith.constant 1 : index
    %get3A_4 = vector.load %arg3[%get3A_2, %get3A_3] : memref<1280x2xf32, #tpu.memory_space<vmem>>, vector<1280x1xf32>
    %add3A = arith.addf %get3A_1, %get3A_4 : vector<1280x1xf32>
    %add3A_5 = arith.constant 1.000000e+00 : f32
    %add3A_6 = vector.broadcast %add3A_5 : f32 to vector<1280x1xf32>
    %add3A_7 = arith.addf %add3A, %add3A_6 : vector<1280x1xf32>
    %rsqrt3A = math.rsqrt %add3A_7 : vector<1280x1xf32>
    %get3A_8 = arith.constant 0 : index
    %get3A_9 = arith.constant 0 : index
    %get3A_10 = arith.constant 0 : index
    %get3A_11 = vector.load %arg2[%get3A_8, %get3A_9, %get3A_10] : memref<1x1280x128xf32, #tpu.memory_space<vmem>>, vector<1x1280x128xf32>
    %get3A_12 = vector.shape_cast %get3A_11 : vector<1x1280x128xf32> to vector<1280x128xf32>
    %mul3A = vector.broadcast %rsqrt3A : vector<1280x1xf32> to vector<1280x128xf32>
    %mul3A_13 = arith.mulf %get3A_12, %mul3A : vector<1280x128xf32>
    %swap3A = arith.constant 0 : index
    %swap3A_14 = arith.constant 0 : index
    %swap3A_15 = arith.constant 0 : index
    %swap3A_16 = vector.load %arg4[%swap3A, %swap3A_14, %swap3A_15] : memref<1x1280x128xf32, #tpu.memory_space<vmem>>, vector<1x1280x128xf32>
    %swap3A_17 = vector.shape_cast %swap3A_16 : vector<1x1280x128xf32> to vector<1280x128xf32>
    %swap3A_18 = vector.shape_cast %mul3A_13 : vector<1280x128xf32> to vector<1x1280x128xf32>
    tpu.vector_store %arg4[%swap3A, %swap3A_14, %swap3A_15], %swap3A_18 {strides = array<i32>} : memref<1x1280x128xf32, #tpu.memory_space<vmem>>, vector<1x1280x128xf32>,
    %swap3A_19 = arith.constant 0 : index
    %swap3A_20 = arith.constant 0 : index
    %swap3A_21 = vector.load %arg5[%swap3A_19, %swap3A_20] : memref<1280x1xf32, #tpu.memory_space<vmem>>, vector<1280x1xf32>
    tpu.vector_store %arg5[%swap3A_19, %swap3A_20], %rsqrt3A {strides = array<i32>} : memref<1280x1xf32, #tpu.memory_space<vmem>>, vector<1280x1xf32>,
    return
  }
  func.func @transform_0(%arg0: i32, %arg1: i32) -> (i32, i32, i32) {
    %c0_i32 = arith.constant 0 : i32
    %c0_i32_0 = arith.constant 0 : i32
    return %arg0, %arg1, %c0_i32 : i32, i32, i32
  }
  func.func @transform_1(%arg0: i32, %arg1: i32) -> (i32, i32) {
    %c0_i32 = arith.constant 0 : i32
    %c0_i32_0 = arith.constant 0 : i32
    return %arg1, %c0_i32 : i32, i32
  }
  func.func @transform_2(%arg0: i32, %arg1: i32) -> (i32, i32, i32) {
    %c0_i32 = arith.constant 0 : i32
    %c0_i32_0 = arith.constant 0 : i32
    return %arg0, %arg1, %c0_i32 : i32, i32, i32
  }
  func.func @transform_3(%arg0: i32, %arg1: i32) -> (i32, i32) {
    %c0_i32 = arith.constant 0 : i32
    %c0_i32_0 = arith.constant 0 : i32
    return %arg1, %c0_i32 : i32, i32
  }
}

module attributes {stable_mosaic.version = 14 : i64} {
  func.func @_heads_body(%arg0: i32, %arg1: i32, %arg2: memref<1x1280x128xf32, #tpu.memory_space<vmem>>, %arg3: memref<1280x1xf32, #tpu.memory_space<vmem>>, %arg4: memref<128x128xf32, #tpu.memory_space<vmem>>, %arg5: memref<1x128xf32, #tpu.memory_space<vmem>>, %arg6: memref<128x128xf32, #tpu.memory_space<vmem>>, %arg7: memref<1x128xf32, #tpu.memory_space<vmem>>, %arg8: memref<1280x4xf32, #tpu.memory_space<vmem>>, %arg9: memref<1280x9xf32, #tpu.memory_space<vmem>>, %arg10: memref<1280x128xf32, #tpu.memory_space<vmem>>, %arg11: memref<1280x128xf32, #tpu.memory_space<vmem>>, %arg12: memref<1x1xf32, #tpu.memory_space<vmem>>) attributes {dimension_semantics = [#tpu.dimension_semantics<arbitrary>, #tpu.dimension_semantics<arbitrary>], iteration_bounds = array<i64: 8, 4>, scalar_prefetch = 0 : i64, scratch_operands = 0 : i64, tpu.core_type = #tpu.core_type<tc>, window_params = [{transform_indices = @transform_0, window_bounds = array<i64: 1, 1280, 128>}, {transform_indices = @transform_1, window_bounds = array<i64: 1280, 1>}, {transform_indices = @transform_2, window_bounds = array<i64: 128, 128>}, {pipeline_mode = #tpu.pipeline_mode<synchronous>, transform_indices = @transform_3, window_bounds = array<i64: 1, 128>}, {transform_indices = @transform_4, window_bounds = array<i64: 128, 128>}, {pipeline_mode = #tpu.pipeline_mode<synchronous>, transform_indices = @transform_5, window_bounds = array<i64: 1, 128>}, {transform_indices = @transform_6, window_bounds = array<i64: 1280, 4>}, {transform_indices = @transform_7, window_bounds = array<i64: 1280, 9>}, {transform_indices = @transform_8, window_bounds = array<i64: 1280, 128>}, {transform_indices = @transform_9, window_bounds = array<i64: 1280, 128>}, {pipeline_mode = #tpu.pipeline_mode<synchronous>, transform_indices = @transform_10, window_bounds = array<i64: 1, 1>}]} {
    %eq3A = arith.constant 0 : i32
    %eq3A_0 = arith.cmpi eq, %arg1, %eq3A : i32
    %convert_element_type3A = arith.extui %eq3A_0 : i1 to i32
    %cond3A = arith.constant 0 : i32
    %cond3A_1 = arith.cmpi ne, %convert_element_type3A, %cond3A : i32
    scf.if %cond3A_1 {
      %get3A_45 = arith.constant 0 : index
      %get3A_46 = arith.constant 0 : index
      %get3A_47 = vector.load %arg5[%get3A_45, %get3A_46] : memref<1x128xf32, #tpu.memory_space<vmem>>, vector<1x128xf32>
      %broadcast_in_dim3A = vector.shape_cast %get3A_47 : vector<1x128xf32> to vector<1x128xf32>
      %broadcast_in_dim3A_48 = vector.broadcast %broadcast_in_dim3A : vector<1x128xf32> to vector<1280x128xf32>
      %swap3A_49 = arith.constant 0 : index
      %swap3A_50 = arith.constant 0 : index
      %swap3A_51 = vector.load %arg10[%swap3A_49, %swap3A_50] : memref<1280x128xf32, #tpu.memory_space<vmem>>, vector<1280x128xf32>
      tpu.vector_store %arg10[%swap3A_49, %swap3A_50], %broadcast_in_dim3A_48 {strides = array<i32>} : memref<1280x128xf32, #tpu.memory_space<vmem>>, vector<1280x128xf32>,
      %get3A_52 = arith.constant 0 : index
      %get3A_53 = arith.constant 0 : index
      %get3A_54 = vector.load %arg7[%get3A_52, %get3A_53] : memref<1x128xf32, #tpu.memory_space<vmem>>, vector<1x128xf32>
      %broadcast_in_dim3A_55 = vector.shape_cast %get3A_54 : vector<1x128xf32> to vector<1x128xf32>
      %broadcast_in_dim3A_56 = vector.broadcast %broadcast_in_dim3A_55 : vector<1x128xf32> to vector<1280x128xf32>
      %swap3A_57 = arith.constant 0 : index
      %swap3A_58 = arith.constant 0 : index
      %swap3A_59 = vector.load %arg11[%swap3A_57, %swap3A_58] : memref<1280x128xf32, #tpu.memory_space<vmem>>, vector<1280x128xf32>
      tpu.vector_store %arg11[%swap3A_57, %swap3A_58], %broadcast_in_dim3A_56 {strides = array<i32>} : memref<1280x128xf32, #tpu.memory_space<vmem>>, vector<1280x128xf32>,
    } else {
    }
    %eq3A_2 = arith.constant 0 : i32
    %eq3A_3 = arith.cmpi eq, %arg0, %eq3A_2 : i32
    %eq3A_4 = arith.constant 0 : i32
    %eq3A_5 = arith.cmpi eq, %arg1, %eq3A_4 : i32
    %and3A = arith.andi %eq3A_3, %eq3A_5 : i1
    %convert_element_type3A_6 = arith.extui %and3A : i1 to i32
    %cond3A_7 = arith.constant 0 : i32
    %cond3A_8 = arith.cmpi ne, %convert_element_type3A_6, %cond3A_7 : i32
    scf.if %cond3A_8 {
      %broadcast_in_dim3A = arith.constant 0.000000e+00 : f32
      %broadcast_in_dim3A_45 = vector.broadcast %broadcast_in_dim3A : f32 to vector<1x1xf32>
      %swap3A_46 = arith.constant 0 : index
      %swap3A_47 = arith.constant 0 : index
      %swap3A_48 = vector.load %arg12[%swap3A_46, %swap3A_47] : memref<1x1xf32, #tpu.memory_space<vmem>>, vector<1x1xf32>
      tpu.vector_store %arg12[%swap3A_46, %swap3A_47], %broadcast_in_dim3A_45 {strides = array<i32>} : memref<1x1xf32, #tpu.memory_space<vmem>>, vector<1x1xf32>,
    } else {
    }
    %get3A = arith.constant 0 : index
    %get3A_9 = arith.constant 0 : index
    %get3A_10 = arith.constant 0 : index
    %get3A_11 = vector.load %arg2[%get3A, %get3A_9, %get3A_10] : memref<1x1280x128xf32, #tpu.memory_space<vmem>>, vector<1x1280x128xf32>
    %get3A_12 = vector.shape_cast %get3A_11 : vector<1x1280x128xf32> to vector<1280x128xf32>
    %get3A_13 = arith.constant 0 : index
    %get3A_14 = arith.constant 0 : index
    %get3A_15 = vector.load %arg3[%get3A_13, %get3A_14] : memref<1280x1xf32, #tpu.memory_space<vmem>>, vector<1280x1xf32>
    %mul3A = vector.broadcast %get3A_15 : vector<1280x1xf32> to vector<1280x128xf32>
    %mul3A_16 = arith.mulf %get3A_12, %mul3A : vector<1280x128xf32>
    %max3A = arith.constant 0.000000e+00 : f32
    %max3A_17 = vector.broadcast %max3A : f32 to vector<1280x128xf32>
    %max3A_18 = arith.maximumf %mul3A_16, %max3A_17 : vector<1280x128xf32>
    %get3A_19 = arith.constant 0 : index
    %get3A_20 = arith.constant 0 : index
    %get3A_21 = vector.load %arg10[%get3A_19, %get3A_20] : memref<1280x128xf32, #tpu.memory_space<vmem>>, vector<1280x128xf32>
    %get3A_22 = arith.constant 0 : index
    %get3A_23 = arith.constant 0 : index
    %get3A_24 = vector.load %arg4[%get3A_22, %get3A_23] : memref<128x128xf32, #tpu.memory_space<vmem>>, vector<128x128xf32>
    %dot_general3A = arith.constant dense<0.000000e+00> : vector<1280x128xf32>
    %dot_general3A_25 = tpu.matmul %max3A_18, %get3A_24, %dot_general3A {dimension_numbers = #tpu.dot_dimension_numbers<[1], [0], [0], [1], [0, 0, 1, 1], [], []>, transpose_lhs_hint = false} : vector<1280x128xf32>, vector<128x128xf32>, vector<1280x128xf32> -> vector<1280x128xf32>
    %add3A = arith.addf %get3A_21, %dot_general3A_25 : vector<1280x128xf32>
    %swap3A = arith.constant 0 : index
    %swap3A_26 = arith.constant 0 : index
    %swap3A_27 = vector.load %arg10[%swap3A, %swap3A_26] : memref<1280x128xf32, #tpu.memory_space<vmem>>, vector<1280x128xf32>
    tpu.vector_store %arg10[%swap3A, %swap3A_26], %add3A {strides = array<i32>} : memref<1280x128xf32, #tpu.memory_space<vmem>>, vector<1280x128xf32>,
    %get3A_28 = arith.constant 0 : index
    %get3A_29 = arith.constant 0 : index
    %get3A_30 = vector.load %arg11[%get3A_28, %get3A_29] : memref<1280x128xf32, #tpu.memory_space<vmem>>, vector<1280x128xf32>
    %get3A_31 = arith.constant 0 : index
    %get3A_32 = arith.constant 0 : index
    %get3A_33 = vector.load %arg6[%get3A_31, %get3A_32] : memref<128x128xf32, #tpu.memory_space<vmem>>, vector<128x128xf32>
    %dot_general3A_34 = arith.constant dense<0.000000e+00> : vector<1280x128xf32>
    %dot_general3A_35 = tpu.matmul %max3A_18, %get3A_33, %dot_general3A_34 {dimension_numbers = #tpu.dot_dimension_numbers<[1], [0], [0], [1], [0, 0, 1, 1], [], []>, transpose_lhs_hint = false} : vector<1280x128xf32>, vector<128x128xf32>, vector<1280x128xf32> -> vector<1280x128xf32>
    %add3A_36 = arith.addf %get3A_30, %dot_general3A_35 : vector<1280x128xf32>
    %swap3A_37 = arith.constant 0 : index
    %swap3A_38 = arith.constant 0 : index
    %swap3A_39 = vector.load %arg11[%swap3A_37, %swap3A_38] : memref<1280x128xf32, #tpu.memory_space<vmem>>, vector<1280x128xf32>
    tpu.vector_store %arg11[%swap3A_37, %swap3A_38], %add3A_36 {strides = array<i32>} : memref<1280x128xf32, #tpu.memory_space<vmem>>, vector<1280x128xf32>,
    %eq3A_40 = arith.constant 3 : i32
    %eq3A_41 = arith.cmpi eq, %arg1, %eq3A_40 : i32
    %convert_element_type3A_42 = arith.extui %eq3A_41 : i1 to i32
    %cond3A_43 = arith.constant 0 : i32
    %cond3A_44 = arith.cmpi ne, %convert_element_type3A_42, %cond3A_43 : i32
    scf.if %cond3A_44 {
      %mul3A_45 = arith.constant 1280 : i32
      %mul3A_46 = arith.muli %arg0, %mul3A_45 : i32
      %iota3A = tpu.iota {dimensions = array<i32: 0>} : vector<1280x1xi32>
      %add3A_47 = vector.broadcast %mul3A_46 : i32 to vector<1280x1xi32>
      %add3A_48 = arith.addi %add3A_47, %iota3A : vector<1280x1xi32>
      %lt3A = arith.constant 10000 : i32
      %lt3A_49 = vector.broadcast %lt3A : i32 to vector<1280x1xi32>
      %lt3A_50 = arith.cmpi slt, %add3A_48, %lt3A_49 : vector<1280x1xi32>
      %get3A_51 = arith.constant 0 : index
      %get3A_52 = arith.constant 0 : index
      %get3A_53 = vector.load %arg10[%get3A_51, %get3A_52] : memref<1280x128xf32, #tpu.memory_space<vmem>>, vector<1280x4xf32>
      %get3A_54 = arith.constant 0 : index
      %get3A_55 = arith.constant 0 : index
      %get3A_56 = vector.load %arg8[%get3A_54, %get3A_55] : memref<1280x4xf32, #tpu.memory_space<vmem>>, vector<1280x4xf32>
      %max3A_57 = arith.constant 0.000000e+00 : f32
      %max3A_58 = vector.broadcast %max3A_57 : f32 to vector<1280x4xf32>
      %max3A_59 = arith.maximumf %get3A_53, %max3A_58 : vector<1280x4xf32>
      %mul3A_60 = arith.mulf %get3A_53, %get3A_56 : vector<1280x4xf32>
      %sub3A = arith.subf %max3A_59, %mul3A_60 : vector<1280x4xf32>
      %abs3A = math.absf %get3A_53 : vector<1280x4xf32>
      %neg3A = arith.constant 0.000000e+00 : f32
      %neg3A_61 = vector.broadcast %neg3A : f32 to vector<1280x4xf32>
      %neg3A_62 = arith.subf %neg3A_61, %abs3A : vector<1280x4xf32>
      %exp3A = math.exp %neg3A_62 : vector<1280x4xf32>
      %log1p3A = math.log1p %exp3A : vector<1280x4xf32>
      %add3A_63 = arith.addf %sub3A, %log1p3A : vector<1280x4xf32>
      %jit3A = arith.constant 0.000000e+00 : f32
      %broadcast_in_dim3A = vector.shape_cast %lt3A_50 : vector<1280x1xi1> to vector<1280x1xi1>
      %broadcast_in_dim3A_64 = vector.broadcast %broadcast_in_dim3A : vector<1280x1xi1> to vector<1280x4xi1>
      %broadcast_in_dim3A_65 = vector.broadcast %jit3A : f32 to vector<1280x4xf32>
      %select_n3A = arith.select %broadcast_in_dim3A_64, %add3A_63, %broadcast_in_dim3A_65 : vector<1280x4xi1>, vector<1280x4xf32>
      %reduce_sum3A = vector.shape_cast %select_n3A : vector<1280x4xf32> to vector<1x1280x4xf32>
      %reduce_sum3A_66 = arith.constant dense<0.000000e+00> : vector<1xf32>
      %reduce_sum3A_67 = vector.multi_reduction <add>, %reduce_sum3A, %reduce_sum3A_66 [1, 2] : vector<1x1280x4xf32> to vector<1xf32>
      %reduce_sum3A_68 = vector.shape_cast %reduce_sum3A_67 : vector<1xf32> to vector<1x1x1xf32>
      %reduce_sum3A_69 = vector.extract %reduce_sum3A_68[0, 0, 0] : f32 from vector<1x1x1xf32>
      %get3A_70 = arith.constant 0 : index
      %get3A_71 = arith.constant 4 : index
      %get3A_72 = vector.load %arg10[%get3A_70, %get3A_71] : memref<1280x128xf32, #tpu.memory_space<vmem>>, vector<1280x9xf32>
      %get3A_73 = arith.constant 0 : index
      %get3A_74 = arith.constant 0 : index
      %get3A_75 = vector.load %arg9[%get3A_73, %get3A_74] : memref<1280x9xf32, #tpu.memory_space<vmem>>, vector<1280x9xf32>
      %max3A_76 = arith.constant 0.000000e+00 : f32
      %max3A_77 = vector.broadcast %max3A_76 : f32 to vector<1280x9xf32>
      %max3A_78 = arith.maximumf %get3A_72, %max3A_77 : vector<1280x9xf32>
      %mul3A_79 = arith.mulf %get3A_72, %get3A_75 : vector<1280x9xf32>
      %sub3A_80 = arith.subf %max3A_78, %mul3A_79 : vector<1280x9xf32>
      %abs3A_81 = math.absf %get3A_72 : vector<1280x9xf32>
      %neg3A_82 = arith.constant 0.000000e+00 : f32
      %neg3A_83 = vector.broadcast %neg3A_82 : f32 to vector<1280x9xf32>
      %neg3A_84 = arith.subf %neg3A_83, %abs3A_81 : vector<1280x9xf32>
      %exp3A_85 = math.exp %neg3A_84 : vector<1280x9xf32>
      %log1p3A_86 = math.log1p %exp3A_85 : vector<1280x9xf32>
      %add3A_87 = arith.addf %sub3A_80, %log1p3A_86 : vector<1280x9xf32>
      %jit3A_88 = arith.constant 0.000000e+00 : f32
      %broadcast_in_dim3A_89 = vector.shape_cast %lt3A_50 : vector<1280x1xi1> to vector<1280x1xi1>
      %broadcast_in_dim3A_90 = vector.broadcast %broadcast_in_dim3A_89 : vector<1280x1xi1> to vector<1280x9xi1>
      %broadcast_in_dim3A_91 = vector.broadcast %jit3A_88 : f32 to vector<1280x9xf32>
      %select_n3A_92 = arith.select %broadcast_in_dim3A_90, %add3A_87, %broadcast_in_dim3A_91 : vector<1280x9xi1>, vector<1280x9xf32>
      %reduce_sum3A_93 = vector.shape_cast %select_n3A_92 : vector<1280x9xf32> to vector<1x1280x9xf32>
      %reduce_sum3A_94 = arith.constant dense<0.000000e+00> : vector<1xf32>
      %reduce_sum3A_95 = vector.multi_reduction <add>, %reduce_sum3A_93, %reduce_sum3A_94 [1, 2] : vector<1x1280x9xf32> to vector<1xf32>
      %reduce_sum3A_96 = vector.shape_cast %reduce_sum3A_95 : vector<1xf32> to vector<1x1x1xf32>
      %reduce_sum3A_97 = vector.extract %reduce_sum3A_96[0, 0, 0] : f32 from vector<1x1x1xf32>
      %get3A_98 = arith.constant 0 : index
      %get3A_99 = arith.constant 0 : index
      %get3A_100 = vector.load %arg12[%get3A_98, %get3A_99] : memref<1x1xf32, #tpu.memory_space<vmem>>, vector<1x1xf32>
      %div3A = arith.constant 4.000000e+04 : f32
      %div3A_101 = arith.divf %reduce_sum3A_69, %div3A : f32
      %div3A_102 = arith.constant 9.000000e+04 : f32
      %div3A_103 = arith.divf %reduce_sum3A_97, %div3A_102 : f32
      %add3A_104 = arith.addf %div3A_101, %div3A_103 : f32
      %add3A_105 = vector.broadcast %add3A_104 : f32 to vector<1x1xf32>
      %add3A_106 = arith.addf %get3A_100, %add3A_105 : vector<1x1xf32>
      %swap3A_107 = arith.constant 0 : index
      %swap3A_108 = arith.constant 0 : index
      %swap3A_109 = vector.load %arg12[%swap3A_107, %swap3A_108] : memref<1x1xf32, #tpu.memory_space<vmem>>, vector<1x1xf32>
      tpu.vector_store %arg12[%swap3A_107, %swap3A_108], %add3A_106 {strides = array<i32>} : memref<1x1xf32, #tpu.memory_space<vmem>>, vector<1x1xf32>,
    } else {
    }
    return
  }
  func.func @transform_0(%arg0: i32, %arg1: i32) -> (i32, i32, i32) {
    %c0_i32 = arith.constant 0 : i32
    %c0_i32_0 = arith.constant 0 : i32
    return %arg1, %arg0, %c0_i32 : i32, i32, i32
  }
  func.func @transform_1(%arg0: i32, %arg1: i32) -> (i32, i32) {
    %c0_i32 = arith.constant 0 : i32
    %c0_i32_0 = arith.constant 0 : i32
    return %arg0, %c0_i32 : i32, i32
  }
  func.func @transform_2(%arg0: i32, %arg1: i32) -> (i32, i32) {
    %c0_i32 = arith.constant 0 : i32
    %c0_i32_0 = arith.constant 0 : i32
    return %arg1, %c0_i32 : i32, i32
  }
  func.func @transform_3(%arg0: i32, %arg1: i32) -> (i32, i32) {
    %c0_i32 = arith.constant 0 : i32
    %c0_i32_0 = arith.constant 0 : i32
    %c0_i32_1 = arith.constant 0 : i32
    return %c0_i32, %c0_i32_0 : i32, i32
  }
  func.func @transform_4(%arg0: i32, %arg1: i32) -> (i32, i32) {
    %c0_i32 = arith.constant 0 : i32
    %c0_i32_0 = arith.constant 0 : i32
    return %arg1, %c0_i32 : i32, i32
  }
  func.func @transform_5(%arg0: i32, %arg1: i32) -> (i32, i32) {
    %c0_i32 = arith.constant 0 : i32
    %c0_i32_0 = arith.constant 0 : i32
    %c0_i32_1 = arith.constant 0 : i32
    return %c0_i32, %c0_i32_0 : i32, i32
  }
  func.func @transform_6(%arg0: i32, %arg1: i32) -> (i32, i32) {
    %c0_i32 = arith.constant 0 : i32
    %c0_i32_0 = arith.constant 0 : i32
    return %arg0, %c0_i32 : i32, i32
  }
  func.func @transform_7(%arg0: i32, %arg1: i32) -> (i32, i32) {
    %c0_i32 = arith.constant 0 : i32
    %c0_i32_0 = arith.constant 0 : i32
    return %arg0, %c0_i32 : i32, i32
  }
  func.func @transform_8(%arg0: i32, %arg1: i32) -> (i32, i32) {
    %c0_i32 = arith.constant 0 : i32
    %c0_i32_0 = arith.constant 0 : i32
    return %arg0, %c0_i32 : i32, i32
  }
  func.func @transform_9(%arg0: i32, %arg1: i32) -> (i32, i32) {
    %c0_i32 = arith.constant 0 : i32
    %c0_i32_0 = arith.constant 0 : i32
    return %arg0, %c0_i32 : i32, i32
  }
  func.func @transform_10(%arg0: i32, %arg1: i32) -> (i32, i32) {
    %c0_i32 = arith.constant 0 : i32
    %c0_i32_0 = arith.constant 0 : i32
    %c0_i32_1 = arith.constant 0 : i32
    return %c0_i32, %c0_i32_0 : i32, i32
  }
}

module attributes {stable_mosaic.version = 14 : i64} {
  func.func @_edgeloss_body(%arg0: i32, %arg1: memref<2000x64xf32, #tpu.memory_space<vmem>>, %arg2: memref<2000x19xf32, #tpu.memory_space<vmem>>, %arg3: memref<2000x33xf32, #tpu.memory_space<vmem>>, %arg4: memref<2000x19xf32, #tpu.memory_space<vmem>>, %arg5: memref<2000x33xf32, #tpu.memory_space<vmem>>, %arg6: memref<1x1xf32, #tpu.memory_space<vmem>>) attributes {dimension_semantics = [#tpu.dimension_semantics<arbitrary>], iteration_bounds = array<i64: 80>, scalar_prefetch = 0 : i64, scratch_operands = 0 : i64, tpu.core_type = #tpu.core_type<tc>, window_params = [{transform_indices = @transform_0, window_bounds = array<i64: 2000, 64>}, {transform_indices = @transform_1, window_bounds = array<i64: 2000, 19>}, {transform_indices = @transform_2, window_bounds = array<i64: 2000, 33>}, {transform_indices = @transform_3, window_bounds = array<i64: 2000, 19>}, {transform_indices = @transform_4, window_bounds = array<i64: 2000, 33>}, {pipeline_mode = #tpu.pipeline_mode<synchronous>, transform_indices = @transform_5, window_bounds = array<i64: 1, 1>}]} {
    %eq3A = arith.constant 0 : i32
    %eq3A_0 = arith.cmpi eq, %arg0, %eq3A : i32
    %convert_element_type3A = arith.extui %eq3A_0 : i1 to i32
    %cond3A = arith.constant 0 : i32
    %cond3A_1 = arith.cmpi ne, %convert_element_type3A, %cond3A : i32
    scf.if %cond3A_1 {
      %broadcast_in_dim3A = arith.constant 0.000000e+00 : f32
      %broadcast_in_dim3A_55 = vector.broadcast %broadcast_in_dim3A : f32 to vector<1x1xf32>
      %swap3A_56 = arith.constant 0 : index
      %swap3A_57 = arith.constant 0 : index
      %swap3A_58 = vector.load %arg6[%swap3A_56, %swap3A_57] : memref<1x1xf32, #tpu.memory_space<vmem>>, vector<1x1xf32>
      tpu.vector_store %arg6[%swap3A_56, %swap3A_57], %broadcast_in_dim3A_55 {strides = array<i32>} : memref<1x1xf32, #tpu.memory_space<vmem>>, vector<1x1xf32>,
    } else {
    }
    %get3A = arith.constant 0 : index
    %get3A_2 = arith.constant 0 : index
    %get3A_3 = vector.load %arg1[%get3A, %get3A_2] : memref<2000x64xf32, #tpu.memory_space<vmem>>, vector<2000x19xf32>
    %get3A_4 = arith.constant 0 : index
    %get3A_5 = arith.constant 19 : index
    %get3A_6 = vector.load %arg1[%get3A_4, %get3A_5] : memref<2000x64xf32, #tpu.memory_space<vmem>>, vector<2000x33xf32>
    %swap3A = arith.constant 0 : index
    %swap3A_7 = arith.constant 0 : index
    %swap3A_8 = vector.load %arg4[%swap3A, %swap3A_7] : memref<2000x19xf32, #tpu.memory_space<vmem>>, vector<2000x19xf32>
    tpu.vector_store %arg4[%swap3A, %swap3A_7], %get3A_3 {strides = array<i32>} : memref<2000x19xf32, #tpu.memory_space<vmem>>, vector<2000x19xf32>,
    %swap3A_9 = arith.constant 0 : index
    %swap3A_10 = arith.constant 0 : index
    %swap3A_11 = vector.load %arg5[%swap3A_9, %swap3A_10] : memref<2000x33xf32, #tpu.memory_space<vmem>>, vector<2000x33xf32>
    tpu.vector_store %arg5[%swap3A_9, %swap3A_10], %get3A_6 {strides = array<i32>} : memref<2000x33xf32, #tpu.memory_space<vmem>>, vector<2000x33xf32>,
    %get3A_12 = arith.constant 0 : index
    %get3A_13 = arith.constant 0 : index
    %get3A_14 = vector.load %arg6[%get3A_12, %get3A_13] : memref<1x1xf32, #tpu.memory_space<vmem>>, vector<1x1xf32>
    %get3A_15 = arith.constant 0 : index
    %get3A_16 = arith.constant 0 : index
    %get3A_17 = vector.load %arg2[%get3A_15, %get3A_16] : memref<2000x19xf32, #tpu.memory_space<vmem>>, vector<2000x19xf32>
    %max3A = arith.constant 0.000000e+00 : f32
    %max3A_18 = vector.broadcast %max3A : f32 to vector<2000x19xf32>
    %max3A_19 = arith.maximumf %get3A_3, %max3A_18 : vector<2000x19xf32>
    %mul3A = arith.mulf %get3A_3, %get3A_17 : vector<2000x19xf32>
    %sub3A = arith.subf %max3A_19, %mul3A : vector<2000x19xf32>
    %abs3A = math.absf %get3A_3 : vector<2000x19xf32>
    %neg3A = arith.constant 0.000000e+00 : f32
    %neg3A_20 = vector.broadcast %neg3A : f32 to vector<2000x19xf32>
    %neg3A_21 = arith.subf %neg3A_20, %abs3A : vector<2000x19xf32>
    %exp3A = math.exp %neg3A_21 : vector<2000x19xf32>
    %log1p3A = math.log1p %exp3A : vector<2000x19xf32>
    %add3A = arith.addf %sub3A, %log1p3A : vector<2000x19xf32>
    %reduce_sum3A = vector.shape_cast %add3A : vector<2000x19xf32> to vector<1x2000x19xf32>
    %reduce_sum3A_22 = arith.constant dense<0.000000e+00> : vector<1xf32>
    %reduce_sum3A_23 = vector.multi_reduction <add>, %reduce_sum3A, %reduce_sum3A_22 [1, 2] : vector<1x2000x19xf32> to vector<1xf32>
    %reduce_sum3A_24 = vector.shape_cast %reduce_sum3A_23 : vector<1xf32> to vector<1x1x1xf32>
    %reduce_sum3A_25 = vector.extract %reduce_sum3A_24[0, 0, 0] : f32 from vector<1x1x1xf32>
    %div3A = arith.constant 3.040000e+06 : f32
    %div3A_26 = arith.divf %reduce_sum3A_25, %div3A : f32
    %get3A_27 = arith.constant 0 : index
    %get3A_28 = arith.constant 0 : index
    %get3A_29 = vector.load %arg3[%get3A_27, %get3A_28] : memref<2000x33xf32, #tpu.memory_space<vmem>>, vector<2000x33xf32>
    %max3A_30 = arith.constant 0.000000e+00 : f32
    %max3A_31 = vector.broadcast %max3A_30 : f32 to vector<2000x33xf32>
    %max3A_32 = arith.maximumf %get3A_6, %max3A_31 : vector<2000x33xf32>
    %mul3A_33 = arith.mulf %get3A_6, %get3A_29 : vector<2000x33xf32>
    %sub3A_34 = arith.subf %max3A_32, %mul3A_33 : vector<2000x33xf32>
    %abs3A_35 = math.absf %get3A_6 : vector<2000x33xf32>
    %neg3A_36 = arith.constant 0.000000e+00 : f32
    %neg3A_37 = vector.broadcast %neg3A_36 : f32 to vector<2000x33xf32>
    %neg3A_38 = arith.subf %neg3A_37, %abs3A_35 : vector<2000x33xf32>
    %exp3A_39 = math.exp %neg3A_38 : vector<2000x33xf32>
    %log1p3A_40 = math.log1p %exp3A_39 : vector<2000x33xf32>
    %add3A_41 = arith.addf %sub3A_34, %log1p3A_40 : vector<2000x33xf32>
    %reduce_sum3A_42 = vector.shape_cast %add3A_41 : vector<2000x33xf32> to vector<1x2000x33xf32>
    %reduce_sum3A_43 = arith.constant dense<0.000000e+00> : vector<1xf32>
    %reduce_sum3A_44 = vector.multi_reduction <add>, %reduce_sum3A_42, %reduce_sum3A_43 [1, 2] : vector<1x2000x33xf32> to vector<1xf32>
    %reduce_sum3A_45 = vector.shape_cast %reduce_sum3A_44 : vector<1xf32> to vector<1x1x1xf32>
    %reduce_sum3A_46 = vector.extract %reduce_sum3A_45[0, 0, 0] : f32 from vector<1x1x1xf32>
    %div3A_47 = arith.constant 5.280000e+06 : f32
    %div3A_48 = arith.divf %reduce_sum3A_46, %div3A_47 : f32
    %add3A_49 = arith.addf %div3A_26, %div3A_48 : f32
    %add3A_50 = vector.broadcast %add3A_49 : f32 to vector<1x1xf32>
    %add3A_51 = arith.addf %get3A_14, %add3A_50 : vector<1x1xf32>
    %swap3A_52 = arith.constant 0 : index
    %swap3A_53 = arith.constant 0 : index
    %swap3A_54 = vector.load %arg6[%swap3A_52, %swap3A_53] : memref<1x1xf32, #tpu.memory_space<vmem>>, vector<1x1xf32>
    tpu.vector_store %arg6[%swap3A_52, %swap3A_53], %add3A_51 {strides = array<i32>} : memref<1x1xf32, #tpu.memory_space<vmem>>, vector<1x1xf32>,
    return
  }
  func.func @transform_0(%arg0: i32) -> (i32, i32) {
    %c0_i32 = arith.constant 0 : i32
    %c0_i32_0 = arith.constant 0 : i32
    return %arg0, %c0_i32 : i32, i32
  }
  func.func @transform_1(%arg0: i32) -> (i32, i32) {
    %c0_i32 = arith.constant 0 : i32
    %c0_i32_0 = arith.constant 0 : i32
    return %arg0, %c0_i32 : i32, i32
  }
  func.func @transform_2(%arg0: i32) -> (i32, i32) {
    %c0_i32 = arith.constant 0 : i32
    %c0_i32_0 = arith.constant 0 : i32
    return %arg0, %c0_i32 : i32, i32
  }
  func.func @transform_3(%arg0: i32) -> (i32, i32) {
    %c0_i32 = arith.constant 0 : i32
    %c0_i32_0 = arith.constant 0 : i32
    return %arg0, %c0_i32 : i32, i32
  }
  func.func @transform_4(%arg0: i32) -> (i32, i32) {
    %c0_i32 = arith.constant 0 : i32
    %c0_i32_0 = arith.constant 0 : i32
    return %arg0, %c0_i32 : i32, i32
  }
  func.func @transform_5(%arg0: i32) -> (i32, i32) {
    %c0_i32 = arith.constant 0 : i32
    %c0_i32_0 = arith.constant 0 : i32
    %c0_i32_1 = arith.constant 0 : i32
    return %c0_i32, %c0_i32_0 : i32, i32
  }
}

</mosaic_0001>

<sc_bundles>
// kernel: kernel.12.cloned.1.call-start
scs
__scs_entry_jumppad:
0x0: {  	(pc) =	sbr.rel $0x88, $3  }
0x1: {  	(tag) =	ssettag $0x0;
	lr =	simm.s32 $0x1  }
0x2: {  	[smem:$0x3F8D] =	sst lr;
	_ =	strace $0xD0000000  }
0x3: {  	_ = 	snop  }
0x4: {  	_ = 	snop  }
0x5: {  	_ = 	snop  }
0x6: {  	_ = 	snop  }
0x7: {  	_ = 	snop  }
__scs_overlays_trampoline_lowered:
0x8: {  	[smem:$0x3F9C] =	sst s0  }
0x9: {  	[smem:$0x3F9D] =	sst s1  }
0xa: {  	[smem:$0x3F9E] =	sst s2  }
0xb: {  	[smem:$0x3F9F] =	sst s3  }
0xc: {  	[smem:$0x3FA0] =	sst s4  }
0xd: {  	[smem:$0x3FA1] =	sst s5  }
0xe: {  	[smem:$0x3FA2] =	sst s6  }
0xf: {  	[smem:$0x3FA3] =	sst s7  }
0x10: {  	[smem:$0x3FA4] =	sst s8  }
0x11: {  	[smem:$0x3FA5] =	sst s9;
	s0 =	simm.s32 @!p0 $0x0  }
0x12: {  	s1 =	sld [smem:$0x3F8B];
	s0 =	simm.s32 @p0 $0x1  }
0x13: {  	[smem:$0x3FA6] =	sst s0;
	s0 =	simm.s32 @!p1 $0x0  }
0x14: {  	s2 =	sld [smem:$0x3F8A];
	s0 =	simm.s32 @p1 $0x1  }
0x15: {  	[smem:$0x3FA7] =	sst s0;
	s0 =	simm.s32 @!p2 $0x0  }
0x16: {  	s3 =	sld [smem:$0x3FDB];
	s0 =	simm.s32 @p2 $0x1  }
0x17: {  	s4 =	simm.s32 $0x1BF5;
	[smem:$0x3FA9] =	sst s0  }
0x18: {  	s0 =	sld [smem:$0x3F8C];
	_ =	swait.ge [sflag:s4], $0x0  }
0x19: {  	s7 =	sld [smem:$0x3F8D]  }
0x1a: {  	s8 =	sadd.s32 $0xFFFFE003, lr  }
0x1b: {  	s9 =	sadd.s32 $0xFFFFFEF7, lr;
	s5 =	simm.s32 $0xFFFFFFFF;
	p2 =	slt.u32 s8, $0xFFFFF086  }
0x1c: {  	p1 =	slt.u32 s9, $0xF7A;
	s5 =	simm.s32 @!p2 $0x0  }
0x1d: {  	s5 =	simm.s32 @p1 $0x1;
	p0 =	seq.s32 s7, s2  }
0x1e: {  	s7 =	smul.u32 @!p0 $0xF7A, s2;
	p2 =	seq.s32 @!p0 s5, $0x0  }
0x1f: {  	s9 =	smul.u32 $0xF7A, s1;
	s8 =	simm.s32 @!p0 $0x1BF5;
	p2 =	por !p2, p0  }
0x20: {  	[sflag:s8] =	ssyncset.s32 @!p0 $0xFFFFF086;
	s6 =	sadd.s32 @!p0 s3, s7;
	s7 =	simm.s32 @!p0 $0x108  }
0x21: {  	s3 =	sadd.s32 s3, s9;
	s6 =	sadd.s32 @!p0 $0x88, s6;
	s7 =	simm.s32 @p2 $0x1082  }
0x22: {  	[simem:s7], [sflag:s8] =	dma.local @!p0 [hbm:s6], $0xF7A  }
0x23: {  	s9 =	sor.u32 $0xD0000000, s2;
	s6 =	simm.s32 $0x108;
	_ =	swait.ge @!p0 [sflag:s8], $0x0  }
0x24: {  	s3 =	sadd.s32 $0x88, s3;
	s6 =	simm.s32 @!p1 $0x1082;
	[sflag:s4] =	ssyncset.s32 $0xFFFFF086  }
0x25: {  	[simem:s6], [sflag:s4] =	dma.local [hbm:s3], $0xF7A  }
0x26: {  	[smem:$0x3F8D] =	sst s1;
	(tag) =	ssettag s2;
	_ =	strace s9  }
0x27: {  	s1 =	sld [smem:$0x3F9D]  }
0x28: {  	s2 =	sld [smem:$0x3F9E]  }
0x29: {  	s4 =	sld [smem:$0x3FA0]  }
0x2a: {  	p0 =	seq.s32 s5, $0x0;
	s5 =	sld [smem:$0x3FA1]  }
0x2b: {  	s6 =	sld [smem:$0x3FA2]  }
0x2c: {  	s7 =	sld [smem:$0x3FA3]  }
0x2d: {  	s3 =	simm.s32 $0x108;
	s8 =	sld [smem:$0x3FA4]  }
0x2e: {  	s3 =	simm.s32 @!p0 $0x1082;
	s9 =	sld [smem:$0x3FA5]  }
0x2f: {  	lr =	sadd.s32 s0, s3;
	s0 =	sld [smem:$0x3F9C]  }
0x30: {  	s3 =	sld [smem:$0x3F9F]  }
0x31: {  	[smem:$0x3FA8] =	sst s10  }
0x32: {  	s10 =	sld [smem:$0x3FA6];
	_ =	sdelay $0x3  }
0x33: {  	p0 =	seq.s32 s10, $0x1;
	s10 =	sld [smem:$0x3FA8];
	_ =	sdelay $0x3  }
0x34: {  	[smem:$0x3FA8] =	sst s10  }
0x35: {  	s10 =	sld [smem:$0x3FA7];
	_ =	sdelay $0x3  }
0x36: {  	p1 =	seq.s32 s10, $0x1;
	s10 =	sld [smem:$0x3FA8];
	_ =	sdelay $0x3  }
0x37: {  	[smem:$0x3FA8] =	sst s10  }
0x38: {  	s10 =	sld [smem:$0x3FA9]  }
0x39: {  	_ = 	snop;
	(pc) =	sbr.ind lr, $3  }
0x3a: {  	_ = 	snop  }
0x3b: {  	_ = 	snop  }
0x3c: {  	p2 =	seq.s32 s10, $0x1;
	s10 =	sld [smem:$0x3FA8]  }
0x3d: {  	_ =	shalt  }
0x3e: {  	_ =	shalt  }
0x3f: {  	_ =	shalt  }
0x40: {  	_ =	shalt  }
0x41: {  	_ =	shalt  }
0x42: {  	_ =	shalt  }
0x43: {  	_ =	shalt  }
0x44: {  	_ =	shalt  }
0x45: {  	_ =	shalt  }
0x46: {  	_ =	shalt  }
0x47: {  	_ =	shalt  }
0x48: {  	_ =	shalt  }
0x49: {  	_ =	shalt  }
0x4a: {  	_ =	shalt  }
0x4b: {  	_ =	shalt  }
0x4c: {  	_ =	shalt  }
0x4d: {  	_ =	shalt  }
0x4e: {  	_ =	shalt  }
0x4f: {  	_ =	shalt  }
0x50: {  	_ =	shalt  }
0x51: {  	_ =	shalt  }
0x52: {  	_ =	shalt  }
0x53: {  	_ =	shalt  }
0x54: {  	_ =	shalt  }
0x55: {  	_ =	shalt  }
0x56: {  	_ =	shalt  }
0x57: {  	_ =	shalt  }
0x58: {  	_ =	shalt  }
0x59: {  	_ =	shalt  }
0x5a: {  	_ =	shalt  }
0x5b: {  	_ =	shalt  }
0x5c: {  	_ =	shalt  }
0x5d: {  	_ =	shalt  }
0x5e: {  	_ =	shalt  }
0x5f: {  	_ =	shalt  }
0x60: {  	_ =	shalt  }
0x61: {  	_ =	shalt  }
0x62: {  	_ =	shalt  }
0x63: {  	_ =	shalt  }
0x64: {  	_ =	shalt  }
0x65: {  	_ =	shalt  }
0x66: {  	_ =	shalt  }
0x67: {  	_ =	shalt  }
0x68: {  	_ =	shalt  }
0x69: {  	_ =	shalt  }
0x6a: {  	_ =	shalt  }
0x6b: {  	_ =	shalt  }
0x6c: {  	_ =	shalt  }
0x6d: {  	_ =	shalt  }
0x6e: {  	_ =	shalt  }
0x6f: {  	_ =	shalt  }
0x70: {  	_ =	shalt  }
0x71: {  	_ =	shalt  }
0x72: {  	_ =	shalt  }
0x73: {  	_ =	shalt  }
0x74: {  	_ =	shalt  }
0x75: {  	_ =	shalt  }
0x76: {  	_ =	shalt  }
0x77: {  	_ =	shalt  }
0x78: {  	_ =	shalt  }
0x79: {  	_ =	shalt  }
0x7a: {  	_ =	shalt  }
0x7b: {  	_ =	shalt  }
0x7c: {  	_ =	shalt  }
0x7d: {  	_ =	shalt  }
0x7e: {  	_ =	shalt  }
0x7f: {  	_ =	shalt  }
0x80: {  	_ =	shalt  }
0x81: {  	_ =	shalt  }
0x82: {  	_ =	shalt  }
0x83: {  	_ =	shalt  }
0x84: {  	_ =	shalt  }
0x85: {  	_ =	shalt  }
0x86: {  	_ =	shalt  }
0x87: {  	_ =	shalt  }
.Lfunc_end0:
.L_simem_size_0:
called_computation.1_lowered:
.L_overlay_start_0:
0x88: {  	s2 =	sld [smem:$0x3FD9]  }
0x89: {  	s3 =	sld [smem:$0x3FFE];
	_ =	sdelay $0x1  }
0x8a: {  	s1 =	srdreg.scid  }
0x8b: {  	s0 =	sand.u32 $0x1, s1  }
0x8c: {  	s14 =	sshll.u32 s0, $0xA;
	s2 =	sadd.s32 s3, s2  }
0x8d: {  	s2 =	sadd.s32 s2, s14  }
0x8e: {  	[smem:$0x3FB4] =	sst s2  }
0x8f: {  	_ = 	snop  }
0x90: {  	s2 =	sld [smem:$0x3FD0];
	_ =	sdelay $0x2  }
0x91: {  	s15 =	simm.s32 $0xA;
	s4 =	simm.s32 $0x10  }
0x92: {  	[smem:s4], [sflag:s15] =	dma.local [hbm:s2], $0x1  }
0x93: {  	_ =	swait.eq [sflag:s15], $0x1  }
0x94: {  	[sflag:s15] =	ssyncset.done $0x0  }
0x95: {  	[sflag:s15] =	ssyncadd.s32 $0xFFFFFFFF  }
0x96: {  	s16 =	sld [smem:$0x14];
	(tm) =	ssettm $0x1  }
0x97: {  	s17 =	sld [smem:$0x3FFB];
	_ =	sdelay $0x3  }
0x98: {  	_ =	strace s17  }
0x99: {  	s3 =	sld [smem:$0x3FFC];
	_ =	sdelay $0x3  }
0x9a: {  	_ =	strace s3  }
0x9b: {  	s3 =	sld [smem:$0x3FFD];
	_ =	sdelay $0x3  }
0x9c: {  	_ =	strace s3  }
0x9d: {  	_ =	strace $0x8FFFFFFF  }
0x9e: {  	s18 =	sld [smem:$0x3FDB];
	_ =	sdelay $0x1  }
0x9f: {  	s19 =	simm.s32 $_scs_section_size  }
0xa0: {  	s5 =	simm.s32 $_size__tile_overlayer_lowered;
	s6 =	simm.s32 $_tile_overlayer_lowered  }
0xa1: {  	s22 =	simm.s32 $0x1BFF;
	s21 =	sshll.u32 s6, $0x1;
	s3 =	sadd.s32 s19, s18  }
0xa2: {  	s7 =	simm.s32 $0x0;
	s20 =	sshll.u32 s5, $0x1;
	s5 =	sadd.s32 s21, s3  }
0xa3: {  	[timem:s7], [sflag:s22] =	dma.local [hbm:s5], s20  }
0xa4: {  	_ =	swait.ge [sflag:s22], s20  }
0xa5: {  	s4 =	ssub.s32 $0x0, s20;
	[sflag:s22] =	ssyncset.done $0x0  }
0xa6: {  	[sflag:s22] =	ssyncadd.s32 s4;
	_ =	sdelay $0x1  }
0xa7: {  	s23 =	simm.s32 $0x1B8B  }
0xa8: {  	_ =	swait.ge [sflag:s23], $0x1  }
0xa9: {  	[sflag:s23] =	ssyncset.done $0x0  }
0xaa: {  	s25 =	simm.s32 $0x1B8E;
	s24 =	sld [smem:$0x3FFE];
	[sflag:s23] =	ssyncadd.s32 $0xFFFFFFFF  }
0xab: {  	s26 =	simm.s32 $execute0_lowered;
	[smem:$0x3FD2] =	sst s25  }
0xac: {  	s5 =	sshll.u32 s26, $0x1;
	_ =	strace $0x80000049;
	[dreg:$0x1] =	wrdreg $0xFFFFFFFF  }
0xad: {  	s28 =	simm.s32 $_size_execute0_lowered;
	s3 =	sadd.s32 s3, s5;
	[dreg:$0x0] =	wrdreg $0x0  }
0xae: {  	s5 =	sshll.u32 s28, $0x1;
	[dreg:$0x2] =	wrdreg s3  }
0xaf: {  	[dreg:$0x3] =	wrdreg s5  }
0xb0: {  	[dreg:$0x4] =	wrdreg $0xC0  }
0xb1: {  	_ =	task [dreg:s7], $0x5FFFF  }
0xb2: {  	[dreg:$0x1] =	wrdreg $0xFFFFFFFF  }
0xb3: {  	[dreg:$0x0] =	wrdreg $0x60  }
0xb4: {  	[dreg:$0x2] =	wrdreg s24  }
0xb5: {  	[dreg:$0x3] =	wrdreg s16  }
0xb6: {  	[dreg:$0x4] =	wrdreg $0x0  }
0xb7: {  	[dreg:$0x5] =	wrdreg $0x9  }
0xb8: {  	_ =	task.clear_ibuf [dreg:s7], $0x6FFFF;
	_ =	strace $0x90000049  }
0xb9: {  	s29 =	simm.s32 $0x9;
	_ =	strace $0x8000004B  }
0xba: {  	_ =	swait.ge [sflag:s29], $0x1  }
0xbb: {  	[sflag:s29] =	ssyncadd.s32 $0xFFFFFFFF  }
0xbc: {  	_ =	strace $0x9000004B  }
0xbd: {  	_ =	sfence  }
0xbe: {  	s30 =	sld [smem:$0x0];
	_ =	sdelay $0x2  }
0xbf: {  	s31 =	sshll.u32 s1, $0xD;
	s1 =	sshrl.u32 s1, $0x2  }
0xc0: {  	s3 =	sand.u32 $0x4000, s31;
	s1 =	sadd.s32 s1, s30  }
0xc1: {  	s0 =	sor.u32 s3, s0;
	s1 =	sshll.u32 s1, $0x11  }
0xc2: {  	s0 =	sor.u32 s1, s0  }
0xc3: {  	s0 =	sadd.s32 $0x8F2B, s0  }
0xc4: {  	[sflag:s0] =	ssyncadd.remote.s32 $0x1  }
0xc5: {  	_ =	sfence.sel $0xFFFF  }
0xc6: {  	[dreg:$0x0] =	wrdreg $0xFFFFFFFF;
	(pc) =	sbr.abs _section_cstart, $3  }
0xc7: {  	[dreg:$0x1] =	wrdreg $0xFFFFFFFF  }
0xc8: {  	_ =	task.clear_ibuf [dreg:s7], $0x2FFFF;
	_ =	strace $0x9FFFFFFF  }
0xc9: {  	(tm) =	ssettm $0x7FFFFFFF  }
tec
execute0_lowered:
.L_overlay_start_1:
0x0: {  	(tag) =	ssettag $0x1  }
0x1: {  	s1 =	rddreg [dreg:$0x0]  }
0x2: {  	s28 =	rddreg [dreg:$0x1]  }
0x3: {  	s2 =	rddreg [dreg:$0x2];
	s0 =	stileid.u32;
	s3 =	simm.s32 $0x0  }
0x4: {  	s6 =	srdreg.scid;
	s8 =	simm.s32 $0x28;
	s4 =	smul.u32 $0x2700, s0  }
0x5: {  	[smem:$0x7FF] =	sst s3;
	p0 =	seq.s32 s0, $0x0;
	s17 =	smul.u32 $0x280, s0  }
0x6: {  	s6 =	sand.u32 $0x1, s6;
	s7 =	smul.u32 $0x50000, s0;
	_ =	strace $0x8000004A  }
0x7: {  	s24 =	ssub.s32 $0x2, s6;
	s16 =	smul.u32 $0x5000, s6;
	s8 =	simm.s32 @!p0 $0x27  }
0x8: {  	s5 =	sadd.s32 $0x100, s4;
	s4 =	sadd.s32 $0xF800, s1;
	s25 =	sshrl.u32 s24, $0x1  }
0x9: {  	[dreg:$0x4] =	wrdreg s8;
	s11 =	sadd.s32 $0x80, s17;
	s13 =	sadd.s32 $0xC0, s17  }
0xa: {  	s29 =	sadd.s32 $0x180, s17;
	s22 =	sadd.s32 $0x1C0, s17;
	s5 =	simm.s32 @p0 $0x0  }
0xb: {  	s26 =	ssub.s32 s24, s25;
	[smem:$0x7EC] =	sst s11;
	s12 =	sadd.s32 s16, s11  }
0xc: {  	[smem:$0x7ED] =	sst s13;
	s15 =	sadd.s32 s16, s13;
	s18 =	sshll.u32 s13, $0x7  }
0xd: {  	s25 =	sadd.s32 $0x100, s17;
	s24 =	sadd.s32 $0x140, s17;
	s20 =	sadd.s32 s16, s29  }
0xe: {  	s21 =	sshll.u32 s29, $0x7;
	s13 =	sadd.s32 s16, s22;
	s0 =	sshll.u32 s22, $0x7  }
0xf: {  	s5 =	sshrl.u32 s5, $0x3;
	[smem:$0x7FB] =	sst s26;
	s14 =	sshll.u32 s12, $0x4  }
0x10: {  	s23 =	sshll.u32 s15, $0x4;
	s19 =	sadd.s32 s16, s24;
	s12 =	sshll.u32 s24, $0x7  }
0x11: {  	s31 =	sshll.u32 s20, $0x4;
	s20 =	sadd.s32 $0x240, s17;
	s1 =	sadd.s32 s5, s1  }
0x12: {  	s5 =	sshrl.u32 s7, $0x2;
	s7 =	sor.u32 $0x40, s17;
	[smem:$0x7EA] =	sst s14  }
0x13: {  	s30 =	sshll.u32 s19, $0x4;
	s19 =	sshll.u32 s13, $0x4;
	s13 =	sadd.s32 s0, s2  }
0x14: {  	s15 =	sadd.s32 s16, s20;
	s0 =	sshll.u32 s20, $0x7;
	[smem:$0x7FD] =	sst s1  }
0x15: {  	s1 =	sadd.s32 s17, s16;
	[smem:$0x7EB] =	sst s7;
	s6 =	sadd.s32 s5, s2  }
0x16: {  	s8 =	sadd.s32 s16, s7;
	s9 =	sshll.u32 s7, $0x7;
	s1 =	sshll.u32 s1, $0x4  }
0x17: {  	s10 =	sshll.u32 s8, $0x4;
	s7 =	sadd.s32 s9, s2;
	s9 =	sshll.u32 s11, $0x7  }
0x18: {  	s11 =	sshll.u32 s25, $0x7;
	[smem:$0x7E9] =	sst s10;
	s10 =	sadd.s32 s16, s25  }
0x19: {  	s8 =	sadd.s32 s9, s2;
	s26 =	sshll.u32 s10, $0x4;
	s10 =	sadd.s32 s11, s2  }
0x1a: {  	s11 =	sadd.s32 s12, s2;
	s12 =	sadd.s32 s21, s2;
	s21 =	sadd.s32 $0x200, s17  }
0x1b: {  	s9 =	sadd.s32 s18, s2;
	s14 =	sadd.s32 s16, s21;
	s5 =	sshll.u32 s21, $0x7  }
0x1c: {  	s18 =	sshll.u32 s14, $0x4;
	s14 =	sadd.s32 s5, s2;
	s5 =	sshll.u32 s15, $0x4  }
0x1d: {  	s15 =	sadd.s32 s0, s2;
	s0 =	sadd.s32 s4, s1;
	s1 =	sadd.s32 s28, s1  }
0x1e: {  	[dreg:$0x6] =	wrdreg s1  }
0x1f: {  	s1 =	sld [smem:$0x7E9];
	_ =	sdelay $0x2  }
0x20: {  	[dreg:$0x5] =	wrdreg s0;
	s0 =	sadd.s32 s4, s1;
	s1 =	sadd.s32 s28, s1  }
0x21: {  	[dreg:$0x8] =	wrdreg s1  }
0x22: {  	s1 =	sld [smem:$0x7EA];
	_ =	sdelay $0x2  }
0x23: {  	[dreg:$0x7] =	wrdreg s0;
	s0 =	sadd.s32 s4, s1  }
0x24: {  	s1 =	sadd.s32 s28, s1;
	[dreg:$0x9] =	wrdreg s0  }
0x25: {  	[dreg:$0xa] =	wrdreg s1;
	s1 =	sadd.s32 s4, s23  }
0x26: {  	s23 =	sadd.s32 s28, s23;
	[dreg:$0xb] =	wrdreg s1  }
0x27: {  	[dreg:$0xc] =	wrdreg s23;
	s1 =	sadd.s32 s4, s26  }
0x28: {  	s23 =	sadd.s32 s28, s26;
	[dreg:$0xd] =	wrdreg s1  }
0x29: {  	s26 =	sadd.s32 s4, s30;
	[dreg:$0xe] =	wrdreg s23  }
0x2a: {  	[dreg:$0xf] =	wrdreg s26;
	s1 =	sadd.s32 s28, s30  }
0x2b: {  	s23 =	sadd.s32 s4, s31;
	[dreg:$0x10] =	wrdreg s1  }
0x2c: {  	s26 =	sadd.s32 s28, s31;
	[dreg:$0x11] =	wrdreg s23  }
0x2d: {  	[dreg:$0x12] =	wrdreg s26  }
0x2e: {  	s1 =	sadd.s32 s4, s19;
	s23 =	sadd.s32 s28, s19;
	s19 =	sld [smem:$0x7EC]  }
0x2f: {  	[dreg:$0x13] =	wrdreg s1  }
0x30: {  	s26 =	sadd.s32 s4, s18;
	[dreg:$0x14] =	wrdreg s23  }
0x31: {  	s18 =	sadd.s32 s28, s18;
	[dreg:$0x15] =	wrdreg s26  }
0x32: {  	s0 =	sadd.s32 $0x2800, s16;
	[dreg:$0x16] =	wrdreg s18  }
0x33: {  	s17 =	sadd.s32 s17, s0;
	s25 =	sadd.s32 s25, s0;
	s18 =	sld [smem:$0x7EB]  }
0x34: {  	s1 =	sadd.s32 s4, s5;
	s5 =	sadd.s32 s28, s5;
	s23 =	sld [smem:$0x7ED]  }
0x35: {  	s26 =	sadd.s32 s29, s0;
	[dreg:$0x18] =	wrdreg s5;
	s5 =	sshll.u32 s17, $0x4  }
0x36: {  	[dreg:$0x17] =	wrdreg s1;
	s1 =	sadd.s32 s4, s5;
	s5 =	sadd.s32 s28, s5  }
0x37: {  	s17 =	sadd.s32 s18, s0;
	s18 =	sadd.s32 s19, s0;
	s19 =	sadd.s32 s23, s0  }
0x38: {  	s23 =	sshll.u32 s25, $0x4;
	[dreg:$0x19] =	wrdreg s1;
	s17 =	sshll.u32 s17, $0x4  }
0x39: {  	s25 =	sshll.u32 s26, $0x4;
	[dreg:$0x1a] =	wrdreg s5;
	s26 =	sadd.s32 s4, s17  }
0x3a: {  	s18 =	sshll.u32 s18, $0x4;
	s1 =	sadd.s32 s28, s17;
	[dreg:$0x1b] =	wrdreg s26  }
0x3b: {  	s17 =	sadd.s32 s4, s18;
	[dreg:$0x1c] =	wrdreg s1  }
0x3c: {  	s19 =	sshll.u32 s19, $0x4;
	[dreg:$0x1d] =	wrdreg s17;
	s26 =	sadd.s32 s28, s18  }
0x3d: {  	s1 =	sadd.s32 s4, s19;
	[dreg:$0x1e] =	wrdreg s26  }
0x3e: {  	s17 =	sadd.s32 s28, s19;
	[dreg:$0x1f] =	wrdreg s1  }
0x3f: {  	s24 =	sadd.s32 s24, s0;
	s18 =	sadd.s32 s4, s23;
	[smem:$0x7EE] =	sst s17  }
0x40: {  	s24 =	sshll.u32 s24, $0x4;
	s19 =	sadd.s32 s28, s23;
	[smem:$0x7EF] =	sst s18  }
0x41: {  	s23 =	sadd.s32 s4, s24;
	[smem:$0x7F0] =	sst s19  }
0x42: {  	s24 =	sadd.s32 s28, s24;
	[smem:$0x7F1] =	sst s23  }
0x43: {  	s22 =	sadd.s32 s22, s0;
	[smem:$0x7F2] =	sst s24  }
0x44: {  	s26 =	sadd.s32 s4, s25;
	s1 =	sadd.s32 s28, s25;
	s25 =	sld [smem:$0x7FB]  }
0x45: {  	s22 =	sshll.u32 s22, $0x4;
	[smem:$0x7F3] =	sst s26  }
0x46: {  	s21 =	sadd.s32 s21, s0;
	s17 =	sadd.s32 s4, s22;
	[smem:$0x7F4] =	sst s1  }
0x47: {  	s21 =	sshll.u32 s21, $0x4;
	s18 =	sadd.s32 s28, s22;
	[smem:$0x7F5] =	sst s17  }
0x48: {  	s20 =	sadd.s32 s20, s0;
	s19 =	sadd.s32 s4, s21;
	[smem:$0x7F6] =	sst s18  }
0x49: {  	s20 =	sshll.u32 s20, $0x4;
	s22 =	sadd.s32 s28, s21;
	[smem:$0x7F7] =	sst s19  }
0x4a: {  	s30 =	simm.s32 $0x100;
	s23 =	sadd.s32 s28, s20;
	[smem:$0x7F8] =	sst s22  }
0x4b: {  	s31 =	simm.s32 $0x14000;
	s29 =	simm.s32 $0x1E100;
	[smem:$0x7F9] =	sst s23  }
0x4c: {  	v1 =	vmov s0;
	s0 =	simm.s32 $0x1;
	s24 =	sadd.s32 s4, s20;
	s26 =	sld [smem:$0x7FD]  }
0x4d: {  	s28 =	simm.s32 $0x1E000;
	[smem:$0x7FA] =	sst s24;
	s5 =	smax.u32 s25, $0x1  }
0x4e: {  	s1 =	simm.s32 $0x0;
	s25 =	simm.s32 $0x1C000;
	[smem:$0x7FC] =	sst s5  }
0x4f: {  	v0 =	vmov s16;
	s22 =	sadd.s32 $0xA800, s26;
	s5 =	sadd.s32 $0x5800, s26;
	s26 =	simm.s32 $0x2  }
.LBB2_1:
0x50: {  	s16 =	rddreg [dreg:$0x5]  }
0x51: {  	[tilespmem:s25], [sflag:$0x2] =	stream.linear.gather [hbm4b:s16+s3], $0x2000, $0x38;
	[tilespmem:$0x1E200] =	vst v63  }
0x52: {  	_ =	swait.ge [sflag:s26], $0x2000  }
0x53: {  	[sflag:s26] =	ssyncset.done $0x0  }
0x54: {  	[sflag:s26] =	ssyncadd.s32 $0xFFFFE000  }
0x55: {  	[spmem:s6] =	stream.linear.scatter [tilespmem:s25], [sflag:$0x2], $0x2000, $0x38;
	[tilespmem:$0x1E200] =	vst v63  }
0x56: {  	_ =	swait.ge [sflag:s26], $0x2000  }
0x57: {  	[sflag:s26] =	ssyncset.done $0x0  }
0x58: {  	s21 =	rddreg [dreg:$0x7];
	[sflag:s26] =	ssyncadd.s32 $0xFFFFE000  }
0x59: {  	[tilespmem:s25], [sflag:$0x2] =	stream.linear.gather [hbm4b:s21+s3], $0x2000, $0x38;
	[tilespmem:$0x1E200] =	vst v63  }
0x5a: {  	_ =	swait.ge [sflag:s26], $0x2000  }
0x5b: {  	[sflag:s26] =	ssyncset.done $0x0  }
0x5c: {  	[sflag:s26] =	ssyncadd.s32 $0xFFFFE000  }
0x5d: {  	[spmem:s7] =	stream.linear.scatter [tilespmem:s25], [sflag:$0x2], $0x2000, $0x38;
	[tilespmem:$0x1E200] =	vst v63  }
0x5e: {  	_ =	swait.ge [sflag:s26], $0x2000  }
0x5f: {  	[sflag:s26] =	ssyncset.done $0x0  }
0x60: {  	s23 =	rddreg [dreg:$0x9];
	[sflag:s26] =	ssyncadd.s32 $0xFFFFE000  }
0x61: {  	[tilespmem:s25], [sflag:$0x2] =	stream.linear.gather [hbm4b:s23+s3], $0x2000, $0x38;
	[tilespmem:$0x1E200] =	vst v63  }
0x62: {  	_ =	swait.ge [sflag:s26], $0x2000  }
0x63: {  	[sflag:s26] =	ssyncset.done $0x0  }
0x64: {  	[sflag:s26] =	ssyncadd.s32 $0xFFFFE000  }
0x65: {  	[spmem:s8] =	stream.linear.scatter [tilespmem:s25], [sflag:$0x2], $0x2000, $0x38;
	[tilespmem:$0x1E200] =	vst v63  }
0x66: {  	_ =	swait.ge [sflag:s26], $0x2000  }
0x67: {  	[sflag:s26] =	ssyncset.done $0x0  }
0x68: {  	s24 =	rddreg [dreg:$0xb];
	[sflag:s26] =	ssyncadd.s32 $0xFFFFE000  }
0x69: {  	[tilespmem:s25], [sflag:$0x2] =	stream.linear.gather [hbm4b:s24+s3], $0x2000, $0x38;
	[tilespmem:$0x1E200] =	vst v63  }
0x6a: {  	_ =	swait.ge [sflag:s26], $0x2000  }
0x6b: {  	[sflag:s26] =	ssyncset.done $0x0  }
0x6c: {  	[sflag:s26] =	ssyncadd.s32 $0xFFFFE000  }
0x6d: {  	[spmem:s9] =	stream.linear.scatter [tilespmem:s25], [sflag:$0x2], $0x2000, $0x38;
	[tilespmem:$0x1E200] =	vst v63  }
0x6e: {  	_ =	swait.ge [sflag:s26], $0x2000  }
0x6f: {  	[sflag:s26] =	ssyncset.done $0x0  }
0x70: {  	s17 =	rddreg [dreg:$0xd];
	[sflag:s26] =	ssyncadd.s32 $0xFFFFE000  }
0x71: {  	[tilespmem:s25], [sflag:$0x2] =	stream.linear.gather [hbm4b:s17+s3], $0x2000, $0x38;
	[tilespmem:$0x1E200] =	vst v63  }
0x72: {  	_ =	swait.ge [sflag:s26], $0x2000  }
0x73: {  	[sflag:s26] =	ssyncset.done $0x0  }
0x74: {  	[sflag:s26] =	ssyncadd.s32 $0xFFFFE000  }
0x75: {  	[spmem:s10] =	stream.linear.scatter [tilespmem:s25], [sflag:$0x2], $0x2000, $0x38;
	[tilespmem:$0x1E200] =	vst v63  }
0x76: {  	_ =	swait.ge [sflag:s26], $0x2000  }
0x77: {  	[sflag:s26] =	ssyncset.done $0x0  }
0x78: {  	s18 =	rddreg [dreg:$0xf];
	[sflag:s26] =	ssyncadd.s32 $0xFFFFE000  }
0x79: {  	[tilespmem:s25], [sflag:$0x2] =	stream.linear.gather [hbm4b:s18+s3], $0x2000, $0x38;
	[tilespmem:$0x1E200] =	vst v63  }
0x7a: {  	_ =	swait.ge [sflag:s26], $0x2000  }
0x7b: {  	[sflag:s26] =	ssyncset.done $0x0  }
0x7c: {  	[sflag:s26] =	ssyncadd.s32 $0xFFFFE000  }
0x7d: {  	[spmem:s11] =	stream.linear.scatter [tilespmem:s25], [sflag:$0x2], $0x2000, $0x38;
	[tilespmem:$0x1E200] =	vst v63  }
0x7e: {  	_ =	swait.ge [sflag:s26], $0x2000  }
0x7f: {  	[sflag:s26] =	ssyncset.done $0x0  }
0x80: {  	s19 =	rddreg [dreg:$0x11];
	[sflag:s26] =	ssyncadd.s32 $0xFFFFE000  }
0x81: {  	[tilespmem:s25], [sflag:$0x2] =	stream.linear.gather [hbm4b:s19+s3], $0x2000, $0x38;
	[tilespmem:$0x1E200] =	vst v63  }
0x82: {  	_ =	swait.ge [sflag:s26], $0x2000  }
0x83: {  	[sflag:s26] =	ssyncset.done $0x0  }
0x84: {  	[sflag:s26] =	ssyncadd.s32 $0xFFFFE000  }
0x85: {  	[spmem:s12] =	stream.linear.scatter [tilespmem:s25], [sflag:$0x2], $0x2000, $0x38;
	[tilespmem:$0x1E200] =	vst v63  }
0x86: {  	_ =	swait.ge [sflag:s26], $0x2000  }
0x87: {  	[sflag:s26] =	ssyncset.done $0x0  }
0x88: {  	s20 =	rddreg [dreg:$0x13];
	[sflag:s26] =	ssyncadd.s32 $0xFFFFE000  }
0x89: {  	[tilespmem:s25], [sflag:$0x2] =	stream.linear.gather [hbm4b:s20+s3], $0x2000, $0x38;
	[tilespmem:$0x1E200] =	vst v63  }
0x8a: {  	_ =	swait.ge [sflag:s26], $0x2000  }
0x8b: {  	[sflag:s26] =	ssyncset.done $0x0  }
0x8c: {  	[sflag:s26] =	ssyncadd.s32 $0xFFFFE000  }
0x8d: {  	[spmem:s13] =	stream.linear.scatter [tilespmem:s25], [sflag:$0x2], $0x2000, $0x38;
	[tilespmem:$0x1E200] =	vst v63  }
0x8e: {  	_ =	swait.ge [sflag:s26], $0x2000  }
0x8f: {  	[sflag:s26] =	ssyncset.done $0x0  }
0x90: {  	s21 =	rddreg [dreg:$0x15];
	[sflag:s26] =	ssyncadd.s32 $0xFFFFE000  }
0x91: {  	[tilespmem:s25], [sflag:$0x2] =	stream.linear.gather [hbm4b:s21+s3], $0x2000, $0x38;
	[tilespmem:$0x1E200] =	vst v63  }
0x92: {  	_ =	swait.ge [sflag:s26], $0x2000  }
0x93: {  	[sflag:s26] =	ssyncset.done $0x0  }
0x94: {  	[sflag:s26] =	ssyncadd.s32 $0xFFFFE000  }
0x95: {  	[spmem:s14] =	stream.linear.scatter [tilespmem:s25], [sflag:$0x2], $0x2000, $0x38;
	[tilespmem:$0x1E200] =	vst v63  }
0x96: {  	_ =	swait.ge [sflag:s26], $0x2000  }
0x97: {  	[sflag:s26] =	ssyncset.done $0x0  }
0x98: {  	s23 =	rddreg [dreg:$0x17];
	[sflag:s26] =	ssyncadd.s32 $0xFFFFE000  }
0x99: {  	[tilespmem:s25], [sflag:$0x2] =	stream.linear.gather [hbm4b:s23+s3], $0x2000, $0x38;
	[tilespmem:$0x1E200] =	vst v63  }
0x9a: {  	_ =	swait.ge [sflag:s26], $0x2000  }
0x9b: {  	[sflag:s26] =	ssyncset.done $0x0  }
0x9c: {  	[sflag:s26] =	ssyncadd.s32 $0xFFFFE000  }
0x9d: {  	[spmem:s15] =	stream.linear.scatter [tilespmem:s25], [sflag:$0x2], $0x2000, $0x38;
	[tilespmem:$0x1E200] =	vst v63  }
0x9e: {  	_ =	swait.ge [sflag:s26], $0x2000  }
0x9f: {  	[sflag:s26] =	ssyncset.done $0x0  }
0xa0: {  	[sflag:s26] =	ssyncadd.s32 $0xFFFFE000  }
0xa1: {  	[bflag:$0x0] =	sbarrier.arrive $0xFFFF  }
0xa2: {  	s24 =	rddreg [dreg:$0x4]  }
0xa3: {  	p1 =	sne.s32 s24, $0x1  }
.Ltmp0:
0xa4: {  	_ = 	snop;
	(pc) =	sbr.rel @!p1 .LBB2_4-.Ltmp0, $4  }
0xa5: {  	_ = 	snop  }
0xa6: {  	p0 =	por $0x0, $0x0  }
0xa7: {  	p2 =	por $0x0, $0x0;
	s16 =	sadd.s32 $0x20, s22;
	s17 =	sadd.s32 $0x20, s5  }
0xa8: {  	s19 =	smov.u32 s22;
	s20 =	smov.u32 s5;
	s18 =	sadd.s32 $0xFFFFFFFF, s24  }
0xa9: {  	[tilespmem:s28], [sflag:$0x2] =	stream.linear.gather [hbm4b:s5+s3], $0x100, $0x38;
	[tilespmem:$0x1E200] =	vst v63  }
0xaa: {  	_ =	swait.ge [sflag:s26], $0x100  }
0xab: {  	[sflag:s26] =	ssyncset.done $0x0  }
0xac: {  	[sflag:s26] =	ssyncadd.s32 $0xFFFFFF00  }
0xad: {  	[tilespmem:s29], [sflag:$0x2] =	stream.linear.gather [hbm4b:s22+s3], $0x100, $0x38;
	[tilespmem:$0x1E200] =	vst v63  }
0xae: {  	_ =	swait.ge [sflag:s26], $0x100  }
0xaf: {  	[sflag:s26] =	ssyncset.done $0x0  }
0xb0: {  	p3 =	sne.s32 s18, $0x1;
	[sflag:s26] =	ssyncadd.s32 $0xFFFFFF00  }
.Ltmp1:
0xb1: {  	v4 =	vld [tilespmem:$0x1E010];
	(pc) =	sbr.rel @!p3 .LBB2_4-.Ltmp1, $4  }
0xb2: {  	v5 =	vld [tilespmem:$0x1E020]  }
0xb3: {  	v6 =	vld [tilespmem:$0x1E060]  }
0xb4: {  	s19 =	sadd.s32 $0x20, s22;
	s20 =	sadd.s32 $0x20, s5;
	s21 =	sadd.s32 $0xFFFFFFFF, s18;
	v3 =	vld [tilespmem:$0x1E070]  }
0xb5: {  	p2 =	por $0x1, $0x1;
	s23 =	smov.u32 s19;
	s24 =	smov.u32 s20;
	v2 =	vld [tilespmem:$0x1E000]  }
.LBB2_3:
0xb6: {  	p3 =	sne.s32 s21, $0x1;
	s23 =	sadd.s32 $0x20, s23;
	s24 =	sadd.s32 $0x20, s24;
	v7 =	vld [tilespmem:$0x1E0A0]  }
0xb7: {  	s21 =	sadd.s32 $0xFFFFFFFF, s21;
	v8 =	vld [tilespmem:$0x1E030]  }
0xb8: {  	v6 =	vadd.s32 v0, v6;
	v9 =	vld [tilespmem:$0x1E0C0]  }
0xb9: {  	v5 =	vadd.s32 v0, v5;
	[tilespmem:$0x1E060] =	vst v6;
	v3 =	vadd.s32 v0, v3;
	v6 =	vld [tilespmem:$0x1E0F0]  }
0xba: {  	v4 =	vadd.s32 v0, v4;
	[tilespmem:$0x1E020] =	vst v5;
	v5 =	vld [tilespmem:$0x1E0B0]  }
0xbb: {  	[tilespmem:$0x1E010] =	vst v4;
	v4 =	vadd.s32 v0, v7;
	v7 =	vld [tilespmem:$0x1E0D0]  }
0xbc: {  	v8 =	vadd.s32 v0, v8;
	v10 =	vld [tilespmem:$0x1E080];
	[tilespmem:$0x1E0A0] =	vst v4  }
0xbd: {  	[tilespmem:$0x1E030] =	vst v8;
	v4 =	vld [tilespmem:$0x1E090];
	v8 =	vadd.s32 v0, v9  }
0xbe: {  	[tilespmem:$0x1E0C0] =	vst v8;
	v8 =	vld [tilespmem:$0x1E0E0];
	v6 =	vadd.s32 v0, v6  }
0xbf: {  	v9 =	vld [tilespmem:$0x1E050];
	v5 =	vadd.s32 v0, v5;
	[tilespmem:$0x1E0F0] =	vst v6  }
0xc0: {  	v2 =	vadd.s32 v0, v2;
	v6 =	vld [tilespmem:$0x1E040];
	[tilespmem:$0x1E0B0] =	vst v5;
	v5 =	vadd.s32 v0, v7  }
0xc1: {  	[tilespmem:$0x1E070] =	vst v3;
	v3 =	vadd.s32 v0, v10  }
0xc2: {  	[tilespmem:$0x1E080] =	vst v3;
	v3 =	vadd.s32 v0, v4  }
0xc3: {  	[tilespmem:$0x1E090] =	vst v3;
	v3 =	vadd.s32 v0, v8  }
0xc4: {  	[tilespmem:$0x1E000] =	vst v2;
	v2 =	vadd.s32 v0, v9  }
0xc5: {  	v4 =	vadd.s32 v0, v6;
	[tilespmem:$0x1E050] =	vst v2  }
0xc6: {  	[tilespmem:$0x1E0E0] =	vst v3  }
0xc7: {  	[tilespmem:$0x1E040] =	vst v4  }
0xc8: {  	[tilespmem:$0x1E0D0] =	vst v5  }
0xc9: {  	[tilespmem:s31], [sflag:$0x1] =	stream.indirect.gather [hbm4b:s4+s30], $0x80, s28, s30, $0xb8;
	[tilespmem:$0x1E200] =	vst v63  }
0xca: {  	_ =	swait.ge [sflag:s0], $0x8000  }
0xcb: {  	[sflag:s0] =	ssyncset.done $0x0  }
0xcc: {  	[sflag:s0] =	ssyncadd.s32 $0xFFFF8000  }
0xcd: {  	[spmem:s2] =	stream.indirect.scatter.add.f32 [tilespmem:s31], [sflag:$0x2], $0x80, s29, s30, $0xb8;
	[tilespmem:$0x1E200] =	vst v63  }
0xce: {  	_ =	swait.ge [sflag:s26], $0x8000  }
0xcf: {  	[sflag:s26] =	ssyncset.done $0x0  }
0xd0: {  	[sflag:s26] =	ssyncadd.s32 $0xFFFF8000  }
0xd1: {  	[tilespmem:s28], [sflag:$0x2] =	stream.linear.gather [hbm4b:s20+s3], $0x100, $0x38;
	[tilespmem:$0x1E200] =	vst v63  }
0xd2: {  	s20 =	smov.u32 s24;
	_ =	swait.ge [sflag:s26], $0x100  }
0xd3: {  	[sflag:s26] =	ssyncset.done $0x0  }
0xd4: {  	[sflag:s26] =	ssyncadd.s32 $0xFFFFFF00  }
0xd5: {  	[tilespmem:s29], [sflag:$0x2] =	stream.linear.gather [hbm4b:s19+s3], $0x100, $0x38;
	[tilespmem:$0x1E200] =	vst v63  }
0xd6: {  	s19 =	smov.u32 s23;
	_ =	swait.ge [sflag:s26], $0x100  }
0xd7: {  	[sflag:s26] =	ssyncset.done $0x0  }
0xd8: {  	[sflag:s26] =	ssyncadd.s32 $0xFFFFFF00  }
.Ltmp2:
0xd9: {  	v4 =	vld [tilespmem:$0x1E010];
	(pc) =	sbr.rel @p3 .LBB2_3-.Ltmp2, $4  }
0xda: {  	v5 =	vld [tilespmem:$0x1E020]  }
0xdb: {  	v6 =	vld [tilespmem:$0x1E060]  }
0xdc: {  	v3 =	vld [tilespmem:$0x1E070]  }
0xdd: {  	v2 =	vld [tilespmem:$0x1E000]  }
.LBB2_4:
0xde: {  	v7 =	vld @p2 [tilespmem:$0x1E0A0]  }
0xdf: {  	v8 =	vld @p2 [tilespmem:$0x1E030];
	v4 =	vadd.s32 @p2 v0, v4  }
0xe0: {  	v9 =	vld @p2 [tilespmem:$0x1E0C0];
	v5 =	vadd.s32 @p2 v0, v5;
	[tilespmem:$0x1E010] =	vst @p2 v4  }
0xe1: {  	v6 =	vadd.s32 @p2 v0, v6;
	[tilespmem:$0x1E020] =	vst @p2 v5;
	v5 =	vld @p2 [tilespmem:$0x1E0B0]  }
0xe2: {  	[tilespmem:$0x1E060] =	vst @p2 v6;
	v6 =	vld @p2 [tilespmem:$0x1E0F0];
	v3 =	vadd.s32 @p2 v0, v3  }
0xe3: {  	[tilespmem:$0x1E070] =	vst @p2 v3;
	v4 =	vadd.s32 @p2 v0, v7  }
0xe4: {  	v7 =	vadd.s32 @p2 v0, v8;
	v8 =	vld @p2 [tilespmem:$0x1E080];
	[tilespmem:$0x1E0A0] =	vst @p2 v4  }
0xe5: {  	[tilespmem:$0x1E030] =	vst @p2 v7;
	v4 =	vld @p2 [tilespmem:$0x1E090];
	v7 =	vadd.s32 @p2 v0, v9  }
0xe6: {  	[tilespmem:$0x1E0C0] =	vst @p2 v7;
	v7 =	vld @p2 [tilespmem:$0x1E050];
	v5 =	vadd.s32 @p2 v0, v5  }
0xe7: {  	v6 =	vadd.s32 @p2 v0, v6;
	[tilespmem:$0x1E0B0] =	vst @p2 v5;
	v5 =	vld @p2 [tilespmem:$0x1E040]  }
0xe8: {  	v2 =	vadd.s32 @p2 v0, v2;
	[tilespmem:$0x1E0F0] =	vst @p2 v6;
	v6 =	vld @p2 [tilespmem:$0x1E0E0]  }
0xe9: {  	[tilespmem:$0x1E000] =	vst @p2 v2;
	v3 =	vadd.s32 @p2 v0, v8;
	v8 =	vld @p2 [tilespmem:$0x1E0D0]  }
0xea: {  	[tilespmem:$0x1E080] =	vst @p2 v3;
	v3 =	vadd.s32 @p2 v0, v4  }
0xeb: {  	[tilespmem:$0x1E090] =	vst @p2 v3;
	v2 =	vadd.s32 @p2 v0, v7  }
0xec: {  	[tilespmem:$0x1E050] =	vst @p2 v2;
	v2 =	vadd.s32 @p2 v0, v5  }
0xed: {  	v3 =	vadd.s32 @p2 v0, v6;
	[tilespmem:$0x1E040] =	vst @p2 v2  }
0xee: {  	[tilespmem:$0x1E0E0] =	vst @p2 v3;
	v3 =	vadd.s32 @p2 v0, v8  }
0xef: {  	[tilespmem:$0x1E0D0] =	vst @p2 v3  }
0xf0: {  	[tilespmem:s31], [sflag:$0x1] =	stream.indirect.gather @p2 [hbm4b:s4+s30], $0x80, s28, s30, $0xb8;
	[tilespmem:$0x1E200] =	vst v63  }
0xf1: {  	_ =	swait.ge @p2 [sflag:s0], $0x8000  }
0xf2: {  	[sflag:s0] =	ssyncset.done @p2 $0x0  }
0xf3: {  	[sflag:s0] =	ssyncadd.s32 @p2 $0xFFFF8000  }
0xf4: {  	[spmem:s2] =	stream.indirect.scatter.add.f32 @p2 [tilespmem:s31], [sflag:$0x2], $0x80, s29, s30, $0xb8;
	[tilespmem:$0x1E200] =	vst v63  }
0xf5: {  	_ =	swait.ge @p2 [sflag:s26], $0x8000  }
0xf6: {  	[sflag:s26] =	ssyncset.done @p2 $0x0  }
0xf7: {  	[sflag:s26] =	ssyncadd.s32 @p2 $0xFFFF8000  }
0xf8: {  	[tilespmem:s28], [sflag:$0x2] =	stream.linear.gather [hbm4b:s20+s3], $0x100, $0x38;
	[tilespmem:$0x1E200] =	vst v63  }
0xf9: {  	_ =	swait.ge [sflag:s26], $0x100  }
0xfa: {  	[sflag:s26] =	ssyncset.done $0x0  }
0xfb: {  	[sflag:s26] =	ssyncadd.s32 $0xFFFFFF00  }
0xfc: {  	[tilespmem:s29], [sflag:$0x2] =	stream.linear.gather [hbm4b:s19+s3], $0x100, $0x38;
	[tilespmem:$0x1E200] =	vst v63  }
0xfd: {  	_ =	swait.ge [sflag:s26], $0x100  }
0xfe: {  	[sflag:s26] =	ssyncset.done $0x0  }
0xff: {  	[sflag:s26] =	ssyncadd.s32 $0xFFFFFF00  }
0x100: {  	v2 =	vld [tilespmem:$0x1E060]  }
0x101: {  	v3 =	vld [tilespmem:$0x1E020]  }
0x102: {  	v4 =	vld [tilespmem:$0x1E010]  }
0x103: {  	v5 =	vld [tilespmem:$0x1E0A0]  }
0x104: {  	v6 =	vld [tilespmem:$0x1E030]  }
0x105: {  	v7 =	vld [tilespmem:$0x1E0C0];
	v2 =	vadd.s32 v0, v2  }
0x106: {  	v3 =	vadd.s32 v0, v3;
	[tilespmem:$0x1E060] =	vst v2;
	v2 =	vld [tilespmem:$0x1E0F0]  }
0x107: {  	v4 =	vadd.s32 v0, v4;
	[tilespmem:$0x1E020] =	vst v3;
	v3 =	vld [tilespmem:$0x1E0B0]  }
0x108: {  	v8 =	vld [tilespmem:$0x1E070];
	[tilespmem:$0x1E010] =	vst v4;
	v4 =	vadd.s32 v0, v5  }
0x109: {  	v5 =	vadd.s32 v0, v6;
	v6 =	vld [tilespmem:$0x1E080];
	[tilespmem:$0x1E0A0] =	vst v4  }
0x10a: {  	[tilespmem:$0x1E030] =	vst v5;
	v4 =	vld [tilespmem:$0x1E090];
	v5 =	vadd.s32 v0, v7  }
0x10b: {  	v7 =	vld [tilespmem:$0x1E000];
	[tilespmem:$0x1E0C0] =	vst v5;
	v2 =	vadd.s32 v0, v2  }
0x10c: {  	v5 =	vld [tilespmem:$0x1E050];
	v3 =	vadd.s32 v0, v3;
	[tilespmem:$0x1E0F0] =	vst v2  }
0x10d: {  	v2 =	vadd.s32 v0, v8;
	v8 =	vld [tilespmem:$0x1E0E0];
	[tilespmem:$0x1E0B0] =	vst v3  }
0x10e: {  	v3 =	vld [tilespmem:$0x1E040];
	[tilespmem:$0x1E070] =	vst v2;
	v2 =	vadd.s32 v0, v6  }
0x10f: {  	v6 =	vld [tilespmem:$0x1E0D0];
	[tilespmem:$0x1E080] =	vst v2;
	v2 =	vadd.s32 v0, v4  }
0x110: {  	v4 =	vadd.s32 v0, v7;
	[tilespmem:$0x1E090] =	vst v2  }
0x111: {  	[tilespmem:$0x1E000] =	vst v4;
	v2 =	vadd.s32 v0, v5  }
0x112: {  	[tilespmem:$0x1E050] =	vst v2;
	v4 =	vadd.s32 v0, v8  }
0x113: {  	v2 =	vadd.s32 v0, v3;
	[tilespmem:$0x1E0E0] =	vst v4  }
0x114: {  	v3 =	vadd.s32 v0, v6;
	[tilespmem:$0x1E040] =	vst v2  }
0x115: {  	[tilespmem:$0x1E0D0] =	vst v3  }
0x116: {  	[tilespmem:s31], [sflag:$0x1] =	stream.indirect.gather [hbm4b:s4+s30], $0x80, s28, s30, $0xb8;
	[tilespmem:$0x1E200] =	vst v63  }
0x117: {  	_ =	swait.ge [sflag:s0], $0x8000  }
0x118: {  	[sflag:s0] =	ssyncset.done $0x0  }
0x119: {  	[sflag:s0] =	ssyncadd.s32 $0xFFFF8000  }
0x11a: {  	[spmem:s2] =	stream.indirect.scatter.add.f32 [tilespmem:s31], [sflag:$0x2], $0x80, s29, s30, $0xb8;
	[tilespmem:$0x1E200] =	vst v63  }
0x11b: {  	_ =	swait.ge [sflag:s26], $0x8000  }
0x11c: {  	[sflag:s26] =	ssyncset.done $0x0  }
0x11d: {  	[sflag:s26] =	ssyncadd.s32 $0xFFFF8000  }
0x11e: {  	[bflag:$0x0] =	sbarrier.arrive $0xFFFF  }
0x11f: {  	[tilespmem:s25], [sflag:$0x2] =	stream.linear.gather [spmem:s6], $0x2000, $0x38;
	[tilespmem:$0x1E200] =	vst v63  }
0x120: {  	_ =	swait.ge [sflag:s26], $0x2000  }
0x121: {  	[sflag:s26] =	ssyncset.done $0x0  }
0x122: {  	s20 =	rddreg [dreg:$0x6];
	[sflag:s26] =	ssyncadd.s32 $0xFFFFE000  }
0x123: {  	[hbm4b:s20+s3] =	stream.linear.scatter [tilespmem:s25], [sflag:$0x2], $0x2000, $0x38;
	[tilespmem:$0x1E200] =	vst v63  }
0x124: {  	_ =	swait.ge [sflag:s26], $0x2000  }
0x125: {  	[sflag:s26] =	ssyncset.done $0x0  }
0x126: {  	[sflag:s26] =	ssyncadd.s32 $0xFFFFE000  }
0x127: {  	[tilespmem:s25], [sflag:$0x2] =	stream.linear.gather [spmem:s7], $0x2000, $0x38;
	[tilespmem:$0x1E200] =	vst v63  }
0x128: {  	_ =	swait.ge [sflag:s26], $0x2000  }
0x129: {  	[sflag:s26] =	ssyncset.done $0x0  }
0x12a: {  	s21 =	rddreg [dreg:$0x8];
	[sflag:s26] =	ssyncadd.s32 $0xFFFFE000  }
0x12b: {  	[hbm4b:s21+s3] =	stream.linear.scatter [tilespmem:s25], [sflag:$0x2], $0x2000, $0x38;
	[tilespmem:$0x1E200] =	vst v63  }
0x12c: {  	_ =	swait.ge [sflag:s26], $0x2000  }
0x12d: {  	[sflag:s26] =	ssyncset.done $0x0  }
0x12e: {  	[sflag:s26] =	ssyncadd.s32 $0xFFFFE000  }
0x12f: {  	[tilespmem:s25], [sflag:$0x2] =	stream.linear.gather [spmem:s8], $0x2000, $0x38;
	[tilespmem:$0x1E200] =	vst v63  }
0x130: {  	_ =	swait.ge [sflag:s26], $0x2000  }
0x131: {  	[sflag:s26] =	ssyncset.done $0x0  }
0x132: {  	s23 =	rddreg [dreg:$0xa];
	[sflag:s26] =	ssyncadd.s32 $0xFFFFE000  }
0x133: {  	[hbm4b:s23+s3] =	stream.linear.scatter [tilespmem:s25], [sflag:$0x2], $0x2000, $0x38;
	[tilespmem:$0x1E200] =	vst v63  }
0x134: {  	_ =	swait.ge [sflag:s26], $0x2000  }
0x135: {  	[sflag:s26] =	ssyncset.done $0x0  }
0x136: {  	[sflag:s26] =	ssyncadd.s32 $0xFFFFE000  }
0x137: {  	[tilespmem:s25], [sflag:$0x2] =	stream.linear.gather [spmem:s9], $0x2000, $0x38;
	[tilespmem:$0x1E200] =	vst v63  }
0x138: {  	_ =	swait.ge [sflag:s26], $0x2000  }
0x139: {  	[sflag:s26] =	ssyncset.done $0x0  }
0x13a: {  	s24 =	rddreg [dreg:$0xc];
	[sflag:s26] =	ssyncadd.s32 $0xFFFFE000  }
0x13b: {  	[hbm4b:s24+s3] =	stream.linear.scatter [tilespmem:s25], [sflag:$0x2], $0x2000, $0x38;
	[tilespmem:$0x1E200] =	vst v63  }
0x13c: {  	_ =	swait.ge [sflag:s26], $0x2000  }
0x13d: {  	[sflag:s26] =	ssyncset.done $0x0  }
0x13e: {  	[sflag:s26] =	ssyncadd.s32 $0xFFFFE000  }
0x13f: {  	[tilespmem:s25], [sflag:$0x2] =	stream.linear.gather [spmem:s10], $0x2000, $0x38;
	[tilespmem:$0x1E200] =	vst v63  }
0x140: {  	_ =	swait.ge [sflag:s26], $0x2000  }
0x141: {  	[sflag:s26] =	ssyncset.done $0x0  }
0x142: {  	s20 =	rddreg [dreg:$0xe];
	[sflag:s26] =	ssyncadd.s32 $0xFFFFE000  }
0x143: {  	[hbm4b:s20+s3] =	stream.linear.scatter [tilespmem:s25], [sflag:$0x2], $0x2000, $0x38;
	[tilespmem:$0x1E200] =	vst v63  }
0x144: {  	_ =	swait.ge [sflag:s26], $0x2000  }
0x145: {  	[sflag:s26] =	ssyncset.done $0x0  }
0x146: {  	[sflag:s26] =	ssyncadd.s32 $0xFFFFE000  }
0x147: {  	[tilespmem:s25], [sflag:$0x2] =	stream.linear.gather [spmem:s11], $0x2000, $0x38;
	[tilespmem:$0x1E200] =	vst v63  }
0x148: {  	_ =	swait.ge [sflag:s26], $0x2000  }
0x149: {  	[sflag:s26] =	ssyncset.done $0x0  }
0x14a: {  	s21 =	rddreg [dreg:$0x10];
	[sflag:s26] =	ssyncadd.s32 $0xFFFFE000  }
0x14b: {  	[hbm4b:s21+s3] =	stream.linear.scatter [tilespmem:s25], [sflag:$0x2], $0x2000, $0x38;
	[tilespmem:$0x1E200] =	vst v63  }
0x14c: {  	_ =	swait.ge [sflag:s26], $0x2000  }
0x14d: {  	[sflag:s26] =	ssyncset.done $0x0  }
0x14e: {  	[sflag:s26] =	ssyncadd.s32 $0xFFFFE000  }
0x14f: {  	[tilespmem:s25], [sflag:$0x2] =	stream.linear.gather [spmem:s12], $0x2000, $0x38;
	[tilespmem:$0x1E200] =	vst v63  }
0x150: {  	_ =	swait.ge [sflag:s26], $0x2000  }
0x151: {  	[sflag:s26] =	ssyncset.done $0x0  }
0x152: {  	s23 =	rddreg [dreg:$0x12];
	[sflag:s26] =	ssyncadd.s32 $0xFFFFE000  }
0x153: {  	[hbm4b:s23+s3] =	stream.linear.scatter [tilespmem:s25], [sflag:$0x2], $0x2000, $0x38;
	[tilespmem:$0x1E200] =	vst v63  }
0x154: {  	_ =	swait.ge [sflag:s26], $0x2000  }
0x155: {  	[sflag:s26] =	ssyncset.done $0x0  }
0x156: {  	[sflag:s26] =	ssyncadd.s32 $0xFFFFE000  }
0x157: {  	[tilespmem:s25], [sflag:$0x2] =	stream.linear.gather [spmem:s13], $0x2000, $0x38;
	[tilespmem:$0x1E200] =	vst v63  }
0x158: {  	_ =	swait.ge [sflag:s26], $0x2000  }
0x159: {  	[sflag:s26] =	ssyncset.done $0x0  }
0x15a: {  	s24 =	rddreg [dreg:$0x14];
	[sflag:s26] =	ssyncadd.s32 $0xFFFFE000  }
0x15b: {  	[hbm4b:s24+s3] =	stream.linear.scatter [tilespmem:s25], [sflag:$0x2], $0x2000, $0x38;
	[tilespmem:$0x1E200] =	vst v63  }
0x15c: {  	_ =	swait.ge [sflag:s26], $0x2000  }
0x15d: {  	[sflag:s26] =	ssyncset.done $0x0  }
0x15e: {  	[sflag:s26] =	ssyncadd.s32 $0xFFFFE000  }
0x15f: {  	[tilespmem:s25], [sflag:$0x2] =	stream.linear.gather [spmem:s14], $0x2000, $0x38;
	[tilespmem:$0x1E200] =	vst v63  }
0x160: {  	_ =	swait.ge [sflag:s26], $0x2000  }
0x161: {  	[sflag:s26] =	ssyncset.done $0x0  }
0x162: {  	s20 =	rddreg [dreg:$0x16];
	[sflag:s26] =	ssyncadd.s32 $0xFFFFE000  }
0x163: {  	[hbm4b:s20+s3] =	stream.linear.scatter [tilespmem:s25], [sflag:$0x2], $0x2000, $0x38;
	[tilespmem:$0x1E200] =	vst v63  }
0x164: {  	_ =	swait.ge [sflag:s26], $0x2000  }
0x165: {  	[sflag:s26] =	ssyncset.done $0x0  }
0x166: {  	[sflag:s26] =	ssyncadd.s32 $0xFFFFE000  }
0x167: {  	[tilespmem:s25], [sflag:$0x2] =	stream.linear.gather [spmem:s15], $0x2000, $0x38;
	[tilespmem:$0x1E200] =	vst v63  }
0x168: {  	_ =	swait.ge [sflag:s26], $0x2000  }
0x169: {  	[sflag:s26] =	ssyncset.done $0x0  }
0x16a: {  	s21 =	rddreg [dreg:$0x18];
	[sflag:s26] =	ssyncadd.s32 $0xFFFFE000  }
0x16b: {  	[hbm4b:s21+s3] =	stream.linear.scatter [tilespmem:s25], [sflag:$0x2], $0x2000, $0x38;
	[tilespmem:$0x1E200] =	vst v63  }
0x16c: {  	_ =	swait.ge [sflag:s26], $0x2000  }
0x16d: {  	[sflag:s26] =	ssyncset.done $0x0  }
0x16e: {  	[sflag:s26] =	ssyncadd.s32 $0xFFFFE000  }
0x16f: {  	[bflag:$0x0] =	sbarrier.arrive $0xFFFF  }
0x170: {  	s23 =	rddreg [dreg:$0x19]  }
0x171: {  	[tilespmem:s25], [sflag:$0x2] =	stream.linear.gather [hbm4b:s23+s3], $0x2000, $0x38;
	[tilespmem:$0x1E200] =	vst v63  }
0x172: {  	_ =	swait.ge [sflag:s26], $0x2000  }
0x173: {  	[sflag:s26] =	ssyncset.done $0x0  }
0x174: {  	[sflag:s26] =	ssyncadd.s32 $0xFFFFE000  }
0x175: {  	[spmem:s6] =	stream.linear.scatter [tilespmem:s25], [sflag:$0x2], $0x2000, $0x38;
	[tilespmem:$0x1E200] =	vst v63  }
0x176: {  	_ =	swait.ge [sflag:s26], $0x2000  }
0x177: {  	[sflag:s26] =	ssyncset.done $0x0  }
0x178: {  	s24 =	rddreg [dreg:$0x1b];
	[sflag:s26] =	ssyncadd.s32 $0xFFFFE000  }
0x179: {  	[tilespmem:s25], [sflag:$0x2] =	stream.linear.gather [hbm4b:s24+s3], $0x2000, $0x38;
	[tilespmem:$0x1E200] =	vst v63  }
0x17a: {  	_ =	swait.ge [sflag:s26], $0x2000  }
0x17b: {  	[sflag:s26] =	ssyncset.done $0x0  }
0x17c: {  	[sflag:s26] =	ssyncadd.s32 $0xFFFFE000  }
0x17d: {  	[spmem:s7] =	stream.linear.scatter [tilespmem:s25], [sflag:$0x2], $0x2000, $0x38;
	[tilespmem:$0x1E200] =	vst v63  }
0x17e: {  	_ =	swait.ge [sflag:s26], $0x2000  }
0x17f: {  	[sflag:s26] =	ssyncset.done $0x0  }
0x180: {  	s20 =	rddreg [dreg:$0x1d];
	[sflag:s26] =	ssyncadd.s32 $0xFFFFE000  }
0x181: {  	[tilespmem:s25], [sflag:$0x2] =	stream.linear.gather [hbm4b:s20+s3], $0x2000, $0x38;
	[tilespmem:$0x1E200] =	vst v63  }
0x182: {  	_ =	swait.ge [sflag:s26], $0x2000  }
0x183: {  	[sflag:s26] =	ssyncset.done $0x0  }
0x184: {  	[sflag:s26] =	ssyncadd.s32 $0xFFFFE000  }
0x185: {  	[spmem:s8] =	stream.linear.scatter [tilespmem:s25], [sflag:$0x2], $0x2000, $0x38;
	[tilespmem:$0x1E200] =	vst v63  }
0x186: {  	_ =	swait.ge [sflag:s26], $0x2000  }
0x187: {  	[sflag:s26] =	ssyncset.done $0x0  }
0x188: {  	s21 =	rddreg [dreg:$0x1f];
	[sflag:s26] =	ssyncadd.s32 $0xFFFFE000  }
0x189: {  	[tilespmem:s25], [sflag:$0x2] =	stream.linear.gather [hbm4b:s21+s3], $0x2000, $0x38;
	[tilespmem:$0x1E200] =	vst v63  }
0x18a: {  	_ =	swait.ge [sflag:s26], $0x2000  }
0x18b: {  	[sflag:s26] =	ssyncset.done $0x0  }
0x18c: {  	[sflag:s26] =	ssyncadd.s32 $0xFFFFE000  }
0x18d: {  	[spmem:s9] =	stream.linear.scatter [tilespmem:s25], [sflag:$0x2], $0x2000, $0x38;
	[tilespmem:$0x1E200] =	vst v63  }
0x18e: {  	_ =	swait.ge [sflag:s26], $0x2000  }
0x18f: {  	s23 =	sld [smem:$0x7EF]  }
0x190: {  	[sflag:s26] =	ssyncset.done $0x0  }
0x191: {  	[sflag:s26] =	ssyncadd.s32 $0xFFFFE000  }
0x192: {  	[tilespmem:s25], [sflag:$0x2] =	stream.linear.gather [hbm4b:s23+s3], $0x2000, $0x38;
	[tilespmem:$0x1E200] =	vst v63  }
0x193: {  	_ =	swait.ge [sflag:s26], $0x2000  }
0x194: {  	[sflag:s26] =	ssyncset.done $0x0  }
0x195: {  	[sflag:s26] =	ssyncadd.s32 $0xFFFFE000  }
0x196: {  	[spmem:s10] =	stream.linear.scatter [tilespmem:s25], [sflag:$0x2], $0x2000, $0x38;
	[tilespmem:$0x1E200] =	vst v63  }
0x197: {  	_ =	swait.ge [sflag:s26], $0x2000  }
0x198: {  	s24 =	sld [smem:$0x7F1]  }
0x199: {  	[sflag:s26] =	ssyncset.done $0x0  }
0x19a: {  	[sflag:s26] =	ssyncadd.s32 $0xFFFFE000  }
0x19b: {  	[tilespmem:s25], [sflag:$0x2] =	stream.linear.gather [hbm4b:s24+s3], $0x2000, $0x38;
	[tilespmem:$0x1E200] =	vst v63  }
0x19c: {  	_ =	swait.ge [sflag:s26], $0x2000  }
0x19d: {  	[sflag:s26] =	ssyncset.done $0x0  }
0x19e: {  	[sflag:s26] =	ssyncadd.s32 $0xFFFFE000  }
0x19f: {  	[spmem:s11] =	stream.linear.scatter [tilespmem:s25], [sflag:$0x2], $0x2000, $0x38;
	[tilespmem:$0x1E200] =	vst v63  }
0x1a0: {  	_ =	swait.ge [sflag:s26], $0x2000  }
0x1a1: {  	s20 =	sld [smem:$0x7F3]  }
0x1a2: {  	[sflag:s26] =	ssyncset.done $0x0  }
0x1a3: {  	[sflag:s26] =	ssyncadd.s32 $0xFFFFE000  }
0x1a4: {  	[tilespmem:s25], [sflag:$0x2] =	stream.linear.gather [hbm4b:s20+s3], $0x2000, $0x38;
	[tilespmem:$0x1E200] =	vst v63  }
0x1a5: {  	_ =	swait.ge [sflag:s26], $0x2000  }
0x1a6: {  	[sflag:s26] =	ssyncset.done $0x0  }
0x1a7: {  	[sflag:s26] =	ssyncadd.s32 $0xFFFFE000  }
0x1a8: {  	[spmem:s12] =	stream.linear.scatter [tilespmem:s25], [sflag:$0x2], $0x2000, $0x38;
	[tilespmem:$0x1E200] =	vst v63  }
0x1a9: {  	_ =	swait.ge [sflag:s26], $0x2000  }
0x1aa: {  	s21 =	sld [smem:$0x7F5]  }
0x1ab: {  	[sflag:s26] =	ssyncset.done $0x0  }
0x1ac: {  	[sflag:s26] =	ssyncadd.s32 $0xFFFFE000  }
0x1ad: {  	[tilespmem:s25], [sflag:$0x2] =	stream.linear.gather [hbm4b:s21+s3], $0x2000, $0x38;
	[tilespmem:$0x1E200] =	vst v63  }
0x1ae: {  	_ =	swait.ge [sflag:s26], $0x2000  }
0x1af: {  	[sflag:s26] =	ssyncset.done $0x0  }
0x1b0: {  	[sflag:s26] =	ssyncadd.s32 $0xFFFFE000  }
0x1b1: {  	[spmem:s13] =	stream.linear.scatter [tilespmem:s25], [sflag:$0x2], $0x2000, $0x38;
	[tilespmem:$0x1E200] =	vst v63  }
0x1b2: {  	_ =	swait.ge [sflag:s26], $0x2000  }
0x1b3: {  	s23 =	sld [smem:$0x7F7]  }
0x1b4: {  	[sflag:s26] =	ssyncset.done $0x0  }
0x1b5: {  	[sflag:s26] =	ssyncadd.s32 $0xFFFFE000  }
0x1b6: {  	[tilespmem:s25], [sflag:$0x2] =	stream.linear.gather [hbm4b:s23+s3], $0x2000, $0x38;
	[tilespmem:$0x1E200] =	vst v63  }
0x1b7: {  	_ =	swait.ge [sflag:s26], $0x2000  }
0x1b8: {  	[sflag:s26] =	ssyncset.done $0x0  }
0x1b9: {  	[sflag:s26] =	ssyncadd.s32 $0xFFFFE000  }
0x1ba: {  	[spmem:s14] =	stream.linear.scatter [tilespmem:s25], [sflag:$0x2], $0x2000, $0x38;
	[tilespmem:$0x1E200] =	vst v63  }
0x1bb: {  	_ =	swait.ge [sflag:s26], $0x2000  }
0x1bc: {  	s24 =	sld [smem:$0x7FA]  }
0x1bd: {  	[sflag:s26] =	ssyncset.done $0x0  }
0x1be: {  	[sflag:s26] =	ssyncadd.s32 $0xFFFFE000  }
0x1bf: {  	[tilespmem:s25], [sflag:$0x2] =	stream.linear.gather [hbm4b:s24+s3], $0x2000, $0x38;
	[tilespmem:$0x1E200] =	vst v63  }
0x1c0: {  	_ =	swait.ge [sflag:s26], $0x2000  }
0x1c1: {  	[sflag:s26] =	ssyncset.done $0x0  }
0x1c2: {  	[sflag:s26] =	ssyncadd.s32 $0xFFFFE000  }
0x1c3: {  	[spmem:s15] =	stream.linear.scatter [tilespmem:s25], [sflag:$0x2], $0x2000, $0x38;
	[tilespmem:$0x1E200] =	vst v63  }
.Ltmp3:
0x1c4: {  	_ =	swait.ge [sflag:s26], $0x2000;
	(pc) =	sbr.rel @!p1 .LBB2_9-.Ltmp3, $4  }
0x1c5: {  	[sflag:s26] =	ssyncset.done $0x0  }
0x1c6: {  	[sflag:s26] =	ssyncadd.s32 $0xFFFFE000  }
0x1c7: {  	[bflag:$0x0] =	sbarrier.arrive $0xFFFF  }
0x1c8: {  	s19 =	smov.u32 s22;
	s20 =	smov.u32 s5  }
0x1c9: {  	[tilespmem:s28], [sflag:$0x2] =	stream.linear.gather [hbm4b:s5+s3], $0x100, $0x38;
	[tilespmem:$0x1E200] =	vst v63  }
0x1ca: {  	_ =	swait.ge [sflag:s26], $0x100  }
0x1cb: {  	[sflag:s26] =	ssyncset.done $0x0  }
0x1cc: {  	[sflag:s26] =	ssyncadd.s32 $0xFFFFFF00  }
0x1cd: {  	[tilespmem:s29], [sflag:$0x2] =	stream.linear.gather [hbm4b:s22+s3], $0x100, $0x38;
	[tilespmem:$0x1E200] =	vst v63  }
0x1ce: {  	_ =	swait.ge [sflag:s26], $0x100  }
0x1cf: {  	[sflag:s26] =	ssyncset.done $0x0  }
0x1d0: {  	p1 =	sne.s32 s18, $0x1;
	[sflag:s26] =	ssyncadd.s32 $0xFFFFFF00  }
.Ltmp4:
0x1d1: {  	v4 =	vld [tilespmem:$0x1E010];
	(pc) =	sbr.rel @!p1 .LBB2_6-.Ltmp4, $4  }
0x1d2: {  	v5 =	vld [tilespmem:$0x1E020]  }
0x1d3: {  	v6 =	vld [tilespmem:$0x1E060]  }
0x1d4: {  	s18 =	sadd.s32 $0xFFFFFFFF, s18;
	v3 =	vld [tilespmem:$0x1E070]  }
0x1d5: {  	p0 =	por $0x1, $0x1;
	s19 =	smov.u32 s16;
	s20 =	smov.u32 s17;
	v2 =	vld [tilespmem:$0x1E000]  }
.LBB2_7:
0x1d6: {  	p1 =	sne.s32 s18, $0x1;
	s19 =	sadd.s32 $0x20, s19;
	s20 =	sadd.s32 $0x20, s20;
	v7 =	vld [tilespmem:$0x1E0A0]  }
0x1d7: {  	s18 =	sadd.s32 $0xFFFFFFFF, s18;
	v8 =	vld [tilespmem:$0x1E030]  }
0x1d8: {  	v6 =	vadd.s32 v1, v6;
	v9 =	vld [tilespmem:$0x1E0C0]  }
0x1d9: {  	v5 =	vadd.s32 v1, v5;
	[tilespmem:$0x1E060] =	vst v6;
	v3 =	vadd.s32 v1, v3;
	v6 =	vld [tilespmem:$0x1E0F0]  }
0x1da: {  	v4 =	vadd.s32 v1, v4;
	[tilespmem:$0x1E020] =	vst v5;
	v5 =	vld [tilespmem:$0x1E0B0]  }
0x1db: {  	[tilespmem:$0x1E010] =	vst v4;
	v4 =	vadd.s32 v1, v7;
	v7 =	vld [tilespmem:$0x1E0D0]  }
0x1dc: {  	v8 =	vadd.s32 v1, v8;
	v10 =	vld [tilespmem:$0x1E080];
	[tilespmem:$0x1E0A0] =	vst v4  }
0x1dd: {  	[tilespmem:$0x1E030] =	vst v8;
	v4 =	vld [tilespmem:$0x1E090];
	v8 =	vadd.s32 v1, v9  }
0x1de: {  	[tilespmem:$0x1E0C0] =	vst v8;
	v8 =	vld [tilespmem:$0x1E0E0];
	v6 =	vadd.s32 v1, v6  }
0x1df: {  	v9 =	vld [tilespmem:$0x1E050];
	v5 =	vadd.s32 v1, v5;
	[tilespmem:$0x1E0F0] =	vst v6  }
0x1e0: {  	v2 =	vadd.s32 v1, v2;
	v6 =	vld [tilespmem:$0x1E040];
	[tilespmem:$0x1E0B0] =	vst v5;
	v5 =	vadd.s32 v1, v7  }
0x1e1: {  	[tilespmem:$0x1E070] =	vst v3;
	v3 =	vadd.s32 v1, v10  }
0x1e2: {  	[tilespmem:$0x1E080] =	vst v3;
	v3 =	vadd.s32 v1, v4  }
0x1e3: {  	[tilespmem:$0x1E090] =	vst v3;
	v3 =	vadd.s32 v1, v8  }
0x1e4: {  	[tilespmem:$0x1E000] =	vst v2;
	v2 =	vadd.s32 v1, v9  }
0x1e5: {  	v4 =	vadd.s32 v1, v6;
	[tilespmem:$0x1E050] =	vst v2  }
0x1e6: {  	[tilespmem:$0x1E0E0] =	vst v3  }
0x1e7: {  	[tilespmem:$0x1E040] =	vst v4  }
0x1e8: {  	[tilespmem:$0x1E0D0] =	vst v5  }
0x1e9: {  	[tilespmem:s31], [sflag:$0x1] =	stream.indirect.gather [hbm4b:s4+s30], $0x80, s28, s30, $0xb8;
	[tilespmem:$0x1E200] =	vst v63  }
0x1ea: {  	_ =	swait.ge [sflag:s0], $0x8000  }
0x1eb: {  	[sflag:s0] =	ssyncset.done $0x0  }
0x1ec: {  	[sflag:s0] =	ssyncadd.s32 $0xFFFF8000  }
0x1ed: {  	[spmem:s2] =	stream.indirect.scatter.add.f32 [tilespmem:s31], [sflag:$0x2], $0x80, s29, s30, $0xb8;
	[tilespmem:$0x1E200] =	vst v63  }
0x1ee: {  	_ =	swait.ge [sflag:s26], $0x8000  }
0x1ef: {  	[sflag:s26] =	ssyncset.done $0x0  }
0x1f0: {  	[sflag:s26] =	ssyncadd.s32 $0xFFFF8000  }
0x1f1: {  	[tilespmem:s28], [sflag:$0x2] =	stream.linear.gather [hbm4b:s17+s3], $0x100, $0x38;
	[tilespmem:$0x1E200] =	vst v63  }
0x1f2: {  	s17 =	smov.u32 s20;
	_ =	swait.ge [sflag:s26], $0x100  }
0x1f3: {  	[sflag:s26] =	ssyncset.done $0x0  }
0x1f4: {  	[sflag:s26] =	ssyncadd.s32 $0xFFFFFF00  }
0x1f5: {  	[tilespmem:s29], [sflag:$0x2] =	stream.linear.gather [hbm4b:s16+s3], $0x100, $0x38;
	[tilespmem:$0x1E200] =	vst v63  }
0x1f6: {  	s16 =	smov.u32 s19;
	_ =	swait.ge [sflag:s26], $0x100  }
0x1f7: {  	[sflag:s26] =	ssyncset.done $0x0  }
0x1f8: {  	[sflag:s26] =	ssyncadd.s32 $0xFFFFFF00  }
.Ltmp5:
0x1f9: {  	v4 =	vld [tilespmem:$0x1E010];
	(pc) =	sbr.rel @p1 .LBB2_7-.Ltmp5, $4  }
0x1fa: {  	v5 =	vld [tilespmem:$0x1E020]  }
0x1fb: {  	v6 =	vld [tilespmem:$0x1E060]  }
0x1fc: {  	v3 =	vld [tilespmem:$0x1E070]  }
0x1fd: {  	v2 =	vld [tilespmem:$0x1E000]  }
0x1fe: {  	s20 =	smov.u32 s17;
	s19 =	smov.u32 s16  }
.LBB2_9:
0x1ff: {  	v7 =	vld @p0 [tilespmem:$0x1E0A0]  }
0x200: {  	v8 =	vld @p0 [tilespmem:$0x1E030];
	v5 =	vadd.s32 @p0 v1, v5  }
0x201: {  	v9 =	vld @p0 [tilespmem:$0x1E0C0];
	v6 =	vadd.s32 @p0 v1, v6;
	[tilespmem:$0x1E020] =	vst @p0 v5  }
0x202: {  	v4 =	vadd.s32 @p0 v1, v4;
	[tilespmem:$0x1E060] =	vst @p0 v6;
	v6 =	vld @p0 [tilespmem:$0x1E0F0]  }
0x203: {  	v5 =	vld @p0 [tilespmem:$0x1E0B0];
	[tilespmem:$0x1E010] =	vst @p0 v4;
	v3 =	vadd.s32 @p0 v1, v3  }
0x204: {  	[tilespmem:$0x1E070] =	vst @p0 v3;
	v4 =	vadd.s32 @p0 v1, v7  }
0x205: {  	v7 =	vadd.s32 @p0 v1, v8;
	v8 =	vld @p0 [tilespmem:$0x1E080];
	[tilespmem:$0x1E0A0] =	vst @p0 v4  }
0x206: {  	[tilespmem:$0x1E030] =	vst @p0 v7;
	v4 =	vld @p0 [tilespmem:$0x1E090];
	v7 =	vadd.s32 @p0 v1, v9  }
0x207: {  	[tilespmem:$0x1E0C0] =	vst @p0 v7;
	v6 =	vadd.s32 @p0 v1, v6;
	v7 =	vld @p0 [tilespmem:$0x1E050]  }
0x208: {  	v5 =	vadd.s32 @p0 v1, v5;
	[tilespmem:$0x1E0F0] =	vst @p0 v6;
	v6 =	vld @p0 [tilespmem:$0x1E0E0]  }
0x209: {  	v2 =	vadd.s32 @p0 v1, v2;
	[tilespmem:$0x1E0B0] =	vst @p0 v5;
	v5 =	vld @p0 [tilespmem:$0x1E040]  }
0x20a: {  	[tilespmem:$0x1E000] =	vst @p0 v2;
	v3 =	vadd.s32 @p0 v1, v8;
	v8 =	vld @p0 [tilespmem:$0x1E0D0]  }
0x20b: {  	[tilespmem:$0x1E080] =	vst @p0 v3;
	v3 =	vadd.s32 @p0 v1, v4  }
0x20c: {  	[tilespmem:$0x1E090] =	vst @p0 v3;
	v2 =	vadd.s32 @p0 v1, v7  }
0x20d: {  	v3 =	vadd.s32 @p0 v1, v6;
	[tilespmem:$0x1E050] =	vst @p0 v2  }
0x20e: {  	v2 =	vadd.s32 @p0 v1, v5;
	[tilespmem:$0x1E0E0] =	vst @p0 v3  }
0x20f: {  	[tilespmem:$0x1E040] =	vst @p0 v2;
	v3 =	vadd.s32 @p0 v1, v8  }
0x210: {  	[tilespmem:$0x1E0D0] =	vst @p0 v3  }
0x211: {  	[tilespmem:s31], [sflag:$0x1] =	stream.indirect.gather @p0 [hbm4b:s4+s30], $0x80, s28, s30, $0xb8;
	[tilespmem:$0x1E200] =	vst v63  }
0x212: {  	_ =	swait.ge @p0 [sflag:s0], $0x8000  }
0x213: {  	[sflag:s0] =	ssyncset.done @p0 $0x0  }
0x214: {  	[sflag:s0] =	ssyncadd.s32 @p0 $0xFFFF8000  }
0x215: {  	[spmem:s2] =	stream.indirect.scatter.add.f32 @p0 [tilespmem:s31], [sflag:$0x2], $0x80, s29, s30, $0xb8;
	[tilespmem:$0x1E200] =	vst v63  }
0x216: {  	_ =	swait.ge @p0 [sflag:s26], $0x8000  }
0x217: {  	[sflag:s26] =	ssyncset.done @p0 $0x0  }
0x218: {  	[sflag:s26] =	ssyncadd.s32 @p0 $0xFFFF8000  }
0x219: {  	[tilespmem:s28], [sflag:$0x2] =	stream.linear.gather [hbm4b:s20+s3], $0x100, $0x38;
	[tilespmem:$0x1E200] =	vst v63  }
0x21a: {  	_ =	swait.ge [sflag:s26], $0x100  }
0x21b: {  	[sflag:s26] =	ssyncset.done $0x0  }
0x21c: {  	[sflag:s26] =	ssyncadd.s32 $0xFFFFFF00  }
0x21d: {  	[tilespmem:s29], [sflag:$0x2] =	stream.linear.gather [hbm4b:s19+s3], $0x100, $0x38;
	[tilespmem:$0x1E200] =	vst v63  }
0x21e: {  	_ =	swait.ge [sflag:s26], $0x100  }
0x21f: {  	[sflag:s26] =	ssyncset.done $0x0  }
0x220: {  	[sflag:s26] =	ssyncadd.s32 $0xFFFFFF00  }
0x221: {  	v2 =	vld [tilespmem:$0x1E060]  }
0x222: {  	v3 =	vld [tilespmem:$0x1E020]  }
0x223: {  	v48 =	vld [tilespmem:$0x1E010]  }
0x224: {  	v49 =	vld [tilespmem:$0x1E0A0]  }
0x225: {  	v50 =	vld [tilespmem:$0x1E030]  }
0x226: {  	v51 =	vld [tilespmem:$0x1E0C0];
	v2 =	vadd.s32 v1, v2  }
0x227: {  	v58 =	vld [tilespmem:$0x1E000];
	v3 =	vadd.s32 v1, v3;
	[tilespmem:$0x1E060] =	vst v2  }
0x228: {  	v60 =	vld [tilespmem:$0x1E0E0];
	v4 =	vadd.s32 v1, v48;
	[tilespmem:$0x1E020] =	vst v3  }
0x229: {  	v53 =	vadd.s32 v1, v49;
	v3 =	vld [tilespmem:$0x1E0B0];
	[tilespmem:$0x1E010] =	vst v4  }
0x22a: {  	v54 =	vadd.s32 v1, v50;
	v2 =	vld [tilespmem:$0x1E0F0];
	[tilespmem:$0x1E0A0] =	vst v53  }
0x22b: {  	v52 =	vld [tilespmem:$0x1E070];
	v57 =	vadd.s32 v1, v51;
	[tilespmem:$0x1E030] =	vst v54  }
0x22c: {  	v55 =	vld [tilespmem:$0x1E080];
	v62 =	vadd.s32 v1, v58;
	[tilespmem:$0x1E0C0] =	vst v57  }
0x22d: {  	v56 =	vld [tilespmem:$0x1E090];
	v63 =	vadd.s32 v1, v60;
	[tilespmem:$0x1E000] =	vst v62  }
0x22e: {  	v59 =	vld [tilespmem:$0x1E050];
	[tilespmem:$0x1E0E0] =	vst v63;
	v3 =	vadd.s32 v1, v3  }
0x22f: {  	v2 =	vadd.s32 v1, v2;
	[tilespmem:$0x1E0B0] =	vst v3;
	v3 =	vld [tilespmem:$0x1E040]  }
0x230: {  	v61 =	vld [tilespmem:$0x1E0D0];
	[tilespmem:$0x1E0F0] =	vst v2;
	v2 =	vadd.s32 v1, v52  }
0x231: {  	[tilespmem:$0x1E070] =	vst v2;
	v2 =	vadd.s32 v1, v55  }
0x232: {  	[tilespmem:$0x1E080] =	vst v2;
	v2 =	vadd.s32 v1, v56  }
0x233: {  	[tilespmem:$0x1E090] =	vst v2;
	v2 =	vadd.s32 v1, v59  }
0x234: {  	[tilespmem:$0x1E050] =	vst v2;
	v2 =	vadd.s32 v1, v3  }
0x235: {  	v3 =	vadd.s32 v1, v61;
	[tilespmem:$0x1E040] =	vst v2  }
0x236: {  	[tilespmem:$0x1E0D0] =	vst v3  }
0x237: {  	[tilespmem:s31], [sflag:$0x1] =	stream.indirect.gather [hbm4b:s4+s30], $0x80, s28, s30, $0xb8;
	[tilespmem:$0x1E200] =	vst v63  }
0x238: {  	_ =	swait.ge [sflag:s0], $0x8000  }
0x239: {  	[sflag:s0] =	ssyncset.done $0x0  }
0x23a: {  	[sflag:s0] =	ssyncadd.s32 $0xFFFF8000  }
0x23b: {  	[spmem:s2] =	stream.indirect.scatter.add.f32 [tilespmem:s31], [sflag:$0x2], $0x80, s29, s30, $0xb8;
	[tilespmem:$0x1E200] =	vst v63  }
0x23c: {  	_ =	swait.ge [sflag:s26], $0x8000  }
0x23d: {  	[sflag:s26] =	ssyncset.done $0x0  }
0x23e: {  	[sflag:s26] =	ssyncadd.s32 $0xFFFF8000  }
0x23f: {  	[bflag:$0x0] =	sbarrier.arrive $0xFFFF  }
0x240: {  	[tilespmem:s25], [sflag:$0x2] =	stream.linear.gather [spmem:s6], $0x2000, $0x38;
	[tilespmem:$0x1E200] =	vst v63  }
0x241: {  	_ =	swait.ge [sflag:s26], $0x2000  }
0x242: {  	[sflag:s26] =	ssyncset.done $0x0  }
0x243: {  	s16 =	rddreg [dreg:$0x1a];
	[sflag:s26] =	ssyncadd.s32 $0xFFFFE000  }
0x244: {  	[hbm4b:s16+s3] =	stream.linear.scatter [tilespmem:s25], [sflag:$0x2], $0x2000, $0x38;
	[tilespmem:$0x1E200] =	vst v63  }
0x245: {  	_ =	swait.ge [sflag:s26], $0x2000  }
0x246: {  	[sflag:s26] =	ssyncset.done $0x0  }
0x247: {  	[sflag:s26] =	ssyncadd.s32 $0xFFFFE000  }
0x248: {  	[tilespmem:s25], [sflag:$0x2] =	stream.linear.gather [spmem:s7], $0x2000, $0x38;
	[tilespmem:$0x1E200] =	vst v63  }
0x249: {  	_ =	swait.ge [sflag:s26], $0x2000  }
0x24a: {  	[sflag:s26] =	ssyncset.done $0x0  }
0x24b: {  	s21 =	rddreg [dreg:$0x1c];
	[sflag:s26] =	ssyncadd.s32 $0xFFFFE000  }
0x24c: {  	[hbm4b:s21+s3] =	stream.linear.scatter [tilespmem:s25], [sflag:$0x2], $0x2000, $0x38;
	[tilespmem:$0x1E200] =	vst v63  }
0x24d: {  	_ =	swait.ge [sflag:s26], $0x2000  }
0x24e: {  	[sflag:s26] =	ssyncset.done $0x0  }
0x24f: {  	[sflag:s26] =	ssyncadd.s32 $0xFFFFE000  }
0x250: {  	[tilespmem:s25], [sflag:$0x2] =	stream.linear.gather [spmem:s8], $0x2000, $0x38;
	[tilespmem:$0x1E200] =	vst v63  }
0x251: {  	_ =	swait.ge [sflag:s26], $0x2000  }
0x252: {  	[sflag:s26] =	ssyncset.done $0x0  }
0x253: {  	s23 =	rddreg [dreg:$0x1e];
	[sflag:s26] =	ssyncadd.s32 $0xFFFFE000  }
0x254: {  	[hbm4b:s23+s3] =	stream.linear.scatter [tilespmem:s25], [sflag:$0x2], $0x2000, $0x38;
	[tilespmem:$0x1E200] =	vst v63  }
0x255: {  	_ =	swait.ge [sflag:s26], $0x2000  }
0x256: {  	[sflag:s26] =	ssyncset.done $0x0  }
0x257: {  	[sflag:s26] =	ssyncadd.s32 $0xFFFFE000  }
0x258: {  	[tilespmem:s25], [sflag:$0x2] =	stream.linear.gather [spmem:s9], $0x2000, $0x38;
	[tilespmem:$0x1E200] =	vst v63  }
0x259: {  	_ =	swait.ge [sflag:s26], $0x2000  }
0x25a: {  	s24 =	sld [smem:$0x7EE]  }
0x25b: {  	[sflag:s26] =	ssyncset.done $0x0  }
0x25c: {  	[sflag:s26] =	ssyncadd.s32 $0xFFFFE000  }
0x25d: {  	[hbm4b:s24+s3] =	stream.linear.scatter [tilespmem:s25], [sflag:$0x2], $0x2000, $0x38;
	[tilespmem:$0x1E200] =	vst v63  }
0x25e: {  	_ =	swait.ge [sflag:s26], $0x2000  }
0x25f: {  	[sflag:s26] =	ssyncset.done $0x0  }
0x260: {  	[sflag:s26] =	ssyncadd.s32 $0xFFFFE000  }
0x261: {  	[tilespmem:s25], [sflag:$0x2] =	stream.linear.gather [spmem:s10], $0x2000, $0x38;
	[tilespmem:$0x1E200] =	vst v63  }
0x262: {  	_ =	swait.ge [sflag:s26], $0x2000  }
0x263: {  	s17 =	sld [smem:$0x7F0]  }
0x264: {  	[sflag:s26] =	ssyncset.done $0x0  }
0x265: {  	[sflag:s26] =	ssyncadd.s32 $0xFFFFE000  }
0x266: {  	[hbm4b:s17+s3] =	stream.linear.scatter [tilespmem:s25], [sflag:$0x2], $0x2000, $0x38;
	[tilespmem:$0x1E200] =	vst v63  }
0x267: {  	_ =	swait.ge [sflag:s26], $0x2000  }
0x268: {  	[sflag:s26] =	ssyncset.done $0x0  }
0x269: {  	[sflag:s26] =	ssyncadd.s32 $0xFFFFE000  }
0x26a: {  	[tilespmem:s25], [sflag:$0x2] =	stream.linear.gather [spmem:s11], $0x2000, $0x38;
	[tilespmem:$0x1E200] =	vst v63  }
0x26b: {  	_ =	swait.ge [sflag:s26], $0x2000  }
0x26c: {  	s18 =	sld [smem:$0x7F2]  }
0x26d: {  	[sflag:s26] =	ssyncset.done $0x0  }
0x26e: {  	[sflag:s26] =	ssyncadd.s32 $0xFFFFE000  }
0x26f: {  	[hbm4b:s18+s3] =	stream.linear.scatter [tilespmem:s25], [sflag:$0x2], $0x2000, $0x38;
	[tilespmem:$0x1E200] =	vst v63  }
0x270: {  	_ =	swait.ge [sflag:s26], $0x2000  }
0x271: {  	[sflag:s26] =	ssyncset.done $0x0  }
0x272: {  	[sflag:s26] =	ssyncadd.s32 $0xFFFFE000  }
0x273: {  	[tilespmem:s25], [sflag:$0x2] =	stream.linear.gather [spmem:s12], $0x2000, $0x38;
	[tilespmem:$0x1E200] =	vst v63  }
0x274: {  	_ =	swait.ge [sflag:s26], $0x2000  }
0x275: {  	s19 =	sld [smem:$0x7F4]  }
0x276: {  	[sflag:s26] =	ssyncset.done $0x0  }
0x277: {  	[sflag:s26] =	ssyncadd.s32 $0xFFFFE000  }
0x278: {  	[hbm4b:s19+s3] =	stream.linear.scatter [tilespmem:s25], [sflag:$0x2], $0x2000, $0x38;
	[tilespmem:$0x1E200] =	vst v63  }
0x279: {  	_ =	swait.ge [sflag:s26], $0x2000  }
0x27a: {  	[sflag:s26] =	ssyncset.done $0x0  }
0x27b: {  	[sflag:s26] =	ssyncadd.s32 $0xFFFFE000  }
0x27c: {  	[tilespmem:s25], [sflag:$0x2] =	stream.linear.gather [spmem:s13], $0x2000, $0x38;
	[tilespmem:$0x1E200] =	vst v63  }
0x27d: {  	_ =	swait.ge [sflag:s26], $0x2000  }
0x27e: {  	s20 =	sld [smem:$0x7F6]  }
0x27f: {  	[sflag:s26] =	ssyncset.done $0x0  }
0x280: {  	[sflag:s26] =	ssyncadd.s32 $0xFFFFE000  }
0x281: {  	[hbm4b:s20+s3] =	stream.linear.scatter [tilespmem:s25], [sflag:$0x2], $0x2000, $0x38;
	[tilespmem:$0x1E200] =	vst v63  }
0x282: {  	_ =	swait.ge [sflag:s26], $0x2000  }
0x283: {  	[sflag:s26] =	ssyncset.done $0x0  }
0x284: {  	[sflag:s26] =	ssyncadd.s32 $0xFFFFE000  }
0x285: {  	[tilespmem:s25], [sflag:$0x2] =	stream.linear.gather [spmem:s14], $0x2000, $0x38;
	[tilespmem:$0x1E200] =	vst v63  }
0x286: {  	_ =	swait.ge [sflag:s26], $0x2000  }
0x287: {  	s21 =	sld [smem:$0x7F8]  }
0x288: {  	[sflag:s26] =	ssyncset.done $0x0  }
0x289: {  	[sflag:s26] =	ssyncadd.s32 $0xFFFFE000  }
0x28a: {  	[hbm4b:s21+s3] =	stream.linear.scatter [tilespmem:s25], [sflag:$0x2], $0x2000, $0x38;
	[tilespmem:$0x1E200] =	vst v63  }
0x28b: {  	_ =	swait.ge [sflag:s26], $0x2000  }
0x28c: {  	[sflag:s26] =	ssyncset.done $0x0  }
0x28d: {  	[sflag:s26] =	ssyncadd.s32 $0xFFFFE000  }
0x28e: {  	[tilespmem:s25], [sflag:$0x2] =	stream.linear.gather [spmem:s15], $0x2000, $0x38;
	[tilespmem:$0x1E200] =	vst v63  }
0x28f: {  	_ =	swait.ge [sflag:s26], $0x2000  }
0x290: {  	s23 =	sld [smem:$0x7F9]  }
0x291: {  	[sflag:s26] =	ssyncset.done $0x0  }
0x292: {  	[sflag:s26] =	ssyncadd.s32 $0xFFFFE000  }
0x293: {  	[hbm4b:s23+s3] =	stream.linear.scatter [tilespmem:s25], [sflag:$0x2], $0x2000, $0x38;
	[tilespmem:$0x1E200] =	vst v63  }
0x294: {  	_ =	swait.ge [sflag:s26], $0x2000  }
0x295: {  	s24 =	sld [smem:$0x7FC];
	_ =	sdelay $0x1  }
0x296: {  	s1 =	sadd.s32 $0x1, s1  }
0x297: {  	p0 =	sne.s32 s1, s24  }
.Ltmp6:
0x298: {  	_ = 	snop;
	(pc) =	sbr.rel @p0 .LBB2_1-.Ltmp6, $4  }
.Ltmp7:
0x299: {  	[sflag:s26] =	ssyncset.done $0x0;
	(pc) =	sbr.rel @!p0 .LBB2_10-.Ltmp7, $4  }
0x29a: {  	[sflag:s26] =	ssyncadd.s32 $0xFFFFE000  }
0x29b: {  	[bflag:$0x0] =	sbarrier.arrive $0xFFFF  }
0x29c: {  	_ = 	snop  }
0x29d: {  	_ = 	snop  }
.LBB2_6:
.Ltmp8:
0x29e: {  	(pc) =	sbr.rel .LBB2_9-.Ltmp8, $2  }
0x29f: {  	_ =	sdelay $0x2  }
0x2a0: {  	s20 =	smov.u32 s17;
	s19 =	smov.u32 s16  }
.LBB2_10:
0x2a1: {  	_ =	sfence.sel $0x180000  }
0x2a2: {  	[bflag:$0x0] =	sbarrier.arrive $0xFFFF  }
0x2a3: {  	_ =	strace $0x9000004A  }
0x2a4: {  	s0 =	stileid.u32;
	[bflag:$0x2] =	sbarrier.arrive $0xFFFF  }
0x2a5: {  	p0 =	sne.s32 s0, $0x0;
	s0 =	rddreg [dreg:$0x3]  }
0x2a6: {  	s0 =	sadd.s32 @!p0 $0x100000, s0  }
0x2a7: {  	[sflag:s0] =	ssyncadd.tile.s32 @!p0 $0x1;
	_ =	shalt  }
.Lfunc_end2:
_tile_overlayer_lowered:
.L_overlay_start_2:
0x2a8: {  	(tag) =	ssettag $0x2  }
0x2a9: {  	s0 =	rddreg [dreg:$0x0];
	s2 =	stileid.u32  }
0x2aa: {  	s1 =	rddreg [dreg:$0x1];
	p0 =	sne.s32 s2, $0x0  }
0x2ab: {  	s3 =	rddreg [dreg:$0x2];
	[bflag:$0x3] =	sbarrier.arrive $0xFFFF;
	s2 =	simm.s32 @!p0 $0x1C02  }
0x2ac: {  	[timem:s3], [sflag:s2] =	dma.local @!p0 [hbm:s0], s1  }
0x2ad: {  	s0 =	simm.s32 @!p0 $0x2  }
0x2ae: {  	_ =	swait.ge @!p0 [sflag:s0], s1  }
0x2af: {  	s1 =	ssub.s32 @!p0 $0x0, s1;
	[sflag:s0] =	ssyncset.done @!p0 $0x0  }
0x2b0: {  	[sflag:s0] =	ssyncadd.s32 @!p0 s1  }
0x2b1: {  	[bflag:$0x3] =	sbarrier.arrive $0xFFFF  }
0x2b2: {  	_ =	shalt  }

// kernel: kernel.15.cloned.1.call-start
scs
__scs_entry_jumppad:
0x0: {  	(pc) =	sbr.rel $0x88, $3  }
0x1: {  	(tag) =	ssettag $0x0;
	lr =	simm.s32 $0x1  }
0x2: {  	[smem:$0x3F8D] =	sst lr;
	_ =	strace $0xD0000000  }
0x3: {  	_ = 	snop  }
0x4: {  	_ = 	snop  }
0x5: {  	_ = 	snop  }
0x6: {  	_ = 	snop  }
0x7: {  	_ = 	snop  }
__scs_overlays_trampoline_lowered:
0x8: {  	[smem:$0x3F9C] =	sst s0  }
0x9: {  	[smem:$0x3F9D] =	sst s1  }
0xa: {  	[smem:$0x3F9E] =	sst s2  }
0xb: {  	[smem:$0x3F9F] =	sst s3  }
0xc: {  	[smem:$0x3FA0] =	sst s4  }
0xd: {  	[smem:$0x3FA1] =	sst s5  }
0xe: {  	[smem:$0x3FA2] =	sst s6  }
0xf: {  	[smem:$0x3FA3] =	sst s7  }
0x10: {  	[smem:$0x3FA4] =	sst s8  }
0x11: {  	[smem:$0x3FA5] =	sst s9;
	s0 =	simm.s32 @!p0 $0x0  }
0x12: {  	s1 =	sld [smem:$0x3F8B];
	s0 =	simm.s32 @p0 $0x1  }
0x13: {  	[smem:$0x3FA6] =	sst s0;
	s0 =	simm.s32 @!p1 $0x0  }
0x14: {  	s2 =	sld [smem:$0x3F8A];
	s0 =	simm.s32 @p1 $0x1  }
0x15: {  	[smem:$0x3FA7] =	sst s0;
	s0 =	simm.s32 @!p2 $0x0  }
0x16: {  	s3 =	sld [smem:$0x3FDB];
	s0 =	simm.s32 @p2 $0x1  }
0x17: {  	s4 =	simm.s32 $0x1BF5;
	[smem:$0x3FA9] =	sst s0  }
0x18: {  	s0 =	sld [smem:$0x3F8C];
	_ =	swait.ge [sflag:s4], $0x0  }
0x19: {  	s7 =	sld [smem:$0x3F8D]  }
0x1a: {  	s8 =	sadd.s32 $0xFFFFE003, lr  }
0x1b: {  	s9 =	sadd.s32 $0xFFFFFEF7, lr;
	s5 =	simm.s32 $0xFFFFFFFF;
	p2 =	slt.u32 s8, $0xFFFFF086  }
0x1c: {  	p1 =	slt.u32 s9, $0xF7A;
	s5 =	simm.s32 @!p2 $0x0  }
0x1d: {  	s5 =	simm.s32 @p1 $0x1;
	p0 =	seq.s32 s7, s2  }
0x1e: {  	s7 =	smul.u32 @!p0 $0xF7A, s2;
	p2 =	seq.s32 @!p0 s5, $0x0  }
0x1f: {  	s9 =	smul.u32 $0xF7A, s1;
	s8 =	simm.s32 @!p0 $0x1BF5;
	p2 =	por !p2, p0  }
0x20: {  	[sflag:s8] =	ssyncset.s32 @!p0 $0xFFFFF086;
	s6 =	sadd.s32 @!p0 s3, s7;
	s7 =	simm.s32 @!p0 $0x108  }
0x21: {  	s3 =	sadd.s32 s3, s9;
	s6 =	sadd.s32 @!p0 $0x88, s6;
	s7 =	simm.s32 @p2 $0x1082  }
0x22: {  	[simem:s7], [sflag:s8] =	dma.local @!p0 [hbm:s6], $0xF7A  }
0x23: {  	s9 =	sor.u32 $0xD0000000, s2;
	s6 =	simm.s32 $0x108;
	_ =	swait.ge @!p0 [sflag:s8], $0x0  }
0x24: {  	s3 =	sadd.s32 $0x88, s3;
	s6 =	simm.s32 @!p1 $0x1082;
	[sflag:s4] =	ssyncset.s32 $0xFFFFF086  }
0x25: {  	[simem:s6], [sflag:s4] =	dma.local [hbm:s3], $0xF7A  }
0x26: {  	[smem:$0x3F8D] =	sst s1;
	(tag) =	ssettag s2;
	_ =	strace s9  }
0x27: {  	s1 =	sld [smem:$0x3F9D]  }
0x28: {  	s2 =	sld [smem:$0x3F9E]  }
0x29: {  	s4 =	sld [smem:$0x3FA0]  }
0x2a: {  	p0 =	seq.s32 s5, $0x0;
	s5 =	sld [smem:$0x3FA1]  }
0x2b: {  	s6 =	sld [smem:$0x3FA2]  }
0x2c: {  	s7 =	sld [smem:$0x3FA3]  }
0x2d: {  	s3 =	simm.s32 $0x108;
	s8 =	sld [smem:$0x3FA4]  }
0x2e: {  	s3 =	simm.s32 @!p0 $0x1082;
	s9 =	sld [smem:$0x3FA5]  }
0x2f: {  	lr =	sadd.s32 s0, s3;
	s0 =	sld [smem:$0x3F9C]  }
0x30: {  	s3 =	sld [smem:$0x3F9F]  }
0x31: {  	[smem:$0x3FA8] =	sst s10  }
0x32: {  	s10 =	sld [smem:$0x3FA6];
	_ =	sdelay $0x3  }
0x33: {  	p0 =	seq.s32 s10, $0x1;
	s10 =	sld [smem:$0x3FA8];
	_ =	sdelay $0x3  }
0x34: {  	[smem:$0x3FA8] =	sst s10  }
0x35: {  	s10 =	sld [smem:$0x3FA7];
	_ =	sdelay $0x3  }
0x36: {  	p1 =	seq.s32 s10, $0x1;
	s10 =	sld [smem:$0x3FA8];
	_ =	sdelay $0x3  }
0x37: {  	[smem:$0x3FA8] =	sst s10  }
0x38: {  	s10 =	sld [smem:$0x3FA9]  }
0x39: {  	_ = 	snop;
	(pc) =	sbr.ind lr, $3  }
0x3a: {  	_ = 	snop  }
0x3b: {  	_ = 	snop  }
0x3c: {  	p2 =	seq.s32 s10, $0x1;
	s10 =	sld [smem:$0x3FA8]  }
0x3d: {  	_ =	shalt  }
0x3e: {  	_ =	shalt  }
0x3f: {  	_ =	shalt  }
0x40: {  	_ =	shalt  }
0x41: {  	_ =	shalt  }
0x42: {  	_ =	shalt  }
0x43: {  	_ =	shalt  }
0x44: {  	_ =	shalt  }
0x45: {  	_ =	shalt  }
0x46: {  	_ =	shalt  }
0x47: {  	_ =	shalt  }
0x48: {  	_ =	shalt  }
0x49: {  	_ =	shalt  }
0x4a: {  	_ =	shalt  }
0x4b: {  	_ =	shalt  }
0x4c: {  	_ =	shalt  }
0x4d: {  	_ =	shalt  }
0x4e: {  	_ =	shalt  }
0x4f: {  	_ =	shalt  }
0x50: {  	_ =	shalt  }
0x51: {  	_ =	shalt  }
0x52: {  	_ =	shalt  }
0x53: {  	_ =	shalt  }
0x54: {  	_ =	shalt  }
0x55: {  	_ =	shalt  }
0x56: {  	_ =	shalt  }
0x57: {  	_ =	shalt  }
0x58: {  	_ =	shalt  }
0x59: {  	_ =	shalt  }
0x5a: {  	_ =	shalt  }
0x5b: {  	_ =	shalt  }
0x5c: {  	_ =	shalt  }
0x5d: {  	_ =	shalt  }
0x5e: {  	_ =	shalt  }
0x5f: {  	_ =	shalt  }
0x60: {  	_ =	shalt  }
0x61: {  	_ =	shalt  }
0x62: {  	_ =	shalt  }
0x63: {  	_ =	shalt  }
0x64: {  	_ =	shalt  }
0x65: {  	_ =	shalt  }
0x66: {  	_ =	shalt  }
0x67: {  	_ =	shalt  }
0x68: {  	_ =	shalt  }
0x69: {  	_ =	shalt  }
0x6a: {  	_ =	shalt  }
0x6b: {  	_ =	shalt  }
0x6c: {  	_ =	shalt  }
0x6d: {  	_ =	shalt  }
0x6e: {  	_ =	shalt  }
0x6f: {  	_ =	shalt  }
0x70: {  	_ =	shalt  }
0x71: {  	_ =	shalt  }
0x72: {  	_ =	shalt  }
0x73: {  	_ =	shalt  }
0x74: {  	_ =	shalt  }
0x75: {  	_ =	shalt  }
0x76: {  	_ =	shalt  }
0x77: {  	_ =	shalt  }
0x78: {  	_ =	shalt  }
0x79: {  	_ =	shalt  }
0x7a: {  	_ =	shalt  }
0x7b: {  	_ =	shalt  }
0x7c: {  	_ =	shalt  }
0x7d: {  	_ =	shalt  }
0x7e: {  	_ =	shalt  }
0x7f: {  	_ =	shalt  }
0x80: {  	_ =	shalt  }
0x81: {  	_ =	shalt  }
0x82: {  	_ =	shalt  }
0x83: {  	_ =	shalt  }
0x84: {  	_ =	shalt  }
0x85: {  	_ =	shalt  }
0x86: {  	_ =	shalt  }
0x87: {  	_ =	shalt  }
.Lfunc_end0:
.L_simem_size_0:
called_computation.2_lowered:
.L_overlay_start_0:
0x88: {  	s2 =	sld [smem:$0x3FD9]  }
0x89: {  	s3 =	sld [smem:$0x3FFE];
	_ =	sdelay $0x1  }
0x8a: {  	s1 =	srdreg.scid  }
0x8b: {  	s0 =	sand.u32 $0x1, s1  }
0x8c: {  	s14 =	sshll.u32 s0, $0xA;
	s2 =	sadd.s32 s3, s2  }
0x8d: {  	s2 =	sadd.s32 s2, s14  }
0x8e: {  	[smem:$0x3FB4] =	sst s2  }
0x8f: {  	_ = 	snop  }
0x90: {  	s2 =	sld [smem:$0x3FD0];
	_ =	sdelay $0x2  }
0x91: {  	s15 =	simm.s32 $0xA;
	s4 =	simm.s32 $0x10  }
0x92: {  	[smem:s4], [sflag:s15] =	dma.local [hbm:s2], $0x1  }
0x93: {  	_ =	swait.eq [sflag:s15], $0x1  }
0x94: {  	[sflag:s15] =	ssyncset.done $0x0  }
0x95: {  	[sflag:s15] =	ssyncadd.s32 $0xFFFFFFFF  }
0x96: {  	s16 =	sld [smem:$0x13];
	(tm) =	ssettm $0x1  }
0x97: {  	s17 =	sld [smem:$0x3FFB];
	_ =	sdelay $0x3  }
0x98: {  	_ =	strace s17  }
0x99: {  	s3 =	sld [smem:$0x3FFC];
	_ =	sdelay $0x3  }
0x9a: {  	_ =	strace s3  }
0x9b: {  	s3 =	sld [smem:$0x3FFD];
	_ =	sdelay $0x3  }
0x9c: {  	_ =	strace s3  }
0x9d: {  	_ =	strace $0x8FFFFFFF  }
0x9e: {  	s18 =	sld [smem:$0x3FDB];
	_ =	sdelay $0x1  }
0x9f: {  	s19 =	simm.s32 $_scs_section_size  }
0xa0: {  	s5 =	simm.s32 $_size__tile_overlayer_lowered;
	s6 =	simm.s32 $_tile_overlayer_lowered  }
0xa1: {  	s22 =	simm.s32 $0x1BFF;
	s21 =	sshll.u32 s6, $0x1;
	s3 =	sadd.s32 s19, s18  }
0xa2: {  	s7 =	simm.s32 $0x0;
	s20 =	sshll.u32 s5, $0x1;
	s5 =	sadd.s32 s21, s3  }
0xa3: {  	[timem:s7], [sflag:s22] =	dma.local [hbm:s5], s20  }
0xa4: {  	_ =	swait.ge [sflag:s22], s20  }
0xa5: {  	s4 =	ssub.s32 $0x0, s20;
	[sflag:s22] =	ssyncset.done $0x0  }
0xa6: {  	[sflag:s22] =	ssyncadd.s32 s4;
	_ =	sdelay $0x1  }
0xa7: {  	s23 =	simm.s32 $0x1B8B  }
0xa8: {  	_ =	swait.ge [sflag:s23], $0x1  }
0xa9: {  	[sflag:s23] =	ssyncset.done $0x0  }
0xaa: {  	s25 =	simm.s32 $0x1B8E;
	s24 =	sld [smem:$0x3FFE];
	[sflag:s23] =	ssyncadd.s32 $0xFFFFFFFF  }
0xab: {  	s26 =	simm.s32 $execute0_lowered;
	[smem:$0x3FD2] =	sst s25  }
0xac: {  	s5 =	sshll.u32 s26, $0x1;
	_ =	strace $0x8000004C;
	[dreg:$0x1] =	wrdreg $0xFFFFFFFF  }
0xad: {  	s28 =	simm.s32 $_size_execute0_lowered;
	s3 =	sadd.s32 s3, s5;
	[dreg:$0x0] =	wrdreg $0x0  }
0xae: {  	s5 =	sshll.u32 s28, $0x1;
	[dreg:$0x2] =	wrdreg s3  }
0xaf: {  	[dreg:$0x3] =	wrdreg s5  }
0xb0: {  	[dreg:$0x4] =	wrdreg $0xC0  }
0xb1: {  	_ =	task [dreg:s7], $0x5FFFF  }
0xb2: {  	[dreg:$0x1] =	wrdreg $0xFFFFFFFF  }
0xb3: {  	[dreg:$0x0] =	wrdreg $0x60  }
0xb4: {  	[dreg:$0x2] =	wrdreg s16  }
0xb5: {  	[dreg:$0x3] =	wrdreg s24  }
0xb6: {  	[dreg:$0x4] =	wrdreg $0x9  }
0xb7: {  	_ =	task.clear_ibuf [dreg:s7], $0x5FFFF;
	_ =	strace $0x9000004C  }
0xb8: {  	s29 =	simm.s32 $0x9;
	_ =	strace $0x8000004E  }
0xb9: {  	_ =	swait.ge [sflag:s29], $0x1  }
0xba: {  	[sflag:s29] =	ssyncadd.s32 $0xFFFFFFFF  }
0xbb: {  	_ =	strace $0x9000004E  }
0xbc: {  	_ =	sfence  }
0xbd: {  	s30 =	sld [smem:$0x0];
	_ =	sdelay $0x2  }
0xbe: {  	s31 =	sshll.u32 s1, $0xD;
	s1 =	sshrl.u32 s1, $0x2  }
0xbf: {  	s3 =	sand.u32 $0x4000, s31;
	s1 =	sadd.s32 s1, s30  }
0xc0: {  	s0 =	sor.u32 s3, s0;
	s1 =	sshll.u32 s1, $0x11  }
0xc1: {  	s0 =	sor.u32 s1, s0  }
0xc2: {  	s0 =	sadd.s32 $0x8F2B, s0  }
0xc3: {  	[sflag:s0] =	ssyncadd.remote.s32 $0x1  }
0xc4: {  	_ =	sfence.sel $0xFFFF  }
0xc5: {  	[dreg:$0x0] =	wrdreg $0xFFFFFFFF;
	(pc) =	sbr.abs _section_cstart, $3  }
0xc6: {  	[dreg:$0x1] =	wrdreg $0xFFFFFFFF  }
0xc7: {  	_ =	task.clear_ibuf [dreg:s7], $0x2FFFF;
	_ =	strace $0x9FFFFFFF  }
0xc8: {  	(tm) =	ssettm $0x7FFFFFFF  }
0xc9: {  	_ =	shalt  }
tec
execute0_lowered:
.L_overlay_start_1:
0x0: {  	(tag) =	ssettag $0x1  }
0x1: {  	s1 =	rddreg [dreg:$0x0]  }
0x2: {  	s6 =	rddreg [dreg:$0x1];
	s2 =	srdreg.scid  }
0x3: {  	s0 =	rddreg [dreg:$0x2];
	s3 =	simm.s32 $0x0;
	s13 =	simm.s32 $0x8200  }
0x4: {  	s14 =	simm.s32 $0x1;
	s15 =	simm.s32 $0x2;
	s16 =	simm.s32 $0x10200  }
0x5: {  	s17 =	simm.s32 $0x0;
	s7 =	sand.u32 $0x1, s2;
	[smem:$0x7FF] =	sst s3  }
0x6: {  	s2 =	stileid.u32;
	s4 =	sadd.s32 $0x5800, s6;
	s5 =	sshll.u32 s7, $0x4  }
0x7: {  	_ =	strace $0x8000004D;
	s9 =	ssub.s32 $0x2, s7;
	s8 =	sor.u32 s2, s5  }
0x8: {  	s7 =	simm.s32 $0x14;
	s5 =	sadd.s32 $0xA800, s6;
	s10 =	smul.u32 $0x13, s8  }
0x9: {  	s6 =	sadd.s32 $0xF800, s6;
	s11 =	sshrl.u32 s9, $0x1;
	s12 =	smul.u32 $0x14, s8  }
0xa: {  	p0 =	slt.u32 s8, $0x11;
	s9 =	ssub.s32 s9, s11;
	s11 =	simm.s32 $0x100  }
0xb: {  	s7 =	simm.s32 @!p0 $0x13;
	s9 =	smax.u32 s9, $0x1;
	s8 =	sadd.s32 $0x11, s10  }
0xc: {  	s10 =	simm.s32 $0x3;
	s8 =	smov.u32 @p0 s12;
	s12 =	simm.s32 $0x200  }
.LBB2_1:
0xd: {  	s18 =	simm.s32 $0x0  }
.LBB2_2:
0xe: {  	s19 =	sadd.s32 s8, s18  }
0xf: {  	s20 =	sshll.u32 s19, $0x5  }
0x10: {  	s20 =	sand.u32 $0x1FFFFFE0, s20  }
0x11: {  	s22 =	simm.s32 $0x0;
	s21 =	sadd.s32 s4, s20  }
0x12: {  	[tilespmem:s22], [sflag:$0x3] =	stream.linear.gather [hbm4b:s21+s22], $0x100, $0x38;
	[tilespmem:$0x18200] =	vst v63  }
0x13: {  	_ =	swait.ge [sflag:s10], $0x100  }
0x14: {  	[sflag:s10] =	ssyncset.done $0x0  }
0x15: {  	s20 =	sadd.s32 s5, s20;
	[sflag:s10] =	ssyncadd.s32 $0xFFFFFF00  }
0x16: {  	[tilespmem:s11], [sflag:$0x3] =	stream.linear.gather [hbm4b:s20+s22], $0x100, $0x38;
	[tilespmem:$0x18200] =	vst v63  }
0x17: {  	_ =	swait.ge [sflag:s10], $0x100  }
0x18: {  	[sflag:s10] =	ssyncset.done $0x0  }
0x19: {  	[sflag:s10] =	ssyncadd.s32 $0xFFFFFF00  }
0x1a: {  	[tilespmem:s12], [sflag:$0x1] =	stream.indirect.gather [hbm4b:s1+s11], $0x80, s22, s11, $0xb8;
	[tilespmem:$0x18200] =	vst v63  }
0x1b: {  	_ = 	snop  }
0x1c: {  	[tilespmem:s13], [sflag:$0x2] =	stream.indirect.gather [hbm4b:s1+s11], $0x80, s11, s11, $0xb8;
	[tilespmem:$0x18200] =	vst v63  }
0x1d: {  	_ =	swait.ge [sflag:s14], $0x8000  }
0x1e: {  	[sflag:s14] =	ssyncset.done $0x0  }
0x1f: {  	[sflag:s14] =	ssyncadd.s32 $0xFFFF8000  }
0x20: {  	_ =	swait.ge [sflag:s15], $0x8000  }
0x21: {  	[sflag:s15] =	ssyncset.done $0x0  }
0x22: {  	s21 =	simm.s32 $0x0;
	[sflag:s15] =	ssyncadd.s32 $0xFFFF8000  }
0x23: {  	v2 =	vld [tilespmem:s21+$0x230]  }
0x24: {  	v4 =	vld [tilespmem:s21+$0x8270]  }
0x25: {  	v5 =	vld [tilespmem:s21+$0x200]  }
0x26: {  	v6 =	vld [tilespmem:s21+$0x8240]  }
0x27: {  	v1 =	vld [tilespmem:s21+$0x210]  }
0x28: {  	v3 =	vld [tilespmem:s21+$0x8250]  }
0x29: {  	v0 =	vld [tilespmem:s21+$0x220];
	v7 =	vadd.f32 v4, v2  }
0x2a: {  	s20 =	simm.s32 $0x80;
	v4 =	vld [tilespmem:s21+$0x8260]  }
0x2b: {  	s22 =	simm.s32 $0x400;
	v2 =	vld [tilespmem:s20+$0x230];
	v5 =	vadd.f32 v6, v5;
	[tilespmem:s21+$0x10230] =	vst v7  }
.LBB2_3:
0x2c: {  	p0 =	sne.s32 s22, $0x1FE00;
	v6 =	vld [tilespmem:s20+$0x8270]  }
0x2d: {  	v7 =	vld [tilespmem:s20+$0x200];
	[tilespmem:s21+$0x10200] =	vst v5;
	v3 =	vadd.f32 v3, v1  }
0x2e: {  	v5 =	vld [tilespmem:s20+$0x8240]  }
.Ltmp0:
0x2f: {  	v1 =	vld [tilespmem:s20+$0x210];
	[tilespmem:s21+$0x10210] =	vst v3;
	v4 =	vadd.f32 v4, v0;
	(pc) =	sbr.rel @p0 .LBB2_3-.Ltmp0, $4  }
0x30: {  	v3 =	vld [tilespmem:s20+$0x8250]  }
0x31: {  	v0 =	vld [tilespmem:s20+$0x220];
	v6 =	vadd.f32 v6, v2;
	[tilespmem:s21+$0x10220] =	vst v4;
	s21 =	smov.u32 s20  }
0x32: {  	s20 =	sshra.s32 s22, $0x2;
	v4 =	vld [tilespmem:s21+$0x8260]  }
0x33: {  	s22 =	sadd.s32 $0x200, s22;
	v2 =	vld [tilespmem:s20+$0x230];
	v5 =	vadd.f32 v5, v7;
	[tilespmem:s21+$0x10230] =	vst v6  }
0x34: {  	v6 =	vld [tilespmem:s20+$0x8270]  }
0x35: {  	v7 =	vld [tilespmem:s20+$0x200];
	[tilespmem:s21+$0x10200] =	vst v5;
	v1 =	vadd.f32 v3, v1  }
0x36: {  	v62 =	vld [tilespmem:s20+$0x8240]  }
0x37: {  	v5 =	vld [tilespmem:s20+$0x210];
	[tilespmem:s21+$0x10210] =	vst v1;
	v0 =	vadd.f32 v4, v0  }
0x38: {  	v1 =	vld [tilespmem:s20+$0x8250]  }
0x39: {  	v63 =	vld [tilespmem:s20+$0x220];
	[tilespmem:s21+$0x10220] =	vst v0  }
0x3a: {  	v0 =	vld [tilespmem:s20+$0x8260];
	_ =	sdelay $0x1  }
0x3b: {  	v2 =	vadd.f32 v6, v2  }
0x3c: {  	v3 =	vadd.f32 v62, v7  }
0x3d: {  	[tilespmem:s20+$0x10230] =	vst v2;
	v1 =	vadd.f32 v1, v5  }
0x3e: {  	s19 =	sshll.u32 s19, $0xC;
	s18 =	sadd.s32 $0x1, s18;
	[tilespmem:s20+$0x10200] =	vst v3;
	v0 =	vadd.f32 v0, v63  }
0x3f: {  	s19 =	sand.u32 $0x1FFFF000, s19;
	p0 =	sne.s32 s18, s7;
	[tilespmem:s20+$0x10210] =	vst v1  }
.Ltmp1:
0x40: {  	s19 =	sadd.s32 s6, s19;
	[tilespmem:s20+$0x10220] =	vst v0;
	(pc) =	sbr.rel @p0 .LBB2_2-.Ltmp1, $4  }
0x41: {  	[hbm4b:s19+s3] =	stream.linear.scatter [tilespmem:s16], [sflag:$0x3], $0x8000, $0x38;
	[tilespmem:$0x18200] =	vst v63  }
0x42: {  	_ =	swait.ge [sflag:s10], $0x8000  }
0x43: {  	[sflag:s10] =	ssyncset.done $0x0  }
0x44: {  	[sflag:s10] =	ssyncadd.s32 $0xFFFF8000  }
0x45: {  	s17 =	sadd.s32 $0x1, s17  }
0x46: {  	p0 =	sne.s32 s17, s9  }
.Ltmp2:
0x47: {  	_ = 	snop;
	(pc) =	sbr.rel @p0 .LBB2_1-.Ltmp2, $1  }
0x48: {  	_ =	sdelay $0x3  }
0x49: {  	_ =	sfence.sel $0x180000  }
0x4a: {  	[bflag:$0x0] =	sbarrier.arrive $0xFFFF  }
0x4b: {  	p0 =	sne.s32 s2, $0x0;
	_ =	strace $0x9000004D  }
0x4c: {  	s0 =	sadd.s32 @!p0 $0x100000, s0;
	[bflag:$0x2] =	sbarrier.arrive $0xFFFF  }
0x4d: {  	[sflag:s0] =	ssyncadd.tile.s32 @!p0 $0x1;
	_ =	shalt  }
.Lfunc_end2:
_tile_overlayer_lowered:
.L_overlay_start_2:
0x4e: {  	(tag) =	ssettag $0x2  }
0x4f: {  	s0 =	rddreg [dreg:$0x0];
	s2 =	stileid.u32  }
0x50: {  	s1 =	rddreg [dreg:$0x1];
	p0 =	sne.s32 s2, $0x0  }
0x51: {  	s3 =	rddreg [dreg:$0x2];
	[bflag:$0x3] =	sbarrier.arrive $0xFFFF;
	s2 =	simm.s32 @!p0 $0x1C03  }
0x52: {  	[timem:s3], [sflag:s2] =	dma.local @!p0 [hbm:s0], s1  }
0x53: {  	s0 =	simm.s32 @!p0 $0x3  }
0x54: {  	_ =	swait.ge @!p0 [sflag:s0], s1  }
0x55: {  	s1 =	ssub.s32 @!p0 $0x0, s1;
	[sflag:s0] =	ssyncset.done @!p0 $0x0  }
0x56: {  	[sflag:s0] =	ssyncadd.s32 @!p0 s1  }
0x57: {  	[bflag:$0x3] =	sbarrier.arrive $0xFFFF  }
0x58: {  	_ =	shalt  }

// kernel: kernel.9.cloned.1.call-start
scs
__scs_entry_jumppad:
0x0: {  	(pc) =	sbr.rel $0x88, $3  }
0x1: {  	(tag) =	ssettag $0x0;
	lr =	simm.s32 $0x1  }
0x2: {  	[smem:$0x3F8D] =	sst lr;
	_ =	strace $0xD0000000  }
0x3: {  	_ = 	snop  }
0x4: {  	_ = 	snop  }
0x5: {  	_ = 	snop  }
0x6: {  	_ = 	snop  }
0x7: {  	_ = 	snop  }
__scs_overlays_trampoline_lowered:
0x8: {  	[smem:$0x3F9C] =	sst s0  }
0x9: {  	[smem:$0x3F9D] =	sst s1  }
0xa: {  	[smem:$0x3F9E] =	sst s2  }
0xb: {  	[smem:$0x3F9F] =	sst s3  }
0xc: {  	[smem:$0x3FA0] =	sst s4  }
0xd: {  	[smem:$0x3FA1] =	sst s5  }
0xe: {  	[smem:$0x3FA2] =	sst s6  }
0xf: {  	[smem:$0x3FA3] =	sst s7  }
0x10: {  	[smem:$0x3FA4] =	sst s8  }
0x11: {  	[smem:$0x3FA5] =	sst s9;
	s0 =	simm.s32 @!p0 $0x0  }
0x12: {  	s1 =	sld [smem:$0x3F8B];
	s0 =	simm.s32 @p0 $0x1  }
0x13: {  	[smem:$0x3FA6] =	sst s0;
	s0 =	simm.s32 @!p1 $0x0  }
0x14: {  	s2 =	sld [smem:$0x3F8A];
	s0 =	simm.s32 @p1 $0x1  }
0x15: {  	[smem:$0x3FA7] =	sst s0;
	s0 =	simm.s32 @!p2 $0x0  }
0x16: {  	s3 =	sld [smem:$0x3FDB];
	s0 =	simm.s32 @p2 $0x1  }
0x17: {  	s4 =	simm.s32 $0x1BF5;
	[smem:$0x3FA9] =	sst s0  }
0x18: {  	s0 =	sld [smem:$0x3F8C];
	_ =	swait.ge [sflag:s4], $0x0  }
0x19: {  	s7 =	sld [smem:$0x3F8D]  }
0x1a: {  	s8 =	sadd.s32 $0xFFFFE003, lr  }
0x1b: {  	s9 =	sadd.s32 $0xFFFFFEF7, lr;
	s5 =	simm.s32 $0xFFFFFFFF;
	p2 =	slt.u32 s8, $0xFFFFF086  }
0x1c: {  	p1 =	slt.u32 s9, $0xF7A;
	s5 =	simm.s32 @!p2 $0x0  }
0x1d: {  	s5 =	simm.s32 @p1 $0x1;
	p0 =	seq.s32 s7, s2  }
0x1e: {  	s7 =	smul.u32 @!p0 $0xF7A, s2;
	p2 =	seq.s32 @!p0 s5, $0x0  }
0x1f: {  	s9 =	smul.u32 $0xF7A, s1;
	s8 =	simm.s32 @!p0 $0x1BF5;
	p2 =	por !p2, p0  }
0x20: {  	[sflag:s8] =	ssyncset.s32 @!p0 $0xFFFFF086;
	s6 =	sadd.s32 @!p0 s3, s7;
	s7 =	simm.s32 @!p0 $0x108  }
0x21: {  	s3 =	sadd.s32 s3, s9;
	s6 =	sadd.s32 @!p0 $0x88, s6;
	s7 =	simm.s32 @p2 $0x1082  }
0x22: {  	[simem:s7], [sflag:s8] =	dma.local @!p0 [hbm:s6], $0xF7A  }
0x23: {  	s9 =	sor.u32 $0xD0000000, s2;
	s6 =	simm.s32 $0x108;
	_ =	swait.ge @!p0 [sflag:s8], $0x0  }
0x24: {  	s3 =	sadd.s32 $0x88, s3;
	s6 =	simm.s32 @!p1 $0x1082;
	[sflag:s4] =	ssyncset.s32 $0xFFFFF086  }
0x25: {  	[simem:s6], [sflag:s4] =	dma.local [hbm:s3], $0xF7A  }
0x26: {  	[smem:$0x3F8D] =	sst s1;
	(tag) =	ssettag s2;
	_ =	strace s9  }
0x27: {  	s1 =	sld [smem:$0x3F9D]  }
0x28: {  	s2 =	sld [smem:$0x3F9E]  }
0x29: {  	s4 =	sld [smem:$0x3FA0]  }
0x2a: {  	p0 =	seq.s32 s5, $0x0;
	s5 =	sld [smem:$0x3FA1]  }
0x2b: {  	s6 =	sld [smem:$0x3FA2]  }
0x2c: {  	s7 =	sld [smem:$0x3FA3]  }
0x2d: {  	s3 =	simm.s32 $0x108;
	s8 =	sld [smem:$0x3FA4]  }
0x2e: {  	s3 =	simm.s32 @!p0 $0x1082;
	s9 =	sld [smem:$0x3FA5]  }
0x2f: {  	lr =	sadd.s32 s0, s3;
	s0 =	sld [smem:$0x3F9C]  }
0x30: {  	s3 =	sld [smem:$0x3F9F]  }
0x31: {  	[smem:$0x3FA8] =	sst s10  }
0x32: {  	s10 =	sld [smem:$0x3FA6];
	_ =	sdelay $0x3  }
0x33: {  	p0 =	seq.s32 s10, $0x1;
	s10 =	sld [smem:$0x3FA8];
	_ =	sdelay $0x3  }
0x34: {  	[smem:$0x3FA8] =	sst s10  }
0x35: {  	s10 =	sld [smem:$0x3FA7];
	_ =	sdelay $0x3  }
0x36: {  	p1 =	seq.s32 s10, $0x1;
	s10 =	sld [smem:$0x3FA8];
	_ =	sdelay $0x3  }
0x37: {  	[smem:$0x3FA8] =	sst s10  }
0x38: {  	s10 =	sld [smem:$0x3FA9]  }
0x39: {  	_ = 	snop;
	(pc) =	sbr.ind lr, $3  }
0x3a: {  	_ = 	snop  }
0x3b: {  	_ = 	snop  }
0x3c: {  	p2 =	seq.s32 s10, $0x1;
	s10 =	sld [smem:$0x3FA8]  }
0x3d: {  	_ =	shalt  }
0x3e: {  	_ =	shalt  }
0x3f: {  	_ =	shalt  }
0x40: {  	_ =	shalt  }
0x41: {  	_ =	shalt  }
0x42: {  	_ =	shalt  }
0x43: {  	_ =	shalt  }
0x44: {  	_ =	shalt  }
0x45: {  	_ =	shalt  }
0x46: {  	_ =	shalt  }
0x47: {  	_ =	shalt  }
0x48: {  	_ =	shalt  }
0x49: {  	_ =	shalt  }
0x4a: {  	_ =	shalt  }
0x4b: {  	_ =	shalt  }
0x4c: {  	_ =	shalt  }
0x4d: {  	_ =	shalt  }
0x4e: {  	_ =	shalt  }
0x4f: {  	_ =	shalt  }
0x50: {  	_ =	shalt  }
0x51: {  	_ =	shalt  }
0x52: {  	_ =	shalt  }
0x53: {  	_ =	shalt  }
0x54: {  	_ =	shalt  }
0x55: {  	_ =	shalt  }
0x56: {  	_ =	shalt  }
0x57: {  	_ =	shalt  }
0x58: {  	_ =	shalt  }
0x59: {  	_ =	shalt  }
0x5a: {  	_ =	shalt  }
0x5b: {  	_ =	shalt  }
0x5c: {  	_ =	shalt  }
0x5d: {  	_ =	shalt  }
0x5e: {  	_ =	shalt  }
0x5f: {  	_ =	shalt  }
0x60: {  	_ =	shalt  }
0x61: {  	_ =	shalt  }
0x62: {  	_ =	shalt  }
0x63: {  	_ =	shalt  }
0x64: {  	_ =	shalt  }
0x65: {  	_ =	shalt  }
0x66: {  	_ =	shalt  }
0x67: {  	_ =	shalt  }
0x68: {  	_ =	shalt  }
0x69: {  	_ =	shalt  }
0x6a: {  	_ =	shalt  }
0x6b: {  	_ =	shalt  }
0x6c: {  	_ =	shalt  }
0x6d: {  	_ =	shalt  }
0x6e: {  	_ =	shalt  }
0x6f: {  	_ =	shalt  }
0x70: {  	_ =	shalt  }
0x71: {  	_ =	shalt  }
0x72: {  	_ =	shalt  }
0x73: {  	_ =	shalt  }
0x74: {  	_ =	shalt  }
0x75: {  	_ =	shalt  }
0x76: {  	_ =	shalt  }
0x77: {  	_ =	shalt  }
0x78: {  	_ =	shalt  }
0x79: {  	_ =	shalt  }
0x7a: {  	_ =	shalt  }
0x7b: {  	_ =	shalt  }
0x7c: {  	_ =	shalt  }
0x7d: {  	_ =	shalt  }
0x7e: {  	_ =	shalt  }
0x7f: {  	_ =	shalt  }
0x80: {  	_ =	shalt  }
0x81: {  	_ =	shalt  }
0x82: {  	_ =	shalt  }
0x83: {  	_ =	shalt  }
0x84: {  	_ =	shalt  }
0x85: {  	_ =	shalt  }
0x86: {  	_ =	shalt  }
0x87: {  	_ =	shalt  }
.Lfunc_end0:
.L_simem_size_0:
called_computation_lowered:
.L_overlay_start_0:
0x88: {  	s2 =	sld [smem:$0x3FD9]  }
0x89: {  	s3 =	sld [smem:$0x3FFE];
	_ =	sdelay $0x1  }
0x8a: {  	s1 =	srdreg.scid  }
0x8b: {  	s0 =	sand.u32 $0x1, s1  }
0x8c: {  	s14 =	sshll.u32 s0, $0xA;
	s2 =	sadd.s32 s3, s2  }
0x8d: {  	s2 =	sadd.s32 s2, s14  }
0x8e: {  	[smem:$0x3FB4] =	sst s2  }
0x8f: {  	_ = 	snop  }
0x90: {  	s2 =	sld [smem:$0x3FD0];
	_ =	sdelay $0x2  }
0x91: {  	s15 =	simm.s32 $0xA;
	s4 =	simm.s32 $0x10  }
0x92: {  	[smem:s4], [sflag:s15] =	dma.local [hbm:s2], $0x1  }
0x93: {  	_ =	swait.eq [sflag:s15], $0x1  }
0x94: {  	[sflag:s15] =	ssyncset.done $0x0  }
0x95: {  	[sflag:s15] =	ssyncadd.s32 $0xFFFFFFFF  }
0x96: {  	s16 =	sld [smem:$0x11];
	(tm) =	ssettm $0x1  }
0x97: {  	s17 =	sld [smem:$0x3FFB];
	_ =	sdelay $0x3  }
0x98: {  	_ =	strace s17  }
0x99: {  	s3 =	sld [smem:$0x3FFC];
	_ =	sdelay $0x3  }
0x9a: {  	_ =	strace s3  }
0x9b: {  	s3 =	sld [smem:$0x3FFD];
	_ =	sdelay $0x3  }
0x9c: {  	_ =	strace s3  }
0x9d: {  	_ =	strace $0x8FFFFFFF  }
0x9e: {  	s18 =	sld [smem:$0x3FDB];
	_ =	sdelay $0x1  }
0x9f: {  	s19 =	simm.s32 $_scs_section_size  }
0xa0: {  	s5 =	simm.s32 $_size__tile_overlayer_lowered;
	s6 =	simm.s32 $_tile_overlayer_lowered  }
0xa1: {  	s22 =	simm.s32 $0x1BFF;
	s21 =	sshll.u32 s6, $0x1;
	s3 =	sadd.s32 s19, s18  }
0xa2: {  	s7 =	simm.s32 $0x0;
	s20 =	sshll.u32 s5, $0x1;
	s5 =	sadd.s32 s21, s3  }
0xa3: {  	[timem:s7], [sflag:s22] =	dma.local [hbm:s5], s20  }
0xa4: {  	_ =	swait.ge [sflag:s22], s20  }
0xa5: {  	s4 =	ssub.s32 $0x0, s20;
	[sflag:s22] =	ssyncset.done $0x0  }
0xa6: {  	[sflag:s22] =	ssyncadd.s32 s4;
	_ =	sdelay $0x1  }
0xa7: {  	s23 =	simm.s32 $0x1B8B  }
0xa8: {  	_ =	swait.ge [sflag:s23], $0x1  }
0xa9: {  	[sflag:s23] =	ssyncset.done $0x0  }
0xaa: {  	s25 =	simm.s32 $0x1B8E;
	s24 =	sld [smem:$0x3FFE];
	[sflag:s23] =	ssyncadd.s32 $0xFFFFFFFF  }
0xab: {  	s26 =	simm.s32 $execute0_lowered;
	[smem:$0x3FD2] =	sst s25  }
0xac: {  	s5 =	sshll.u32 s26, $0x1;
	_ =	strace $0x80000046;
	[dreg:$0x1] =	wrdreg $0xFFFFFFFF  }
0xad: {  	s28 =	simm.s32 $_size_execute0_lowered;
	s3 =	sadd.s32 s3, s5;
	[dreg:$0x0] =	wrdreg $0x0  }
0xae: {  	s5 =	sshll.u32 s28, $0x1;
	[dreg:$0x2] =	wrdreg s3  }
0xaf: {  	[dreg:$0x3] =	wrdreg s5  }
0xb0: {  	[dreg:$0x4] =	wrdreg $0xC0  }
0xb1: {  	_ =	task [dreg:s7], $0x5FFFF  }
0xb2: {  	[dreg:$0x1] =	wrdreg $0xFFFFFFFF  }
0xb3: {  	[dreg:$0x0] =	wrdreg $0x60  }
0xb4: {  	[dreg:$0x2] =	wrdreg s24  }
0xb5: {  	[dreg:$0x3] =	wrdreg s16  }
0xb6: {  	[dreg:$0x4] =	wrdreg $0x0  }
0xb7: {  	[dreg:$0x5] =	wrdreg $0x9  }
0xb8: {  	_ =	task.clear_ibuf [dreg:s7], $0x6FFFF;
	_ =	strace $0x90000046  }
0xb9: {  	s29 =	simm.s32 $0x9;
	_ =	strace $0x80000048  }
0xba: {  	_ =	swait.ge [sflag:s29], $0x1  }
0xbb: {  	[sflag:s29] =	ssyncadd.s32 $0xFFFFFFFF  }
0xbc: {  	_ =	strace $0x90000048  }
0xbd: {  	_ =	sfence  }
0xbe: {  	s30 =	sld [smem:$0x0];
	_ =	sdelay $0x2  }
0xbf: {  	s31 =	sshll.u32 s1, $0xD;
	s1 =	sshrl.u32 s1, $0x2  }
0xc0: {  	s3 =	sand.u32 $0x4000, s31;
	s1 =	sadd.s32 s1, s30  }
0xc1: {  	s0 =	sor.u32 s3, s0;
	s1 =	sshll.u32 s1, $0x11  }
0xc2: {  	s0 =	sor.u32 s1, s0  }
0xc3: {  	s0 =	sadd.s32 $0x8F2B, s0  }
0xc4: {  	[sflag:s0] =	ssyncadd.remote.s32 $0x1  }
0xc5: {  	_ =	sfence.sel $0xFFFF  }
0xc6: {  	[dreg:$0x0] =	wrdreg $0xFFFFFFFF;
	(pc) =	sbr.abs _section_cstart, $3  }
0xc7: {  	[dreg:$0x1] =	wrdreg $0xFFFFFFFF  }
0xc8: {  	_ =	task.clear_ibuf [dreg:s7], $0x2FFFF;
	_ =	strace $0x9FFFFFFF  }
0xc9: {  	(tm) =	ssettm $0x7FFFFFFF  }
tec
execute0_lowered:
.L_overlay_start_1:
0x0: {  	(tag) =	ssettag $0x1  }
0x1: {  	s0 =	srdreg.scid;
	s6 =	rddreg [dreg:$0x0]  }
0x2: {  	s7 =	rddreg [dreg:$0x1];
	s4 =	sand.u32 $0x1, s0  }
0x3: {  	s0 =	stileid.u32;
	s30 =	smul.u32 $0x30, s4  }
0x4: {  	s13 =	simm.s32 $0x900;
	s14 =	simm.s32 $0x0;
	s3 =	smul.u32 $0x3, s0  }
0x5: {  	s1 =	sshll.u32 s4, $0x4;
	s9 =	ssub.s32 $0x2, s4;
	s10 =	smul.u32 $0x140, s0  }
0x6: {  	s12 =	smul.u32 $0x2800, s4;
	s5 =	sor.u32 s0, s1;
	s11 =	sshrl.u32 s9, $0x1  }
0x7: {  	s4 =	simm.s32 $0x4;
	s2 =	smin.u32 s5, $0x4;
	s9 =	ssub.s32 s9, s11  }
0x8: {  	p0 =	slt.u32 s5, $0x4;
	s31 =	sadd.s32 s10, s12;
	s1 =	sor.u32 s30, s2  }
0x9: {  	s11 =	simm.s32 $0x280;
	s12 =	simm.s32 $0x640;
	s3 =	sadd.s32 s3, s1  }
0xa: {  	s2 =	rddreg [dreg:$0x2];
	s4 =	simm.s32 @!p0 $0x3;
	s8 =	smul.u32 $0xC8, s3  }
0xb: {  	s1 =	rddreg [dreg:$0x3];
	s5 =	sadd.s32 s10, s2;
	s3 =	simm.s32 $0x0  }
0xc: {  	[smem:$0x7FF] =	sst s3;
	s8 =	sadd.s32 s8, s6;
	s6 =	sshrl.u32 s31, $0x3  }
0xd: {  	s10 =	simm.s32 $0x1;
	_ =	strace $0x80000047;
	s6 =	sadd.s32 s7, s6  }
0xe: {  	v0 =	vimm.f32 $0.0e+00;
	v1 =	vimm.f32 $1.000000000e+00;
	s7 =	smax.u32 s9, $0x1;
	s8 =	sadd.s32 $0xA800, s8;
	s9 =	simm.s32 $0xF80  }
.LBB2_1:
0xf: {  	[tilespmem:$0xF80] =	vst v0  }
0x10: {  	[tilespmem:$0xF90] =	vst v0  }
0x11: {  	[tilespmem:$0xFA0] =	vst v0  }
0x12: {  	[tilespmem:$0xFB0] =	vst v0  }
0x13: {  	[tilespmem:$0xFC0] =	vst v0  }
0x14: {  	[tilespmem:$0xFD0] =	vst v0  }
0x15: {  	[tilespmem:$0xFE0] =	vst v0  }
0x16: {  	[tilespmem:$0xFF0] =	vst v0  }
0x17: {  	[tilespmem:$0x1000] =	vst v0  }
0x18: {  	[tilespmem:$0x1010] =	vst v0  }
0x19: {  	[tilespmem:$0x1020] =	vst v0  }
0x1a: {  	[tilespmem:$0x1030] =	vst v0  }
0x1b: {  	[tilespmem:$0x1040] =	vst v0  }
0x1c: {  	[tilespmem:$0x1050] =	vst v0  }
0x1d: {  	[tilespmem:$0x1060] =	vst v0  }
0x1e: {  	[tilespmem:$0x1070] =	vst v0  }
0x1f: {  	[tilespmem:$0x1080] =	vst v0  }
0x20: {  	[tilespmem:$0x1090] =	vst v0  }
0x21: {  	[tilespmem:$0x10A0] =	vst v0  }
0x22: {  	[tilespmem:$0x10B0] =	vst v0  }
0x23: {  	[spmem:s5] =	stream.linear.scatter [tilespmem:s9], [sflag:$0x1], $0x140, $0x38;
	[tilespmem:$0x1100] =	vst v63  }
0x24: {  	_ =	swait.ge [sflag:s10], $0x140  }
0x25: {  	[sflag:s10] =	ssyncset.done $0x0  }
0x26: {  	[sflag:s10] =	ssyncadd.s32 $0xFFFFFEC0  }
0x27: {  	[tilespmem:$0x900] =	vst v1  }
0x28: {  	[tilespmem:$0x910] =	vst v1  }
0x29: {  	[tilespmem:$0x920] =	vst v1  }
0x2a: {  	[tilespmem:$0x930] =	vst v1  }
0x2b: {  	[tilespmem:$0x940] =	vst v1  }
0x2c: {  	[tilespmem:$0x950] =	vst v1  }
0x2d: {  	[tilespmem:$0x960] =	vst v1  }
0x2e: {  	[tilespmem:$0x970] =	vst v1  }
0x2f: {  	[tilespmem:$0x980] =	vst v1  }
0x30: {  	[tilespmem:$0x990] =	vst v1  }
0x31: {  	[tilespmem:$0x9A0] =	vst v1  }
0x32: {  	[tilespmem:$0x9B0] =	vst v1  }
0x33: {  	[tilespmem:$0x9C0] =	vst v1  }
0x34: {  	[tilespmem:$0x9D0] =	vst v1  }
0x35: {  	[tilespmem:$0x9E0] =	vst v1  }
0x36: {  	[tilespmem:$0x9F0] =	vst v1  }
0x37: {  	[tilespmem:$0xA00] =	vst v1  }
0x38: {  	[tilespmem:$0xA10] =	vst v1  }
0x39: {  	[tilespmem:$0xA20] =	vst v1  }
0x3a: {  	[tilespmem:$0xA30] =	vst v1  }
0x3b: {  	[tilespmem:$0xA40] =	vst v1  }
0x3c: {  	[tilespmem:$0xA50] =	vst v1  }
0x3d: {  	[tilespmem:$0xA60] =	vst v1  }
0x3e: {  	[tilespmem:$0xA70] =	vst v1  }
0x3f: {  	[tilespmem:$0xA80] =	vst v1  }
0x40: {  	[tilespmem:$0xA90] =	vst v1  }
0x41: {  	[tilespmem:$0xAA0] =	vst v1  }
0x42: {  	[tilespmem:$0xAB0] =	vst v1  }
0x43: {  	[tilespmem:$0xAC0] =	vst v1  }
0x44: {  	[tilespmem:$0xAD0] =	vst v1  }
0x45: {  	[tilespmem:$0xAE0] =	vst v1  }
0x46: {  	[tilespmem:$0xAF0] =	vst v1  }
0x47: {  	[tilespmem:$0xB00] =	vst v1  }
0x48: {  	[tilespmem:$0xB10] =	vst v1  }
0x49: {  	[tilespmem:$0xB20] =	vst v1  }
0x4a: {  	[tilespmem:$0xB30] =	vst v1  }
0x4b: {  	[tilespmem:$0xB40] =	vst v1  }
0x4c: {  	[tilespmem:$0xB50] =	vst v1  }
0x4d: {  	[tilespmem:$0xB60] =	vst v1  }
0x4e: {  	[tilespmem:$0xB70] =	vst v1  }
0x4f: {  	[tilespmem:$0xB80] =	vst v1  }
0x50: {  	[tilespmem:$0xB90] =	vst v1  }
0x51: {  	[tilespmem:$0xBA0] =	vst v1  }
0x52: {  	[tilespmem:$0xBB0] =	vst v1  }
0x53: {  	[tilespmem:$0xBC0] =	vst v1  }
0x54: {  	[tilespmem:$0xBD0] =	vst v1  }
0x55: {  	[tilespmem:$0xBE0] =	vst v1  }
0x56: {  	[tilespmem:$0xBF0] =	vst v1  }
0x57: {  	[tilespmem:$0xC00] =	vst v1  }
0x58: {  	[tilespmem:$0xC10] =	vst v1  }
0x59: {  	[tilespmem:$0xC20] =	vst v1  }
0x5a: {  	[tilespmem:$0xC30] =	vst v1  }
0x5b: {  	[tilespmem:$0xC40] =	vst v1  }
0x5c: {  	[tilespmem:$0xC50] =	vst v1  }
0x5d: {  	[tilespmem:$0xC60] =	vst v1  }
0x5e: {  	[tilespmem:$0xC70] =	vst v1  }
0x5f: {  	[tilespmem:$0xC80] =	vst v1  }
0x60: {  	[tilespmem:$0xC90] =	vst v1  }
0x61: {  	[tilespmem:$0xCA0] =	vst v1  }
0x62: {  	[tilespmem:$0xCB0] =	vst v1  }
0x63: {  	[tilespmem:$0xCC0] =	vst v1  }
0x64: {  	[tilespmem:$0xCD0] =	vst v1  }
0x65: {  	[tilespmem:$0xCE0] =	vst v1  }
0x66: {  	[tilespmem:$0xCF0] =	vst v1  }
0x67: {  	[tilespmem:$0xD00] =	vst v1  }
0x68: {  	[tilespmem:$0xD10] =	vst v1  }
0x69: {  	[tilespmem:$0xD20] =	vst v1  }
0x6a: {  	[tilespmem:$0xD30] =	vst v1  }
0x6b: {  	[tilespmem:$0xD40] =	vst v1  }
0x6c: {  	[tilespmem:$0xD50] =	vst v1  }
0x6d: {  	[tilespmem:$0xD60] =	vst v1  }
0x6e: {  	[tilespmem:$0xD70] =	vst v1  }
0x6f: {  	[tilespmem:$0xD80] =	vst v1  }
0x70: {  	[tilespmem:$0xD90] =	vst v1  }
0x71: {  	[tilespmem:$0xDA0] =	vst v1  }
0x72: {  	[tilespmem:$0xDB0] =	vst v1  }
0x73: {  	[tilespmem:$0xDC0] =	vst v1  }
0x74: {  	[tilespmem:$0xDD0] =	vst v1  }
0x75: {  	[tilespmem:$0xDE0] =	vst v1  }
0x76: {  	[tilespmem:$0xDF0] =	vst v1  }
0x77: {  	[tilespmem:$0xE00] =	vst v1  }
0x78: {  	[tilespmem:$0xE10] =	vst v1  }
0x79: {  	[tilespmem:$0xE20] =	vst v1  }
0x7a: {  	[tilespmem:$0xE30] =	vst v1  }
0x7b: {  	[tilespmem:$0xE40] =	vst v1  }
0x7c: {  	[tilespmem:$0xE50] =	vst v1  }
0x7d: {  	[tilespmem:$0xE60] =	vst v1  }
0x7e: {  	[tilespmem:$0xE70] =	vst v1  }
0x7f: {  	[tilespmem:$0xE80] =	vst v1  }
0x80: {  	[tilespmem:$0xE90] =	vst v1  }
0x81: {  	[tilespmem:$0xEA0] =	vst v1  }
0x82: {  	[tilespmem:$0xEB0] =	vst v1  }
0x83: {  	[tilespmem:$0xEC0] =	vst v1  }
0x84: {  	[tilespmem:$0xED0] =	vst v1  }
0x85: {  	[tilespmem:$0xEE0] =	vst v1  }
0x86: {  	[tilespmem:$0xEF0] =	vst v1  }
0x87: {  	[tilespmem:$0xF00] =	vst v1  }
0x88: {  	[tilespmem:$0xF10] =	vst v1  }
0x89: {  	[tilespmem:$0xF20] =	vst v1  }
0x8a: {  	[tilespmem:$0xF30] =	vst v1  }
0x8b: {  	[bflag:$0x0] =	sbarrier.arrive $0xFFFF  }
0x8c: {  	[tilespmem:s11], [sflag:$0x1] =	stream.linear.gather [hbm4b:s8+s3], $0x640, $0x38;
	[tilespmem:$0x1100] =	vst v63  }
0x8d: {  	p0 =	sne.s32 s4, $0x1;
	_ =	swait.ge [sflag:s10], $0x640  }
.Ltmp0:
0x8e: {  	[sflag:s10] =	ssyncset.done $0x0;
	(pc) =	sbr.rel @!p0 .LBB2_3-.Ltmp0, $4  }
0x8f: {  	[sflag:s10] =	ssyncadd.s32 $0xFFFFF9C0  }
0x90: {  	[spmem:s2] =	stream.indirect.scatter.add.f32 [tilespmem:s13], [sflag:$0x1], $0x1, s11, s12, $0xb8;
	[tilespmem:$0x1100] =	vst v63  }
0x91: {  	_ =	swait.ge [sflag:s10], $0x640  }
0x92: {  	s15 =	sadd.s32 $0xFFFFFFFF, s4;
	s16 =	smov.u32 s8;
	[sflag:s10] =	ssyncset.done $0x0  }
.LBB2_2:
0x93: {  	p0 =	sne.s32 s15, $0x1;
	[sflag:s10] =	ssyncadd.s32 $0xFFFFF9C0;
	s16 =	sadd.s32 $0xC8, s16  }
0x94: {  	[tilespmem:s11], [sflag:$0x1] =	stream.linear.gather [hbm4b:s16+s3], $0x640, $0x38;
	[tilespmem:$0x1100] =	vst v63  }
0x95: {  	s15 =	sadd.s32 $0xFFFFFFFF, s15;
	_ =	swait.ge [sflag:s10], $0x640  }
.Ltmp1:
0x96: {  	[sflag:s10] =	ssyncset.done $0x0;
	(pc) =	sbr.rel @p0 .LBB2_2-.Ltmp1, $4  }
0x97: {  	[sflag:s10] =	ssyncadd.s32 $0xFFFFF9C0  }
0x98: {  	[spmem:s2] =	stream.indirect.scatter.add.f32 [tilespmem:s13], [sflag:$0x1], $0x1, s11, s12, $0xb8;
	[tilespmem:$0x1100] =	vst v63  }
0x99: {  	_ =	swait.ge [sflag:s10], $0x640  }
0x9a: {  	[sflag:s10] =	ssyncset.done $0x0  }
.LBB2_3:
0x9b: {  	[sflag:s10] =	ssyncadd.s32 $0xFFFFF9C0  }
0x9c: {  	[bflag:$0x0] =	sbarrier.arrive $0xFFFF  }
0x9d: {  	[tilespmem:s9], [sflag:$0x1] =	stream.linear.gather [spmem:s5], $0x140, $0x38;
	[tilespmem:$0x1100] =	vst v63  }
0x9e: {  	s14 =	sadd.s32 $0x1, s14;
	_ =	swait.ge [sflag:s10], $0x140  }
0x9f: {  	p0 =	sne.s32 s14, s7;
	[sflag:s10] =	ssyncset.done $0x0  }
.Ltmp2:
0xa0: {  	[sflag:s10] =	ssyncadd.s32 $0xFFFFFEC0;
	(pc) =	sbr.rel @p0 .LBB2_1-.Ltmp2, $4  }
0xa1: {  	[hbm4b:s6+s3] =	stream.linear.scatter [tilespmem:s9], [sflag:$0x1], $0x140, $0x38;
	[tilespmem:$0x1100] =	vst v63  }
0xa2: {  	_ =	swait.ge [sflag:s10], $0x140  }
0xa3: {  	[sflag:s10] =	ssyncset.done $0x0  }
0xa4: {  	[sflag:s10] =	ssyncadd.s32 $0xFFFFFEC0  }
0xa5: {  	_ =	sfence.sel $0x180000  }
0xa6: {  	[bflag:$0x0] =	sbarrier.arrive $0xFFFF  }
0xa7: {  	p0 =	sne.s32 s0, $0x0;
	_ =	strace $0x90000047  }
0xa8: {  	s0 =	sadd.s32 @!p0 $0x100000, s1;
	[bflag:$0x2] =	sbarrier.arrive $0xFFFF  }
0xa9: {  	[sflag:s0] =	ssyncadd.tile.s32 @!p0 $0x1;
	_ =	shalt  }
.Lfunc_end2:
_tile_overlayer_lowered:
.L_overlay_start_2:
0xaa: {  	(tag) =	ssettag $0x2  }
0xab: {  	s0 =	rddreg [dreg:$0x0];
	s2 =	stileid.u32  }
0xac: {  	s1 =	rddreg [dreg:$0x1];
	p0 =	sne.s32 s2, $0x0  }
0xad: {  	s3 =	rddreg [dreg:$0x2];
	[bflag:$0x3] =	sbarrier.arrive $0xFFFF;
	s2 =	simm.s32 @!p0 $0x1C01  }
0xae: {  	[timem:s3], [sflag:s2] =	dma.local @!p0 [hbm:s0], s1  }
0xaf: {  	s0 =	simm.s32 @!p0 $0x1  }
0xb0: {  	_ =	swait.ge @!p0 [sflag:s0], s1  }
0xb1: {  	s1 =	ssub.s32 @!p0 $0x0, s1;
	[sflag:s0] =	ssyncset.done @!p0 $0x0  }
0xb2: {  	[sflag:s0] =	ssyncadd.s32 @!p0 s1  }
0xb3: {  	[bflag:$0x3] =	sbarrier.arrive $0xFFFF  }
0xb4: {  	_ =	shalt  }

</sc_bundles>
